<compile_context>
chip_gen: v7x
topology: tpu7x:2x2x1
jax: 0.10.2.dev20260603
libtpu: 0.0.44.dev20260713+nightly
codegen_flags: <defaults>
</compile_context>

<pallas_src>
import functools

import numpy as np
import jax
import jax.numpy as jnp
from jax import lax
from jax.experimental import pallas as pl
from jax.experimental.pallas import tpu as pltpu
from jax.experimental.pallas import tpu_sc as plsc

NUM_SEGMENTS = 1024
IN_CHANNELS = 128
NUM_AUS = 32
N_ROWS = 320000

L = 16
NCORES = 2
NSUB = 16
NW = NCORES * NSUB
ROWS_PER_W = N_ROWS // NW
CHUNK = 400
SUBROWS = 80
NCHUNKS = ROWS_PER_W // CHUNK
FLUSH = 96
NGRP = IN_CHANNELS // L
ROWW = IN_CHANNELS + L
ACC_ROWS = 1152
PAD_SEG = NUM_SEGMENTS


def _sc_segsum(x_flat, seg):
    mesh = plsc.VectorSubcoreMesh(core_axis_name="c", subcore_axis_name="s")

    @functools.partial(
        pl.kernel,
        out_type=jax.ShapeDtypeStruct((NCORES, ACC_ROWS, ROWW), jnp.float32),
        mesh=mesh,
        compiler_params=pltpu.CompilerParams(use_tc_tiling_on_sc=False,
                                             needs_layout_passes=False),
        scratch_types=[
            pltpu.VMEM((2 * CHUNK * IN_CHANNELS,), jnp.float32),
            pltpu.VMEM((2 * CHUNK,), jnp.int32),
            pltpu.VMEM((FLUSH, ROWW), jnp.float32),
            pltpu.VMEM((FLUSH,), jnp.int32),
            pltpu.VMEM_SHARED((ACC_ROWS, ROWW), jnp.float32),
            pltpu.SemaphoreType.DMA,
            pltpu.SemaphoreType.DMA,
        ],
    )
    def ker(x_hbm, ids_hbm, out_hbm, xbuf, idsbuf, fbuf, fidx, acc,
            sem0, sem1):
        cid = lax.axis_index("c")
        sid = lax.axis_index("s")
        wid = cid * NSUB + sid
        base = wid * ROWS_PER_W
        lane = lax.iota(jnp.int32, L)
        onehot0 = jnp.where(lane == 0, 1.0, 0.0).astype(jnp.float32)
        zerov = jnp.zeros((L,), jnp.float32)
        mask0 = lane == 0
        colv = [lane + g * L for g in range(ROWW // L)]
        rpt = ACC_ROWS // NSUB

        def zrow(i, _):
            rowv = jnp.full((L,), i, jnp.int32)
            for g in range(ROWW // L):
                plsc.store_scatter(fbuf, [rowv, colv[g]], zerov)
            return 0
        lax.fori_loop(0, rpt, zrow, 0)
        pltpu.sync_copy(fbuf.at[pl.ds(0, rpt), :], acc.at[pl.ds(sid * rpt, rpt), :])
        plsc.subcore_barrier()

        def pad_and_drain(k):
            for g in range(FLUSH // L):
                cur_ids = fidx[pl.ds(g * L, L)]
                pos = lane + (g * L)
                fidx[pl.ds(g * L, L)] = jnp.where(pos >= k, PAD_SEG, cur_ids)
            pltpu.sync_copy(fbuf, acc.at[fidx], add=True)
            return jnp.int32(0)

        def commit(k, cur, cntv, accs):
            rowv = jnp.full((L,), k, jnp.int32)
            for g in range(NGRP):
                plsc.store_scatter(fbuf, [rowv, colv[g]], accs[g])
            plsc.store_scatter(fbuf, [rowv, colv[NGRP]], cntv)
            idval = jnp.where(cur < 0, PAD_SEG, cur)
            plsc.store_scatter(fidx, [rowv],
                               jnp.full((L,), idval, jnp.int32), mask=mask0)

        sixteen0 = onehot0 * np.float32(L)

        def chunk_copies(c, b, sem):
            start = base + c * CHUNK
            nsplit = 1
            part = CHUNK * IN_CHANNELS // nsplit
            copies = []
            for p in range(nsplit):
                copies.append(
                    (x_hbm.at[pl.ds(start * IN_CHANNELS + p * part, part)],
                     xbuf.at[pl.ds(b * (CHUNK * IN_CHANNELS) + p * part,
                                   part)], sem))
            copies.append(
                (ids_hbm.at[pl.ds(start, CHUNK)],
                 idsbuf.at[pl.ds(b * CHUNK, CHUNK)], sem))
            return tuple(copies)

        def issue(c, b, sem):
            for args in chunk_copies(c, b, sem):
                pltpu.async_copy(*args)

        def await_chunk(c, b, sem):
            for args in chunk_copies(c, b, sem):
                pltpu.make_async_copy(*args).wait()

        def chunk_body(c, carry):
            b = c & 1

            @pl.when(b == 0)
            def _():
                await_chunk(c, 0, sem0)

            @pl.when(b == 1)
            def _():
                await_chunk(c, 1, sem1)

            nxt = c + 1

            @pl.when((nxt < NCHUNKS) & (b == 1))
            def _():
                issue(nxt, 0, sem0)

            @pl.when((nxt < NCHUNKS) & (b == 0))
            def _():
                issue(nxt, 1, sem1)

            xoff = b * (CHUNK * IN_CHANNELS)
            ioff = b * CHUNK

            def accum_grp(off, accs):
                for j in range(L):
                    for q in range(NGRP):
                        r = xbuf[pl.ds(off + j * IN_CHANNELS + q * L, L)]
                        accs[q] = accs[q] + r
                return accs

            def grp_body(g, carry):
                idvec = idsbuf[pl.ds(ioff + g * L, L)]

                def fast(carry):
                    k, cur, cntv = carry[0], carry[1], carry[2]
                    accs = accum_grp(xoff + g * (L * IN_CHANNELS),
                                     list(carry[3:]))
                    return (k, cur, cntv + sixteen0) + tuple(accs)

                def slow(carry):
                    for j in range(L):
                        k, cur, cntv = carry[0], carry[1], carry[2]
                        accs = carry[3:]
                        s = idvec[j]
                        is_new = s != cur
                        commit(k, cur, cntv, accs)
                        off = xoff + g * (L * IN_CHANNELS) + j * IN_CHANNELS
                        new_accs = []
                        for q in range(NGRP):
                            r = xbuf[pl.ds(off + q * L, L)]
                            new_accs.append(jnp.where(is_new, r, accs[q] + r))
                        cntv = jnp.where(is_new, onehot0, cntv + onehot0)
                        k = jnp.where(is_new, k + 1, k)
                        carry = (k, s, cntv) + tuple(new_accs)
                    return carry

                def slow_checked(carry):
                    carry = slow(carry)
                    k = lax.cond(carry[0] > FLUSH - L - 1, pad_and_drain,
                                 lambda kk: kk, carry[0])
                    return (k,) + carry[1:]

                all_same = idvec[L - 1] == carry[1]
                return lax.cond(all_same, fast, slow_checked, carry)

            def chunk_fast(carry):
                k, cur, cntv = carry[0], carry[1], carry[2]

                def body(g, accs):
                    return tuple(accum_grp(xoff + g * (L * IN_CHANNELS),
                                           list(accs)))
                accs = lax.fori_loop(0, CHUNK // L, body, carry[3:])
                return (k, cur, cntv + sixteen0 * (CHUNK // L)) + tuple(accs)

            last = idsbuf[pl.ds(ioff + CHUNK - L, L)]
            whole_same = last[L - 1] == carry[1]
            carry = lax.cond(
                whole_same, chunk_fast,
                lambda cc: lax.fori_loop(0, CHUNK // L, grp_body, cc), carry)
            return carry

        issue(0, 0, sem0)
        carry = (jnp.int32(0), jnp.int32(-1), zerov) + (zerov,) * NGRP
        carry = lax.fori_loop(0, NCHUNKS, chunk_body, carry)

        k, cur, cntv = carry[0], carry[1], carry[2]
        accs = carry[3:]
        commit(k, cur, cntv, accs)
        pad_and_drain(k + 1)

        plsc.subcore_barrier()
        pltpu.sync_copy(acc.at[pl.ds(sid * rpt, rpt), :],
                        out_hbm.at[cid, pl.ds(sid * rpt, rpt), :])

    return ker(x_flat, seg)


def _tc_finish(partials, W, b):
    def body(p_ref, w_ref, b_ref, o_ref):
        acc = p_ref[0, :NUM_SEGMENTS, :] + p_ref[1, :NUM_SEGMENTS, :]
        sums = acc[:, :IN_CHANNELS]
        counts = acc[:, IN_CHANNELS:IN_CHANNELS + 1]
        pooled = sums / jnp.maximum(counts, 1.0)
        out = lax.dot_general(pooled, w_ref[...], (((1,), (1,)), ((), ())),
                              preferred_element_type=jnp.float32)
        o_ref[...] = out + b_ref[...]

    return pl.pallas_call(
        body,
        out_shape=jax.ShapeDtypeStruct((NUM_SEGMENTS, NUM_AUS), jnp.float32),
        in_specs=[
            pl.BlockSpec(memory_space=pltpu.VMEM),
            pl.BlockSpec(memory_space=pltpu.VMEM),
            pl.BlockSpec(memory_space=pltpu.VMEM),
        ],
        out_specs=pl.BlockSpec(memory_space=pltpu.VMEM),
    )(partials, W, b.reshape(1, NUM_AUS))


def kernel(x, segment_ids, W, b):
    seg = segment_ids.astype(jnp.int32)
    partials = _sc_segsum(x.reshape(-1), seg)
    return _tc_finish(partials, W, b)

# --- scband reference (transcript-rebuilt; emitter-appended) ---
"""Pipeline reference for scband-sparse-auhead-85220741087717 (READ-ONLY COPY).

The authoritative reference and input builder live on the scoring server;
editing this copy changes nothing except your own understanding.
"""

import jax, jax.numpy as jnp
import numpy as np

NUM_SEGMENTS = 1024
IN_CHANNELS = 128
NUM_AUS = 32
N = 320000

def setup_inputs(seed: int = 0) -> dict:
    key = jax.random.key(seed)
    k1, k2, k3, k4 = jax.random.split(key, 4)
    x = jax.random.normal(k1, (N, IN_CHANNELS), dtype=jnp.float32)
    segment_ids = jnp.sort(jax.random.randint(k2, (N,), 0, NUM_SEGMENTS, dtype=jnp.int64))
    # nn.Linear(in_channels, num_aus): W [num_aus, in_channels], b [num_aus]
    bound = 1.0 / np.sqrt(IN_CHANNELS)
    W = jax.random.uniform(k3, (NUM_AUS, IN_CHANNELS), dtype=jnp.float32, minval=-bound, maxval=bound)
    b = jax.random.uniform(k4, (NUM_AUS,), dtype=jnp.float32, minval=-bound, maxval=bound)
    return {"x": x, "segment_ids": segment_ids, "W": W, "b": b}

def reference(x, segment_ids, W, b):
    # MinkowskiGlobalAvgPooling: per-batch-element mean of sparse features
    sums = jax.ops.segment_sum(x, segment_ids, num_segments=NUM_SEGMENTS)
    counts = jax.ops.segment_sum(jnp.ones((x.shape[0],), dtype=x.dtype), segment_ids, num_segments=NUM_SEGMENTS)
    pooled = sums / jnp.maximum(counts, 1.0)[:, None]
    # nn.Linear
    return pooled @ W.T + b

if __name__ == "__main__":
    import jax
    _d = setup_inputs()
    print(jax.jit(kernel)(*tuple(_d.values())))

</pallas_src>

<mosaic_0001>
#map = affine_map<(d0, d1) -> (0)>
#map1 = affine_map<(d0, d1) -> (0, 0, 0)>
module attributes {stable_mosaic.version = 14 : i64} {
  func.func @ker(%arg0: i32, %arg1: i32, %arg2: memref<40960000xf32, #tpu.memory_space<hbm>>, %arg3: memref<320000xi32, #tpu.memory_space<hbm>>, %arg4: memref<2x1152x144xf32, #tpu.memory_space<hbm>>, %arg5: memref<102400xf32, #tpu.memory_space<vmem>>, %arg6: memref<800xi32, #tpu.memory_space<vmem>>, %arg7: memref<96x144xf32, #tpu.memory_space<vmem>>, %arg8: memref<96xi32, #tpu.memory_space<vmem>>, %arg9: memref<1152x144xf32, #tpu.memory_space<vmem_shared>>, %arg10: memref<!tpu.dma_semaphore, #tpu.memory_space<semaphore_mem>>, %arg11: memref<!tpu.dma_semaphore, #tpu.memory_space<semaphore_mem>>) attributes {dimension_semantics = [#tpu.dimension_semantics<core_parallel>, #tpu.dimension_semantics<subcore_parallel>], iteration_bounds = array<i64: 2, 16>, scalar_prefetch = 0 : i64, scratch_operands = 7 : i64, tpu.core_type = #tpu.core_type<sc_vector_subcore>, window_params = [{transform_indices = #map}, {transform_indices = #map}, {transform_indices = #map1}]} {
    %mul3A = arith.constant 16 : i32
    %mul3A_0 = arith.muli %arg0, %mul3A : i32
    %add3A = arith.addi %mul3A_0, %arg1 : i32
    %mul3A_1 = arith.constant 10000 : i32
    %mul3A_2 = arith.muli %add3A, %mul3A_1 : i32
    %iota3A = tpu.iota {dimensions = array<i32: 0>} : vector<16xi32>
    %eq3A = arith.constant 0 : i32
    %eq3A_3 = vector.broadcast %eq3A : i32 to vector<16xi32>
    %eq3A_4 = arith.cmpi eq, %iota3A, %eq3A_3 : vector<16xi32>
    %jit3A = arith.constant 1.000000e+00 : f32
    %jit3A_5 = arith.constant 0.000000e+00 : f32
    %broadcast_in_dim3A = vector.broadcast %jit3A : f32 to vector<16xf32>
    %broadcast_in_dim3A_6 = vector.broadcast %jit3A_5 : f32 to vector<16xf32>
    %select_n3A = arith.select %eq3A_4, %broadcast_in_dim3A, %broadcast_in_dim3A_6 : vector<16xi1>, vector<16xf32>
    %broadcast_in_dim3A_7 = arith.constant 0.000000e+00 : f32
    %broadcast_in_dim3A_8 = vector.broadcast %broadcast_in_dim3A_7 : f32 to vector<16xf32>
    %eq3A_9 = arith.constant 0 : i32
    %eq3A_10 = vector.broadcast %eq3A_9 : i32 to vector<16xi32>
    %eq3A_11 = arith.cmpi eq, %iota3A, %eq3A_10 : vector<16xi32>
    %add3A_12 = arith.constant 0 : i32
    %add3A_13 = vector.broadcast %add3A_12 : i32 to vector<16xi32>
    %add3A_14 = arith.addi %iota3A, %add3A_13 : vector<16xi32>
    %add3A_15 = arith.constant 16 : i32
    %add3A_16 = vector.broadcast %add3A_15 : i32 to vector<16xi32>
    %add3A_17 = arith.addi %iota3A, %add3A_16 : vector<16xi32>
    %add3A_18 = arith.constant 32 : i32
    %add3A_19 = vector.broadcast %add3A_18 : i32 to vector<16xi32>
    %add3A_20 = arith.addi %iota3A, %add3A_19 : vector<16xi32>
    %add3A_21 = arith.constant 48 : i32
    %add3A_22 = vector.broadcast %add3A_21 : i32 to vector<16xi32>
    %add3A_23 = arith.addi %iota3A, %add3A_22 : vector<16xi32>
    %add3A_24 = arith.constant 64 : i32
    %add3A_25 = vector.broadcast %add3A_24 : i32 to vector<16xi32>
    %add3A_26 = arith.addi %iota3A, %add3A_25 : vector<16xi32>
    %add3A_27 = arith.constant 80 : i32
    %add3A_28 = vector.broadcast %add3A_27 : i32 to vector<16xi32>
    %add3A_29 = arith.addi %iota3A, %add3A_28 : vector<16xi32>
    %add3A_30 = arith.constant 96 : i32
    %add3A_31 = vector.broadcast %add3A_30 : i32 to vector<16xi32>
    %add3A_32 = arith.addi %iota3A, %add3A_31 : vector<16xi32>
    %add3A_33 = arith.constant 112 : i32
    %add3A_34 = vector.broadcast %add3A_33 : i32 to vector<16xi32>
    %add3A_35 = arith.addi %iota3A, %add3A_34 : vector<16xi32>
    %add3A_36 = arith.constant 128 : i32
    %add3A_37 = vector.broadcast %add3A_36 : i32 to vector<16xi32>
    %add3A_38 = arith.addi %iota3A, %add3A_37 : vector<16xi32>
    %scan3A = arith.constant 0 : i32
    %scan3A_39 = arith.constant 0 : i32
    %scan3A_40 = arith.constant 72 : i32
    %scan3A_41 = arith.addi %scan3A_39, %scan3A_40 : i32
    %scan3A_42 = arith.constant 1 : i32
    %scan3A_43 = scf.for %scan3A_156 = %scan3A_39 to %scan3A_41 step %scan3A_42 iter_args(%scan3A_157 = %scan3A) -> (i32)  : i32 {
      %broadcast_in_dim3A_158 = vector.broadcast %scan3A_156 : i32 to vector<16xi32>
      tpu.vector_store_idx %arg7[%broadcast_in_dim3A_158, %add3A_14], %broadcast_in_dim3A_8 : memref<96x144xf32, #tpu.memory_space<vmem>>[vector<16xi32>, vector<16xi32>], vector<16xf32>,
      tpu.vector_store_idx %arg7[%broadcast_in_dim3A_158, %add3A_17], %broadcast_in_dim3A_8 : memref<96x144xf32, #tpu.memory_space<vmem>>[vector<16xi32>, vector<16xi32>], vector<16xf32>,
      tpu.vector_store_idx %arg7[%broadcast_in_dim3A_158, %add3A_20], %broadcast_in_dim3A_8 : memref<96x144xf32, #tpu.memory_space<vmem>>[vector<16xi32>, vector<16xi32>], vector<16xf32>,
      tpu.vector_store_idx %arg7[%broadcast_in_dim3A_158, %add3A_23], %broadcast_in_dim3A_8 : memref<96x144xf32, #tpu.memory_space<vmem>>[vector<16xi32>, vector<16xi32>], vector<16xf32>,
      tpu.vector_store_idx %arg7[%broadcast_in_dim3A_158, %add3A_26], %broadcast_in_dim3A_8 : memref<96x144xf32, #tpu.memory_space<vmem>>[vector<16xi32>, vector<16xi32>], vector<16xf32>,
      tpu.vector_store_idx %arg7[%broadcast_in_dim3A_158, %add3A_29], %broadcast_in_dim3A_8 : memref<96x144xf32, #tpu.memory_space<vmem>>[vector<16xi32>, vector<16xi32>], vector<16xf32>,
      tpu.vector_store_idx %arg7[%broadcast_in_dim3A_158, %add3A_32], %broadcast_in_dim3A_8 : memref<96x144xf32, #tpu.memory_space<vmem>>[vector<16xi32>, vector<16xi32>], vector<16xf32>,
      tpu.vector_store_idx %arg7[%broadcast_in_dim3A_158, %add3A_35], %broadcast_in_dim3A_8 : memref<96x144xf32, #tpu.memory_space<vmem>>[vector<16xi32>, vector<16xi32>], vector<16xf32>,
      tpu.vector_store_idx %arg7[%broadcast_in_dim3A_158, %add3A_38], %broadcast_in_dim3A_8 : memref<96x144xf32, #tpu.memory_space<vmem>>[vector<16xi32>, vector<16xi32>], vector<16xf32>,
      %scan3A_159 = arith.constant 0 : i32
      scf.yield %scan3A_159 : i32
    }
    %scan3A_44 = arith.constant 72 : i32
    %mul3A_45 = arith.constant 72 : i32
    %mul3A_46 = arith.muli %arg1, %mul3A_45 : i32
    "tpu.region"() ({
      %run_scoped3A = tpu.sem_alloc : memref<!tpu.dma_semaphore, #tpu.memory_space<semaphore_mem>>
      %dma_start3A_156 = arith.constant 0 : i32
      %dma_start3A_157 = arith.constant 0 : i32
      %dma_start3A_158 = tpu.memref_slice %arg7[%dma_start3A_156, %dma_start3A_157] : memref<96x144xf32, #tpu.memory_space<vmem>> -> memref<72x144xf32, #tpu.memory_space<vmem>>
      %dma_start3A_159 = arith.constant 0 : i32
      %dma_start3A_160 = tpu.memref_slice %arg9[%mul3A_46, %dma_start3A_159] : memref<1152x144xf32, #tpu.memory_space<vmem_shared>> -> memref<72x144xf32, #tpu.memory_space<vmem_shared>>
      %dma_start3A_161 = arith.constant 0 : i32
      %dma_start3A_162 = tpu.memref_slice %arg9[%mul3A_46, %dma_start3A_161] : memref<1152x144xf32, #tpu.memory_space<vmem_shared>> -> memref<72x144xf32, #tpu.memory_space<vmem_shared>>
      %dma_start3A_163 = arith.constant 0 : i32
      %dma_start3A_164 = arith.constant 0 : i32
      %dma_start3A_165 = tpu.memref_slice %arg7[%dma_start3A_163, %dma_start3A_164] : memref<96x144xf32, #tpu.memory_space<vmem>> -> memref<72x144xf32, #tpu.memory_space<vmem>>
      tpu.enqueue_dma source(%dma_start3A_165 : memref<72x144xf32, #tpu.memory_space<vmem>>) target(%dma_start3A_162 : memref<72x144xf32, #tpu.memory_space<vmem_shared>>) target_semaphore(%run_scoped3A : memref<!tpu.dma_semaphore, #tpu.memory_space<semaphore_mem>>)
      %dma_wait3A = arith.constant 0 : i32
      %dma_wait3A_166 = arith.constant 0 : i32
      %dma_wait3A_167 = tpu.memref_slice %arg7[%dma_wait3A, %dma_wait3A_166] : memref<96x144xf32, #tpu.memory_space<vmem>> -> memref<72x144xf32, #tpu.memory_space<vmem>>
      %dma_wait3A_168 = arith.constant 0 : i32
      %dma_wait3A_169 = tpu.memref_slice %arg9[%mul3A_46, %dma_wait3A_168] : memref<1152x144xf32, #tpu.memory_space<vmem_shared>> -> memref<72x144xf32, #tpu.memory_space<vmem_shared>>
      %dma_wait3A_170 = arith.constant 0 : i32
      %dma_wait3A_171 = tpu.memref_slice %arg9[%mul3A_46, %dma_wait3A_170] : memref<1152x144xf32, #tpu.memory_space<vmem_shared>> -> memref<72x144xf32, #tpu.memory_space<vmem_shared>>
      %dma_wait3A_172 = arith.constant 0 : i32
      %dma_wait3A_173 = arith.constant 0 : i32
      %dma_wait3A_174 = tpu.memref_slice %arg7[%dma_wait3A_172, %dma_wait3A_173] : memref<96x144xf32, #tpu.memory_space<vmem>> -> memref<72x144xf32, #tpu.memory_space<vmem>>
      tpu.wait_dma2 semaphore(%run_scoped3A : memref<!tpu.dma_semaphore, #tpu.memory_space<semaphore_mem>>) src(%dma_wait3A_174 : memref<72x144xf32, #tpu.memory_space<vmem>>) dst(%dma_wait3A_171 : memref<72x144xf32, #tpu.memory_space<vmem_shared>>)
      tpu.yield
    }) : () -> ()
    %barrier3A = arith.constant 0 : index
    tpu.barrier barrier_id(%barrier3A)
    %mul3A_47 = arith.constant 1.600000e+01 : f32
    %mul3A_48 = vector.broadcast %mul3A_47 : f32 to vector<16xf32>
    %mul3A_49 = arith.mulf %select_n3A, %mul3A_48 : vector<16xf32>
    %add3A_50 = arith.constant 0 : i32
    %add3A_51 = arith.addi %mul3A_2, %add3A_50 : i32
    %mul3A_52 = arith.constant 128 : i32
    %mul3A_53 = arith.muli %add3A_51, %mul3A_52 : i32
    %add3A_54 = arith.constant 0 : i32
    %add3A_55 = arith.addi %mul3A_53, %add3A_54 : i32
    %dma_start3A = arith.constant 0 : i32
    %dma_start3A_56 = tpu.memref_slice %arg5[%dma_start3A] : memref<102400xf32, #tpu.memory_space<vmem>> -> memref<51200xf32, #tpu.memory_space<vmem>>
    %dma_start3A_57 = tpu.memref_slice %arg2[%add3A_55] : memref<40960000xf32, #tpu.memory_space<hbm>> -> memref<51200xf32, #tpu.memory_space<hbm>>
    %dma_start3A_58 = arith.constant 0 : i32
    %dma_start3A_59 = tpu.memref_slice %arg5[%dma_start3A_58] : memref<102400xf32, #tpu.memory_space<vmem>> -> memref<51200xf32, #tpu.memory_space<vmem>>
    %dma_start3A_60 = tpu.memref_slice %arg2[%add3A_55] : memref<40960000xf32, #tpu.memory_space<hbm>> -> memref<51200xf32, #tpu.memory_space<hbm>>
    tpu.enqueue_dma source(%dma_start3A_60 : memref<51200xf32, #tpu.memory_space<hbm>>) target(%dma_start3A_59 : memref<51200xf32, #tpu.memory_space<vmem>>) target_semaphore(%arg10 : memref<!tpu.dma_semaphore, #tpu.memory_space<semaphore_mem>>)
    %dma_start3A_61 = arith.constant 0 : i32
    %dma_start3A_62 = tpu.memref_slice %arg6[%dma_start3A_61] : memref<800xi32, #tpu.memory_space<vmem>> -> memref<400xi32, #tpu.memory_space<vmem>>
    %dma_start3A_63 = tpu.memref_slice %arg3[%add3A_51] : memref<320000xi32, #tpu.memory_space<hbm>> -> memref<400xi32, #tpu.memory_space<hbm>>
    %dma_start3A_64 = arith.constant 0 : i32
    %dma_start3A_65 = tpu.memref_slice %arg6[%dma_start3A_64] : memref<800xi32, #tpu.memory_space<vmem>> -> memref<400xi32, #tpu.memory_space<vmem>>
    %dma_start3A_66 = tpu.memref_slice %arg3[%add3A_51] : memref<320000xi32, #tpu.memory_space<hbm>> -> memref<400xi32, #tpu.memory_space<hbm>>
    tpu.enqueue_dma source(%dma_start3A_66 : memref<400xi32, #tpu.memory_space<hbm>>) target(%dma_start3A_65 : memref<400xi32, #tpu.memory_space<vmem>>) target_semaphore(%arg10 : memref<!tpu.dma_semaphore, #tpu.memory_space<semaphore_mem>>)
    %scan3A_67 = arith.constant 0 : i32
    %scan3A_68 = arith.constant -1 : i32
    %scan3A_69 = arith.constant 0 : i32
    %scan3A_70 = arith.constant 25 : i32
    %scan3A_71 = arith.addi %scan3A_69, %scan3A_70 : i32
    %scan3A_72 = arith.constant 1 : i32
    %scan3A_73:11 = scf.for %scan3A_156 = %scan3A_69 to %scan3A_71 step %scan3A_72 iter_args(%scan3A_157 = %scan3A_67, %scan3A_158 = %scan3A_68, %scan3A_159 = %broadcast_in_dim3A_8, %scan3A_160 = %broadcast_in_dim3A_8, %scan3A_161 = %broadcast_in_dim3A_8, %scan3A_162 = %broadcast_in_dim3A_8, %scan3A_163 = %broadcast_in_dim3A_8, %scan3A_164 = %broadcast_in_dim3A_8, %scan3A_165 = %broadcast_in_dim3A_8, %scan3A_166 = %broadcast_in_dim3A_8, %scan3A_167 = %broadcast_in_dim3A_8) -> (i32, i32, vector<16xf32>, vector<16xf32>, vector<16xf32>, vector<16xf32>, vector<16xf32>, vector<16xf32>, vector<16xf32>, vector<16xf32>, vector<16xf32>)  : i32 {
      %and3A = arith.constant 1 : i32
      %and3A_168 = arith.andi %scan3A_156, %and3A : i32
      %eq3A_169 = arith.constant 0 : i32
      %eq3A_170 = arith.cmpi eq, %and3A_168, %eq3A_169 : i32
      %convert_element_type3A = arith.extui %eq3A_170 : i1 to i32
      %cond3A = arith.constant 0 : i32
      %cond3A_171 = arith.cmpi ne, %convert_element_type3A, %cond3A : i32
      scf.if %cond3A_171 {
        %mul3A_209 = arith.constant 400 : i32
        %mul3A_210 = arith.muli %scan3A_156, %mul3A_209 : i32
        %add3A_211 = arith.addi %mul3A_2, %mul3A_210 : i32
        %mul3A_212 = arith.constant 128 : i32
        %mul3A_213 = arith.muli %add3A_211, %mul3A_212 : i32
        %add3A_214 = arith.constant 0 : i32
        %add3A_215 = arith.addi %mul3A_213, %add3A_214 : i32
        %dma_wait3A = arith.constant 0 : i32
        %dma_wait3A_216 = tpu.memref_slice %arg5[%dma_wait3A] : memref<102400xf32, #tpu.memory_space<vmem>> -> memref<51200xf32, #tpu.memory_space<vmem>>
        %dma_wait3A_217 = tpu.memref_slice %arg2[%add3A_215] : memref<40960000xf32, #tpu.memory_space<hbm>> -> memref<51200xf32, #tpu.memory_space<hbm>>
        %dma_wait3A_218 = arith.constant 0 : i32
        %dma_wait3A_219 = tpu.memref_slice %arg5[%dma_wait3A_218] : memref<102400xf32, #tpu.memory_space<vmem>> -> memref<51200xf32, #tpu.memory_space<vmem>>
        %dma_wait3A_220 = tpu.memref_slice %arg2[%add3A_215] : memref<40960000xf32, #tpu.memory_space<hbm>> -> memref<51200xf32, #tpu.memory_space<hbm>>
        tpu.wait_dma2 semaphore(%arg10 : memref<!tpu.dma_semaphore, #tpu.memory_space<semaphore_mem>>) src(%dma_wait3A_220 : memref<51200xf32, #tpu.memory_space<hbm>>) dst(%dma_wait3A_219 : memref<51200xf32, #tpu.memory_space<vmem>>)
        %dma_wait3A_221 = arith.constant 0 : i32
        %dma_wait3A_222 = tpu.memref_slice %arg6[%dma_wait3A_221] : memref<800xi32, #tpu.memory_space<vmem>> -> memref<400xi32, #tpu.memory_space<vmem>>
        %dma_wait3A_223 = tpu.memref_slice %arg3[%add3A_211] : memref<320000xi32, #tpu.memory_space<hbm>> -> memref<400xi32, #tpu.memory_space<hbm>>
        %dma_wait3A_224 = arith.constant 0 : i32
        %dma_wait3A_225 = tpu.memref_slice %arg6[%dma_wait3A_224] : memref<800xi32, #tpu.memory_space<vmem>> -> memref<400xi32, #tpu.memory_space<vmem>>
        %dma_wait3A_226 = tpu.memref_slice %arg3[%add3A_211] : memref<320000xi32, #tpu.memory_space<hbm>> -> memref<400xi32, #tpu.memory_space<hbm>>
        tpu.wait_dma2 semaphore(%arg10 : memref<!tpu.dma_semaphore, #tpu.memory_space<semaphore_mem>>) src(%dma_wait3A_226 : memref<400xi32, #tpu.memory_space<hbm>>) dst(%dma_wait3A_225 : memref<400xi32, #tpu.memory_space<vmem>>)
      } else {
      }
      %eq3A_172 = arith.constant 1 : i32
      %eq3A_173 = arith.cmpi eq, %and3A_168, %eq3A_172 : i32
      %convert_element_type3A_174 = arith.extui %eq3A_173 : i1 to i32
      %cond3A_175 = arith.constant 0 : i32
      %cond3A_176 = arith.cmpi ne, %convert_element_type3A_174, %cond3A_175 : i32
      scf.if %cond3A_176 {
        %mul3A_209 = arith.constant 400 : i32
        %mul3A_210 = arith.muli %scan3A_156, %mul3A_209 : i32
        %add3A_211 = arith.addi %mul3A_2, %mul3A_210 : i32
        %mul3A_212 = arith.constant 128 : i32
        %mul3A_213 = arith.muli %add3A_211, %mul3A_212 : i32
        %add3A_214 = arith.constant 0 : i32
        %add3A_215 = arith.addi %mul3A_213, %add3A_214 : i32
        %dma_wait3A = arith.constant 51200 : i32
        %dma_wait3A_216 = tpu.memref_slice %arg5[%dma_wait3A] : memref<102400xf32, #tpu.memory_space<vmem>> -> memref<51200xf32, #tpu.memory_space<vmem>>
        %dma_wait3A_217 = tpu.memref_slice %arg2[%add3A_215] : memref<40960000xf32, #tpu.memory_space<hbm>> -> memref<51200xf32, #tpu.memory_space<hbm>>
        %dma_wait3A_218 = arith.constant 51200 : i32
        %dma_wait3A_219 = tpu.memref_slice %arg5[%dma_wait3A_218] : memref<102400xf32, #tpu.memory_space<vmem>> -> memref<51200xf32, #tpu.memory_space<vmem>>
        %dma_wait3A_220 = tpu.memref_slice %arg2[%add3A_215] : memref<40960000xf32, #tpu.memory_space<hbm>> -> memref<51200xf32, #tpu.memory_space<hbm>>
        tpu.wait_dma2 semaphore(%arg11 : memref<!tpu.dma_semaphore, #tpu.memory_space<semaphore_mem>>) src(%dma_wait3A_220 : memref<51200xf32, #tpu.memory_space<hbm>>) dst(%dma_wait3A_219 : memref<51200xf32, #tpu.memory_space<vmem>>)
        %dma_wait3A_221 = arith.constant 400 : i32
        %dma_wait3A_222 = tpu.memref_slice %arg6[%dma_wait3A_221] : memref<800xi32, #tpu.memory_space<vmem>> -> memref<400xi32, #tpu.memory_space<vmem>>
        %dma_wait3A_223 = tpu.memref_slice %arg3[%add3A_211] : memref<320000xi32, #tpu.memory_space<hbm>> -> memref<400xi32, #tpu.memory_space<hbm>>
        %dma_wait3A_224 = arith.constant 400 : i32
        %dma_wait3A_225 = tpu.memref_slice %arg6[%dma_wait3A_224] : memref<800xi32, #tpu.memory_space<vmem>> -> memref<400xi32, #tpu.memory_space<vmem>>
        %dma_wait3A_226 = tpu.memref_slice %arg3[%add3A_211] : memref<320000xi32, #tpu.memory_space<hbm>> -> memref<400xi32, #tpu.memory_space<hbm>>
        tpu.wait_dma2 semaphore(%arg11 : memref<!tpu.dma_semaphore, #tpu.memory_space<semaphore_mem>>) src(%dma_wait3A_226 : memref<400xi32, #tpu.memory_space<hbm>>) dst(%dma_wait3A_225 : memref<400xi32, #tpu.memory_space<vmem>>)
      } else {
      }
      %add3A_177 = arith.constant 1 : i32
      %add3A_178 = arith.addi %scan3A_156, %add3A_177 : i32
      %lt3A_179 = arith.constant 25 : i32
      %lt3A_180 = arith.cmpi slt, %add3A_178, %lt3A_179 : i32
      %eq3A_181 = arith.constant 1 : i32
      %eq3A_182 = arith.cmpi eq, %and3A_168, %eq3A_181 : i32
      %and3A_183 = arith.andi %lt3A_180, %eq3A_182 : i1
      %convert_element_type3A_184 = arith.extui %and3A_183 : i1 to i32
      %cond3A_185 = arith.constant 0 : i32
      %cond3A_186 = arith.cmpi ne, %convert_element_type3A_184, %cond3A_185 : i32
      scf.if %cond3A_186 {
        %mul3A_209 = arith.constant 400 : i32
        %mul3A_210 = arith.muli %add3A_178, %mul3A_209 : i32
        %add3A_211 = arith.addi %mul3A_2, %mul3A_210 : i32
        %mul3A_212 = arith.constant 128 : i32
        %mul3A_213 = arith.muli %add3A_211, %mul3A_212 : i32
        %add3A_214 = arith.constant 0 : i32
        %add3A_215 = arith.addi %mul3A_213, %add3A_214 : i32
        %dma_start3A_216 = arith.constant 0 : i32
        %dma_start3A_217 = tpu.memref_slice %arg5[%dma_start3A_216] : memref<102400xf32, #tpu.memory_space<vmem>> -> memref<51200xf32, #tpu.memory_space<vmem>>
        %dma_start3A_218 = tpu.memref_slice %arg2[%add3A_215] : memref<40960000xf32, #tpu.memory_space<hbm>> -> memref<51200xf32, #tpu.memory_space<hbm>>
        %dma_start3A_219 = arith.constant 0 : i32
        %dma_start3A_220 = tpu.memref_slice %arg5[%dma_start3A_219] : memref<102400xf32, #tpu.memory_space<vmem>> -> memref<51200xf32, #tpu.memory_space<vmem>>
        %dma_start3A_221 = tpu.memref_slice %arg2[%add3A_215] : memref<40960000xf32, #tpu.memory_space<hbm>> -> memref<51200xf32, #tpu.memory_space<hbm>>
        tpu.enqueue_dma source(%dma_start3A_221 : memref<51200xf32, #tpu.memory_space<hbm>>) target(%dma_start3A_220 : memref<51200xf32, #tpu.memory_space<vmem>>) target_semaphore(%arg10 : memref<!tpu.dma_semaphore, #tpu.memory_space<semaphore_mem>>)
        %dma_start3A_222 = arith.constant 0 : i32
        %dma_start3A_223 = tpu.memref_slice %arg6[%dma_start3A_222] : memref<800xi32, #tpu.memory_space<vmem>> -> memref<400xi32, #tpu.memory_space<vmem>>
        %dma_start3A_224 = tpu.memref_slice %arg3[%add3A_211] : memref<320000xi32, #tpu.memory_space<hbm>> -> memref<400xi32, #tpu.memory_space<hbm>>
        %dma_start3A_225 = arith.constant 0 : i32
        %dma_start3A_226 = tpu.memref_slice %arg6[%dma_start3A_225] : memref<800xi32, #tpu.memory_space<vmem>> -> memref<400xi32, #tpu.memory_space<vmem>>
        %dma_start3A_227 = tpu.memref_slice %arg3[%add3A_211] : memref<320000xi32, #tpu.memory_space<hbm>> -> memref<400xi32, #tpu.memory_space<hbm>>
        tpu.enqueue_dma source(%dma_start3A_227 : memref<400xi32, #tpu.memory_space<hbm>>) target(%dma_start3A_226 : memref<400xi32, #tpu.memory_space<vmem>>) target_semaphore(%arg10 : memref<!tpu.dma_semaphore, #tpu.memory_space<semaphore_mem>>)
      } else {
      }
      %lt3A_187 = arith.constant 25 : i32
      %lt3A_188 = arith.cmpi slt, %add3A_178, %lt3A_187 : i32
      %eq3A_189 = arith.constant 0 : i32
      %eq3A_190 = arith.cmpi eq, %and3A_168, %eq3A_189 : i32
      %and3A_191 = arith.andi %lt3A_188, %eq3A_190 : i1
      %convert_element_type3A_192 = arith.extui %and3A_191 : i1 to i32
      %cond3A_193 = arith.constant 0 : i32
      %cond3A_194 = arith.cmpi ne, %convert_element_type3A_192, %cond3A_193 : i32
      scf.if %cond3A_194 {
        %mul3A_209 = arith.constant 400 : i32
        %mul3A_210 = arith.muli %add3A_178, %mul3A_209 : i32
        %add3A_211 = arith.addi %mul3A_2, %mul3A_210 : i32
        %mul3A_212 = arith.constant 128 : i32
        %mul3A_213 = arith.muli %add3A_211, %mul3A_212 : i32
        %add3A_214 = arith.constant 0 : i32
        %add3A_215 = arith.addi %mul3A_213, %add3A_214 : i32
        %dma_start3A_216 = arith.constant 51200 : i32
        %dma_start3A_217 = tpu.memref_slice %arg5[%dma_start3A_216] : memref<102400xf32, #tpu.memory_space<vmem>> -> memref<51200xf32, #tpu.memory_space<vmem>>
        %dma_start3A_218 = tpu.memref_slice %arg2[%add3A_215] : memref<40960000xf32, #tpu.memory_space<hbm>> -> memref<51200xf32, #tpu.memory_space<hbm>>
        %dma_start3A_219 = arith.constant 51200 : i32
        %dma_start3A_220 = tpu.memref_slice %arg5[%dma_start3A_219] : memref<102400xf32, #tpu.memory_space<vmem>> -> memref<51200xf32, #tpu.memory_space<vmem>>
        %dma_start3A_221 = tpu.memref_slice %arg2[%add3A_215] : memref<40960000xf32, #tpu.memory_space<hbm>> -> memref<51200xf32, #tpu.memory_space<hbm>>
        tpu.enqueue_dma source(%dma_start3A_221 : memref<51200xf32, #tpu.memory_space<hbm>>) target(%dma_start3A_220 : memref<51200xf32, #tpu.memory_space<vmem>>) target_semaphore(%arg11 : memref<!tpu.dma_semaphore, #tpu.memory_space<semaphore_mem>>)
        %dma_start3A_222 = arith.constant 400 : i32
        %dma_start3A_223 = tpu.memref_slice %arg6[%dma_start3A_222] : memref<800xi32, #tpu.memory_space<vmem>> -> memref<400xi32, #tpu.memory_space<vmem>>
        %dma_start3A_224 = tpu.memref_slice %arg3[%add3A_211] : memref<320000xi32, #tpu.memory_space<hbm>> -> memref<400xi32, #tpu.memory_space<hbm>>
        %dma_start3A_225 = arith.constant 400 : i32
        %dma_start3A_226 = tpu.memref_slice %arg6[%dma_start3A_225] : memref<800xi32, #tpu.memory_space<vmem>> -> memref<400xi32, #tpu.memory_space<vmem>>
        %dma_start3A_227 = tpu.memref_slice %arg3[%add3A_211] : memref<320000xi32, #tpu.memory_space<hbm>> -> memref<400xi32, #tpu.memory_space<hbm>>
        tpu.enqueue_dma source(%dma_start3A_227 : memref<400xi32, #tpu.memory_space<hbm>>) target(%dma_start3A_226 : memref<400xi32, #tpu.memory_space<vmem>>) target_semaphore(%arg11 : memref<!tpu.dma_semaphore, #tpu.memory_space<semaphore_mem>>)
      } else {
      }
      %mul3A_195 = arith.constant 51200 : i32
      %mul3A_196 = arith.muli %and3A_168, %mul3A_195 : i32
      %mul3A_197 = arith.constant 400 : i32
      %mul3A_198 = arith.muli %and3A_168, %mul3A_197 : i32
      %add3A_199 = arith.constant 400 : i32
      %add3A_200 = arith.addi %mul3A_198, %add3A_199 : i32
      %sub3A = arith.constant 16 : i32
      %sub3A_201 = arith.subi %add3A_200, %sub3A : i32
      %get3A_202 = arith.index_cast %sub3A_201 : i32 to index
      %get3A_203 = tpu.vector_load %arg6[%get3A_202] {strides = array<i32>} : memref<800xi32, #tpu.memory_space<vmem>>, vector<16xi32>,
      %slice3A = vector.extract_strided_slice %get3A_203 {offsets = [15], sizes = [1], strides = [1]} : vector<16xi32> to vector<1xi32>
      %squeeze3A = vector.extract %slice3A[0] : i32 from vector<1xi32>
      %eq3A_204 = arith.cmpi eq, %squeeze3A, %scan3A_158 : i32
      %convert_element_type3A_205 = arith.extui %eq3A_204 : i1 to i32
      %cond3A_206 = arith.constant 0 : i32
      %cond3A_207 = arith.cmpi ne, %convert_element_type3A_205, %cond3A_206 : i32
      %cond3A_208:11 = scf.if %cond3A_207 -> (i32, i32, vector<16xf32>, vector<16xf32>, vector<16xf32>, vector<16xf32>, vector<16xf32>, vector<16xf32>, vector<16xf32>, vector<16xf32>, vector<16xf32>) {
        %scan3A_209 = arith.constant 0 : i32
        %scan3A_210 = arith.constant 25 : i32
        %scan3A_211 = arith.addi %scan3A_209, %scan3A_210 : i32
        %scan3A_212 = arith.constant 1 : i32
        %scan3A_213:8 = scf.for %scan3A_219 = %scan3A_209 to %scan3A_211 step %scan3A_212 iter_args(%scan3A_220 = %scan3A_160, %scan3A_221 = %scan3A_161, %scan3A_222 = %scan3A_162, %scan3A_223 = %scan3A_163, %scan3A_224 = %scan3A_164, %scan3A_225 = %scan3A_165, %scan3A_226 = %scan3A_166, %scan3A_227 = %scan3A_167) -> (vector<16xf32>, vector<16xf32>, vector<16xf32>, vector<16xf32>, vector<16xf32>, vector<16xf32>, vector<16xf32>, vector<16xf32>)  : i32 {
          %mul3A_228 = arith.constant 2048 : i32
          %mul3A_229 = arith.muli %scan3A_219, %mul3A_228 : i32
          %add3A_230 = arith.addi %mul3A_196, %mul3A_229 : i32
          %add3A_231 = arith.constant 0 : i32
          %add3A_232 = arith.addi %add3A_230, %add3A_231 : i32
          %add3A_233 = arith.constant 0 : i32
          %add3A_234 = arith.addi %add3A_232, %add3A_233 : i32
          %get3A_235 = arith.index_cast %add3A_234 : i32 to index
          %get3A_236 = tpu.vector_load %arg5[%get3A_235] {strides = array<i32>} : memref<102400xf32, #tpu.memory_space<vmem>>, vector<16xf32>,
          %add3A_237 = arith.addf %scan3A_220, %get3A_236 : vector<16xf32>
          %add3A_238 = arith.constant 0 : i32
          %add3A_239 = arith.addi %add3A_230, %add3A_238 : i32
          %add3A_240 = arith.constant 16 : i32
          %add3A_241 = arith.addi %add3A_239, %add3A_240 : i32
          %get3A_242 = arith.index_cast %add3A_241 : i32 to index
          %get3A_243 = tpu.vector_load %arg5[%get3A_242] {strides = array<i32>} : memref<102400xf32, #tpu.memory_space<vmem>>, vector<16xf32>,
          %add3A_244 = arith.addf %scan3A_221, %get3A_243 : vector<16xf32>
          %add3A_245 = arith.constant 0 : i32
          %add3A_246 = arith.addi %add3A_230, %add3A_245 : i32
          %add3A_247 = arith.constant 32 : i32
          %add3A_248 = arith.addi %add3A_246, %add3A_247 : i32
          %get3A_249 = arith.index_cast %add3A_248 : i32 to index
          %get3A_250 = tpu.vector_load %arg5[%get3A_249] {strides = array<i32>} : memref<102400xf32, #tpu.memory_space<vmem>>, vector<16xf32>,
          %add3A_251 = arith.addf %scan3A_222, %get3A_250 : vector<16xf32>
          %add3A_252 = arith.constant 0 : i32
          %add3A_253 = arith.addi %add3A_230, %add3A_252 : i32
          %add3A_254 = arith.constant 48 : i32
          %add3A_255 = arith.addi %add3A_253, %add3A_254 : i32
          %get3A_256 = arith.index_cast %add3A_255 : i32 to index
          %get3A_257 = tpu.vector_load %arg5[%get3A_256] {strides = array<i32>} : memref<102400xf32, #tpu.memory_space<vmem>>, vector<16xf32>,
          %add3A_258 = arith.addf %scan3A_223, %get3A_257 : vector<16xf32>
          %add3A_259 = arith.constant 0 : i32
          %add3A_260 = arith.addi %add3A_230, %add3A_259 : i32
          %add3A_261 = arith.constant 64 : i32
          %add3A_262 = arith.addi %add3A_260, %add3A_261 : i32
          %get3A_263 = arith.index_cast %add3A_262 : i32 to index
          %get3A_264 = tpu.vector_load %arg5[%get3A_263] {strides = array<i32>} : memref<102400xf32, #tpu.memory_space<vmem>>, vector<16xf32>,
          %add3A_265 = arith.addf %scan3A_224, %get3A_264 : vector<16xf32>
          %add3A_266 = arith.constant 0 : i32
          %add3A_267 = arith.addi %add3A_230, %add3A_266 : i32
          %add3A_268 = arith.constant 80 : i32
          %add3A_269 = arith.addi %add3A_267, %add3A_268 : i32
          %get3A_270 = arith.index_cast %add3A_269 : i32 to index
          %get3A_271 = tpu.vector_load %arg5[%get3A_270] {strides = array<i32>} : memref<102400xf32, #tpu.memory_space<vmem>>, vector<16xf32>,
          %add3A_272 = arith.addf %scan3A_225, %get3A_271 : vector<16xf32>
          %add3A_273 = arith.constant 0 : i32
          %add3A_274 = arith.addi %add3A_230, %add3A_273 : i32
          %add3A_275 = arith.constant 96 : i32
          %add3A_276 = arith.addi %add3A_274, %add3A_275 : i32
          %get3A_277 = arith.index_cast %add3A_276 : i32 to index
          %get3A_278 = tpu.vector_load %arg5[%get3A_277] {strides = array<i32>} : memref<102400xf32, #tpu.memory_space<vmem>>, vector<16xf32>,
          %add3A_279 = arith.addf %scan3A_226, %get3A_278 : vector<16xf32>
          %add3A_280 = arith.constant 0 : i32
          %add3A_281 = arith.addi %add3A_230, %add3A_280 : i32
          %add3A_282 = arith.constant 112 : i32
          %add3A_283 = arith.addi %add3A_281, %add3A_282 : i32
          %get3A_284 = arith.index_cast %add3A_283 : i32 to index
          %get3A_285 = tpu.vector_load %arg5[%get3A_284] {strides = array<i32>} : memref<102400xf32, #tpu.memory_space<vmem>>, vector<16xf32>,
          %add3A_286 = arith.addf %scan3A_227, %get3A_285 : vector<16xf32>
          %add3A_287 = arith.constant 128 : i32
          %add3A_288 = arith.addi %add3A_230, %add3A_287 : i32
          %add3A_289 = arith.constant 0 : i32
          %add3A_290 = arith.addi %add3A_288, %add3A_289 : i32
          %get3A_291 = arith.index_cast %add3A_290 : i32 to index
          %get3A_292 = tpu.vector_load %arg5[%get3A_291] {strides = array<i32>} : memref<102400xf32, #tpu.memory_space<vmem>>, vector<16xf32>,
          %add3A_293 = arith.addf %add3A_237, %get3A_292 : vector<16xf32>
          %add3A_294 = arith.constant 128 : i32
          %add3A_295 = arith.addi %add3A_230, %add3A_294 : i32
          %add3A_296 = arith.constant 16 : i32
          %add3A_297 = arith.addi %add3A_295, %add3A_296 : i32
          %get3A_298 = arith.index_cast %add3A_297 : i32 to index
          %get3A_299 = tpu.vector_load %arg5[%get3A_298] {strides = array<i32>} : memref<102400xf32, #tpu.memory_space<vmem>>, vector<16xf32>,
          %add3A_300 = arith.addf %add3A_244, %get3A_299 : vector<16xf32>
          %add3A_301 = arith.constant 128 : i32
          %add3A_302 = arith.addi %add3A_230, %add3A_301 : i32
          %add3A_303 = arith.constant 32 : i32
          %add3A_304 = arith.addi %add3A_302, %add3A_303 : i32
          %get3A_305 = arith.index_cast %add3A_304 : i32 to index
          %get3A_306 = tpu.vector_load %arg5[%get3A_305] {strides = array<i32>} : memref<102400xf32, #tpu.memory_space<vmem>>, vector<16xf32>,
          %add3A_307 = arith.addf %add3A_251, %get3A_306 : vector<16xf32>
          %add3A_308 = arith.constant 128 : i32
          %add3A_309 = arith.addi %add3A_230, %add3A_308 : i32
          %add3A_310 = arith.constant 48 : i32
          %add3A_311 = arith.addi %add3A_309, %add3A_310 : i32
          %get3A_312 = arith.index_cast %add3A_311 : i32 to index
          %get3A_313 = tpu.vector_load %arg5[%get3A_312] {strides = array<i32>} : memref<102400xf32, #tpu.memory_space<vmem>>, vector<16xf32>,
          %add3A_314 = arith.addf %add3A_258, %get3A_313 : vector<16xf32>
          %add3A_315 = arith.constant 128 : i32
          %add3A_316 = arith.addi %add3A_230, %add3A_315 : i32
          %add3A_317 = arith.constant 64 : i32
          %add3A_318 = arith.addi %add3A_316, %add3A_317 : i32
          %get3A_319 = arith.index_cast %add3A_318 : i32 to index
          %get3A_320 = tpu.vector_load %arg5[%get3A_319] {strides = array<i32>} : memref<102400xf32, #tpu.memory_space<vmem>>, vector<16xf32>,
          %add3A_321 = arith.addf %add3A_265, %get3A_320 : vector<16xf32>
          %add3A_322 = arith.constant 128 : i32
          %add3A_323 = arith.addi %add3A_230, %add3A_322 : i32
          %add3A_324 = arith.constant 80 : i32
          %add3A_325 = arith.addi %add3A_323, %add3A_324 : i32
          %get3A_326 = arith.index_cast %add3A_325 : i32 to index
          %get3A_327 = tpu.vector_load %arg5[%get3A_326] {strides = array<i32>} : memref<102400xf32, #tpu.memory_space<vmem>>, vector<16xf32>,
          %add3A_328 = arith.addf %add3A_272, %get3A_327 : vector<16xf32>
          %add3A_329 = arith.constant 128 : i32
          %add3A_330 = arith.addi %add3A_230, %add3A_329 : i32
          %add3A_331 = arith.constant 96 : i32
          %add3A_332 = arith.addi %add3A_330, %add3A_331 : i32
          %get3A_333 = arith.index_cast %add3A_332 : i32 to index
          %get3A_334 = tpu.vector_load %arg5[%get3A_333] {strides = array<i32>} : memref<102400xf32, #tpu.memory_space<vmem>>, vector<16xf32>,
          %add3A_335 = arith.addf %add3A_279, %get3A_334 : vector<16xf32>
          %add3A_336 = arith.constant 128 : i32
          %add3A_337 = arith.addi %add3A_230, %add3A_336 : i32
          %add3A_338 = arith.constant 112 : i32
          %add3A_339 = arith.addi %add3A_337, %add3A_338 : i32
          %get3A_340 = arith.index_cast %add3A_339 : i32 to index
          %get3A_341 = tpu.vector_load %arg5[%get3A_340] {strides = array<i32>} : memref<102400xf32, #tpu.memory_space<vmem>>, vector<16xf32>,
          %add3A_342 = arith.addf %add3A_286, %get3A_341 : vector<16xf32>
          %add3A_343 = arith.constant 256 : i32
          %add3A_344 = arith.addi %add3A_230, %add3A_343 : i32
          %add3A_345 = arith.constant 0 : i32
          %add3A_346 = arith.addi %add3A_344, %add3A_345 : i32
          %get3A_347 = arith.index_cast %add3A_346 : i32 to index
          %get3A_348 = tpu.vector_load %arg5[%get3A_347] {strides = array<i32>} : memref<102400xf32, #tpu.memory_space<vmem>>, vector<16xf32>,
          %add3A_349 = arith.addf %add3A_293, %get3A_348 : vector<16xf32>
          %add3A_350 = arith.constant 256 : i32
          %add3A_351 = arith.addi %add3A_230, %add3A_350 : i32
          %add3A_352 = arith.constant 16 : i32
          %add3A_353 = arith.addi %add3A_351, %add3A_352 : i32
          %get3A_354 = arith.index_cast %add3A_353 : i32 to index
          %get3A_355 = tpu.vector_load %arg5[%get3A_354] {strides = array<i32>} : memref<102400xf32, #tpu.memory_space<vmem>>, vector<16xf32>,
          %add3A_356 = arith.addf %add3A_300, %get3A_355 : vector<16xf32>
          %add3A_357 = arith.constant 256 : i32
          %add3A_358 = arith.addi %add3A_230, %add3A_357 : i32
          %add3A_359 = arith.constant 32 : i32
          %add3A_360 = arith.addi %add3A_358, %add3A_359 : i32
          %get3A_361 = arith.index_cast %add3A_360 : i32 to index
          %get3A_362 = tpu.vector_load %arg5[%get3A_361] {strides = array<i32>} : memref<102400xf32, #tpu.memory_space<vmem>>, vector<16xf32>,
          %add3A_363 = arith.addf %add3A_307, %get3A_362 : vector<16xf32>
          %add3A_364 = arith.constant 256 : i32
          %add3A_365 = arith.addi %add3A_230, %add3A_364 : i32
          %add3A_366 = arith.constant 48 : i32
          %add3A_367 = arith.addi %add3A_365, %add3A_366 : i32
          %get3A_368 = arith.index_cast %add3A_367 : i32 to index
          %get3A_369 = tpu.vector_load %arg5[%get3A_368] {strides = array<i32>} : memref<102400xf32, #tpu.memory_space<vmem>>, vector<16xf32>,
          %add3A_370 = arith.addf %add3A_314, %get3A_369 : vector<16xf32>
          %add3A_371 = arith.constant 256 : i32
          %add3A_372 = arith.addi %add3A_230, %add3A_371 : i32
          %add3A_373 = arith.constant 64 : i32
          %add3A_374 = arith.addi %add3A_372, %add3A_373 : i32
          %get3A_375 = arith.index_cast %add3A_374 : i32 to index
          %get3A_376 = tpu.vector_load %arg5[%get3A_375] {strides = array<i32>} : memref<102400xf32, #tpu.memory_space<vmem>>, vector<16xf32>,
          %add3A_377 = arith.addf %add3A_321, %get3A_376 : vector<16xf32>
          %add3A_378 = arith.constant 256 : i32
          %add3A_379 = arith.addi %add3A_230, %add3A_378 : i32
          %add3A_380 = arith.constant 80 : i32
          %add3A_381 = arith.addi %add3A_379, %add3A_380 : i32
          %get3A_382 = arith.index_cast %add3A_381 : i32 to index
          %get3A_383 = tpu.vector_load %arg5[%get3A_382] {strides = array<i32>} : memref<102400xf32, #tpu.memory_space<vmem>>, vector<16xf32>,
          %add3A_384 = arith.addf %add3A_328, %get3A_383 : vector<16xf32>
          %add3A_385 = arith.constant 256 : i32
          %add3A_386 = arith.addi %add3A_230, %add3A_385 : i32
          %add3A_387 = arith.constant 96 : i32
          %add3A_388 = arith.addi %add3A_386, %add3A_387 : i32
          %get3A_389 = arith.index_cast %add3A_388 : i32 to index
          %get3A_390 = tpu.vector_load %arg5[%get3A_389] {strides = array<i32>} : memref<102400xf32, #tpu.memory_space<vmem>>, vector<16xf32>,
          %add3A_391 = arith.addf %add3A_335, %get3A_390 : vector<16xf32>
          %add3A_392 = arith.constant 256 : i32
          %add3A_393 = arith.addi %add3A_230, %add3A_392 : i32
          %add3A_394 = arith.constant 112 : i32
          %add3A_395 = arith.addi %add3A_393, %add3A_394 : i32
          %get3A_396 = arith.index_cast %add3A_395 : i32 to index
          %get3A_397 = tpu.vector_load %arg5[%get3A_396] {strides = array<i32>} : memref<102400xf32, #tpu.memory_space<vmem>>, vector<16xf32>,
          %add3A_398 = arith.addf %add3A_342, %get3A_397 : vector<16xf32>
          %add3A_399 = arith.constant 384 : i32
          %add3A_400 = arith.addi %add3A_230, %add3A_399 : i32
          %add3A_401 = arith.constant 0 : i32
          %add3A_402 = arith.addi %add3A_400, %add3A_401 : i32
          %get3A_403 = arith.index_cast %add3A_402 : i32 to index
          %get3A_404 = tpu.vector_load %arg5[%get3A_403] {strides = array<i32>} : memref<102400xf32, #tpu.memory_space<vmem>>, vector<16xf32>,
          %add3A_405 = arith.addf %add3A_349, %get3A_404 : vector<16xf32>
          %add3A_406 = arith.constant 384 : i32
          %add3A_407 = arith.addi %add3A_230, %add3A_406 : i32
          %add3A_408 = arith.constant 16 : i32
          %add3A_409 = arith.addi %add3A_407, %add3A_408 : i32
          %get3A_410 = arith.index_cast %add3A_409 : i32 to index
          %get3A_411 = tpu.vector_load %arg5[%get3A_410] {strides = array<i32>} : memref<102400xf32, #tpu.memory_space<vmem>>, vector<16xf32>,
          %add3A_412 = arith.addf %add3A_356, %get3A_411 : vector<16xf32>
          %add3A_413 = arith.constant 384 : i32
          %add3A_414 = arith.addi %add3A_230, %add3A_413 : i32
          %add3A_415 = arith.constant 32 : i32
          %add3A_416 = arith.addi %add3A_414, %add3A_415 : i32
          %get3A_417 = arith.index_cast %add3A_416 : i32 to index
          %get3A_418 = tpu.vector_load %arg5[%get3A_417] {strides = array<i32>} : memref<102400xf32, #tpu.memory_space<vmem>>, vector<16xf32>,
          %add3A_419 = arith.addf %add3A_363, %get3A_418 : vector<16xf32>
          %add3A_420 = arith.constant 384 : i32
          %add3A_421 = arith.addi %add3A_230, %add3A_420 : i32
          %add3A_422 = arith.constant 48 : i32
          %add3A_423 = arith.addi %add3A_421, %add3A_422 : i32
          %get3A_424 = arith.index_cast %add3A_423 : i32 to index
          %get3A_425 = tpu.vector_load %arg5[%get3A_424] {strides = array<i32>} : memref<102400xf32, #tpu.memory_space<vmem>>, vector<16xf32>,
          %add3A_426 = arith.addf %add3A_370, %get3A_425 : vector<16xf32>
          %add3A_427 = arith.constant 384 : i32
          %add3A_428 = arith.addi %add3A_230, %add3A_427 : i32
          %add3A_429 = arith.constant 64 : i32
          %add3A_430 = arith.addi %add3A_428, %add3A_429 : i32
          %get3A_431 = arith.index_cast %add3A_430 : i32 to index
          %get3A_432 = tpu.vector_load %arg5[%get3A_431] {strides = array<i32>} : memref<102400xf32, #tpu.memory_space<vmem>>, vector<16xf32>,
          %add3A_433 = arith.addf %add3A_377, %get3A_432 : vector<16xf32>
          %add3A_434 = arith.constant 384 : i32
          %add3A_435 = arith.addi %add3A_230, %add3A_434 : i32
          %add3A_436 = arith.constant 80 : i32
          %add3A_437 = arith.addi %add3A_435, %add3A_436 : i32
          %get3A_438 = arith.index_cast %add3A_437 : i32 to index
          %get3A_439 = tpu.vector_load %arg5[%get3A_438] {strides = array<i32>} : memref<102400xf32, #tpu.memory_space<vmem>>, vector<16xf32>,
          %add3A_440 = arith.addf %add3A_384, %get3A_439 : vector<16xf32>
          %add3A_441 = arith.constant 384 : i32
          %add3A_442 = arith.addi %add3A_230, %add3A_441 : i32
          %add3A_443 = arith.constant 96 : i32
          %add3A_444 = arith.addi %add3A_442, %add3A_443 : i32
          %get3A_445 = arith.index_cast %add3A_444 : i32 to index
          %get3A_446 = tpu.vector_load %arg5[%get3A_445] {strides = array<i32>} : memref<102400xf32, #tpu.memory_space<vmem>>, vector<16xf32>,
          %add3A_447 = arith.addf %add3A_391, %get3A_446 : vector<16xf32>
          %add3A_448 = arith.constant 384 : i32
          %add3A_449 = arith.addi %add3A_230, %add3A_448 : i32
          %add3A_450 = arith.constant 112 : i32
          %add3A_451 = arith.addi %add3A_449, %add3A_450 : i32
          %get3A_452 = arith.index_cast %add3A_451 : i32 to index
          %get3A_453 = tpu.vector_load %arg5[%get3A_452] {strides = array<i32>} : memref<102400xf32, #tpu.memory_space<vmem>>, vector<16xf32>,
          %add3A_454 = arith.addf %add3A_398, %get3A_453 : vector<16xf32>
          %add3A_455 = arith.constant 512 : i32
          %add3A_456 = arith.addi %add3A_230, %add3A_455 : i32
          %add3A_457 = arith.constant 0 : i32
          %add3A_458 = arith.addi %add3A_456, %add3A_457 : i32
          %get3A_459 = arith.index_cast %add3A_458 : i32 to index
          %get3A_460 = tpu.vector_load %arg5[%get3A_459] {strides = array<i32>} : memref<102400xf32, #tpu.memory_space<vmem>>, vector<16xf32>,
          %add3A_461 = arith.addf %add3A_405, %get3A_460 : vector<16xf32>
          %add3A_462 = arith.constant 512 : i32
          %add3A_463 = arith.addi %add3A_230, %add3A_462 : i32
          %add3A_464 = arith.constant 16 : i32
          %add3A_465 = arith.addi %add3A_463, %add3A_464 : i32
          %get3A_466 = arith.index_cast %add3A_465 : i32 to index
          %get3A_467 = tpu.vector_load %arg5[%get3A_466] {strides = array<i32>} : memref<102400xf32, #tpu.memory_space<vmem>>, vector<16xf32>,
          %add3A_468 = arith.addf %add3A_412, %get3A_467 : vector<16xf32>
          %add3A_469 = arith.constant 512 : i32
          %add3A_470 = arith.addi %add3A_230, %add3A_469 : i32
          %add3A_471 = arith.constant 32 : i32
          %add3A_472 = arith.addi %add3A_470, %add3A_471 : i32
          %get3A_473 = arith.index_cast %add3A_472 : i32 to index
          %get3A_474 = tpu.vector_load %arg5[%get3A_473] {strides = array<i32>} : memref<102400xf32, #tpu.memory_space<vmem>>, vector<16xf32>,
          %add3A_475 = arith.addf %add3A_419, %get3A_474 : vector<16xf32>
          %add3A_476 = arith.constant 512 : i32
          %add3A_477 = arith.addi %add3A_230, %add3A_476 : i32
          %add3A_478 = arith.constant 48 : i32
          %add3A_479 = arith.addi %add3A_477, %add3A_478 : i32
          %get3A_480 = arith.index_cast %add3A_479 : i32 to index
          %get3A_481 = tpu.vector_load %arg5[%get3A_480] {strides = array<i32>} : memref<102400xf32, #tpu.memory_space<vmem>>, vector<16xf32>,
          %add3A_482 = arith.addf %add3A_426, %get3A_481 : vector<16xf32>
          %add3A_483 = arith.constant 512 : i32
          %add3A_484 = arith.addi %add3A_230, %add3A_483 : i32
          %add3A_485 = arith.constant 64 : i32
          %add3A_486 = arith.addi %add3A_484, %add3A_485 : i32
          %get3A_487 = arith.index_cast %add3A_486 : i32 to index
          %get3A_488 = tpu.vector_load %arg5[%get3A_487] {strides = array<i32>} : memref<102400xf32, #tpu.memory_space<vmem>>, vector<16xf32>,
          %add3A_489 = arith.addf %add3A_433, %get3A_488 : vector<16xf32>
          %add3A_490 = arith.constant 512 : i32
          %add3A_491 = arith.addi %add3A_230, %add3A_490 : i32
          %add3A_492 = arith.constant 80 : i32
          %add3A_493 = arith.addi %add3A_491, %add3A_492 : i32
          %get3A_494 = arith.index_cast %add3A_493 : i32 to index
          %get3A_495 = tpu.vector_load %arg5[%get3A_494] {strides = array<i32>} : memref<102400xf32, #tpu.memory_space<vmem>>, vector<16xf32>,
          %add3A_496 = arith.addf %add3A_440, %get3A_495 : vector<16xf32>
          %add3A_497 = arith.constant 512 : i32
          %add3A_498 = arith.addi %add3A_230, %add3A_497 : i32
          %add3A_499 = arith.constant 96 : i32
          %add3A_500 = arith.addi %add3A_498, %add3A_499 : i32
          %get3A_501 = arith.index_cast %add3A_500 : i32 to index
          %get3A_502 = tpu.vector_load %arg5[%get3A_501] {strides = array<i32>} : memref<102400xf32, #tpu.memory_space<vmem>>, vector<16xf32>,
          %add3A_503 = arith.addf %add3A_447, %get3A_502 : vector<16xf32>
          %add3A_504 = arith.constant 512 : i32
          %add3A_505 = arith.addi %add3A_230, %add3A_504 : i32
          %add3A_506 = arith.constant 112 : i32
          %add3A_507 = arith.addi %add3A_505, %add3A_506 : i32
          %get3A_508 = arith.index_cast %add3A_507 : i32 to index
          %get3A_509 = tpu.vector_load %arg5[%get3A_508] {strides = array<i32>} : memref<102400xf32, #tpu.memory_space<vmem>>, vector<16xf32>,
          %add3A_510 = arith.addf %add3A_454, %get3A_509 : vector<16xf32>
          %add3A_511 = arith.constant 640 : i32
          %add3A_512 = arith.addi %add3A_230, %add3A_511 : i32
          %add3A_513 = arith.constant 0 : i32
          %add3A_514 = arith.addi %add3A_512, %add3A_513 : i32
          %get3A_515 = arith.index_cast %add3A_514 : i32 to index
          %get3A_516 = tpu.vector_load %arg5[%get3A_515] {strides = array<i32>} : memref<102400xf32, #tpu.memory_space<vmem>>, vector<16xf32>,
          %add3A_517 = arith.addf %add3A_461, %get3A_516 : vector<16xf32>
          %add3A_518 = arith.constant 640 : i32
          %add3A_519 = arith.addi %add3A_230, %add3A_518 : i32
          %add3A_520 = arith.constant 16 : i32
          %add3A_521 = arith.addi %add3A_519, %add3A_520 : i32
          %get3A_522 = arith.index_cast %add3A_521 : i32 to index
          %get3A_523 = tpu.vector_load %arg5[%get3A_522] {strides = array<i32>} : memref<102400xf32, #tpu.memory_space<vmem>>, vector<16xf32>,
          %add3A_524 = arith.addf %add3A_468, %get3A_523 : vector<16xf32>
          %add3A_525 = arith.constant 640 : i32
          %add3A_526 = arith.addi %add3A_230, %add3A_525 : i32
          %add3A_527 = arith.constant 32 : i32
          %add3A_528 = arith.addi %add3A_526, %add3A_527 : i32
          %get3A_529 = arith.index_cast %add3A_528 : i32 to index
          %get3A_530 = tpu.vector_load %arg5[%get3A_529] {strides = array<i32>} : memref<102400xf32, #tpu.memory_space<vmem>>, vector<16xf32>,
          %add3A_531 = arith.addf %add3A_475, %get3A_530 : vector<16xf32>
          %add3A_532 = arith.constant 640 : i32
          %add3A_533 = arith.addi %add3A_230, %add3A_532 : i32
          %add3A_534 = arith.constant 48 : i32
          %add3A_535 = arith.addi %add3A_533, %add3A_534 : i32
          %get3A_536 = arith.index_cast %add3A_535 : i32 to index
          %get3A_537 = tpu.vector_load %arg5[%get3A_536] {strides = array<i32>} : memref<102400xf32, #tpu.memory_space<vmem>>, vector<16xf32>,
          %add3A_538 = arith.addf %add3A_482, %get3A_537 : vector<16xf32>
          %add3A_539 = arith.constant 640 : i32
          %add3A_540 = arith.addi %add3A_230, %add3A_539 : i32
          %add3A_541 = arith.constant 64 : i32
          %add3A_542 = arith.addi %add3A_540, %add3A_541 : i32
          %get3A_543 = arith.index_cast %add3A_542 : i32 to index
          %get3A_544 = tpu.vector_load %arg5[%get3A_543] {strides = array<i32>} : memref<102400xf32, #tpu.memory_space<vmem>>, vector<16xf32>,
          %add3A_545 = arith.addf %add3A_489, %get3A_544 : vector<16xf32>
          %add3A_546 = arith.constant 640 : i32
          %add3A_547 = arith.addi %add3A_230, %add3A_546 : i32
          %add3A_548 = arith.constant 80 : i32
          %add3A_549 = arith.addi %add3A_547, %add3A_548 : i32
          %get3A_550 = arith.index_cast %add3A_549 : i32 to index
          %get3A_551 = tpu.vector_load %arg5[%get3A_550] {strides = array<i32>} : memref<102400xf32, #tpu.memory_space<vmem>>, vector<16xf32>,
          %add3A_552 = arith.addf %add3A_496, %get3A_551 : vector<16xf32>
          %add3A_553 = arith.constant 640 : i32
          %add3A_554 = arith.addi %add3A_230, %add3A_553 : i32
          %add3A_555 = arith.constant 96 : i32
          %add3A_556 = arith.addi %add3A_554, %add3A_555 : i32
          %get3A_557 = arith.index_cast %add3A_556 : i32 to index
          %get3A_558 = tpu.vector_load %arg5[%get3A_557] {strides = array<i32>} : memref<102400xf32, #tpu.memory_space<vmem>>, vector<16xf32>,
          %add3A_559 = arith.addf %add3A_503, %get3A_558 : vector<16xf32>
          %add3A_560 = arith.constant 640 : i32
          %add3A_561 = arith.addi %add3A_230, %add3A_560 : i32
          %add3A_562 = arith.constant 112 : i32
          %add3A_563 = arith.addi %add3A_561, %add3A_562 : i32
          %get3A_564 = arith.index_cast %add3A_563 : i32 to index
          %get3A_565 = tpu.vector_load %arg5[%get3A_564] {strides = array<i32>} : memref<102400xf32, #tpu.memory_space<vmem>>, vector<16xf32>,
          %add3A_566 = arith.addf %add3A_510, %get3A_565 : vector<16xf32>
          %add3A_567 = arith.constant 768 : i32
          %add3A_568 = arith.addi %add3A_230, %add3A_567 : i32
          %add3A_569 = arith.constant 0 : i32
          %add3A_570 = arith.addi %add3A_568, %add3A_569 : i32
          %get3A_571 = arith.index_cast %add3A_570 : i32 to index
          %get3A_572 = tpu.vector_load %arg5[%get3A_571] {strides = array<i32>} : memref<102400xf32, #tpu.memory_space<vmem>>, vector<16xf32>,
          %add3A_573 = arith.addf %add3A_517, %get3A_572 : vector<16xf32>
          %add3A_574 = arith.constant 768 : i32
          %add3A_575 = arith.addi %add3A_230, %add3A_574 : i32
          %add3A_576 = arith.constant 16 : i32
          %add3A_577 = arith.addi %add3A_575, %add3A_576 : i32
          %get3A_578 = arith.index_cast %add3A_577 : i32 to index
          %get3A_579 = tpu.vector_load %arg5[%get3A_578] {strides = array<i32>} : memref<102400xf32, #tpu.memory_space<vmem>>, vector<16xf32>,
          %add3A_580 = arith.addf %add3A_524, %get3A_579 : vector<16xf32>
          %add3A_581 = arith.constant 768 : i32
          %add3A_582 = arith.addi %add3A_230, %add3A_581 : i32
          %add3A_583 = arith.constant 32 : i32
          %add3A_584 = arith.addi %add3A_582, %add3A_583 : i32
          %get3A_585 = arith.index_cast %add3A_584 : i32 to index
          %get3A_586 = tpu.vector_load %arg5[%get3A_585] {strides = array<i32>} : memref<102400xf32, #tpu.memory_space<vmem>>, vector<16xf32>,
          %add3A_587 = arith.addf %add3A_531, %get3A_586 : vector<16xf32>
          %add3A_588 = arith.constant 768 : i32
          %add3A_589 = arith.addi %add3A_230, %add3A_588 : i32
          %add3A_590 = arith.constant 48 : i32
          %add3A_591 = arith.addi %add3A_589, %add3A_590 : i32
          %get3A_592 = arith.index_cast %add3A_591 : i32 to index
          %get3A_593 = tpu.vector_load %arg5[%get3A_592] {strides = array<i32>} : memref<102400xf32, #tpu.memory_space<vmem>>, vector<16xf32>,
          %add3A_594 = arith.addf %add3A_538, %get3A_593 : vector<16xf32>
          %add3A_595 = arith.constant 768 : i32
          %add3A_596 = arith.addi %add3A_230, %add3A_595 : i32
          %add3A_597 = arith.constant 64 : i32
          %add3A_598 = arith.addi %add3A_596, %add3A_597 : i32
          %get3A_599 = arith.index_cast %add3A_598 : i32 to index
          %get3A_600 = tpu.vector_load %arg5[%get3A_599] {strides = array<i32>} : memref<102400xf32, #tpu.memory_space<vmem>>, vector<16xf32>,
          %add3A_601 = arith.addf %add3A_545, %get3A_600 : vector<16xf32>
          %add3A_602 = arith.constant 768 : i32
          %add3A_603 = arith.addi %add3A_230, %add3A_602 : i32
          %add3A_604 = arith.constant 80 : i32
          %add3A_605 = arith.addi %add3A_603, %add3A_604 : i32
          %get3A_606 = arith.index_cast %add3A_605 : i32 to index
          %get3A_607 = tpu.vector_load %arg5[%get3A_606] {strides = array<i32>} : memref<102400xf32, #tpu.memory_space<vmem>>, vector<16xf32>,
          %add3A_608 = arith.addf %add3A_552, %get3A_607 : vector<16xf32>
          %add3A_609 = arith.constant 768 : i32
          %add3A_610 = arith.addi %add3A_230, %add3A_609 : i32
          %add3A_611 = arith.constant 96 : i32
          %add3A_612 = arith.addi %add3A_610, %add3A_611 : i32
          %get3A_613 = arith.index_cast %add3A_612 : i32 to index
          %get3A_614 = tpu.vector_load %arg5[%get3A_613] {strides = array<i32>} : memref<102400xf32, #tpu.memory_space<vmem>>, vector<16xf32>,
          %add3A_615 = arith.addf %add3A_559, %get3A_614 : vector<16xf32>
          %add3A_616 = arith.constant 768 : i32
          %add3A_617 = arith.addi %add3A_230, %add3A_616 : i32
          %add3A_618 = arith.constant 112 : i32
          %add3A_619 = arith.addi %add3A_617, %add3A_618 : i32
          %get3A_620 = arith.index_cast %add3A_619 : i32 to index
          %get3A_621 = tpu.vector_load %arg5[%get3A_620] {strides = array<i32>} : memref<102400xf32, #tpu.memory_space<vmem>>, vector<16xf32>,
          %add3A_622 = arith.addf %add3A_566, %get3A_621 : vector<16xf32>
          %add3A_623 = arith.constant 896 : i32
          %add3A_624 = arith.addi %add3A_230, %add3A_623 : i32
          %add3A_625 = arith.constant 0 : i32
          %add3A_626 = arith.addi %add3A_624, %add3A_625 : i32
          %get3A_627 = arith.index_cast %add3A_626 : i32 to index
          %get3A_628 = tpu.vector_load %arg5[%get3A_627] {strides = array<i32>} : memref<102400xf32, #tpu.memory_space<vmem>>, vector<16xf32>,
          %add3A_629 = arith.addf %add3A_573, %get3A_628 : vector<16xf32>
          %add3A_630 = arith.constant 896 : i32
          %add3A_631 = arith.addi %add3A_230, %add3A_630 : i32
          %add3A_632 = arith.constant 16 : i32
          %add3A_633 = arith.addi %add3A_631, %add3A_632 : i32
          %get3A_634 = arith.index_cast %add3A_633 : i32 to index
          %get3A_635 = tpu.vector_load %arg5[%get3A_634] {strides = array<i32>} : memref<102400xf32, #tpu.memory_space<vmem>>, vector<16xf32>,
          %add3A_636 = arith.addf %add3A_580, %get3A_635 : vector<16xf32>
          %add3A_637 = arith.constant 896 : i32
          %add3A_638 = arith.addi %add3A_230, %add3A_637 : i32
          %add3A_639 = arith.constant 32 : i32
          %add3A_640 = arith.addi %add3A_638, %add3A_639 : i32
          %get3A_641 = arith.index_cast %add3A_640 : i32 to index
          %get3A_642 = tpu.vector_load %arg5[%get3A_641] {strides = array<i32>} : memref<102400xf32, #tpu.memory_space<vmem>>, vector<16xf32>,
          %add3A_643 = arith.addf %add3A_587, %get3A_642 : vector<16xf32>
          %add3A_644 = arith.constant 896 : i32
          %add3A_645 = arith.addi %add3A_230, %add3A_644 : i32
          %add3A_646 = arith.constant 48 : i32
          %add3A_647 = arith.addi %add3A_645, %add3A_646 : i32
          %get3A_648 = arith.index_cast %add3A_647 : i32 to index
          %get3A_649 = tpu.vector_load %arg5[%get3A_648] {strides = array<i32>} : memref<102400xf32, #tpu.memory_space<vmem>>, vector<16xf32>,
          %add3A_650 = arith.addf %add3A_594, %get3A_649 : vector<16xf32>
          %add3A_651 = arith.constant 896 : i32
          %add3A_652 = arith.addi %add3A_230, %add3A_651 : i32
          %add3A_653 = arith.constant 64 : i32
          %add3A_654 = arith.addi %add3A_652, %add3A_653 : i32
          %get3A_655 = arith.index_cast %add3A_654 : i32 to index
          %get3A_656 = tpu.vector_load %arg5[%get3A_655] {strides = array<i32>} : memref<102400xf32, #tpu.memory_space<vmem>>, vector<16xf32>,
          %add3A_657 = arith.addf %add3A_601, %get3A_656 : vector<16xf32>
          %add3A_658 = arith.constant 896 : i32
          %add3A_659 = arith.addi %add3A_230, %add3A_658 : i32
          %add3A_660 = arith.constant 80 : i32
          %add3A_661 = arith.addi %add3A_659, %add3A_660 : i32
          %get3A_662 = arith.index_cast %add3A_661 : i32 to index
          %get3A_663 = tpu.vector_load %arg5[%get3A_662] {strides = array<i32>} : memref<102400xf32, #tpu.memory_space<vmem>>, vector<16xf32>,
          %add3A_664 = arith.addf %add3A_608, %get3A_663 : vector<16xf32>
          %add3A_665 = arith.constant 896 : i32
          %add3A_666 = arith.addi %add3A_230, %add3A_665 : i32
          %add3A_667 = arith.constant 96 : i32
          %add3A_668 = arith.addi %add3A_666, %add3A_667 : i32
          %get3A_669 = arith.index_cast %add3A_668 : i32 to index
          %get3A_670 = tpu.vector_load %arg5[%get3A_669] {strides = array<i32>} : memref<102400xf32, #tpu.memory_space<vmem>>, vector<16xf32>,
          %add3A_671 = arith.addf %add3A_615, %get3A_670 : vector<16xf32>
          %add3A_672 = arith.constant 896 : i32
          %add3A_673 = arith.addi %add3A_230, %add3A_672 : i32
          %add3A_674 = arith.constant 112 : i32
          %add3A_675 = arith.addi %add3A_673, %add3A_674 : i32
          %get3A_676 = arith.index_cast %add3A_675 : i32 to index
          %get3A_677 = tpu.vector_load %arg5[%get3A_676] {strides = array<i32>} : memref<102400xf32, #tpu.memory_space<vmem>>, vector<16xf32>,
          %add3A_678 = arith.addf %add3A_622, %get3A_677 : vector<16xf32>
          %add3A_679 = arith.constant 1024 : i32
          %add3A_680 = arith.addi %add3A_230, %add3A_679 : i32
          %add3A_681 = arith.constant 0 : i32
          %add3A_682 = arith.addi %add3A_680, %add3A_681 : i32
          %get3A_683 = arith.index_cast %add3A_682 : i32 to index
          %get3A_684 = tpu.vector_load %arg5[%get3A_683] {strides = array<i32>} : memref<102400xf32, #tpu.memory_space<vmem>>, vector<16xf32>,
          %add3A_685 = arith.addf %add3A_629, %get3A_684 : vector<16xf32>
          %add3A_686 = arith.constant 1024 : i32
          %add3A_687 = arith.addi %add3A_230, %add3A_686 : i32
          %add3A_688 = arith.constant 16 : i32
          %add3A_689 = arith.addi %add3A_687, %add3A_688 : i32
          %get3A_690 = arith.index_cast %add3A_689 : i32 to index
          %get3A_691 = tpu.vector_load %arg5[%get3A_690] {strides = array<i32>} : memref<102400xf32, #tpu.memory_space<vmem>>, vector<16xf32>,
          %add3A_692 = arith.addf %add3A_636, %get3A_691 : vector<16xf32>
          %add3A_693 = arith.constant 1024 : i32
          %add3A_694 = arith.addi %add3A_230, %add3A_693 : i32
          %add3A_695 = arith.constant 32 : i32
          %add3A_696 = arith.addi %add3A_694, %add3A_695 : i32
          %get3A_697 = arith.index_cast %add3A_696 : i32 to index
          %get3A_698 = tpu.vector_load %arg5[%get3A_697] {strides = array<i32>} : memref<102400xf32, #tpu.memory_space<vmem>>, vector<16xf32>,
          %add3A_699 = arith.addf %add3A_643, %get3A_698 : vector<16xf32>
          %add3A_700 = arith.constant 1024 : i32
          %add3A_701 = arith.addi %add3A_230, %add3A_700 : i32
          %add3A_702 = arith.constant 48 : i32
          %add3A_703 = arith.addi %add3A_701, %add3A_702 : i32
          %get3A_704 = arith.index_cast %add3A_703 : i32 to index
          %get3A_705 = tpu.vector_load %arg5[%get3A_704] {strides = array<i32>} : memref<102400xf32, #tpu.memory_space<vmem>>, vector<16xf32>,
          %add3A_706 = arith.addf %add3A_650, %get3A_705 : vector<16xf32>
          %add3A_707 = arith.constant 1024 : i32
          %add3A_708 = arith.addi %add3A_230, %add3A_707 : i32
          %add3A_709 = arith.constant 64 : i32
          %add3A_710 = arith.addi %add3A_708, %add3A_709 : i32
          %get3A_711 = arith.index_cast %add3A_710 : i32 to index
          %get3A_712 = tpu.vector_load %arg5[%get3A_711] {strides = array<i32>} : memref<102400xf32, #tpu.memory_space<vmem>>, vector<16xf32>,
          %add3A_713 = arith.addf %add3A_657, %get3A_712 : vector<16xf32>
          %add3A_714 = arith.constant 1024 : i32
          %add3A_715 = arith.addi %add3A_230, %add3A_714 : i32
          %add3A_716 = arith.constant 80 : i32
          %add3A_717 = arith.addi %add3A_715, %add3A_716 : i32
          %get3A_718 = arith.index_cast %add3A_717 : i32 to index
          %get3A_719 = tpu.vector_load %arg5[%get3A_718] {strides = array<i32>} : memref<102400xf32, #tpu.memory_space<vmem>>, vector<16xf32>,
          %add3A_720 = arith.addf %add3A_664, %get3A_719 : vector<16xf32>
          %add3A_721 = arith.constant 1024 : i32
          %add3A_722 = arith.addi %add3A_230, %add3A_721 : i32
          %add3A_723 = arith.constant 96 : i32
          %add3A_724 = arith.addi %add3A_722, %add3A_723 : i32
          %get3A_725 = arith.index_cast %add3A_724 : i32 to index
          %get3A_726 = tpu.vector_load %arg5[%get3A_725] {strides = array<i32>} : memref<102400xf32, #tpu.memory_space<vmem>>, vector<16xf32>,
          %add3A_727 = arith.addf %add3A_671, %get3A_726 : vector<16xf32>
          %add3A_728 = arith.constant 1024 : i32
          %add3A_729 = arith.addi %add3A_230, %add3A_728 : i32
          %add3A_730 = arith.constant 112 : i32
          %add3A_731 = arith.addi %add3A_729, %add3A_730 : i32
          %get3A_732 = arith.index_cast %add3A_731 : i32 to index
          %get3A_733 = tpu.vector_load %arg5[%get3A_732] {strides = array<i32>} : memref<102400xf32, #tpu.memory_space<vmem>>, vector<16xf32>,
          %add3A_734 = arith.addf %add3A_678, %get3A_733 : vector<16xf32>
          %add3A_735 = arith.constant 1152 : i32
          %add3A_736 = arith.addi %add3A_230, %add3A_735 : i32
          %add3A_737 = arith.constant 0 : i32
          %add3A_738 = arith.addi %add3A_736, %add3A_737 : i32
          %get3A_739 = arith.index_cast %add3A_738 : i32 to index
          %get3A_740 = tpu.vector_load %arg5[%get3A_739] {strides = array<i32>} : memref<102400xf32, #tpu.memory_space<vmem>>, vector<16xf32>,
          %add3A_741 = arith.addf %add3A_685, %get3A_740 : vector<16xf32>
          %add3A_742 = arith.constant 1152 : i32
          %add3A_743 = arith.addi %add3A_230, %add3A_742 : i32
          %add3A_744 = arith.constant 16 : i32
          %add3A_745 = arith.addi %add3A_743, %add3A_744 : i32
          %get3A_746 = arith.index_cast %add3A_745 : i32 to index
          %get3A_747 = tpu.vector_load %arg5[%get3A_746] {strides = array<i32>} : memref<102400xf32, #tpu.memory_space<vmem>>, vector<16xf32>,
          %add3A_748 = arith.addf %add3A_692, %get3A_747 : vector<16xf32>
          %add3A_749 = arith.constant 1152 : i32
          %add3A_750 = arith.addi %add3A_230, %add3A_749 : i32
          %add3A_751 = arith.constant 32 : i32
          %add3A_752 = arith.addi %add3A_750, %add3A_751 : i32
          %get3A_753 = arith.index_cast %add3A_752 : i32 to index
          %get3A_754 = tpu.vector_load %arg5[%get3A_753] {strides = array<i32>} : memref<102400xf32, #tpu.memory_space<vmem>>, vector<16xf32>,
          %add3A_755 = arith.addf %add3A_699, %get3A_754 : vector<16xf32>
          %add3A_756 = arith.constant 1152 : i32
          %add3A_757 = arith.addi %add3A_230, %add3A_756 : i32
          %add3A_758 = arith.constant 48 : i32
          %add3A_759 = arith.addi %add3A_757, %add3A_758 : i32
          %get3A_760 = arith.index_cast %add3A_759 : i32 to index
          %get3A_761 = tpu.vector_load %arg5[%get3A_760] {strides = array<i32>} : memref<102400xf32, #tpu.memory_space<vmem>>, vector<16xf32>,
          %add3A_762 = arith.addf %add3A_706, %get3A_761 : vector<16xf32>
          %add3A_763 = arith.constant 1152 : i32
          %add3A_764 = arith.addi %add3A_230, %add3A_763 : i32
          %add3A_765 = arith.constant 64 : i32
          %add3A_766 = arith.addi %add3A_764, %add3A_765 : i32
          %get3A_767 = arith.index_cast %add3A_766 : i32 to index
          %get3A_768 = tpu.vector_load %arg5[%get3A_767] {strides = array<i32>} : memref<102400xf32, #tpu.memory_space<vmem>>, vector<16xf32>,
          %add3A_769 = arith.addf %add3A_713, %get3A_768 : vector<16xf32>
          %add3A_770 = arith.constant 1152 : i32
          %add3A_771 = arith.addi %add3A_230, %add3A_770 : i32
          %add3A_772 = arith.constant 80 : i32
          %add3A_773 = arith.addi %add3A_771, %add3A_772 : i32
          %get3A_774 = arith.index_cast %add3A_773 : i32 to index
          %get3A_775 = tpu.vector_load %arg5[%get3A_774] {strides = array<i32>} : memref<102400xf32, #tpu.memory_space<vmem>>, vector<16xf32>,
          %add3A_776 = arith.addf %add3A_720, %get3A_775 : vector<16xf32>
          %add3A_777 = arith.constant 1152 : i32
          %add3A_778 = arith.addi %add3A_230, %add3A_777 : i32
          %add3A_779 = arith.constant 96 : i32
          %add3A_780 = arith.addi %add3A_778, %add3A_779 : i32
          %get3A_781 = arith.index_cast %add3A_780 : i32 to index
          %get3A_782 = tpu.vector_load %arg5[%get3A_781] {strides = array<i32>} : memref<102400xf32, #tpu.memory_space<vmem>>, vector<16xf32>,
          %add3A_783 = arith.addf %add3A_727, %get3A_782 : vector<16xf32>
          %add3A_784 = arith.constant 1152 : i32
          %add3A_785 = arith.addi %add3A_230, %add3A_784 : i32
          %add3A_786 = arith.constant 112 : i32
          %add3A_787 = arith.addi %add3A_785, %add3A_786 : i32
          %get3A_788 = arith.index_cast %add3A_787 : i32 to index
          %get3A_789 = tpu.vector_load %arg5[%get3A_788] {strides = array<i32>} : memref<102400xf32, #tpu.memory_space<vmem>>, vector<16xf32>,
          %add3A_790 = arith.addf %add3A_734, %get3A_789 : vector<16xf32>
          %add3A_791 = arith.constant 1280 : i32
          %add3A_792 = arith.addi %add3A_230, %add3A_791 : i32
          %add3A_793 = arith.constant 0 : i32
          %add3A_794 = arith.addi %add3A_792, %add3A_793 : i32
          %get3A_795 = arith.index_cast %add3A_794 : i32 to index
          %get3A_796 = tpu.vector_load %arg5[%get3A_795] {strides = array<i32>} : memref<102400xf32, #tpu.memory_space<vmem>>, vector<16xf32>,
          %add3A_797 = arith.addf %add3A_741, %get3A_796 : vector<16xf32>
          %add3A_798 = arith.constant 1280 : i32
          %add3A_799 = arith.addi %add3A_230, %add3A_798 : i32
          %add3A_800 = arith.constant 16 : i32
          %add3A_801 = arith.addi %add3A_799, %add3A_800 : i32
          %get3A_802 = arith.index_cast %add3A_801 : i32 to index
          %get3A_803 = tpu.vector_load %arg5[%get3A_802] {strides = array<i32>} : memref<102400xf32, #tpu.memory_space<vmem>>, vector<16xf32>,
          %add3A_804 = arith.addf %add3A_748, %get3A_803 : vector<16xf32>
          %add3A_805 = arith.constant 1280 : i32
          %add3A_806 = arith.addi %add3A_230, %add3A_805 : i32
          %add3A_807 = arith.constant 32 : i32
          %add3A_808 = arith.addi %add3A_806, %add3A_807 : i32
          %get3A_809 = arith.index_cast %add3A_808 : i32 to index
          %get3A_810 = tpu.vector_load %arg5[%get3A_809] {strides = array<i32>} : memref<102400xf32, #tpu.memory_space<vmem>>, vector<16xf32>,
          %add3A_811 = arith.addf %add3A_755, %get3A_810 : vector<16xf32>
          %add3A_812 = arith.constant 1280 : i32
          %add3A_813 = arith.addi %add3A_230, %add3A_812 : i32
          %add3A_814 = arith.constant 48 : i32
          %add3A_815 = arith.addi %add3A_813, %add3A_814 : i32
          %get3A_816 = arith.index_cast %add3A_815 : i32 to index
          %get3A_817 = tpu.vector_load %arg5[%get3A_816] {strides = array<i32>} : memref<102400xf32, #tpu.memory_space<vmem>>, vector<16xf32>,
          %add3A_818 = arith.addf %add3A_762, %get3A_817 : vector<16xf32>
          %add3A_819 = arith.constant 1280 : i32
          %add3A_820 = arith.addi %add3A_230, %add3A_819 : i32
          %add3A_821 = arith.constant 64 : i32
          %add3A_822 = arith.addi %add3A_820, %add3A_821 : i32
          %get3A_823 = arith.index_cast %add3A_822 : i32 to index
          %get3A_824 = tpu.vector_load %arg5[%get3A_823] {strides = array<i32>} : memref<102400xf32, #tpu.memory_space<vmem>>, vector<16xf32>,
          %add3A_825 = arith.addf %add3A_769, %get3A_824 : vector<16xf32>
          %add3A_826 = arith.constant 1280 : i32
          %add3A_827 = arith.addi %add3A_230, %add3A_826 : i32
          %add3A_828 = arith.constant 80 : i32
          %add3A_829 = arith.addi %add3A_827, %add3A_828 : i32
          %get3A_830 = arith.index_cast %add3A_829 : i32 to index
          %get3A_831 = tpu.vector_load %arg5[%get3A_830] {strides = array<i32>} : memref<102400xf32, #tpu.memory_space<vmem>>, vector<16xf32>,
          %add3A_832 = arith.addf %add3A_776, %get3A_831 : vector<16xf32>
          %add3A_833 = arith.constant 1280 : i32
          %add3A_834 = arith.addi %add3A_230, %add3A_833 : i32
          %add3A_835 = arith.constant 96 : i32
          %add3A_836 = arith.addi %add3A_834, %add3A_835 : i32
          %get3A_837 = arith.index_cast %add3A_836 : i32 to index
          %get3A_838 = tpu.vector_load %arg5[%get3A_837] {strides = array<i32>} : memref<102400xf32, #tpu.memory_space<vmem>>, vector<16xf32>,
          %add3A_839 = arith.addf %add3A_783, %get3A_838 : vector<16xf32>
          %add3A_840 = arith.constant 1280 : i32
          %add3A_841 = arith.addi %add3A_230, %add3A_840 : i32
          %add3A_842 = arith.constant 112 : i32
          %add3A_843 = arith.addi %add3A_841, %add3A_842 : i32
          %get3A_844 = arith.index_cast %add3A_843 : i32 to index
          %get3A_845 = tpu.vector_load %arg5[%get3A_844] {strides = array<i32>} : memref<102400xf32, #tpu.memory_space<vmem>>, vector<16xf32>,
          %add3A_846 = arith.addf %add3A_790, %get3A_845 : vector<16xf32>
          %add3A_847 = arith.constant 1408 : i32
          %add3A_848 = arith.addi %add3A_230, %add3A_847 : i32
          %add3A_849 = arith.constant 0 : i32
          %add3A_850 = arith.addi %add3A_848, %add3A_849 : i32
          %get3A_851 = arith.index_cast %add3A_850 : i32 to index
          %get3A_852 = tpu.vector_load %arg5[%get3A_851] {strides = array<i32>} : memref<102400xf32, #tpu.memory_space<vmem>>, vector<16xf32>,
          %add3A_853 = arith.addf %add3A_797, %get3A_852 : vector<16xf32>
          %add3A_854 = arith.constant 1408 : i32
          %add3A_855 = arith.addi %add3A_230, %add3A_854 : i32
          %add3A_856 = arith.constant 16 : i32
          %add3A_857 = arith.addi %add3A_855, %add3A_856 : i32
          %get3A_858 = arith.index_cast %add3A_857 : i32 to index
          %get3A_859 = tpu.vector_load %arg5[%get3A_858] {strides = array<i32>} : memref<102400xf32, #tpu.memory_space<vmem>>, vector<16xf32>,
          %add3A_860 = arith.addf %add3A_804, %get3A_859 : vector<16xf32>
          %add3A_861 = arith.constant 1408 : i32
          %add3A_862 = arith.addi %add3A_230, %add3A_861 : i32
          %add3A_863 = arith.constant 32 : i32
          %add3A_864 = arith.addi %add3A_862, %add3A_863 : i32
          %get3A_865 = arith.index_cast %add3A_864 : i32 to index
          %get3A_866 = tpu.vector_load %arg5[%get3A_865] {strides = array<i32>} : memref<102400xf32, #tpu.memory_space<vmem>>, vector<16xf32>,
          %add3A_867 = arith.addf %add3A_811, %get3A_866 : vector<16xf32>
          %add3A_868 = arith.constant 1408 : i32
          %add3A_869 = arith.addi %add3A_230, %add3A_868 : i32
          %add3A_870 = arith.constant 48 : i32
          %add3A_871 = arith.addi %add3A_869, %add3A_870 : i32
          %get3A_872 = arith.index_cast %add3A_871 : i32 to index
          %get3A_873 = tpu.vector_load %arg5[%get3A_872] {strides = array<i32>} : memref<102400xf32, #tpu.memory_space<vmem>>, vector<16xf32>,
          %add3A_874 = arith.addf %add3A_818, %get3A_873 : vector<16xf32>
          %add3A_875 = arith.constant 1408 : i32
          %add3A_876 = arith.addi %add3A_230, %add3A_875 : i32
          %add3A_877 = arith.constant 64 : i32
          %add3A_878 = arith.addi %add3A_876, %add3A_877 : i32
          %get3A_879 = arith.index_cast %add3A_878 : i32 to index
          %get3A_880 = tpu.vector_load %arg5[%get3A_879] {strides = array<i32>} : memref<102400xf32, #tpu.memory_space<vmem>>, vector<16xf32>,
          %add3A_881 = arith.addf %add3A_825, %get3A_880 : vector<16xf32>
          %add3A_882 = arith.constant 1408 : i32
          %add3A_883 = arith.addi %add3A_230, %add3A_882 : i32
          %add3A_884 = arith.constant 80 : i32
          %add3A_885 = arith.addi %add3A_883, %add3A_884 : i32
          %get3A_886 = arith.index_cast %add3A_885 : i32 to index
          %get3A_887 = tpu.vector_load %arg5[%get3A_886] {strides = array<i32>} : memref<102400xf32, #tpu.memory_space<vmem>>, vector<16xf32>,
          %add3A_888 = arith.addf %add3A_832, %get3A_887 : vector<16xf32>
          %add3A_889 = arith.constant 1408 : i32
          %add3A_890 = arith.addi %add3A_230, %add3A_889 : i32
          %add3A_891 = arith.constant 96 : i32
          %add3A_892 = arith.addi %add3A_890, %add3A_891 : i32
          %get3A_893 = arith.index_cast %add3A_892 : i32 to index
          %get3A_894 = tpu.vector_load %arg5[%get3A_893] {strides = array<i32>} : memref<102400xf32, #tpu.memory_space<vmem>>, vector<16xf32>,
          %add3A_895 = arith.addf %add3A_839, %get3A_894 : vector<16xf32>
          %add3A_896 = arith.constant 1408 : i32
          %add3A_897 = arith.addi %add3A_230, %add3A_896 : i32
          %add3A_898 = arith.constant 112 : i32
          %add3A_899 = arith.addi %add3A_897, %add3A_898 : i32
          %get3A_900 = arith.index_cast %add3A_899 : i32 to index
          %get3A_901 = tpu.vector_load %arg5[%get3A_900] {strides = array<i32>} : memref<102400xf32, #tpu.memory_space<vmem>>, vector<16xf32>,
          %add3A_902 = arith.addf %add3A_846, %get3A_901 : vector<16xf32>
          %add3A_903 = arith.constant 1536 : i32
          %add3A_904 = arith.addi %add3A_230, %add3A_903 : i32
          %add3A_905 = arith.constant 0 : i32
          %add3A_906 = arith.addi %add3A_904, %add3A_905 : i32
          %get3A_907 = arith.index_cast %add3A_906 : i32 to index
          %get3A_908 = tpu.vector_load %arg5[%get3A_907] {strides = array<i32>} : memref<102400xf32, #tpu.memory_space<vmem>>, vector<16xf32>,
          %add3A_909 = arith.addf %add3A_853, %get3A_908 : vector<16xf32>
          %add3A_910 = arith.constant 1536 : i32
          %add3A_911 = arith.addi %add3A_230, %add3A_910 : i32
          %add3A_912 = arith.constant 16 : i32
          %add3A_913 = arith.addi %add3A_911, %add3A_912 : i32
          %get3A_914 = arith.index_cast %add3A_913 : i32 to index
          %get3A_915 = tpu.vector_load %arg5[%get3A_914] {strides = array<i32>} : memref<102400xf32, #tpu.memory_space<vmem>>, vector<16xf32>,
          %add3A_916 = arith.addf %add3A_860, %get3A_915 : vector<16xf32>
          %add3A_917 = arith.constant 1536 : i32
          %add3A_918 = arith.addi %add3A_230, %add3A_917 : i32
          %add3A_919 = arith.constant 32 : i32
          %add3A_920 = arith.addi %add3A_918, %add3A_919 : i32
          %get3A_921 = arith.index_cast %add3A_920 : i32 to index
          %get3A_922 = tpu.vector_load %arg5[%get3A_921] {strides = array<i32>} : memref<102400xf32, #tpu.memory_space<vmem>>, vector<16xf32>,
          %add3A_923 = arith.addf %add3A_867, %get3A_922 : vector<16xf32>
          %add3A_924 = arith.constant 1536 : i32
          %add3A_925 = arith.addi %add3A_230, %add3A_924 : i32
          %add3A_926 = arith.constant 48 : i32
          %add3A_927 = arith.addi %add3A_925, %add3A_926 : i32
          %get3A_928 = arith.index_cast %add3A_927 : i32 to index
          %get3A_929 = tpu.vector_load %arg5[%get3A_928] {strides = array<i32>} : memref<102400xf32, #tpu.memory_space<vmem>>, vector<16xf32>,
          %add3A_930 = arith.addf %add3A_874, %get3A_929 : vector<16xf32>
          %add3A_931 = arith.constant 1536 : i32
          %add3A_932 = arith.addi %add3A_230, %add3A_931 : i32
          %add3A_933 = arith.constant 64 : i32
          %add3A_934 = arith.addi %add3A_932, %add3A_933 : i32
          %get3A_935 = arith.index_cast %add3A_934 : i32 to index
          %get3A_936 = tpu.vector_load %arg5[%get3A_935] {strides = array<i32>} : memref<102400xf32, #tpu.memory_space<vmem>>, vector<16xf32>,
          %add3A_937 = arith.addf %add3A_881, %get3A_936 : vector<16xf32>
          %add3A_938 = arith.constant 1536 : i32
          %add3A_939 = arith.addi %add3A_230, %add3A_938 : i32
          %add3A_940 = arith.constant 80 : i32
          %add3A_941 = arith.addi %add3A_939, %add3A_940 : i32
          %get3A_942 = arith.index_cast %add3A_941 : i32 to index
          %get3A_943 = tpu.vector_load %arg5[%get3A_942] {strides = array<i32>} : memref<102400xf32, #tpu.memory_space<vmem>>, vector<16xf32>,
          %add3A_944 = arith.addf %add3A_888, %get3A_943 : vector<16xf32>
          %add3A_945 = arith.constant 1536 : i32
          %add3A_946 = arith.addi %add3A_230, %add3A_945 : i32
          %add3A_947 = arith.constant 96 : i32
          %add3A_948 = arith.addi %add3A_946, %add3A_947 : i32
          %get3A_949 = arith.index_cast %add3A_948 : i32 to index
          %get3A_950 = tpu.vector_load %arg5[%get3A_949] {strides = array<i32>} : memref<102400xf32, #tpu.memory_space<vmem>>, vector<16xf32>,
          %add3A_951 = arith.addf %add3A_895, %get3A_950 : vector<16xf32>
          %add3A_952 = arith.constant 1536 : i32
          %add3A_953 = arith.addi %add3A_230, %add3A_952 : i32
          %add3A_954 = arith.constant 112 : i32
          %add3A_955 = arith.addi %add3A_953, %add3A_954 : i32
          %get3A_956 = arith.index_cast %add3A_955 : i32 to index
          %get3A_957 = tpu.vector_load %arg5[%get3A_956] {strides = array<i32>} : memref<102400xf32, #tpu.memory_space<vmem>>, vector<16xf32>,
          %add3A_958 = arith.addf %add3A_902, %get3A_957 : vector<16xf32>
          %add3A_959 = arith.constant 1664 : i32
          %add3A_960 = arith.addi %add3A_230, %add3A_959 : i32
          %add3A_961 = arith.constant 0 : i32
          %add3A_962 = arith.addi %add3A_960, %add3A_961 : i32
          %get3A_963 = arith.index_cast %add3A_962 : i32 to index
          %get3A_964 = tpu.vector_load %arg5[%get3A_963] {strides = array<i32>} : memref<102400xf32, #tpu.memory_space<vmem>>, vector<16xf32>,
          %add3A_965 = arith.addf %add3A_909, %get3A_964 : vector<16xf32>
          %add3A_966 = arith.constant 1664 : i32
          %add3A_967 = arith.addi %add3A_230, %add3A_966 : i32
          %add3A_968 = arith.constant 16 : i32
          %add3A_969 = arith.addi %add3A_967, %add3A_968 : i32
          %get3A_970 = arith.index_cast %add3A_969 : i32 to index
          %get3A_971 = tpu.vector_load %arg5[%get3A_970] {strides = array<i32>} : memref<102400xf32, #tpu.memory_space<vmem>>, vector<16xf32>,
          %add3A_972 = arith.addf %add3A_916, %get3A_971 : vector<16xf32>
          %add3A_973 = arith.constant 1664 : i32
          %add3A_974 = arith.addi %add3A_230, %add3A_973 : i32
          %add3A_975 = arith.constant 32 : i32
          %add3A_976 = arith.addi %add3A_974, %add3A_975 : i32
          %get3A_977 = arith.index_cast %add3A_976 : i32 to index
          %get3A_978 = tpu.vector_load %arg5[%get3A_977] {strides = array<i32>} : memref<102400xf32, #tpu.memory_space<vmem>>, vector<16xf32>,
          %add3A_979 = arith.addf %add3A_923, %get3A_978 : vector<16xf32>
          %add3A_980 = arith.constant 1664 : i32
          %add3A_981 = arith.addi %add3A_230, %add3A_980 : i32
          %add3A_982 = arith.constant 48 : i32
          %add3A_983 = arith.addi %add3A_981, %add3A_982 : i32
          %get3A_984 = arith.index_cast %add3A_983 : i32 to index
          %get3A_985 = tpu.vector_load %arg5[%get3A_984] {strides = array<i32>} : memref<102400xf32, #tpu.memory_space<vmem>>, vector<16xf32>,
          %add3A_986 = arith.addf %add3A_930, %get3A_985 : vector<16xf32>
          %add3A_987 = arith.constant 1664 : i32
          %add3A_988 = arith.addi %add3A_230, %add3A_987 : i32
          %add3A_989 = arith.constant 64 : i32
          %add3A_990 = arith.addi %add3A_988, %add3A_989 : i32
          %get3A_991 = arith.index_cast %add3A_990 : i32 to index
          %get3A_992 = tpu.vector_load %arg5[%get3A_991] {strides = array<i32>} : memref<102400xf32, #tpu.memory_space<vmem>>, vector<16xf32>,
          %add3A_993 = arith.addf %add3A_937, %get3A_992 : vector<16xf32>
          %add3A_994 = arith.constant 1664 : i32
          %add3A_995 = arith.addi %add3A_230, %add3A_994 : i32
          %add3A_996 = arith.constant 80 : i32
          %add3A_997 = arith.addi %add3A_995, %add3A_996 : i32
          %get3A_998 = arith.index_cast %add3A_997 : i32 to index
          %get3A_999 = tpu.vector_load %arg5[%get3A_998] {strides = array<i32>} : memref<102400xf32, #tpu.memory_space<vmem>>, vector<16xf32>,
          %add3A_1000 = arith.addf %add3A_944, %get3A_999 : vector<16xf32>
          %add3A_1001 = arith.constant 1664 : i32
          %add3A_1002 = arith.addi %add3A_230, %add3A_1001 : i32
          %add3A_1003 = arith.constant 96 : i32
          %add3A_1004 = arith.addi %add3A_1002, %add3A_1003 : i32
          %get3A_1005 = arith.index_cast %add3A_1004 : i32 to index
          %get3A_1006 = tpu.vector_load %arg5[%get3A_1005] {strides = array<i32>} : memref<102400xf32, #tpu.memory_space<vmem>>, vector<16xf32>,
          %add3A_1007 = arith.addf %add3A_951, %get3A_1006 : vector<16xf32>
          %add3A_1008 = arith.constant 1664 : i32
          %add3A_1009 = arith.addi %add3A_230, %add3A_1008 : i32
          %add3A_1010 = arith.constant 112 : i32
          %add3A_1011 = arith.addi %add3A_1009, %add3A_1010 : i32
          %get3A_1012 = arith.index_cast %add3A_1011 : i32 to index
          %get3A_1013 = tpu.vector_load %arg5[%get3A_1012] {strides = array<i32>} : memref<102400xf32, #tpu.memory_space<vmem>>, vector<16xf32>,
          %add3A_1014 = arith.addf %add3A_958, %get3A_1013 : vector<16xf32>
          %add3A_1015 = arith.constant 1792 : i32
          %add3A_1016 = arith.addi %add3A_230, %add3A_1015 : i32
          %add3A_1017 = arith.constant 0 : i32
          %add3A_1018 = arith.addi %add3A_1016, %add3A_1017 : i32
          %get3A_1019 = arith.index_cast %add3A_1018 : i32 to index
          %get3A_1020 = tpu.vector_load %arg5[%get3A_1019] {strides = array<i32>} : memref<102400xf32, #tpu.memory_space<vmem>>, vector<16xf32>,
          %add3A_1021 = arith.addf %add3A_965, %get3A_1020 : vector<16xf32>
          %add3A_1022 = arith.constant 1792 : i32
          %add3A_1023 = arith.addi %add3A_230, %add3A_1022 : i32
          %add3A_1024 = arith.constant 16 : i32
          %add3A_1025 = arith.addi %add3A_1023, %add3A_1024 : i32
          %get3A_1026 = arith.index_cast %add3A_1025 : i32 to index
          %get3A_1027 = tpu.vector_load %arg5[%get3A_1026] {strides = array<i32>} : memref<102400xf32, #tpu.memory_space<vmem>>, vector<16xf32>,
          %add3A_1028 = arith.addf %add3A_972, %get3A_1027 : vector<16xf32>
          %add3A_1029 = arith.constant 1792 : i32
          %add3A_1030 = arith.addi %add3A_230, %add3A_1029 : i32
          %add3A_1031 = arith.constant 32 : i32
          %add3A_1032 = arith.addi %add3A_1030, %add3A_1031 : i32
          %get3A_1033 = arith.index_cast %add3A_1032 : i32 to index
          %get3A_1034 = tpu.vector_load %arg5[%get3A_1033] {strides = array<i32>} : memref<102400xf32, #tpu.memory_space<vmem>>, vector<16xf32>,
          %add3A_1035 = arith.addf %add3A_979, %get3A_1034 : vector<16xf32>
          %add3A_1036 = arith.constant 1792 : i32
          %add3A_1037 = arith.addi %add3A_230, %add3A_1036 : i32
          %add3A_1038 = arith.constant 48 : i32
          %add3A_1039 = arith.addi %add3A_1037, %add3A_1038 : i32
          %get3A_1040 = arith.index_cast %add3A_1039 : i32 to index
          %get3A_1041 = tpu.vector_load %arg5[%get3A_1040] {strides = array<i32>} : memref<102400xf32, #tpu.memory_space<vmem>>, vector<16xf32>,
          %add3A_1042 = arith.addf %add3A_986, %get3A_1041 : vector<16xf32>
          %add3A_1043 = arith.constant 1792 : i32
          %add3A_1044 = arith.addi %add3A_230, %add3A_1043 : i32
          %add3A_1045 = arith.constant 64 : i32
          %add3A_1046 = arith.addi %add3A_1044, %add3A_1045 : i32
          %get3A_1047 = arith.index_cast %add3A_1046 : i32 to index
          %get3A_1048 = tpu.vector_load %arg5[%get3A_1047] {strides = array<i32>} : memref<102400xf32, #tpu.memory_space<vmem>>, vector<16xf32>,
          %add3A_1049 = arith.addf %add3A_993, %get3A_1048 : vector<16xf32>
          %add3A_1050 = arith.constant 1792 : i32
          %add3A_1051 = arith.addi %add3A_230, %add3A_1050 : i32
          %add3A_1052 = arith.constant 80 : i32
          %add3A_1053 = arith.addi %add3A_1051, %add3A_1052 : i32
          %get3A_1054 = arith.index_cast %add3A_1053 : i32 to index
          %get3A_1055 = tpu.vector_load %arg5[%get3A_1054] {strides = array<i32>} : memref<102400xf32, #tpu.memory_space<vmem>>, vector<16xf32>,
          %add3A_1056 = arith.addf %add3A_1000, %get3A_1055 : vector<16xf32>
          %add3A_1057 = arith.constant 1792 : i32
          %add3A_1058 = arith.addi %add3A_230, %add3A_1057 : i32
          %add3A_1059 = arith.constant 96 : i32
          %add3A_1060 = arith.addi %add3A_1058, %add3A_1059 : i32
          %get3A_1061 = arith.index_cast %add3A_1060 : i32 to index
          %get3A_1062 = tpu.vector_load %arg5[%get3A_1061] {strides = array<i32>} : memref<102400xf32, #tpu.memory_space<vmem>>, vector<16xf32>,
          %add3A_1063 = arith.addf %add3A_1007, %get3A_1062 : vector<16xf32>
          %add3A_1064 = arith.constant 1792 : i32
          %add3A_1065 = arith.addi %add3A_230, %add3A_1064 : i32
          %add3A_1066 = arith.constant 112 : i32
          %add3A_1067 = arith.addi %add3A_1065, %add3A_1066 : i32
          %get3A_1068 = arith.index_cast %add3A_1067 : i32 to index
          %get3A_1069 = tpu.vector_load %arg5[%get3A_1068] {strides = array<i32>} : memref<102400xf32, #tpu.memory_space<vmem>>, vector<16xf32>,
          %add3A_1070 = arith.addf %add3A_1014, %get3A_1069 : vector<16xf32>
          %add3A_1071 = arith.constant 1920 : i32
          %add3A_1072 = arith.addi %add3A_230, %add3A_1071 : i32
          %add3A_1073 = arith.constant 0 : i32
          %add3A_1074 = arith.addi %add3A_1072, %add3A_1073 : i32
          %get3A_1075 = arith.index_cast %add3A_1074 : i32 to index
          %get3A_1076 = tpu.vector_load %arg5[%get3A_1075] {strides = array<i32>} : memref<102400xf32, #tpu.memory_space<vmem>>, vector<16xf32>,
          %add3A_1077 = arith.addf %add3A_1021, %get3A_1076 : vector<16xf32>
          %add3A_1078 = arith.constant 1920 : i32
          %add3A_1079 = arith.addi %add3A_230, %add3A_1078 : i32
          %add3A_1080 = arith.constant 16 : i32
          %add3A_1081 = arith.addi %add3A_1079, %add3A_1080 : i32
          %get3A_1082 = arith.index_cast %add3A_1081 : i32 to index
          %get3A_1083 = tpu.vector_load %arg5[%get3A_1082] {strides = array<i32>} : memref<102400xf32, #tpu.memory_space<vmem>>, vector<16xf32>,
          %add3A_1084 = arith.addf %add3A_1028, %get3A_1083 : vector<16xf32>
          %add3A_1085 = arith.constant 1920 : i32
          %add3A_1086 = arith.addi %add3A_230, %add3A_1085 : i32
          %add3A_1087 = arith.constant 32 : i32
          %add3A_1088 = arith.addi %add3A_1086, %add3A_1087 : i32
          %get3A_1089 = arith.index_cast %add3A_1088 : i32 to index
          %get3A_1090 = tpu.vector_load %arg5[%get3A_1089] {strides = array<i32>} : memref<102400xf32, #tpu.memory_space<vmem>>, vector<16xf32>,
          %add3A_1091 = arith.addf %add3A_1035, %get3A_1090 : vector<16xf32>
          %add3A_1092 = arith.constant 1920 : i32
          %add3A_1093 = arith.addi %add3A_230, %add3A_1092 : i32
          %add3A_1094 = arith.constant 48 : i32
          %add3A_1095 = arith.addi %add3A_1093, %add3A_1094 : i32
          %get3A_1096 = arith.index_cast %add3A_1095 : i32 to index
          %get3A_1097 = tpu.vector_load %arg5[%get3A_1096] {strides = array<i32>} : memref<102400xf32, #tpu.memory_space<vmem>>, vector<16xf32>,
          %add3A_1098 = arith.addf %add3A_1042, %get3A_1097 : vector<16xf32>
          %add3A_1099 = arith.constant 1920 : i32
          %add3A_1100 = arith.addi %add3A_230, %add3A_1099 : i32
          %add3A_1101 = arith.constant 64 : i32
          %add3A_1102 = arith.addi %add3A_1100, %add3A_1101 : i32
          %get3A_1103 = arith.index_cast %add3A_1102 : i32 to index
          %get3A_1104 = tpu.vector_load %arg5[%get3A_1103] {strides = array<i32>} : memref<102400xf32, #tpu.memory_space<vmem>>, vector<16xf32>,
          %add3A_1105 = arith.addf %add3A_1049, %get3A_1104 : vector<16xf32>
          %add3A_1106 = arith.constant 1920 : i32
          %add3A_1107 = arith.addi %add3A_230, %add3A_1106 : i32
          %add3A_1108 = arith.constant 80 : i32
          %add3A_1109 = arith.addi %add3A_1107, %add3A_1108 : i32
          %get3A_1110 = arith.index_cast %add3A_1109 : i32 to index
          %get3A_1111 = tpu.vector_load %arg5[%get3A_1110] {strides = array<i32>} : memref<102400xf32, #tpu.memory_space<vmem>>, vector<16xf32>,
          %add3A_1112 = arith.addf %add3A_1056, %get3A_1111 : vector<16xf32>
          %add3A_1113 = arith.constant 1920 : i32
          %add3A_1114 = arith.addi %add3A_230, %add3A_1113 : i32
          %add3A_1115 = arith.constant 96 : i32
          %add3A_1116 = arith.addi %add3A_1114, %add3A_1115 : i32
          %get3A_1117 = arith.index_cast %add3A_1116 : i32 to index
          %get3A_1118 = tpu.vector_load %arg5[%get3A_1117] {strides = array<i32>} : memref<102400xf32, #tpu.memory_space<vmem>>, vector<16xf32>,
          %add3A_1119 = arith.addf %add3A_1063, %get3A_1118 : vector<16xf32>
          %add3A_1120 = arith.constant 1920 : i32
          %add3A_1121 = arith.addi %add3A_230, %add3A_1120 : i32
          %add3A_1122 = arith.constant 112 : i32
          %add3A_1123 = arith.addi %add3A_1121, %add3A_1122 : i32
          %get3A_1124 = arith.index_cast %add3A_1123 : i32 to index
          %get3A_1125 = tpu.vector_load %arg5[%get3A_1124] {strides = array<i32>} : memref<102400xf32, #tpu.memory_space<vmem>>, vector<16xf32>,
          %add3A_1126 = arith.addf %add3A_1070, %get3A_1125 : vector<16xf32>
          scf.yield %add3A_1077, %add3A_1084, %add3A_1091, %add3A_1098, %add3A_1105, %add3A_1112, %add3A_1119, %add3A_1126 : vector<16xf32>, vector<16xf32>, vector<16xf32>, vector<16xf32>, vector<16xf32>, vector<16xf32>, vector<16xf32>, vector<16xf32>
        }
        %scan3A_214 = arith.constant 25 : i32
        %mul3A_215 = arith.constant 2.500000e+01 : f32
        %mul3A_216 = vector.broadcast %mul3A_215 : f32 to vector<16xf32>
        %mul3A_217 = arith.mulf %mul3A_49, %mul3A_216 : vector<16xf32>
        %add3A_218 = arith.addf %scan3A_159, %mul3A_217 : vector<16xf32>
        scf.yield %scan3A_157, %scan3A_158, %add3A_218, %scan3A_213#0, %scan3A_213#1, %scan3A_213#2, %scan3A_213#3, %scan3A_213#4, %scan3A_213#5, %scan3A_213#6, %scan3A_213#7 : i32, i32, vector<16xf32>, vector<16xf32>, vector<16xf32>, vector<16xf32>, vector<16xf32>, vector<16xf32>, vector<16xf32>, vector<16xf32>, vector<16xf32>
      } else {
        %scan3A_209 = arith.constant 0 : i32
        %scan3A_210 = arith.constant 25 : i32
        %scan3A_211 = arith.addi %scan3A_209, %scan3A_210 : i32
        %scan3A_212 = arith.constant 1 : i32
        %scan3A_213:11 = scf.for %scan3A_215 = %scan3A_209 to %scan3A_211 step %scan3A_212 iter_args(%scan3A_216 = %scan3A_157, %scan3A_217 = %scan3A_158, %scan3A_218 = %scan3A_159, %scan3A_219 = %scan3A_160, %scan3A_220 = %scan3A_161, %scan3A_221 = %scan3A_162, %scan3A_222 = %scan3A_163, %scan3A_223 = %scan3A_164, %scan3A_224 = %scan3A_165, %scan3A_225 = %scan3A_166, %scan3A_226 = %scan3A_167) -> (i32, i32, vector<16xf32>, vector<16xf32>, vector<16xf32>, vector<16xf32>, vector<16xf32>, vector<16xf32>, vector<16xf32>, vector<16xf32>, vector<16xf32>)  : i32 {
          %mul3A_227 = arith.constant 16 : i32
          %mul3A_228 = arith.muli %scan3A_215, %mul3A_227 : i32
          %add3A_229 = arith.addi %mul3A_198, %mul3A_228 : i32
          %get3A_230 = arith.index_cast %add3A_229 : i32 to index
          %get3A_231 = tpu.vector_load %arg6[%get3A_230] {strides = array<i32>} : memref<800xi32, #tpu.memory_space<vmem>>, vector<16xi32>,
          %slice3A_232 = vector.extract_strided_slice %get3A_231 {offsets = [15], sizes = [1], strides = [1]} : vector<16xi32> to vector<1xi32>
          %squeeze3A_233 = vector.extract %slice3A_232[0] : i32 from vector<1xi32>
          %eq3A_234 = arith.cmpi eq, %squeeze3A_233, %scan3A_217 : i32
          %convert_element_type3A_235 = arith.extui %eq3A_234 : i1 to i32
          %cond3A_236 = arith.constant 0 : i32
          %cond3A_237 = arith.cmpi ne, %convert_element_type3A_235, %cond3A_236 : i32
          %cond3A_238:11 = scf.if %cond3A_237 -> (i32, i32, vector<16xf32>, vector<16xf32>, vector<16xf32>, vector<16xf32>, vector<16xf32>, vector<16xf32>, vector<16xf32>, vector<16xf32>, vector<16xf32>) {
            %mul3A_239 = arith.constant 2048 : i32
            %mul3A_240 = arith.muli %scan3A_215, %mul3A_239 : i32
            %add3A_241 = arith.addi %mul3A_196, %mul3A_240 : i32
            %add3A_242 = arith.constant 0 : i32
            %add3A_243 = arith.addi %add3A_241, %add3A_242 : i32
            %add3A_244 = arith.constant 0 : i32
            %add3A_245 = arith.addi %add3A_243, %add3A_244 : i32
            %get3A_246 = arith.index_cast %add3A_245 : i32 to index
            %get3A_247 = tpu.vector_load %arg5[%get3A_246] {strides = array<i32>} : memref<102400xf32, #tpu.memory_space<vmem>>, vector<16xf32>,
            %add3A_248 = arith.addf %scan3A_219, %get3A_247 : vector<16xf32>
            %add3A_249 = arith.constant 0 : i32
            %add3A_250 = arith.addi %add3A_241, %add3A_249 : i32
            %add3A_251 = arith.constant 16 : i32
            %add3A_252 = arith.addi %add3A_250, %add3A_251 : i32
            %get3A_253 = arith.index_cast %add3A_252 : i32 to index
            %get3A_254 = tpu.vector_load %arg5[%get3A_253] {strides = array<i32>} : memref<102400xf32, #tpu.memory_space<vmem>>, vector<16xf32>,
            %add3A_255 = arith.addf %scan3A_220, %get3A_254 : vector<16xf32>
            %add3A_256 = arith.constant 0 : i32
            %add3A_257 = arith.addi %add3A_241, %add3A_256 : i32
            %add3A_258 = arith.constant 32 : i32
            %add3A_259 = arith.addi %add3A_257, %add3A_258 : i32
            %get3A_260 = arith.index_cast %add3A_259 : i32 to index
            %get3A_261 = tpu.vector_load %arg5[%get3A_260] {strides = array<i32>} : memref<102400xf32, #tpu.memory_space<vmem>>, vector<16xf32>,
            %add3A_262 = arith.addf %scan3A_221, %get3A_261 : vector<16xf32>
            %add3A_263 = arith.constant 0 : i32
            %add3A_264 = arith.addi %add3A_241, %add3A_263 : i32
            %add3A_265 = arith.constant 48 : i32
            %add3A_266 = arith.addi %add3A_264, %add3A_265 : i32
            %get3A_267 = arith.index_cast %add3A_266 : i32 to index
            %get3A_268 = tpu.vector_load %arg5[%get3A_267] {strides = array<i32>} : memref<102400xf32, #tpu.memory_space<vmem>>, vector<16xf32>,
            %add3A_269 = arith.addf %scan3A_222, %get3A_268 : vector<16xf32>
            %add3A_270 = arith.constant 0 : i32
            %add3A_271 = arith.addi %add3A_241, %add3A_270 : i32
            %add3A_272 = arith.constant 64 : i32
            %add3A_273 = arith.addi %add3A_271, %add3A_272 : i32
            %get3A_274 = arith.index_cast %add3A_273 : i32 to index
            %get3A_275 = tpu.vector_load %arg5[%get3A_274] {strides = array<i32>} : memref<102400xf32, #tpu.memory_space<vmem>>, vector<16xf32>,
            %add3A_276 = arith.addf %scan3A_223, %get3A_275 : vector<16xf32>
            %add3A_277 = arith.constant 0 : i32
            %add3A_278 = arith.addi %add3A_241, %add3A_277 : i32
            %add3A_279 = arith.constant 80 : i32
            %add3A_280 = arith.addi %add3A_278, %add3A_279 : i32
            %get3A_281 = arith.index_cast %add3A_280 : i32 to index
            %get3A_282 = tpu.vector_load %arg5[%get3A_281] {strides = array<i32>} : memref<102400xf32, #tpu.memory_space<vmem>>, vector<16xf32>,
            %add3A_283 = arith.addf %scan3A_224, %get3A_282 : vector<16xf32>
            %add3A_284 = arith.constant 0 : i32
            %add3A_285 = arith.addi %add3A_241, %add3A_284 : i32
            %add3A_286 = arith.constant 96 : i32
            %add3A_287 = arith.addi %add3A_285, %add3A_286 : i32
            %get3A_288 = arith.index_cast %add3A_287 : i32 to index
            %get3A_289 = tpu.vector_load %arg5[%get3A_288] {strides = array<i32>} : memref<102400xf32, #tpu.memory_space<vmem>>, vector<16xf32>,
            %add3A_290 = arith.addf %scan3A_225, %get3A_289 : vector<16xf32>
            %add3A_291 = arith.constant 0 : i32
            %add3A_292 = arith.addi %add3A_241, %add3A_291 : i32
            %add3A_293 = arith.constant 112 : i32
            %add3A_294 = arith.addi %add3A_292, %add3A_293 : i32
            %get3A_295 = arith.index_cast %add3A_294 : i32 to index
            %get3A_296 = tpu.vector_load %arg5[%get3A_295] {strides = array<i32>} : memref<102400xf32, #tpu.memory_space<vmem>>, vector<16xf32>,
            %add3A_297 = arith.addf %scan3A_226, %get3A_296 : vector<16xf32>
            %add3A_298 = arith.constant 128 : i32
            %add3A_299 = arith.addi %add3A_241, %add3A_298 : i32
            %add3A_300 = arith.constant 0 : i32
            %add3A_301 = arith.addi %add3A_299, %add3A_300 : i32
            %get3A_302 = arith.index_cast %add3A_301 : i32 to index
            %get3A_303 = tpu.vector_load %arg5[%get3A_302] {strides = array<i32>} : memref<102400xf32, #tpu.memory_space<vmem>>, vector<16xf32>,
            %add3A_304 = arith.addf %add3A_248, %get3A_303 : vector<16xf32>
            %add3A_305 = arith.constant 128 : i32
            %add3A_306 = arith.addi %add3A_241, %add3A_305 : i32
            %add3A_307 = arith.constant 16 : i32
            %add3A_308 = arith.addi %add3A_306, %add3A_307 : i32
            %get3A_309 = arith.index_cast %add3A_308 : i32 to index
            %get3A_310 = tpu.vector_load %arg5[%get3A_309] {strides = array<i32>} : memref<102400xf32, #tpu.memory_space<vmem>>, vector<16xf32>,
            %add3A_311 = arith.addf %add3A_255, %get3A_310 : vector<16xf32>
            %add3A_312 = arith.constant 128 : i32
            %add3A_313 = arith.addi %add3A_241, %add3A_312 : i32
            %add3A_314 = arith.constant 32 : i32
            %add3A_315 = arith.addi %add3A_313, %add3A_314 : i32
            %get3A_316 = arith.index_cast %add3A_315 : i32 to index
            %get3A_317 = tpu.vector_load %arg5[%get3A_316] {strides = array<i32>} : memref<102400xf32, #tpu.memory_space<vmem>>, vector<16xf32>,
            %add3A_318 = arith.addf %add3A_262, %get3A_317 : vector<16xf32>
            %add3A_319 = arith.constant 128 : i32
            %add3A_320 = arith.addi %add3A_241, %add3A_319 : i32
            %add3A_321 = arith.constant 48 : i32
            %add3A_322 = arith.addi %add3A_320, %add3A_321 : i32
            %get3A_323 = arith.index_cast %add3A_322 : i32 to index
            %get3A_324 = tpu.vector_load %arg5[%get3A_323] {strides = array<i32>} : memref<102400xf32, #tpu.memory_space<vmem>>, vector<16xf32>,
            %add3A_325 = arith.addf %add3A_269, %get3A_324 : vector<16xf32>
            %add3A_326 = arith.constant 128 : i32
            %add3A_327 = arith.addi %add3A_241, %add3A_326 : i32
            %add3A_328 = arith.constant 64 : i32
            %add3A_329 = arith.addi %add3A_327, %add3A_328 : i32
            %get3A_330 = arith.index_cast %add3A_329 : i32 to index
            %get3A_331 = tpu.vector_load %arg5[%get3A_330] {strides = array<i32>} : memref<102400xf32, #tpu.memory_space<vmem>>, vector<16xf32>,
            %add3A_332 = arith.addf %add3A_276, %get3A_331 : vector<16xf32>
            %add3A_333 = arith.constant 128 : i32
            %add3A_334 = arith.addi %add3A_241, %add3A_333 : i32
            %add3A_335 = arith.constant 80 : i32
            %add3A_336 = arith.addi %add3A_334, %add3A_335 : i32
            %get3A_337 = arith.index_cast %add3A_336 : i32 to index
            %get3A_338 = tpu.vector_load %arg5[%get3A_337] {strides = array<i32>} : memref<102400xf32, #tpu.memory_space<vmem>>, vector<16xf32>,
            %add3A_339 = arith.addf %add3A_283, %get3A_338 : vector<16xf32>
            %add3A_340 = arith.constant 128 : i32
            %add3A_341 = arith.addi %add3A_241, %add3A_340 : i32
            %add3A_342 = arith.constant 96 : i32
            %add3A_343 = arith.addi %add3A_341, %add3A_342 : i32
            %get3A_344 = arith.index_cast %add3A_343 : i32 to index
            %get3A_345 = tpu.vector_load %arg5[%get3A_344] {strides = array<i32>} : memref<102400xf32, #tpu.memory_space<vmem>>, vector<16xf32>,
            %add3A_346 = arith.addf %add3A_290, %get3A_345 : vector<16xf32>
            %add3A_347 = arith.constant 128 : i32
            %add3A_348 = arith.addi %add3A_241, %add3A_347 : i32
            %add3A_349 = arith.constant 112 : i32
            %add3A_350 = arith.addi %add3A_348, %add3A_349 : i32
            %get3A_351 = arith.index_cast %add3A_350 : i32 to index
            %get3A_352 = tpu.vector_load %arg5[%get3A_351] {strides = array<i32>} : memref<102400xf32, #tpu.memory_space<vmem>>, vector<16xf32>,
            %add3A_353 = arith.addf %add3A_297, %get3A_352 : vector<16xf32>
            %add3A_354 = arith.constant 256 : i32
            %add3A_355 = arith.addi %add3A_241, %add3A_354 : i32
            %add3A_356 = arith.constant 0 : i32
            %add3A_357 = arith.addi %add3A_355, %add3A_356 : i32
            %get3A_358 = arith.index_cast %add3A_357 : i32 to index
            %get3A_359 = tpu.vector_load %arg5[%get3A_358] {strides = array<i32>} : memref<102400xf32, #tpu.memory_space<vmem>>, vector<16xf32>,
            %add3A_360 = arith.addf %add3A_304, %get3A_359 : vector<16xf32>
            %add3A_361 = arith.constant 256 : i32
            %add3A_362 = arith.addi %add3A_241, %add3A_361 : i32
            %add3A_363 = arith.constant 16 : i32
            %add3A_364 = arith.addi %add3A_362, %add3A_363 : i32
            %get3A_365 = arith.index_cast %add3A_364 : i32 to index
            %get3A_366 = tpu.vector_load %arg5[%get3A_365] {strides = array<i32>} : memref<102400xf32, #tpu.memory_space<vmem>>, vector<16xf32>,
            %add3A_367 = arith.addf %add3A_311, %get3A_366 : vector<16xf32>
            %add3A_368 = arith.constant 256 : i32
            %add3A_369 = arith.addi %add3A_241, %add3A_368 : i32
            %add3A_370 = arith.constant 32 : i32
            %add3A_371 = arith.addi %add3A_369, %add3A_370 : i32
            %get3A_372 = arith.index_cast %add3A_371 : i32 to index
            %get3A_373 = tpu.vector_load %arg5[%get3A_372] {strides = array<i32>} : memref<102400xf32, #tpu.memory_space<vmem>>, vector<16xf32>,
            %add3A_374 = arith.addf %add3A_318, %get3A_373 : vector<16xf32>
            %add3A_375 = arith.constant 256 : i32
            %add3A_376 = arith.addi %add3A_241, %add3A_375 : i32
            %add3A_377 = arith.constant 48 : i32
            %add3A_378 = arith.addi %add3A_376, %add3A_377 : i32
            %get3A_379 = arith.index_cast %add3A_378 : i32 to index
            %get3A_380 = tpu.vector_load %arg5[%get3A_379] {strides = array<i32>} : memref<102400xf32, #tpu.memory_space<vmem>>, vector<16xf32>,
            %add3A_381 = arith.addf %add3A_325, %get3A_380 : vector<16xf32>
            %add3A_382 = arith.constant 256 : i32
            %add3A_383 = arith.addi %add3A_241, %add3A_382 : i32
            %add3A_384 = arith.constant 64 : i32
            %add3A_385 = arith.addi %add3A_383, %add3A_384 : i32
            %get3A_386 = arith.index_cast %add3A_385 : i32 to index
            %get3A_387 = tpu.vector_load %arg5[%get3A_386] {strides = array<i32>} : memref<102400xf32, #tpu.memory_space<vmem>>, vector<16xf32>,
            %add3A_388 = arith.addf %add3A_332, %get3A_387 : vector<16xf32>
            %add3A_389 = arith.constant 256 : i32
            %add3A_390 = arith.addi %add3A_241, %add3A_389 : i32
            %add3A_391 = arith.constant 80 : i32
            %add3A_392 = arith.addi %add3A_390, %add3A_391 : i32
            %get3A_393 = arith.index_cast %add3A_392 : i32 to index
            %get3A_394 = tpu.vector_load %arg5[%get3A_393] {strides = array<i32>} : memref<102400xf32, #tpu.memory_space<vmem>>, vector<16xf32>,
            %add3A_395 = arith.addf %add3A_339, %get3A_394 : vector<16xf32>
            %add3A_396 = arith.constant 256 : i32
            %add3A_397 = arith.addi %add3A_241, %add3A_396 : i32
            %add3A_398 = arith.constant 96 : i32
            %add3A_399 = arith.addi %add3A_397, %add3A_398 : i32
            %get3A_400 = arith.index_cast %add3A_399 : i32 to index
            %get3A_401 = tpu.vector_load %arg5[%get3A_400] {strides = array<i32>} : memref<102400xf32, #tpu.memory_space<vmem>>, vector<16xf32>,
            %add3A_402 = arith.addf %add3A_346, %get3A_401 : vector<16xf32>
            %add3A_403 = arith.constant 256 : i32
            %add3A_404 = arith.addi %add3A_241, %add3A_403 : i32
            %add3A_405 = arith.constant 112 : i32
            %add3A_406 = arith.addi %add3A_404, %add3A_405 : i32
            %get3A_407 = arith.index_cast %add3A_406 : i32 to index
            %get3A_408 = tpu.vector_load %arg5[%get3A_407] {strides = array<i32>} : memref<102400xf32, #tpu.memory_space<vmem>>, vector<16xf32>,
            %add3A_409 = arith.addf %add3A_353, %get3A_408 : vector<16xf32>
            %add3A_410 = arith.constant 384 : i32
            %add3A_411 = arith.addi %add3A_241, %add3A_410 : i32
            %add3A_412 = arith.constant 0 : i32
            %add3A_413 = arith.addi %add3A_411, %add3A_412 : i32
            %get3A_414 = arith.index_cast %add3A_413 : i32 to index
            %get3A_415 = tpu.vector_load %arg5[%get3A_414] {strides = array<i32>} : memref<102400xf32, #tpu.memory_space<vmem>>, vector<16xf32>,
            %add3A_416 = arith.addf %add3A_360, %get3A_415 : vector<16xf32>
            %add3A_417 = arith.constant 384 : i32
            %add3A_418 = arith.addi %add3A_241, %add3A_417 : i32
            %add3A_419 = arith.constant 16 : i32
            %add3A_420 = arith.addi %add3A_418, %add3A_419 : i32
            %get3A_421 = arith.index_cast %add3A_420 : i32 to index
            %get3A_422 = tpu.vector_load %arg5[%get3A_421] {strides = array<i32>} : memref<102400xf32, #tpu.memory_space<vmem>>, vector<16xf32>,
            %add3A_423 = arith.addf %add3A_367, %get3A_422 : vector<16xf32>
            %add3A_424 = arith.constant 384 : i32
            %add3A_425 = arith.addi %add3A_241, %add3A_424 : i32
            %add3A_426 = arith.constant 32 : i32
            %add3A_427 = arith.addi %add3A_425, %add3A_426 : i32
            %get3A_428 = arith.index_cast %add3A_427 : i32 to index
            %get3A_429 = tpu.vector_load %arg5[%get3A_428] {strides = array<i32>} : memref<102400xf32, #tpu.memory_space<vmem>>, vector<16xf32>,
            %add3A_430 = arith.addf %add3A_374, %get3A_429 : vector<16xf32>
            %add3A_431 = arith.constant 384 : i32
            %add3A_432 = arith.addi %add3A_241, %add3A_431 : i32
            %add3A_433 = arith.constant 48 : i32
            %add3A_434 = arith.addi %add3A_432, %add3A_433 : i32
            %get3A_435 = arith.index_cast %add3A_434 : i32 to index
            %get3A_436 = tpu.vector_load %arg5[%get3A_435] {strides = array<i32>} : memref<102400xf32, #tpu.memory_space<vmem>>, vector<16xf32>,
            %add3A_437 = arith.addf %add3A_381, %get3A_436 : vector<16xf32>
            %add3A_438 = arith.constant 384 : i32
            %add3A_439 = arith.addi %add3A_241, %add3A_438 : i32
            %add3A_440 = arith.constant 64 : i32
            %add3A_441 = arith.addi %add3A_439, %add3A_440 : i32
            %get3A_442 = arith.index_cast %add3A_441 : i32 to index
            %get3A_443 = tpu.vector_load %arg5[%get3A_442] {strides = array<i32>} : memref<102400xf32, #tpu.memory_space<vmem>>, vector<16xf32>,
            %add3A_444 = arith.addf %add3A_388, %get3A_443 : vector<16xf32>
            %add3A_445 = arith.constant 384 : i32
            %add3A_446 = arith.addi %add3A_241, %add3A_445 : i32
            %add3A_447 = arith.constant 80 : i32
            %add3A_448 = arith.addi %add3A_446, %add3A_447 : i32
            %get3A_449 = arith.index_cast %add3A_448 : i32 to index
            %get3A_450 = tpu.vector_load %arg5[%get3A_449] {strides = array<i32>} : memref<102400xf32, #tpu.memory_space<vmem>>, vector<16xf32>,
            %add3A_451 = arith.addf %add3A_395, %get3A_450 : vector<16xf32>
            %add3A_452 = arith.constant 384 : i32
            %add3A_453 = arith.addi %add3A_241, %add3A_452 : i32
            %add3A_454 = arith.constant 96 : i32
            %add3A_455 = arith.addi %add3A_453, %add3A_454 : i32
            %get3A_456 = arith.index_cast %add3A_455 : i32 to index
            %get3A_457 = tpu.vector_load %arg5[%get3A_456] {strides = array<i32>} : memref<102400xf32, #tpu.memory_space<vmem>>, vector<16xf32>,
            %add3A_458 = arith.addf %add3A_402, %get3A_457 : vector<16xf32>
            %add3A_459 = arith.constant 384 : i32
            %add3A_460 = arith.addi %add3A_241, %add3A_459 : i32
            %add3A_461 = arith.constant 112 : i32
            %add3A_462 = arith.addi %add3A_460, %add3A_461 : i32
            %get3A_463 = arith.index_cast %add3A_462 : i32 to index
            %get3A_464 = tpu.vector_load %arg5[%get3A_463] {strides = array<i32>} : memref<102400xf32, #tpu.memory_space<vmem>>, vector<16xf32>,
            %add3A_465 = arith.addf %add3A_409, %get3A_464 : vector<16xf32>
            %add3A_466 = arith.constant 512 : i32
            %add3A_467 = arith.addi %add3A_241, %add3A_466 : i32
            %add3A_468 = arith.constant 0 : i32
            %add3A_469 = arith.addi %add3A_467, %add3A_468 : i32
            %get3A_470 = arith.index_cast %add3A_469 : i32 to index
            %get3A_471 = tpu.vector_load %arg5[%get3A_470] {strides = array<i32>} : memref<102400xf32, #tpu.memory_space<vmem>>, vector<16xf32>,
            %add3A_472 = arith.addf %add3A_416, %get3A_471 : vector<16xf32>
            %add3A_473 = arith.constant 512 : i32
            %add3A_474 = arith.addi %add3A_241, %add3A_473 : i32
            %add3A_475 = arith.constant 16 : i32
            %add3A_476 = arith.addi %add3A_474, %add3A_475 : i32
            %get3A_477 = arith.index_cast %add3A_476 : i32 to index
            %get3A_478 = tpu.vector_load %arg5[%get3A_477] {strides = array<i32>} : memref<102400xf32, #tpu.memory_space<vmem>>, vector<16xf32>,
            %add3A_479 = arith.addf %add3A_423, %get3A_478 : vector<16xf32>
            %add3A_480 = arith.constant 512 : i32
            %add3A_481 = arith.addi %add3A_241, %add3A_480 : i32
            %add3A_482 = arith.constant 32 : i32
            %add3A_483 = arith.addi %add3A_481, %add3A_482 : i32
            %get3A_484 = arith.index_cast %add3A_483 : i32 to index
            %get3A_485 = tpu.vector_load %arg5[%get3A_484] {strides = array<i32>} : memref<102400xf32, #tpu.memory_space<vmem>>, vector<16xf32>,
            %add3A_486 = arith.addf %add3A_430, %get3A_485 : vector<16xf32>
            %add3A_487 = arith.constant 512 : i32
            %add3A_488 = arith.addi %add3A_241, %add3A_487 : i32
            %add3A_489 = arith.constant 48 : i32
            %add3A_490 = arith.addi %add3A_488, %add3A_489 : i32
            %get3A_491 = arith.index_cast %add3A_490 : i32 to index
            %get3A_492 = tpu.vector_load %arg5[%get3A_491] {strides = array<i32>} : memref<102400xf32, #tpu.memory_space<vmem>>, vector<16xf32>,
            %add3A_493 = arith.addf %add3A_437, %get3A_492 : vector<16xf32>
            %add3A_494 = arith.constant 512 : i32
            %add3A_495 = arith.addi %add3A_241, %add3A_494 : i32
            %add3A_496 = arith.constant 64 : i32
            %add3A_497 = arith.addi %add3A_495, %add3A_496 : i32
            %get3A_498 = arith.index_cast %add3A_497 : i32 to index
            %get3A_499 = tpu.vector_load %arg5[%get3A_498] {strides = array<i32>} : memref<102400xf32, #tpu.memory_space<vmem>>, vector<16xf32>,
            %add3A_500 = arith.addf %add3A_444, %get3A_499 : vector<16xf32>
            %add3A_501 = arith.constant 512 : i32
            %add3A_502 = arith.addi %add3A_241, %add3A_501 : i32
            %add3A_503 = arith.constant 80 : i32
            %add3A_504 = arith.addi %add3A_502, %add3A_503 : i32
            %get3A_505 = arith.index_cast %add3A_504 : i32 to index
            %get3A_506 = tpu.vector_load %arg5[%get3A_505] {strides = array<i32>} : memref<102400xf32, #tpu.memory_space<vmem>>, vector<16xf32>,
            %add3A_507 = arith.addf %add3A_451, %get3A_506 : vector<16xf32>
            %add3A_508 = arith.constant 512 : i32
            %add3A_509 = arith.addi %add3A_241, %add3A_508 : i32
            %add3A_510 = arith.constant 96 : i32
            %add3A_511 = arith.addi %add3A_509, %add3A_510 : i32
            %get3A_512 = arith.index_cast %add3A_511 : i32 to index
            %get3A_513 = tpu.vector_load %arg5[%get3A_512] {strides = array<i32>} : memref<102400xf32, #tpu.memory_space<vmem>>, vector<16xf32>,
            %add3A_514 = arith.addf %add3A_458, %get3A_513 : vector<16xf32>
            %add3A_515 = arith.constant 512 : i32
            %add3A_516 = arith.addi %add3A_241, %add3A_515 : i32
            %add3A_517 = arith.constant 112 : i32
            %add3A_518 = arith.addi %add3A_516, %add3A_517 : i32
            %get3A_519 = arith.index_cast %add3A_518 : i32 to index
            %get3A_520 = tpu.vector_load %arg5[%get3A_519] {strides = array<i32>} : memref<102400xf32, #tpu.memory_space<vmem>>, vector<16xf32>,
            %add3A_521 = arith.addf %add3A_465, %get3A_520 : vector<16xf32>
            %add3A_522 = arith.constant 640 : i32
            %add3A_523 = arith.addi %add3A_241, %add3A_522 : i32
            %add3A_524 = arith.constant 0 : i32
            %add3A_525 = arith.addi %add3A_523, %add3A_524 : i32
            %get3A_526 = arith.index_cast %add3A_525 : i32 to index
            %get3A_527 = tpu.vector_load %arg5[%get3A_526] {strides = array<i32>} : memref<102400xf32, #tpu.memory_space<vmem>>, vector<16xf32>,
            %add3A_528 = arith.addf %add3A_472, %get3A_527 : vector<16xf32>
            %add3A_529 = arith.constant 640 : i32
            %add3A_530 = arith.addi %add3A_241, %add3A_529 : i32
            %add3A_531 = arith.constant 16 : i32
            %add3A_532 = arith.addi %add3A_530, %add3A_531 : i32
            %get3A_533 = arith.index_cast %add3A_532 : i32 to index
            %get3A_534 = tpu.vector_load %arg5[%get3A_533] {strides = array<i32>} : memref<102400xf32, #tpu.memory_space<vmem>>, vector<16xf32>,
            %add3A_535 = arith.addf %add3A_479, %get3A_534 : vector<16xf32>
            %add3A_536 = arith.constant 640 : i32
            %add3A_537 = arith.addi %add3A_241, %add3A_536 : i32
            %add3A_538 = arith.constant 32 : i32
            %add3A_539 = arith.addi %add3A_537, %add3A_538 : i32
            %get3A_540 = arith.index_cast %add3A_539 : i32 to index
            %get3A_541 = tpu.vector_load %arg5[%get3A_540] {strides = array<i32>} : memref<102400xf32, #tpu.memory_space<vmem>>, vector<16xf32>,
            %add3A_542 = arith.addf %add3A_486, %get3A_541 : vector<16xf32>
            %add3A_543 = arith.constant 640 : i32
            %add3A_544 = arith.addi %add3A_241, %add3A_543 : i32
            %add3A_545 = arith.constant 48 : i32
            %add3A_546 = arith.addi %add3A_544, %add3A_545 : i32
            %get3A_547 = arith.index_cast %add3A_546 : i32 to index
            %get3A_548 = tpu.vector_load %arg5[%get3A_547] {strides = array<i32>} : memref<102400xf32, #tpu.memory_space<vmem>>, vector<16xf32>,
            %add3A_549 = arith.addf %add3A_493, %get3A_548 : vector<16xf32>
            %add3A_550 = arith.constant 640 : i32
            %add3A_551 = arith.addi %add3A_241, %add3A_550 : i32
            %add3A_552 = arith.constant 64 : i32
            %add3A_553 = arith.addi %add3A_551, %add3A_552 : i32
            %get3A_554 = arith.index_cast %add3A_553 : i32 to index
            %get3A_555 = tpu.vector_load %arg5[%get3A_554] {strides = array<i32>} : memref<102400xf32, #tpu.memory_space<vmem>>, vector<16xf32>,
            %add3A_556 = arith.addf %add3A_500, %get3A_555 : vector<16xf32>
            %add3A_557 = arith.constant 640 : i32
            %add3A_558 = arith.addi %add3A_241, %add3A_557 : i32
            %add3A_559 = arith.constant 80 : i32
            %add3A_560 = arith.addi %add3A_558, %add3A_559 : i32
            %get3A_561 = arith.index_cast %add3A_560 : i32 to index
            %get3A_562 = tpu.vector_load %arg5[%get3A_561] {strides = array<i32>} : memref<102400xf32, #tpu.memory_space<vmem>>, vector<16xf32>,
            %add3A_563 = arith.addf %add3A_507, %get3A_562 : vector<16xf32>
            %add3A_564 = arith.constant 640 : i32
            %add3A_565 = arith.addi %add3A_241, %add3A_564 : i32
            %add3A_566 = arith.constant 96 : i32
            %add3A_567 = arith.addi %add3A_565, %add3A_566 : i32
            %get3A_568 = arith.index_cast %add3A_567 : i32 to index
            %get3A_569 = tpu.vector_load %arg5[%get3A_568] {strides = array<i32>} : memref<102400xf32, #tpu.memory_space<vmem>>, vector<16xf32>,
            %add3A_570 = arith.addf %add3A_514, %get3A_569 : vector<16xf32>
            %add3A_571 = arith.constant 640 : i32
            %add3A_572 = arith.addi %add3A_241, %add3A_571 : i32
            %add3A_573 = arith.constant 112 : i32
            %add3A_574 = arith.addi %add3A_572, %add3A_573 : i32
            %get3A_575 = arith.index_cast %add3A_574 : i32 to index
            %get3A_576 = tpu.vector_load %arg5[%get3A_575] {strides = array<i32>} : memref<102400xf32, #tpu.memory_space<vmem>>, vector<16xf32>,
            %add3A_577 = arith.addf %add3A_521, %get3A_576 : vector<16xf32>
            %add3A_578 = arith.constant 768 : i32
            %add3A_579 = arith.addi %add3A_241, %add3A_578 : i32
            %add3A_580 = arith.constant 0 : i32
            %add3A_581 = arith.addi %add3A_579, %add3A_580 : i32
            %get3A_582 = arith.index_cast %add3A_581 : i32 to index
            %get3A_583 = tpu.vector_load %arg5[%get3A_582] {strides = array<i32>} : memref<102400xf32, #tpu.memory_space<vmem>>, vector<16xf32>,
            %add3A_584 = arith.addf %add3A_528, %get3A_583 : vector<16xf32>
            %add3A_585 = arith.constant 768 : i32
            %add3A_586 = arith.addi %add3A_241, %add3A_585 : i32
            %add3A_587 = arith.constant 16 : i32
            %add3A_588 = arith.addi %add3A_586, %add3A_587 : i32
            %get3A_589 = arith.index_cast %add3A_588 : i32 to index
            %get3A_590 = tpu.vector_load %arg5[%get3A_589] {strides = array<i32>} : memref<102400xf32, #tpu.memory_space<vmem>>, vector<16xf32>,
            %add3A_591 = arith.addf %add3A_535, %get3A_590 : vector<16xf32>
            %add3A_592 = arith.constant 768 : i32
            %add3A_593 = arith.addi %add3A_241, %add3A_592 : i32
            %add3A_594 = arith.constant 32 : i32
            %add3A_595 = arith.addi %add3A_593, %add3A_594 : i32
            %get3A_596 = arith.index_cast %add3A_595 : i32 to index
            %get3A_597 = tpu.vector_load %arg5[%get3A_596] {strides = array<i32>} : memref<102400xf32, #tpu.memory_space<vmem>>, vector<16xf32>,
            %add3A_598 = arith.addf %add3A_542, %get3A_597 : vector<16xf32>
            %add3A_599 = arith.constant 768 : i32
            %add3A_600 = arith.addi %add3A_241, %add3A_599 : i32
            %add3A_601 = arith.constant 48 : i32
            %add3A_602 = arith.addi %add3A_600, %add3A_601 : i32
            %get3A_603 = arith.index_cast %add3A_602 : i32 to index
            %get3A_604 = tpu.vector_load %arg5[%get3A_603] {strides = array<i32>} : memref<102400xf32, #tpu.memory_space<vmem>>, vector<16xf32>,
            %add3A_605 = arith.addf %add3A_549, %get3A_604 : vector<16xf32>
            %add3A_606 = arith.constant 768 : i32
            %add3A_607 = arith.addi %add3A_241, %add3A_606 : i32
            %add3A_608 = arith.constant 64 : i32
            %add3A_609 = arith.addi %add3A_607, %add3A_608 : i32
            %get3A_610 = arith.index_cast %add3A_609 : i32 to index
            %get3A_611 = tpu.vector_load %arg5[%get3A_610] {strides = array<i32>} : memref<102400xf32, #tpu.memory_space<vmem>>, vector<16xf32>,
            %add3A_612 = arith.addf %add3A_556, %get3A_611 : vector<16xf32>
            %add3A_613 = arith.constant 768 : i32
            %add3A_614 = arith.addi %add3A_241, %add3A_613 : i32
            %add3A_615 = arith.constant 80 : i32
            %add3A_616 = arith.addi %add3A_614, %add3A_615 : i32
            %get3A_617 = arith.index_cast %add3A_616 : i32 to index
            %get3A_618 = tpu.vector_load %arg5[%get3A_617] {strides = array<i32>} : memref<102400xf32, #tpu.memory_space<vmem>>, vector<16xf32>,
            %add3A_619 = arith.addf %add3A_563, %get3A_618 : vector<16xf32>
            %add3A_620 = arith.constant 768 : i32
            %add3A_621 = arith.addi %add3A_241, %add3A_620 : i32
            %add3A_622 = arith.constant 96 : i32
            %add3A_623 = arith.addi %add3A_621, %add3A_622 : i32
            %get3A_624 = arith.index_cast %add3A_623 : i32 to index
            %get3A_625 = tpu.vector_load %arg5[%get3A_624] {strides = array<i32>} : memref<102400xf32, #tpu.memory_space<vmem>>, vector<16xf32>,
            %add3A_626 = arith.addf %add3A_570, %get3A_625 : vector<16xf32>
            %add3A_627 = arith.constant 768 : i32
            %add3A_628 = arith.addi %add3A_241, %add3A_627 : i32
            %add3A_629 = arith.constant 112 : i32
            %add3A_630 = arith.addi %add3A_628, %add3A_629 : i32
            %get3A_631 = arith.index_cast %add3A_630 : i32 to index
            %get3A_632 = tpu.vector_load %arg5[%get3A_631] {strides = array<i32>} : memref<102400xf32, #tpu.memory_space<vmem>>, vector<16xf32>,
            %add3A_633 = arith.addf %add3A_577, %get3A_632 : vector<16xf32>
            %add3A_634 = arith.constant 896 : i32
            %add3A_635 = arith.addi %add3A_241, %add3A_634 : i32
            %add3A_636 = arith.constant 0 : i32
            %add3A_637 = arith.addi %add3A_635, %add3A_636 : i32
            %get3A_638 = arith.index_cast %add3A_637 : i32 to index
            %get3A_639 = tpu.vector_load %arg5[%get3A_638] {strides = array<i32>} : memref<102400xf32, #tpu.memory_space<vmem>>, vector<16xf32>,
            %add3A_640 = arith.addf %add3A_584, %get3A_639 : vector<16xf32>
            %add3A_641 = arith.constant 896 : i32
            %add3A_642 = arith.addi %add3A_241, %add3A_641 : i32
            %add3A_643 = arith.constant 16 : i32
            %add3A_644 = arith.addi %add3A_642, %add3A_643 : i32
            %get3A_645 = arith.index_cast %add3A_644 : i32 to index
            %get3A_646 = tpu.vector_load %arg5[%get3A_645] {strides = array<i32>} : memref<102400xf32, #tpu.memory_space<vmem>>, vector<16xf32>,
            %add3A_647 = arith.addf %add3A_591, %get3A_646 : vector<16xf32>
            %add3A_648 = arith.constant 896 : i32
            %add3A_649 = arith.addi %add3A_241, %add3A_648 : i32
            %add3A_650 = arith.constant 32 : i32
            %add3A_651 = arith.addi %add3A_649, %add3A_650 : i32
            %get3A_652 = arith.index_cast %add3A_651 : i32 to index
            %get3A_653 = tpu.vector_load %arg5[%get3A_652] {strides = array<i32>} : memref<102400xf32, #tpu.memory_space<vmem>>, vector<16xf32>,
            %add3A_654 = arith.addf %add3A_598, %get3A_653 : vector<16xf32>
            %add3A_655 = arith.constant 896 : i32
            %add3A_656 = arith.addi %add3A_241, %add3A_655 : i32
            %add3A_657 = arith.constant 48 : i32
            %add3A_658 = arith.addi %add3A_656, %add3A_657 : i32
            %get3A_659 = arith.index_cast %add3A_658 : i32 to index
            %get3A_660 = tpu.vector_load %arg5[%get3A_659] {strides = array<i32>} : memref<102400xf32, #tpu.memory_space<vmem>>, vector<16xf32>,
            %add3A_661 = arith.addf %add3A_605, %get3A_660 : vector<16xf32>
            %add3A_662 = arith.constant 896 : i32
            %add3A_663 = arith.addi %add3A_241, %add3A_662 : i32
            %add3A_664 = arith.constant 64 : i32
            %add3A_665 = arith.addi %add3A_663, %add3A_664 : i32
            %get3A_666 = arith.index_cast %add3A_665 : i32 to index
            %get3A_667 = tpu.vector_load %arg5[%get3A_666] {strides = array<i32>} : memref<102400xf32, #tpu.memory_space<vmem>>, vector<16xf32>,
            %add3A_668 = arith.addf %add3A_612, %get3A_667 : vector<16xf32>
            %add3A_669 = arith.constant 896 : i32
            %add3A_670 = arith.addi %add3A_241, %add3A_669 : i32
            %add3A_671 = arith.constant 80 : i32
            %add3A_672 = arith.addi %add3A_670, %add3A_671 : i32
            %get3A_673 = arith.index_cast %add3A_672 : i32 to index
            %get3A_674 = tpu.vector_load %arg5[%get3A_673] {strides = array<i32>} : memref<102400xf32, #tpu.memory_space<vmem>>, vector<16xf32>,
            %add3A_675 = arith.addf %add3A_619, %get3A_674 : vector<16xf32>
            %add3A_676 = arith.constant 896 : i32
            %add3A_677 = arith.addi %add3A_241, %add3A_676 : i32
            %add3A_678 = arith.constant 96 : i32
            %add3A_679 = arith.addi %add3A_677, %add3A_678 : i32
            %get3A_680 = arith.index_cast %add3A_679 : i32 to index
            %get3A_681 = tpu.vector_load %arg5[%get3A_680] {strides = array<i32>} : memref<102400xf32, #tpu.memory_space<vmem>>, vector<16xf32>,
            %add3A_682 = arith.addf %add3A_626, %get3A_681 : vector<16xf32>
            %add3A_683 = arith.constant 896 : i32
            %add3A_684 = arith.addi %add3A_241, %add3A_683 : i32
            %add3A_685 = arith.constant 112 : i32
            %add3A_686 = arith.addi %add3A_684, %add3A_685 : i32
            %get3A_687 = arith.index_cast %add3A_686 : i32 to index
            %get3A_688 = tpu.vector_load %arg5[%get3A_687] {strides = array<i32>} : memref<102400xf32, #tpu.memory_space<vmem>>, vector<16xf32>,
            %add3A_689 = arith.addf %add3A_633, %get3A_688 : vector<16xf32>
            %add3A_690 = arith.constant 1024 : i32
            %add3A_691 = arith.addi %add3A_241, %add3A_690 : i32
            %add3A_692 = arith.constant 0 : i32
            %add3A_693 = arith.addi %add3A_691, %add3A_692 : i32
            %get3A_694 = arith.index_cast %add3A_693 : i32 to index
            %get3A_695 = tpu.vector_load %arg5[%get3A_694] {strides = array<i32>} : memref<102400xf32, #tpu.memory_space<vmem>>, vector<16xf32>,
            %add3A_696 = arith.addf %add3A_640, %get3A_695 : vector<16xf32>
            %add3A_697 = arith.constant 1024 : i32
            %add3A_698 = arith.addi %add3A_241, %add3A_697 : i32
            %add3A_699 = arith.constant 16 : i32
            %add3A_700 = arith.addi %add3A_698, %add3A_699 : i32
            %get3A_701 = arith.index_cast %add3A_700 : i32 to index
            %get3A_702 = tpu.vector_load %arg5[%get3A_701] {strides = array<i32>} : memref<102400xf32, #tpu.memory_space<vmem>>, vector<16xf32>,
            %add3A_703 = arith.addf %add3A_647, %get3A_702 : vector<16xf32>
            %add3A_704 = arith.constant 1024 : i32
            %add3A_705 = arith.addi %add3A_241, %add3A_704 : i32
            %add3A_706 = arith.constant 32 : i32
            %add3A_707 = arith.addi %add3A_705, %add3A_706 : i32
            %get3A_708 = arith.index_cast %add3A_707 : i32 to index
            %get3A_709 = tpu.vector_load %arg5[%get3A_708] {strides = array<i32>} : memref<102400xf32, #tpu.memory_space<vmem>>, vector<16xf32>,
            %add3A_710 = arith.addf %add3A_654, %get3A_709 : vector<16xf32>
            %add3A_711 = arith.constant 1024 : i32
            %add3A_712 = arith.addi %add3A_241, %add3A_711 : i32
            %add3A_713 = arith.constant 48 : i32
            %add3A_714 = arith.addi %add3A_712, %add3A_713 : i32
            %get3A_715 = arith.index_cast %add3A_714 : i32 to index
            %get3A_716 = tpu.vector_load %arg5[%get3A_715] {strides = array<i32>} : memref<102400xf32, #tpu.memory_space<vmem>>, vector<16xf32>,
            %add3A_717 = arith.addf %add3A_661, %get3A_716 : vector<16xf32>
            %add3A_718 = arith.constant 1024 : i32
            %add3A_719 = arith.addi %add3A_241, %add3A_718 : i32
            %add3A_720 = arith.constant 64 : i32
            %add3A_721 = arith.addi %add3A_719, %add3A_720 : i32
            %get3A_722 = arith.index_cast %add3A_721 : i32 to index
            %get3A_723 = tpu.vector_load %arg5[%get3A_722] {strides = array<i32>} : memref<102400xf32, #tpu.memory_space<vmem>>, vector<16xf32>,
            %add3A_724 = arith.addf %add3A_668, %get3A_723 : vector<16xf32>
            %add3A_725 = arith.constant 1024 : i32
            %add3A_726 = arith.addi %add3A_241, %add3A_725 : i32
            %add3A_727 = arith.constant 80 : i32
            %add3A_728 = arith.addi %add3A_726, %add3A_727 : i32
            %get3A_729 = arith.index_cast %add3A_728 : i32 to index
            %get3A_730 = tpu.vector_load %arg5[%get3A_729] {strides = array<i32>} : memref<102400xf32, #tpu.memory_space<vmem>>, vector<16xf32>,
            %add3A_731 = arith.addf %add3A_675, %get3A_730 : vector<16xf32>
            %add3A_732 = arith.constant 1024 : i32
            %add3A_733 = arith.addi %add3A_241, %add3A_732 : i32
            %add3A_734 = arith.constant 96 : i32
            %add3A_735 = arith.addi %add3A_733, %add3A_734 : i32
            %get3A_736 = arith.index_cast %add3A_735 : i32 to index
            %get3A_737 = tpu.vector_load %arg5[%get3A_736] {strides = array<i32>} : memref<102400xf32, #tpu.memory_space<vmem>>, vector<16xf32>,
            %add3A_738 = arith.addf %add3A_682, %get3A_737 : vector<16xf32>
            %add3A_739 = arith.constant 1024 : i32
            %add3A_740 = arith.addi %add3A_241, %add3A_739 : i32
            %add3A_741 = arith.constant 112 : i32
            %add3A_742 = arith.addi %add3A_740, %add3A_741 : i32
            %get3A_743 = arith.index_cast %add3A_742 : i32 to index
            %get3A_744 = tpu.vector_load %arg5[%get3A_743] {strides = array<i32>} : memref<102400xf32, #tpu.memory_space<vmem>>, vector<16xf32>,
            %add3A_745 = arith.addf %add3A_689, %get3A_744 : vector<16xf32>
            %add3A_746 = arith.constant 1152 : i32
            %add3A_747 = arith.addi %add3A_241, %add3A_746 : i32
            %add3A_748 = arith.constant 0 : i32
            %add3A_749 = arith.addi %add3A_747, %add3A_748 : i32
            %get3A_750 = arith.index_cast %add3A_749 : i32 to index
            %get3A_751 = tpu.vector_load %arg5[%get3A_750] {strides = array<i32>} : memref<102400xf32, #tpu.memory_space<vmem>>, vector<16xf32>,
            %add3A_752 = arith.addf %add3A_696, %get3A_751 : vector<16xf32>
            %add3A_753 = arith.constant 1152 : i32
            %add3A_754 = arith.addi %add3A_241, %add3A_753 : i32
            %add3A_755 = arith.constant 16 : i32
            %add3A_756 = arith.addi %add3A_754, %add3A_755 : i32
            %get3A_757 = arith.index_cast %add3A_756 : i32 to index
            %get3A_758 = tpu.vector_load %arg5[%get3A_757] {strides = array<i32>} : memref<102400xf32, #tpu.memory_space<vmem>>, vector<16xf32>,
            %add3A_759 = arith.addf %add3A_703, %get3A_758 : vector<16xf32>
            %add3A_760 = arith.constant 1152 : i32
            %add3A_761 = arith.addi %add3A_241, %add3A_760 : i32
            %add3A_762 = arith.constant 32 : i32
            %add3A_763 = arith.addi %add3A_761, %add3A_762 : i32
            %get3A_764 = arith.index_cast %add3A_763 : i32 to index
            %get3A_765 = tpu.vector_load %arg5[%get3A_764] {strides = array<i32>} : memref<102400xf32, #tpu.memory_space<vmem>>, vector<16xf32>,
            %add3A_766 = arith.addf %add3A_710, %get3A_765 : vector<16xf32>
            %add3A_767 = arith.constant 1152 : i32
            %add3A_768 = arith.addi %add3A_241, %add3A_767 : i32
            %add3A_769 = arith.constant 48 : i32
            %add3A_770 = arith.addi %add3A_768, %add3A_769 : i32
            %get3A_771 = arith.index_cast %add3A_770 : i32 to index
            %get3A_772 = tpu.vector_load %arg5[%get3A_771] {strides = array<i32>} : memref<102400xf32, #tpu.memory_space<vmem>>, vector<16xf32>,
            %add3A_773 = arith.addf %add3A_717, %get3A_772 : vector<16xf32>
            %add3A_774 = arith.constant 1152 : i32
            %add3A_775 = arith.addi %add3A_241, %add3A_774 : i32
            %add3A_776 = arith.constant 64 : i32
            %add3A_777 = arith.addi %add3A_775, %add3A_776 : i32
            %get3A_778 = arith.index_cast %add3A_777 : i32 to index
            %get3A_779 = tpu.vector_load %arg5[%get3A_778] {strides = array<i32>} : memref<102400xf32, #tpu.memory_space<vmem>>, vector<16xf32>,
            %add3A_780 = arith.addf %add3A_724, %get3A_779 : vector<16xf32>
            %add3A_781 = arith.constant 1152 : i32
            %add3A_782 = arith.addi %add3A_241, %add3A_781 : i32
            %add3A_783 = arith.constant 80 : i32
            %add3A_784 = arith.addi %add3A_782, %add3A_783 : i32
            %get3A_785 = arith.index_cast %add3A_784 : i32 to index
            %get3A_786 = tpu.vector_load %arg5[%get3A_785] {strides = array<i32>} : memref<102400xf32, #tpu.memory_space<vmem>>, vector<16xf32>,
            %add3A_787 = arith.addf %add3A_731, %get3A_786 : vector<16xf32>
            %add3A_788 = arith.constant 1152 : i32
            %add3A_789 = arith.addi %add3A_241, %add3A_788 : i32
            %add3A_790 = arith.constant 96 : i32
            %add3A_791 = arith.addi %add3A_789, %add3A_790 : i32
            %get3A_792 = arith.index_cast %add3A_791 : i32 to index
            %get3A_793 = tpu.vector_load %arg5[%get3A_792] {strides = array<i32>} : memref<102400xf32, #tpu.memory_space<vmem>>, vector<16xf32>,
            %add3A_794 = arith.addf %add3A_738, %get3A_793 : vector<16xf32>
            %add3A_795 = arith.constant 1152 : i32
            %add3A_796 = arith.addi %add3A_241, %add3A_795 : i32
            %add3A_797 = arith.constant 112 : i32
            %add3A_798 = arith.addi %add3A_796, %add3A_797 : i32
            %get3A_799 = arith.index_cast %add3A_798 : i32 to index
            %get3A_800 = tpu.vector_load %arg5[%get3A_799] {strides = array<i32>} : memref<102400xf32, #tpu.memory_space<vmem>>, vector<16xf32>,
            %add3A_801 = arith.addf %add3A_745, %get3A_800 : vector<16xf32>
            %add3A_802 = arith.constant 1280 : i32
            %add3A_803 = arith.addi %add3A_241, %add3A_802 : i32
            %add3A_804 = arith.constant 0 : i32
            %add3A_805 = arith.addi %add3A_803, %add3A_804 : i32
            %get3A_806 = arith.index_cast %add3A_805 : i32 to index
            %get3A_807 = tpu.vector_load %arg5[%get3A_806] {strides = array<i32>} : memref<102400xf32, #tpu.memory_space<vmem>>, vector<16xf32>,
            %add3A_808 = arith.addf %add3A_752, %get3A_807 : vector<16xf32>
            %add3A_809 = arith.constant 1280 : i32
            %add3A_810 = arith.addi %add3A_241, %add3A_809 : i32
            %add3A_811 = arith.constant 16 : i32
            %add3A_812 = arith.addi %add3A_810, %add3A_811 : i32
            %get3A_813 = arith.index_cast %add3A_812 : i32 to index
            %get3A_814 = tpu.vector_load %arg5[%get3A_813] {strides = array<i32>} : memref<102400xf32, #tpu.memory_space<vmem>>, vector<16xf32>,
            %add3A_815 = arith.addf %add3A_759, %get3A_814 : vector<16xf32>
            %add3A_816 = arith.constant 1280 : i32
            %add3A_817 = arith.addi %add3A_241, %add3A_816 : i32
            %add3A_818 = arith.constant 32 : i32
            %add3A_819 = arith.addi %add3A_817, %add3A_818 : i32
            %get3A_820 = arith.index_cast %add3A_819 : i32 to index
            %get3A_821 = tpu.vector_load %arg5[%get3A_820] {strides = array<i32>} : memref<102400xf32, #tpu.memory_space<vmem>>, vector<16xf32>,
            %add3A_822 = arith.addf %add3A_766, %get3A_821 : vector<16xf32>
            %add3A_823 = arith.constant 1280 : i32
            %add3A_824 = arith.addi %add3A_241, %add3A_823 : i32
            %add3A_825 = arith.constant 48 : i32
            %add3A_826 = arith.addi %add3A_824, %add3A_825 : i32
            %get3A_827 = arith.index_cast %add3A_826 : i32 to index
            %get3A_828 = tpu.vector_load %arg5[%get3A_827] {strides = array<i32>} : memref<102400xf32, #tpu.memory_space<vmem>>, vector<16xf32>,
            %add3A_829 = arith.addf %add3A_773, %get3A_828 : vector<16xf32>
            %add3A_830 = arith.constant 1280 : i32
            %add3A_831 = arith.addi %add3A_241, %add3A_830 : i32
            %add3A_832 = arith.constant 64 : i32
            %add3A_833 = arith.addi %add3A_831, %add3A_832 : i32
            %get3A_834 = arith.index_cast %add3A_833 : i32 to index
            %get3A_835 = tpu.vector_load %arg5[%get3A_834] {strides = array<i32>} : memref<102400xf32, #tpu.memory_space<vmem>>, vector<16xf32>,
            %add3A_836 = arith.addf %add3A_780, %get3A_835 : vector<16xf32>
            %add3A_837 = arith.constant 1280 : i32
            %add3A_838 = arith.addi %add3A_241, %add3A_837 : i32
            %add3A_839 = arith.constant 80 : i32
            %add3A_840 = arith.addi %add3A_838, %add3A_839 : i32
            %get3A_841 = arith.index_cast %add3A_840 : i32 to index
            %get3A_842 = tpu.vector_load %arg5[%get3A_841] {strides = array<i32>} : memref<102400xf32, #tpu.memory_space<vmem>>, vector<16xf32>,
            %add3A_843 = arith.addf %add3A_787, %get3A_842 : vector<16xf32>
            %add3A_844 = arith.constant 1280 : i32
            %add3A_845 = arith.addi %add3A_241, %add3A_844 : i32
            %add3A_846 = arith.constant 96 : i32
            %add3A_847 = arith.addi %add3A_845, %add3A_846 : i32
            %get3A_848 = arith.index_cast %add3A_847 : i32 to index
            %get3A_849 = tpu.vector_load %arg5[%get3A_848] {strides = array<i32>} : memref<102400xf32, #tpu.memory_space<vmem>>, vector<16xf32>,
            %add3A_850 = arith.addf %add3A_794, %get3A_849 : vector<16xf32>
            %add3A_851 = arith.constant 1280 : i32
            %add3A_852 = arith.addi %add3A_241, %add3A_851 : i32
            %add3A_853 = arith.constant 112 : i32
            %add3A_854 = arith.addi %add3A_852, %add3A_853 : i32
            %get3A_855 = arith.index_cast %add3A_854 : i32 to index
            %get3A_856 = tpu.vector_load %arg5[%get3A_855] {strides = array<i32>} : memref<102400xf32, #tpu.memory_space<vmem>>, vector<16xf32>,
            %add3A_857 = arith.addf %add3A_801, %get3A_856 : vector<16xf32>
            %add3A_858 = arith.constant 1408 : i32
            %add3A_859 = arith.addi %add3A_241, %add3A_858 : i32
            %add3A_860 = arith.constant 0 : i32
            %add3A_861 = arith.addi %add3A_859, %add3A_860 : i32
            %get3A_862 = arith.index_cast %add3A_861 : i32 to index
            %get3A_863 = tpu.vector_load %arg5[%get3A_862] {strides = array<i32>} : memref<102400xf32, #tpu.memory_space<vmem>>, vector<16xf32>,
            %add3A_864 = arith.addf %add3A_808, %get3A_863 : vector<16xf32>
            %add3A_865 = arith.constant 1408 : i32
            %add3A_866 = arith.addi %add3A_241, %add3A_865 : i32
            %add3A_867 = arith.constant 16 : i32
            %add3A_868 = arith.addi %add3A_866, %add3A_867 : i32
            %get3A_869 = arith.index_cast %add3A_868 : i32 to index
            %get3A_870 = tpu.vector_load %arg5[%get3A_869] {strides = array<i32>} : memref<102400xf32, #tpu.memory_space<vmem>>, vector<16xf32>,
            %add3A_871 = arith.addf %add3A_815, %get3A_870 : vector<16xf32>
            %add3A_872 = arith.constant 1408 : i32
            %add3A_873 = arith.addi %add3A_241, %add3A_872 : i32
            %add3A_874 = arith.constant 32 : i32
            %add3A_875 = arith.addi %add3A_873, %add3A_874 : i32
            %get3A_876 = arith.index_cast %add3A_875 : i32 to index
            %get3A_877 = tpu.vector_load %arg5[%get3A_876] {strides = array<i32>} : memref<102400xf32, #tpu.memory_space<vmem>>, vector<16xf32>,
            %add3A_878 = arith.addf %add3A_822, %get3A_877 : vector<16xf32>
            %add3A_879 = arith.constant 1408 : i32
            %add3A_880 = arith.addi %add3A_241, %add3A_879 : i32
            %add3A_881 = arith.constant 48 : i32
            %add3A_882 = arith.addi %add3A_880, %add3A_881 : i32
            %get3A_883 = arith.index_cast %add3A_882 : i32 to index
            %get3A_884 = tpu.vector_load %arg5[%get3A_883] {strides = array<i32>} : memref<102400xf32, #tpu.memory_space<vmem>>, vector<16xf32>,
            %add3A_885 = arith.addf %add3A_829, %get3A_884 : vector<16xf32>
            %add3A_886 = arith.constant 1408 : i32
            %add3A_887 = arith.addi %add3A_241, %add3A_886 : i32
            %add3A_888 = arith.constant 64 : i32
            %add3A_889 = arith.addi %add3A_887, %add3A_888 : i32
            %get3A_890 = arith.index_cast %add3A_889 : i32 to index
            %get3A_891 = tpu.vector_load %arg5[%get3A_890] {strides = array<i32>} : memref<102400xf32, #tpu.memory_space<vmem>>, vector<16xf32>,
            %add3A_892 = arith.addf %add3A_836, %get3A_891 : vector<16xf32>
            %add3A_893 = arith.constant 1408 : i32
            %add3A_894 = arith.addi %add3A_241, %add3A_893 : i32
            %add3A_895 = arith.constant 80 : i32
            %add3A_896 = arith.addi %add3A_894, %add3A_895 : i32
            %get3A_897 = arith.index_cast %add3A_896 : i32 to index
            %get3A_898 = tpu.vector_load %arg5[%get3A_897] {strides = array<i32>} : memref<102400xf32, #tpu.memory_space<vmem>>, vector<16xf32>,
            %add3A_899 = arith.addf %add3A_843, %get3A_898 : vector<16xf32>
            %add3A_900 = arith.constant 1408 : i32
            %add3A_901 = arith.addi %add3A_241, %add3A_900 : i32
            %add3A_902 = arith.constant 96 : i32
            %add3A_903 = arith.addi %add3A_901, %add3A_902 : i32
            %get3A_904 = arith.index_cast %add3A_903 : i32 to index
            %get3A_905 = tpu.vector_load %arg5[%get3A_904] {strides = array<i32>} : memref<102400xf32, #tpu.memory_space<vmem>>, vector<16xf32>,
            %add3A_906 = arith.addf %add3A_850, %get3A_905 : vector<16xf32>
            %add3A_907 = arith.constant 1408 : i32
            %add3A_908 = arith.addi %add3A_241, %add3A_907 : i32
            %add3A_909 = arith.constant 112 : i32
            %add3A_910 = arith.addi %add3A_908, %add3A_909 : i32
            %get3A_911 = arith.index_cast %add3A_910 : i32 to index
            %get3A_912 = tpu.vector_load %arg5[%get3A_911] {strides = array<i32>} : memref<102400xf32, #tpu.memory_space<vmem>>, vector<16xf32>,
            %add3A_913 = arith.addf %add3A_857, %get3A_912 : vector<16xf32>
            %add3A_914 = arith.constant 1536 : i32
            %add3A_915 = arith.addi %add3A_241, %add3A_914 : i32
            %add3A_916 = arith.constant 0 : i32
            %add3A_917 = arith.addi %add3A_915, %add3A_916 : i32
            %get3A_918 = arith.index_cast %add3A_917 : i32 to index
            %get3A_919 = tpu.vector_load %arg5[%get3A_918] {strides = array<i32>} : memref<102400xf32, #tpu.memory_space<vmem>>, vector<16xf32>,
            %add3A_920 = arith.addf %add3A_864, %get3A_919 : vector<16xf32>
            %add3A_921 = arith.constant 1536 : i32
            %add3A_922 = arith.addi %add3A_241, %add3A_921 : i32
            %add3A_923 = arith.constant 16 : i32
            %add3A_924 = arith.addi %add3A_922, %add3A_923 : i32
            %get3A_925 = arith.index_cast %add3A_924 : i32 to index
            %get3A_926 = tpu.vector_load %arg5[%get3A_925] {strides = array<i32>} : memref<102400xf32, #tpu.memory_space<vmem>>, vector<16xf32>,
            %add3A_927 = arith.addf %add3A_871, %get3A_926 : vector<16xf32>
            %add3A_928 = arith.constant 1536 : i32
            %add3A_929 = arith.addi %add3A_241, %add3A_928 : i32
            %add3A_930 = arith.constant 32 : i32
            %add3A_931 = arith.addi %add3A_929, %add3A_930 : i32
            %get3A_932 = arith.index_cast %add3A_931 : i32 to index
            %get3A_933 = tpu.vector_load %arg5[%get3A_932] {strides = array<i32>} : memref<102400xf32, #tpu.memory_space<vmem>>, vector<16xf32>,
            %add3A_934 = arith.addf %add3A_878, %get3A_933 : vector<16xf32>
            %add3A_935 = arith.constant 1536 : i32
            %add3A_936 = arith.addi %add3A_241, %add3A_935 : i32
            %add3A_937 = arith.constant 48 : i32
            %add3A_938 = arith.addi %add3A_936, %add3A_937 : i32
            %get3A_939 = arith.index_cast %add3A_938 : i32 to index
            %get3A_940 = tpu.vector_load %arg5[%get3A_939] {strides = array<i32>} : memref<102400xf32, #tpu.memory_space<vmem>>, vector<16xf32>,
            %add3A_941 = arith.addf %add3A_885, %get3A_940 : vector<16xf32>
            %add3A_942 = arith.constant 1536 : i32
            %add3A_943 = arith.addi %add3A_241, %add3A_942 : i32
            %add3A_944 = arith.constant 64 : i32
            %add3A_945 = arith.addi %add3A_943, %add3A_944 : i32
            %get3A_946 = arith.index_cast %add3A_945 : i32 to index
            %get3A_947 = tpu.vector_load %arg5[%get3A_946] {strides = array<i32>} : memref<102400xf32, #tpu.memory_space<vmem>>, vector<16xf32>,
            %add3A_948 = arith.addf %add3A_892, %get3A_947 : vector<16xf32>
            %add3A_949 = arith.constant 1536 : i32
            %add3A_950 = arith.addi %add3A_241, %add3A_949 : i32
            %add3A_951 = arith.constant 80 : i32
            %add3A_952 = arith.addi %add3A_950, %add3A_951 : i32
            %get3A_953 = arith.index_cast %add3A_952 : i32 to index
            %get3A_954 = tpu.vector_load %arg5[%get3A_953] {strides = array<i32>} : memref<102400xf32, #tpu.memory_space<vmem>>, vector<16xf32>,
            %add3A_955 = arith.addf %add3A_899, %get3A_954 : vector<16xf32>
            %add3A_956 = arith.constant 1536 : i32
            %add3A_957 = arith.addi %add3A_241, %add3A_956 : i32
            %add3A_958 = arith.constant 96 : i32
            %add3A_959 = arith.addi %add3A_957, %add3A_958 : i32
            %get3A_960 = arith.index_cast %add3A_959 : i32 to index
            %get3A_961 = tpu.vector_load %arg5[%get3A_960] {strides = array<i32>} : memref<102400xf32, #tpu.memory_space<vmem>>, vector<16xf32>,
            %add3A_962 = arith.addf %add3A_906, %get3A_961 : vector<16xf32>
            %add3A_963 = arith.constant 1536 : i32
            %add3A_964 = arith.addi %add3A_241, %add3A_963 : i32
            %add3A_965 = arith.constant 112 : i32
            %add3A_966 = arith.addi %add3A_964, %add3A_965 : i32
            %get3A_967 = arith.index_cast %add3A_966 : i32 to index
            %get3A_968 = tpu.vector_load %arg5[%get3A_967] {strides = array<i32>} : memref<102400xf32, #tpu.memory_space<vmem>>, vector<16xf32>,
            %add3A_969 = arith.addf %add3A_913, %get3A_968 : vector<16xf32>
            %add3A_970 = arith.constant 1664 : i32
            %add3A_971 = arith.addi %add3A_241, %add3A_970 : i32
            %add3A_972 = arith.constant 0 : i32
            %add3A_973 = arith.addi %add3A_971, %add3A_972 : i32
            %get3A_974 = arith.index_cast %add3A_973 : i32 to index
            %get3A_975 = tpu.vector_load %arg5[%get3A_974] {strides = array<i32>} : memref<102400xf32, #tpu.memory_space<vmem>>, vector<16xf32>,
            %add3A_976 = arith.addf %add3A_920, %get3A_975 : vector<16xf32>
            %add3A_977 = arith.constant 1664 : i32
            %add3A_978 = arith.addi %add3A_241, %add3A_977 : i32
            %add3A_979 = arith.constant 16 : i32
            %add3A_980 = arith.addi %add3A_978, %add3A_979 : i32
            %get3A_981 = arith.index_cast %add3A_980 : i32 to index
            %get3A_982 = tpu.vector_load %arg5[%get3A_981] {strides = array<i32>} : memref<102400xf32, #tpu.memory_space<vmem>>, vector<16xf32>,
            %add3A_983 = arith.addf %add3A_927, %get3A_982 : vector<16xf32>
            %add3A_984 = arith.constant 1664 : i32
            %add3A_985 = arith.addi %add3A_241, %add3A_984 : i32
            %add3A_986 = arith.constant 32 : i32
            %add3A_987 = arith.addi %add3A_985, %add3A_986 : i32
            %get3A_988 = arith.index_cast %add3A_987 : i32 to index
            %get3A_989 = tpu.vector_load %arg5[%get3A_988] {strides = array<i32>} : memref<102400xf32, #tpu.memory_space<vmem>>, vector<16xf32>,
            %add3A_990 = arith.addf %add3A_934, %get3A_989 : vector<16xf32>
            %add3A_991 = arith.constant 1664 : i32
            %add3A_992 = arith.addi %add3A_241, %add3A_991 : i32
            %add3A_993 = arith.constant 48 : i32
            %add3A_994 = arith.addi %add3A_992, %add3A_993 : i32
            %get3A_995 = arith.index_cast %add3A_994 : i32 to index
            %get3A_996 = tpu.vector_load %arg5[%get3A_995] {strides = array<i32>} : memref<102400xf32, #tpu.memory_space<vmem>>, vector<16xf32>,
            %add3A_997 = arith.addf %add3A_941, %get3A_996 : vector<16xf32>
            %add3A_998 = arith.constant 1664 : i32
            %add3A_999 = arith.addi %add3A_241, %add3A_998 : i32
            %add3A_1000 = arith.constant 64 : i32
            %add3A_1001 = arith.addi %add3A_999, %add3A_1000 : i32
            %get3A_1002 = arith.index_cast %add3A_1001 : i32 to index
            %get3A_1003 = tpu.vector_load %arg5[%get3A_1002] {strides = array<i32>} : memref<102400xf32, #tpu.memory_space<vmem>>, vector<16xf32>,
            %add3A_1004 = arith.addf %add3A_948, %get3A_1003 : vector<16xf32>
            %add3A_1005 = arith.constant 1664 : i32
            %add3A_1006 = arith.addi %add3A_241, %add3A_1005 : i32
            %add3A_1007 = arith.constant 80 : i32
            %add3A_1008 = arith.addi %add3A_1006, %add3A_1007 : i32
            %get3A_1009 = arith.index_cast %add3A_1008 : i32 to index
            %get3A_1010 = tpu.vector_load %arg5[%get3A_1009] {strides = array<i32>} : memref<102400xf32, #tpu.memory_space<vmem>>, vector<16xf32>,
            %add3A_1011 = arith.addf %add3A_955, %get3A_1010 : vector<16xf32>
            %add3A_1012 = arith.constant 1664 : i32
            %add3A_1013 = arith.addi %add3A_241, %add3A_1012 : i32
            %add3A_1014 = arith.constant 96 : i32
            %add3A_1015 = arith.addi %add3A_1013, %add3A_1014 : i32
            %get3A_1016 = arith.index_cast %add3A_1015 : i32 to index
            %get3A_1017 = tpu.vector_load %arg5[%get3A_1016] {strides = array<i32>} : memref<102400xf32, #tpu.memory_space<vmem>>, vector<16xf32>,
            %add3A_1018 = arith.addf %add3A_962, %get3A_1017 : vector<16xf32>
            %add3A_1019 = arith.constant 1664 : i32
            %add3A_1020 = arith.addi %add3A_241, %add3A_1019 : i32
            %add3A_1021 = arith.constant 112 : i32
            %add3A_1022 = arith.addi %add3A_1020, %add3A_1021 : i32
            %get3A_1023 = arith.index_cast %add3A_1022 : i32 to index
            %get3A_1024 = tpu.vector_load %arg5[%get3A_1023] {strides = array<i32>} : memref<102400xf32, #tpu.memory_space<vmem>>, vector<16xf32>,
            %add3A_1025 = arith.addf %add3A_969, %get3A_1024 : vector<16xf32>
            %add3A_1026 = arith.constant 1792 : i32
            %add3A_1027 = arith.addi %add3A_241, %add3A_1026 : i32
            %add3A_1028 = arith.constant 0 : i32
            %add3A_1029 = arith.addi %add3A_1027, %add3A_1028 : i32
            %get3A_1030 = arith.index_cast %add3A_1029 : i32 to index
            %get3A_1031 = tpu.vector_load %arg5[%get3A_1030] {strides = array<i32>} : memref<102400xf32, #tpu.memory_space<vmem>>, vector<16xf32>,
            %add3A_1032 = arith.addf %add3A_976, %get3A_1031 : vector<16xf32>
            %add3A_1033 = arith.constant 1792 : i32
            %add3A_1034 = arith.addi %add3A_241, %add3A_1033 : i32
            %add3A_1035 = arith.constant 16 : i32
            %add3A_1036 = arith.addi %add3A_1034, %add3A_1035 : i32
            %get3A_1037 = arith.index_cast %add3A_1036 : i32 to index
            %get3A_1038 = tpu.vector_load %arg5[%get3A_1037] {strides = array<i32>} : memref<102400xf32, #tpu.memory_space<vmem>>, vector<16xf32>,
            %add3A_1039 = arith.addf %add3A_983, %get3A_1038 : vector<16xf32>
            %add3A_1040 = arith.constant 1792 : i32
            %add3A_1041 = arith.addi %add3A_241, %add3A_1040 : i32
            %add3A_1042 = arith.constant 32 : i32
            %add3A_1043 = arith.addi %add3A_1041, %add3A_1042 : i32
            %get3A_1044 = arith.index_cast %add3A_1043 : i32 to index
            %get3A_1045 = tpu.vector_load %arg5[%get3A_1044] {strides = array<i32>} : memref<102400xf32, #tpu.memory_space<vmem>>, vector<16xf32>,
            %add3A_1046 = arith.addf %add3A_990, %get3A_1045 : vector<16xf32>
            %add3A_1047 = arith.constant 1792 : i32
            %add3A_1048 = arith.addi %add3A_241, %add3A_1047 : i32
            %add3A_1049 = arith.constant 48 : i32
            %add3A_1050 = arith.addi %add3A_1048, %add3A_1049 : i32
            %get3A_1051 = arith.index_cast %add3A_1050 : i32 to index
            %get3A_1052 = tpu.vector_load %arg5[%get3A_1051] {strides = array<i32>} : memref<102400xf32, #tpu.memory_space<vmem>>, vector<16xf32>,
            %add3A_1053 = arith.addf %add3A_997, %get3A_1052 : vector<16xf32>
            %add3A_1054 = arith.constant 1792 : i32
            %add3A_1055 = arith.addi %add3A_241, %add3A_1054 : i32
            %add3A_1056 = arith.constant 64 : i32
            %add3A_1057 = arith.addi %add3A_1055, %add3A_1056 : i32
            %get3A_1058 = arith.index_cast %add3A_1057 : i32 to index
            %get3A_1059 = tpu.vector_load %arg5[%get3A_1058] {strides = array<i32>} : memref<102400xf32, #tpu.memory_space<vmem>>, vector<16xf32>,
            %add3A_1060 = arith.addf %add3A_1004, %get3A_1059 : vector<16xf32>
            %add3A_1061 = arith.constant 1792 : i32
            %add3A_1062 = arith.addi %add3A_241, %add3A_1061 : i32
            %add3A_1063 = arith.constant 80 : i32
            %add3A_1064 = arith.addi %add3A_1062, %add3A_1063 : i32
            %get3A_1065 = arith.index_cast %add3A_1064 : i32 to index
            %get3A_1066 = tpu.vector_load %arg5[%get3A_1065] {strides = array<i32>} : memref<102400xf32, #tpu.memory_space<vmem>>, vector<16xf32>,
            %add3A_1067 = arith.addf %add3A_1011, %get3A_1066 : vector<16xf32>
            %add3A_1068 = arith.constant 1792 : i32
            %add3A_1069 = arith.addi %add3A_241, %add3A_1068 : i32
            %add3A_1070 = arith.constant 96 : i32
            %add3A_1071 = arith.addi %add3A_1069, %add3A_1070 : i32
            %get3A_1072 = arith.index_cast %add3A_1071 : i32 to index
            %get3A_1073 = tpu.vector_load %arg5[%get3A_1072] {strides = array<i32>} : memref<102400xf32, #tpu.memory_space<vmem>>, vector<16xf32>,
            %add3A_1074 = arith.addf %add3A_1018, %get3A_1073 : vector<16xf32>
            %add3A_1075 = arith.constant 1792 : i32
            %add3A_1076 = arith.addi %add3A_241, %add3A_1075 : i32
            %add3A_1077 = arith.constant 112 : i32
            %add3A_1078 = arith.addi %add3A_1076, %add3A_1077 : i32
            %get3A_1079 = arith.index_cast %add3A_1078 : i32 to index
            %get3A_1080 = tpu.vector_load %arg5[%get3A_1079] {strides = array<i32>} : memref<102400xf32, #tpu.memory_space<vmem>>, vector<16xf32>,
            %add3A_1081 = arith.addf %add3A_1025, %get3A_1080 : vector<16xf32>
            %add3A_1082 = arith.constant 1920 : i32
            %add3A_1083 = arith.addi %add3A_241, %add3A_1082 : i32
            %add3A_1084 = arith.constant 0 : i32
            %add3A_1085 = arith.addi %add3A_1083, %add3A_1084 : i32
            %get3A_1086 = arith.index_cast %add3A_1085 : i32 to index
            %get3A_1087 = tpu.vector_load %arg5[%get3A_1086] {strides = array<i32>} : memref<102400xf32, #tpu.memory_space<vmem>>, vector<16xf32>,
            %add3A_1088 = arith.addf %add3A_1032, %get3A_1087 : vector<16xf32>
            %add3A_1089 = arith.constant 1920 : i32
            %add3A_1090 = arith.addi %add3A_241, %add3A_1089 : i32
            %add3A_1091 = arith.constant 16 : i32
            %add3A_1092 = arith.addi %add3A_1090, %add3A_1091 : i32
            %get3A_1093 = arith.index_cast %add3A_1092 : i32 to index
            %get3A_1094 = tpu.vector_load %arg5[%get3A_1093] {strides = array<i32>} : memref<102400xf32, #tpu.memory_space<vmem>>, vector<16xf32>,
            %add3A_1095 = arith.addf %add3A_1039, %get3A_1094 : vector<16xf32>
            %add3A_1096 = arith.constant 1920 : i32
            %add3A_1097 = arith.addi %add3A_241, %add3A_1096 : i32
            %add3A_1098 = arith.constant 32 : i32
            %add3A_1099 = arith.addi %add3A_1097, %add3A_1098 : i32
            %get3A_1100 = arith.index_cast %add3A_1099 : i32 to index
            %get3A_1101 = tpu.vector_load %arg5[%get3A_1100] {strides = array<i32>} : memref<102400xf32, #tpu.memory_space<vmem>>, vector<16xf32>,
            %add3A_1102 = arith.addf %add3A_1046, %get3A_1101 : vector<16xf32>
            %add3A_1103 = arith.constant 1920 : i32
            %add3A_1104 = arith.addi %add3A_241, %add3A_1103 : i32
            %add3A_1105 = arith.constant 48 : i32
            %add3A_1106 = arith.addi %add3A_1104, %add3A_1105 : i32
            %get3A_1107 = arith.index_cast %add3A_1106 : i32 to index
            %get3A_1108 = tpu.vector_load %arg5[%get3A_1107] {strides = array<i32>} : memref<102400xf32, #tpu.memory_space<vmem>>, vector<16xf32>,
            %add3A_1109 = arith.addf %add3A_1053, %get3A_1108 : vector<16xf32>
            %add3A_1110 = arith.constant 1920 : i32
            %add3A_1111 = arith.addi %add3A_241, %add3A_1110 : i32
            %add3A_1112 = arith.constant 64 : i32
            %add3A_1113 = arith.addi %add3A_1111, %add3A_1112 : i32
            %get3A_1114 = arith.index_cast %add3A_1113 : i32 to index
            %get3A_1115 = tpu.vector_load %arg5[%get3A_1114] {strides = array<i32>} : memref<102400xf32, #tpu.memory_space<vmem>>, vector<16xf32>,
            %add3A_1116 = arith.addf %add3A_1060, %get3A_1115 : vector<16xf32>
            %add3A_1117 = arith.constant 1920 : i32
            %add3A_1118 = arith.addi %add3A_241, %add3A_1117 : i32
            %add3A_1119 = arith.constant 80 : i32
            %add3A_1120 = arith.addi %add3A_1118, %add3A_1119 : i32
            %get3A_1121 = arith.index_cast %add3A_1120 : i32 to index
            %get3A_1122 = tpu.vector_load %arg5[%get3A_1121] {strides = array<i32>} : memref<102400xf32, #tpu.memory_space<vmem>>, vector<16xf32>,
            %add3A_1123 = arith.addf %add3A_1067, %get3A_1122 : vector<16xf32>
            %add3A_1124 = arith.constant 1920 : i32
            %add3A_1125 = arith.addi %add3A_241, %add3A_1124 : i32
            %add3A_1126 = arith.constant 96 : i32
            %add3A_1127 = arith.addi %add3A_1125, %add3A_1126 : i32
            %get3A_1128 = arith.index_cast %add3A_1127 : i32 to index
            %get3A_1129 = tpu.vector_load %arg5[%get3A_1128] {strides = array<i32>} : memref<102400xf32, #tpu.memory_space<vmem>>, vector<16xf32>,
            %add3A_1130 = arith.addf %add3A_1074, %get3A_1129 : vector<16xf32>
            %add3A_1131 = arith.constant 1920 : i32
            %add3A_1132 = arith.addi %add3A_241, %add3A_1131 : i32
            %add3A_1133 = arith.constant 112 : i32
            %add3A_1134 = arith.addi %add3A_1132, %add3A_1133 : i32
            %get3A_1135 = arith.index_cast %add3A_1134 : i32 to index
            %get3A_1136 = tpu.vector_load %arg5[%get3A_1135] {strides = array<i32>} : memref<102400xf32, #tpu.memory_space<vmem>>, vector<16xf32>,
            %add3A_1137 = arith.addf %add3A_1081, %get3A_1136 : vector<16xf32>
            %add3A_1138 = arith.addf %scan3A_218, %mul3A_49 : vector<16xf32>
            scf.yield %scan3A_216, %scan3A_217, %add3A_1138, %add3A_1088, %add3A_1095, %add3A_1102, %add3A_1109, %add3A_1116, %add3A_1123, %add3A_1130, %add3A_1137 : i32, i32, vector<16xf32>, vector<16xf32>, vector<16xf32>, vector<16xf32>, vector<16xf32>, vector<16xf32>, vector<16xf32>, vector<16xf32>, vector<16xf32>
          } else {
            %slice3A_239 = vector.extract_strided_slice %get3A_231 {offsets = [0], sizes = [1], strides = [1]} : vector<16xi32> to vector<1xi32>
            %squeeze3A_240 = vector.extract %slice3A_239[0] : i32 from vector<1xi32>
            %ne3A = arith.cmpi ne, %squeeze3A_240, %scan3A_217 : i32
            %broadcast_in_dim3A_241 = vector.broadcast %scan3A_216 : i32 to vector<16xi32>
            tpu.vector_store_idx %arg7[%broadcast_in_dim3A_241, %add3A_14], %scan3A_219 : memref<96x144xf32, #tpu.memory_space<vmem>>[vector<16xi32>, vector<16xi32>], vector<16xf32>,
            tpu.vector_store_idx %arg7[%broadcast_in_dim3A_241, %add3A_17], %scan3A_220 : memref<96x144xf32, #tpu.memory_space<vmem>>[vector<16xi32>, vector<16xi32>], vector<16xf32>,
            tpu.vector_store_idx %arg7[%broadcast_in_dim3A_241, %add3A_20], %scan3A_221 : memref<96x144xf32, #tpu.memory_space<vmem>>[vector<16xi32>, vector<16xi32>], vector<16xf32>,
            tpu.vector_store_idx %arg7[%broadcast_in_dim3A_241, %add3A_23], %scan3A_222 : memref<96x144xf32, #tpu.memory_space<vmem>>[vector<16xi32>, vector<16xi32>], vector<16xf32>,
            tpu.vector_store_idx %arg7[%broadcast_in_dim3A_241, %add3A_26], %scan3A_223 : memref<96x144xf32, #tpu.memory_space<vmem>>[vector<16xi32>, vector<16xi32>], vector<16xf32>,
            tpu.vector_store_idx %arg7[%broadcast_in_dim3A_241, %add3A_29], %scan3A_224 : memref<96x144xf32, #tpu.memory_space<vmem>>[vector<16xi32>, vector<16xi32>], vector<16xf32>,
            tpu.vector_store_idx %arg7[%broadcast_in_dim3A_241, %add3A_32], %scan3A_225 : memref<96x144xf32, #tpu.memory_space<vmem>>[vector<16xi32>, vector<16xi32>], vector<16xf32>,
            tpu.vector_store_idx %arg7[%broadcast_in_dim3A_241, %add3A_35], %scan3A_226 : memref<96x144xf32, #tpu.memory_space<vmem>>[vector<16xi32>, vector<16xi32>], vector<16xf32>,
            tpu.vector_store_idx %arg7[%broadcast_in_dim3A_241, %add3A_38], %scan3A_218 : memref<96x144xf32, #tpu.memory_space<vmem>>[vector<16xi32>, vector<16xi32>], vector<16xf32>,
            %lt3A_242 = arith.constant 0 : i32
            %lt3A_243 = arith.cmpi slt, %scan3A_217, %lt3A_242 : i32
            %jit3A_244 = arith.constant 1024 : i32
            %select_n3A_245 = arith.select %lt3A_243, %jit3A_244, %scan3A_217 : i32
            %broadcast_in_dim3A_246 = vector.broadcast %select_n3A_245 : i32 to vector<16xi32>
            tpu.vector_store_idx %arg8[%broadcast_in_dim3A_241], %broadcast_in_dim3A_246 masked %eq3A_11 : memref<96xi32, #tpu.memory_space<vmem>>[vector<16xi32>], vector<16xi32>, vector<16xi1>
            %mul3A_247 = arith.constant 2048 : i32
            %mul3A_248 = arith.muli %scan3A_215, %mul3A_247 : i32
            %add3A_249 = arith.addi %mul3A_196, %mul3A_248 : i32
            %add3A_250 = arith.constant 0 : i32
            %add3A_251 = arith.addi %add3A_249, %add3A_250 : i32
            %add3A_252 = arith.constant 0 : i32
            %add3A_253 = arith.addi %add3A_251, %add3A_252 : i32
            %get3A_254 = arith.index_cast %add3A_253 : i32 to index
            %get3A_255 = tpu.vector_load %arg5[%get3A_254] {strides = array<i32>} : memref<102400xf32, #tpu.memory_space<vmem>>, vector<16xf32>,
            %add3A_256 = arith.addf %scan3A_219, %get3A_255 : vector<16xf32>
            %select_n3A_257 = arith.select %ne3A, %get3A_255, %add3A_256 : vector<16xf32>
            %add3A_258 = arith.constant 16 : i32
            %add3A_259 = arith.addi %add3A_251, %add3A_258 : i32
            %get3A_260 = arith.index_cast %add3A_259 : i32 to index
            %get3A_261 = tpu.vector_load %arg5[%get3A_260] {strides = array<i32>} : memref<102400xf32, #tpu.memory_space<vmem>>, vector<16xf32>,
            %add3A_262 = arith.addf %scan3A_220, %get3A_261 : vector<16xf32>
            %select_n3A_263 = arith.select %ne3A, %get3A_261, %add3A_262 : vector<16xf32>
            %add3A_264 = arith.constant 32 : i32
            %add3A_265 = arith.addi %add3A_251, %add3A_264 : i32
            %get3A_266 = arith.index_cast %add3A_265 : i32 to index
            %get3A_267 = tpu.vector_load %arg5[%get3A_266] {strides = array<i32>} : memref<102400xf32, #tpu.memory_space<vmem>>, vector<16xf32>,
            %add3A_268 = arith.addf %scan3A_221, %get3A_267 : vector<16xf32>
            %select_n3A_269 = arith.select %ne3A, %get3A_267, %add3A_268 : vector<16xf32>
            %add3A_270 = arith.constant 48 : i32
            %add3A_271 = arith.addi %add3A_251, %add3A_270 : i32
            %get3A_272 = arith.index_cast %add3A_271 : i32 to index
            %get3A_273 = tpu.vector_load %arg5[%get3A_272] {strides = array<i32>} : memref<102400xf32, #tpu.memory_space<vmem>>, vector<16xf32>,
            %add3A_274 = arith.addf %scan3A_222, %get3A_273 : vector<16xf32>
            %select_n3A_275 = arith.select %ne3A, %get3A_273, %add3A_274 : vector<16xf32>
            %add3A_276 = arith.constant 64 : i32
            %add3A_277 = arith.addi %add3A_251, %add3A_276 : i32
            %get3A_278 = arith.index_cast %add3A_277 : i32 to index
            %get3A_279 = tpu.vector_load %arg5[%get3A_278] {strides = array<i32>} : memref<102400xf32, #tpu.memory_space<vmem>>, vector<16xf32>,
            %add3A_280 = arith.addf %scan3A_223, %get3A_279 : vector<16xf32>
            %select_n3A_281 = arith.select %ne3A, %get3A_279, %add3A_280 : vector<16xf32>
            %add3A_282 = arith.constant 80 : i32
            %add3A_283 = arith.addi %add3A_251, %add3A_282 : i32
            %get3A_284 = arith.index_cast %add3A_283 : i32 to index
            %get3A_285 = tpu.vector_load %arg5[%get3A_284] {strides = array<i32>} : memref<102400xf32, #tpu.memory_space<vmem>>, vector<16xf32>,
            %add3A_286 = arith.addf %scan3A_224, %get3A_285 : vector<16xf32>
            %select_n3A_287 = arith.select %ne3A, %get3A_285, %add3A_286 : vector<16xf32>
            %add3A_288 = arith.constant 96 : i32
            %add3A_289 = arith.addi %add3A_251, %add3A_288 : i32
            %get3A_290 = arith.index_cast %add3A_289 : i32 to index
            %get3A_291 = tpu.vector_load %arg5[%get3A_290] {strides = array<i32>} : memref<102400xf32, #tpu.memory_space<vmem>>, vector<16xf32>,
            %add3A_292 = arith.addf %scan3A_225, %get3A_291 : vector<16xf32>
            %select_n3A_293 = arith.select %ne3A, %get3A_291, %add3A_292 : vector<16xf32>
            %add3A_294 = arith.constant 112 : i32
            %add3A_295 = arith.addi %add3A_251, %add3A_294 : i32
            %get3A_296 = arith.index_cast %add3A_295 : i32 to index
            %get3A_297 = tpu.vector_load %arg5[%get3A_296] {strides = array<i32>} : memref<102400xf32, #tpu.memory_space<vmem>>, vector<16xf32>,
            %add3A_298 = arith.addf %scan3A_226, %get3A_297 : vector<16xf32>
            %select_n3A_299 = arith.select %ne3A, %get3A_297, %add3A_298 : vector<16xf32>
            %add3A_300 = arith.addf %scan3A_218, %select_n3A : vector<16xf32>
            %select_n3A_301 = arith.select %ne3A, %select_n3A, %add3A_300 : vector<16xf32>
            %add3A_302 = arith.constant 1 : i32
            %add3A_303 = arith.addi %scan3A_216, %add3A_302 : i32
            %select_n3A_304 = arith.select %ne3A, %add3A_303, %scan3A_216 : i32
            %slice3A_305 = vector.extract_strided_slice %get3A_231 {offsets = [1], sizes = [1], strides = [1]} : vector<16xi32> to vector<1xi32>
            %squeeze3A_306 = vector.extract %slice3A_305[0] : i32 from vector<1xi32>
            %ne3A_307 = arith.cmpi ne, %squeeze3A_306, %squeeze3A_240 : i32
            %broadcast_in_dim3A_308 = vector.broadcast %select_n3A_304 : i32 to vector<16xi32>
            tpu.vector_store_idx %arg7[%broadcast_in_dim3A_308, %add3A_14], %select_n3A_257 : memref<96x144xf32, #tpu.memory_space<vmem>>[vector<16xi32>, vector<16xi32>], vector<16xf32>,
            tpu.vector_store_idx %arg7[%broadcast_in_dim3A_308, %add3A_17], %select_n3A_263 : memref<96x144xf32, #tpu.memory_space<vmem>>[vector<16xi32>, vector<16xi32>], vector<16xf32>,
            tpu.vector_store_idx %arg7[%broadcast_in_dim3A_308, %add3A_20], %select_n3A_269 : memref<96x144xf32, #tpu.memory_space<vmem>>[vector<16xi32>, vector<16xi32>], vector<16xf32>,
            tpu.vector_store_idx %arg7[%broadcast_in_dim3A_308, %add3A_23], %select_n3A_275 : memref<96x144xf32, #tpu.memory_space<vmem>>[vector<16xi32>, vector<16xi32>], vector<16xf32>,
            tpu.vector_store_idx %arg7[%broadcast_in_dim3A_308, %add3A_26], %select_n3A_281 : memref<96x144xf32, #tpu.memory_space<vmem>>[vector<16xi32>, vector<16xi32>], vector<16xf32>,
            tpu.vector_store_idx %arg7[%broadcast_in_dim3A_308, %add3A_29], %select_n3A_287 : memref<96x144xf32, #tpu.memory_space<vmem>>[vector<16xi32>, vector<16xi32>], vector<16xf32>,
            tpu.vector_store_idx %arg7[%broadcast_in_dim3A_308, %add3A_32], %select_n3A_293 : memref<96x144xf32, #tpu.memory_space<vmem>>[vector<16xi32>, vector<16xi32>], vector<16xf32>,
            tpu.vector_store_idx %arg7[%broadcast_in_dim3A_308, %add3A_35], %select_n3A_299 : memref<96x144xf32, #tpu.memory_space<vmem>>[vector<16xi32>, vector<16xi32>], vector<16xf32>,
            tpu.vector_store_idx %arg7[%broadcast_in_dim3A_308, %add3A_38], %select_n3A_301 : memref<96x144xf32, #tpu.memory_space<vmem>>[vector<16xi32>, vector<16xi32>], vector<16xf32>,
            %lt3A_309 = arith.constant 0 : i32
            %lt3A_310 = arith.cmpi slt, %squeeze3A_240, %lt3A_309 : i32
            %jit3A_311 = arith.constant 1024 : i32
            %select_n3A_312 = arith.select %lt3A_310, %jit3A_311, %squeeze3A_240 : i32
            %broadcast_in_dim3A_313 = vector.broadcast %select_n3A_312 : i32 to vector<16xi32>
            tpu.vector_store_idx %arg8[%broadcast_in_dim3A_308], %broadcast_in_dim3A_313 masked %eq3A_11 : memref<96xi32, #tpu.memory_space<vmem>>[vector<16xi32>], vector<16xi32>, vector<16xi1>
            %mul3A_314 = arith.constant 2048 : i32
            %mul3A_315 = arith.muli %scan3A_215, %mul3A_314 : i32
            %add3A_316 = arith.addi %mul3A_196, %mul3A_315 : i32
            %add3A_317 = arith.constant 128 : i32
            %add3A_318 = arith.addi %add3A_316, %add3A_317 : i32
            %add3A_319 = arith.constant 0 : i32
            %add3A_320 = arith.addi %add3A_318, %add3A_319 : i32
            %get3A_321 = arith.index_cast %add3A_320 : i32 to index
            %get3A_322 = tpu.vector_load %arg5[%get3A_321] {strides = array<i32>} : memref<102400xf32, #tpu.memory_space<vmem>>, vector<16xf32>,
            %add3A_323 = arith.addf %select_n3A_257, %get3A_322 : vector<16xf32>
            %select_n3A_324 = arith.select %ne3A_307, %get3A_322, %add3A_323 : vector<16xf32>
            %add3A_325 = arith.constant 16 : i32
            %add3A_326 = arith.addi %add3A_318, %add3A_325 : i32
            %get3A_327 = arith.index_cast %add3A_326 : i32 to index
            %get3A_328 = tpu.vector_load %arg5[%get3A_327] {strides = array<i32>} : memref<102400xf32, #tpu.memory_space<vmem>>, vector<16xf32>,
            %add3A_329 = arith.addf %select_n3A_263, %get3A_328 : vector<16xf32>
            %select_n3A_330 = arith.select %ne3A_307, %get3A_328, %add3A_329 : vector<16xf32>
            %add3A_331 = arith.constant 32 : i32
            %add3A_332 = arith.addi %add3A_318, %add3A_331 : i32
            %get3A_333 = arith.index_cast %add3A_332 : i32 to index
            %get3A_334 = tpu.vector_load %arg5[%get3A_333] {strides = array<i32>} : memref<102400xf32, #tpu.memory_space<vmem>>, vector<16xf32>,
            %add3A_335 = arith.addf %select_n3A_269, %get3A_334 : vector<16xf32>
            %select_n3A_336 = arith.select %ne3A_307, %get3A_334, %add3A_335 : vector<16xf32>
            %add3A_337 = arith.constant 48 : i32
            %add3A_338 = arith.addi %add3A_318, %add3A_337 : i32
            %get3A_339 = arith.index_cast %add3A_338 : i32 to index
            %get3A_340 = tpu.vector_load %arg5[%get3A_339] {strides = array<i32>} : memref<102400xf32, #tpu.memory_space<vmem>>, vector<16xf32>,
            %add3A_341 = arith.addf %select_n3A_275, %get3A_340 : vector<16xf32>
            %select_n3A_342 = arith.select %ne3A_307, %get3A_340, %add3A_341 : vector<16xf32>
            %add3A_343 = arith.constant 64 : i32
            %add3A_344 = arith.addi %add3A_318, %add3A_343 : i32
            %get3A_345 = arith.index_cast %add3A_344 : i32 to index
            %get3A_346 = tpu.vector_load %arg5[%get3A_345] {strides = array<i32>} : memref<102400xf32, #tpu.memory_space<vmem>>, vector<16xf32>,
            %add3A_347 = arith.addf %select_n3A_281, %get3A_346 : vector<16xf32>
            %select_n3A_348 = arith.select %ne3A_307, %get3A_346, %add3A_347 : vector<16xf32>
            %add3A_349 = arith.constant 80 : i32
            %add3A_350 = arith.addi %add3A_318, %add3A_349 : i32
            %get3A_351 = arith.index_cast %add3A_350 : i32 to index
            %get3A_352 = tpu.vector_load %arg5[%get3A_351] {strides = array<i32>} : memref<102400xf32, #tpu.memory_space<vmem>>, vector<16xf32>,
            %add3A_353 = arith.addf %select_n3A_287, %get3A_352 : vector<16xf32>
            %select_n3A_354 = arith.select %ne3A_307, %get3A_352, %add3A_353 : vector<16xf32>
            %add3A_355 = arith.constant 96 : i32
            %add3A_356 = arith.addi %add3A_318, %add3A_355 : i32
            %get3A_357 = arith.index_cast %add3A_356 : i32 to index
            %get3A_358 = tpu.vector_load %arg5[%get3A_357] {strides = array<i32>} : memref<102400xf32, #tpu.memory_space<vmem>>, vector<16xf32>,
            %add3A_359 = arith.addf %select_n3A_293, %get3A_358 : vector<16xf32>
            %select_n3A_360 = arith.select %ne3A_307, %get3A_358, %add3A_359 : vector<16xf32>
            %add3A_361 = arith.constant 112 : i32
            %add3A_362 = arith.addi %add3A_318, %add3A_361 : i32
            %get3A_363 = arith.index_cast %add3A_362 : i32 to index
            %get3A_364 = tpu.vector_load %arg5[%get3A_363] {strides = array<i32>} : memref<102400xf32, #tpu.memory_space<vmem>>, vector<16xf32>,
            %add3A_365 = arith.addf %select_n3A_299, %get3A_364 : vector<16xf32>
            %select_n3A_366 = arith.select %ne3A_307, %get3A_364, %add3A_365 : vector<16xf32>
            %add3A_367 = arith.addf %select_n3A_301, %select_n3A : vector<16xf32>
            %select_n3A_368 = arith.select %ne3A_307, %select_n3A, %add3A_367 : vector<16xf32>
            %add3A_369 = arith.constant 1 : i32
            %add3A_370 = arith.addi %select_n3A_304, %add3A_369 : i32
            %select_n3A_371 = arith.select %ne3A_307, %add3A_370, %select_n3A_304 : i32
            %slice3A_372 = vector.extract_strided_slice %get3A_231 {offsets = [2], sizes = [1], strides = [1]} : vector<16xi32> to vector<1xi32>
            %squeeze3A_373 = vector.extract %slice3A_372[0] : i32 from vector<1xi32>
            %ne3A_374 = arith.cmpi ne, %squeeze3A_373, %squeeze3A_306 : i32
            %broadcast_in_dim3A_375 = vector.broadcast %select_n3A_371 : i32 to vector<16xi32>
            tpu.vector_store_idx %arg7[%broadcast_in_dim3A_375, %add3A_14], %select_n3A_324 : memref<96x144xf32, #tpu.memory_space<vmem>>[vector<16xi32>, vector<16xi32>], vector<16xf32>,
            tpu.vector_store_idx %arg7[%broadcast_in_dim3A_375, %add3A_17], %select_n3A_330 : memref<96x144xf32, #tpu.memory_space<vmem>>[vector<16xi32>, vector<16xi32>], vector<16xf32>,
            tpu.vector_store_idx %arg7[%broadcast_in_dim3A_375, %add3A_20], %select_n3A_336 : memref<96x144xf32, #tpu.memory_space<vmem>>[vector<16xi32>, vector<16xi32>], vector<16xf32>,
            tpu.vector_store_idx %arg7[%broadcast_in_dim3A_375, %add3A_23], %select_n3A_342 : memref<96x144xf32, #tpu.memory_space<vmem>>[vector<16xi32>, vector<16xi32>], vector<16xf32>,
            tpu.vector_store_idx %arg7[%broadcast_in_dim3A_375, %add3A_26], %select_n3A_348 : memref<96x144xf32, #tpu.memory_space<vmem>>[vector<16xi32>, vector<16xi32>], vector<16xf32>,
            tpu.vector_store_idx %arg7[%broadcast_in_dim3A_375, %add3A_29], %select_n3A_354 : memref<96x144xf32, #tpu.memory_space<vmem>>[vector<16xi32>, vector<16xi32>], vector<16xf32>,
            tpu.vector_store_idx %arg7[%broadcast_in_dim3A_375, %add3A_32], %select_n3A_360 : memref<96x144xf32, #tpu.memory_space<vmem>>[vector<16xi32>, vector<16xi32>], vector<16xf32>,
            tpu.vector_store_idx %arg7[%broadcast_in_dim3A_375, %add3A_35], %select_n3A_366 : memref<96x144xf32, #tpu.memory_space<vmem>>[vector<16xi32>, vector<16xi32>], vector<16xf32>,
            tpu.vector_store_idx %arg7[%broadcast_in_dim3A_375, %add3A_38], %select_n3A_368 : memref<96x144xf32, #tpu.memory_space<vmem>>[vector<16xi32>, vector<16xi32>], vector<16xf32>,
            %lt3A_376 = arith.constant 0 : i32
            %lt3A_377 = arith.cmpi slt, %squeeze3A_306, %lt3A_376 : i32
            %jit3A_378 = arith.constant 1024 : i32
            %select_n3A_379 = arith.select %lt3A_377, %jit3A_378, %squeeze3A_306 : i32
            %broadcast_in_dim3A_380 = vector.broadcast %select_n3A_379 : i32 to vector<16xi32>
            tpu.vector_store_idx %arg8[%broadcast_in_dim3A_375], %broadcast_in_dim3A_380 masked %eq3A_11 : memref<96xi32, #tpu.memory_space<vmem>>[vector<16xi32>], vector<16xi32>, vector<16xi1>
            %mul3A_381 = arith.constant 2048 : i32
            %mul3A_382 = arith.muli %scan3A_215, %mul3A_381 : i32
            %add3A_383 = arith.addi %mul3A_196, %mul3A_382 : i32
            %add3A_384 = arith.constant 256 : i32
            %add3A_385 = arith.addi %add3A_383, %add3A_384 : i32
            %add3A_386 = arith.constant 0 : i32
            %add3A_387 = arith.addi %add3A_385, %add3A_386 : i32
            %get3A_388 = arith.index_cast %add3A_387 : i32 to index
            %get3A_389 = tpu.vector_load %arg5[%get3A_388] {strides = array<i32>} : memref<102400xf32, #tpu.memory_space<vmem>>, vector<16xf32>,
            %add3A_390 = arith.addf %select_n3A_324, %get3A_389 : vector<16xf32>
            %select_n3A_391 = arith.select %ne3A_374, %get3A_389, %add3A_390 : vector<16xf32>
            %add3A_392 = arith.constant 16 : i32
            %add3A_393 = arith.addi %add3A_385, %add3A_392 : i32
            %get3A_394 = arith.index_cast %add3A_393 : i32 to index
            %get3A_395 = tpu.vector_load %arg5[%get3A_394] {strides = array<i32>} : memref<102400xf32, #tpu.memory_space<vmem>>, vector<16xf32>,
            %add3A_396 = arith.addf %select_n3A_330, %get3A_395 : vector<16xf32>
            %select_n3A_397 = arith.select %ne3A_374, %get3A_395, %add3A_396 : vector<16xf32>
            %add3A_398 = arith.constant 32 : i32
            %add3A_399 = arith.addi %add3A_385, %add3A_398 : i32
            %get3A_400 = arith.index_cast %add3A_399 : i32 to index
            %get3A_401 = tpu.vector_load %arg5[%get3A_400] {strides = array<i32>} : memref<102400xf32, #tpu.memory_space<vmem>>, vector<16xf32>,
            %add3A_402 = arith.addf %select_n3A_336, %get3A_401 : vector<16xf32>
            %select_n3A_403 = arith.select %ne3A_374, %get3A_401, %add3A_402 : vector<16xf32>
            %add3A_404 = arith.constant 48 : i32
            %add3A_405 = arith.addi %add3A_385, %add3A_404 : i32
            %get3A_406 = arith.index_cast %add3A_405 : i32 to index
            %get3A_407 = tpu.vector_load %arg5[%get3A_406] {strides = array<i32>} : memref<102400xf32, #tpu.memory_space<vmem>>, vector<16xf32>,
            %add3A_408 = arith.addf %select_n3A_342, %get3A_407 : vector<16xf32>
            %select_n3A_409 = arith.select %ne3A_374, %get3A_407, %add3A_408 : vector<16xf32>
            %add3A_410 = arith.constant 64 : i32
            %add3A_411 = arith.addi %add3A_385, %add3A_410 : i32
            %get3A_412 = arith.index_cast %add3A_411 : i32 to index
            %get3A_413 = tpu.vector_load %arg5[%get3A_412] {strides = array<i32>} : memref<102400xf32, #tpu.memory_space<vmem>>, vector<16xf32>,
            %add3A_414 = arith.addf %select_n3A_348, %get3A_413 : vector<16xf32>
            %select_n3A_415 = arith.select %ne3A_374, %get3A_413, %add3A_414 : vector<16xf32>
            %add3A_416 = arith.constant 80 : i32
            %add3A_417 = arith.addi %add3A_385, %add3A_416 : i32
            %get3A_418 = arith.index_cast %add3A_417 : i32 to index
            %get3A_419 = tpu.vector_load %arg5[%get3A_418] {strides = array<i32>} : memref<102400xf32, #tpu.memory_space<vmem>>, vector<16xf32>,
            %add3A_420 = arith.addf %select_n3A_354, %get3A_419 : vector<16xf32>
            %select_n3A_421 = arith.select %ne3A_374, %get3A_419, %add3A_420 : vector<16xf32>
            %add3A_422 = arith.constant 96 : i32
            %add3A_423 = arith.addi %add3A_385, %add3A_422 : i32
            %get3A_424 = arith.index_cast %add3A_423 : i32 to index
            %get3A_425 = tpu.vector_load %arg5[%get3A_424] {strides = array<i32>} : memref<102400xf32, #tpu.memory_space<vmem>>, vector<16xf32>,
            %add3A_426 = arith.addf %select_n3A_360, %get3A_425 : vector<16xf32>
            %select_n3A_427 = arith.select %ne3A_374, %get3A_425, %add3A_426 : vector<16xf32>
            %add3A_428 = arith.constant 112 : i32
            %add3A_429 = arith.addi %add3A_385, %add3A_428 : i32
            %get3A_430 = arith.index_cast %add3A_429 : i32 to index
            %get3A_431 = tpu.vector_load %arg5[%get3A_430] {strides = array<i32>} : memref<102400xf32, #tpu.memory_space<vmem>>, vector<16xf32>,
            %add3A_432 = arith.addf %select_n3A_366, %get3A_431 : vector<16xf32>
            %select_n3A_433 = arith.select %ne3A_374, %get3A_431, %add3A_432 : vector<16xf32>
            %add3A_434 = arith.addf %select_n3A_368, %select_n3A : vector<16xf32>
            %select_n3A_435 = arith.select %ne3A_374, %select_n3A, %add3A_434 : vector<16xf32>
            %add3A_436 = arith.constant 1 : i32
            %add3A_437 = arith.addi %select_n3A_371, %add3A_436 : i32
            %select_n3A_438 = arith.select %ne3A_374, %add3A_437, %select_n3A_371 : i32
            %slice3A_439 = vector.extract_strided_slice %get3A_231 {offsets = [3], sizes = [1], strides = [1]} : vector<16xi32> to vector<1xi32>
            %squeeze3A_440 = vector.extract %slice3A_439[0] : i32 from vector<1xi32>
            %ne3A_441 = arith.cmpi ne, %squeeze3A_440, %squeeze3A_373 : i32
            %broadcast_in_dim3A_442 = vector.broadcast %select_n3A_438 : i32 to vector<16xi32>
            tpu.vector_store_idx %arg7[%broadcast_in_dim3A_442, %add3A_14], %select_n3A_391 : memref<96x144xf32, #tpu.memory_space<vmem>>[vector<16xi32>, vector<16xi32>], vector<16xf32>,
            tpu.vector_store_idx %arg7[%broadcast_in_dim3A_442, %add3A_17], %select_n3A_397 : memref<96x144xf32, #tpu.memory_space<vmem>>[vector<16xi32>, vector<16xi32>], vector<16xf32>,
            tpu.vector_store_idx %arg7[%broadcast_in_dim3A_442, %add3A_20], %select_n3A_403 : memref<96x144xf32, #tpu.memory_space<vmem>>[vector<16xi32>, vector<16xi32>], vector<16xf32>,
            tpu.vector_store_idx %arg7[%broadcast_in_dim3A_442, %add3A_23], %select_n3A_409 : memref<96x144xf32, #tpu.memory_space<vmem>>[vector<16xi32>, vector<16xi32>], vector<16xf32>,
            tpu.vector_store_idx %arg7[%broadcast_in_dim3A_442, %add3A_26], %select_n3A_415 : memref<96x144xf32, #tpu.memory_space<vmem>>[vector<16xi32>, vector<16xi32>], vector<16xf32>,
            tpu.vector_store_idx %arg7[%broadcast_in_dim3A_442, %add3A_29], %select_n3A_421 : memref<96x144xf32, #tpu.memory_space<vmem>>[vector<16xi32>, vector<16xi32>], vector<16xf32>,
            tpu.vector_store_idx %arg7[%broadcast_in_dim3A_442, %add3A_32], %select_n3A_427 : memref<96x144xf32, #tpu.memory_space<vmem>>[vector<16xi32>, vector<16xi32>], vector<16xf32>,
            tpu.vector_store_idx %arg7[%broadcast_in_dim3A_442, %add3A_35], %select_n3A_433 : memref<96x144xf32, #tpu.memory_space<vmem>>[vector<16xi32>, vector<16xi32>], vector<16xf32>,
            tpu.vector_store_idx %arg7[%broadcast_in_dim3A_442, %add3A_38], %select_n3A_435 : memref<96x144xf32, #tpu.memory_space<vmem>>[vector<16xi32>, vector<16xi32>], vector<16xf32>,
            %lt3A_443 = arith.constant 0 : i32
            %lt3A_444 = arith.cmpi slt, %squeeze3A_373, %lt3A_443 : i32
            %jit3A_445 = arith.constant 1024 : i32
            %select_n3A_446 = arith.select %lt3A_444, %jit3A_445, %squeeze3A_373 : i32
            %broadcast_in_dim3A_447 = vector.broadcast %select_n3A_446 : i32 to vector<16xi32>
            tpu.vector_store_idx %arg8[%broadcast_in_dim3A_442], %broadcast_in_dim3A_447 masked %eq3A_11 : memref<96xi32, #tpu.memory_space<vmem>>[vector<16xi32>], vector<16xi32>, vector<16xi1>
            %mul3A_448 = arith.constant 2048 : i32
            %mul3A_449 = arith.muli %scan3A_215, %mul3A_448 : i32
            %add3A_450 = arith.addi %mul3A_196, %mul3A_449 : i32
            %add3A_451 = arith.constant 384 : i32
            %add3A_452 = arith.addi %add3A_450, %add3A_451 : i32
            %add3A_453 = arith.constant 0 : i32
            %add3A_454 = arith.addi %add3A_452, %add3A_453 : i32
            %get3A_455 = arith.index_cast %add3A_454 : i32 to index
            %get3A_456 = tpu.vector_load %arg5[%get3A_455] {strides = array<i32>} : memref<102400xf32, #tpu.memory_space<vmem>>, vector<16xf32>,
            %add3A_457 = arith.addf %select_n3A_391, %get3A_456 : vector<16xf32>
            %select_n3A_458 = arith.select %ne3A_441, %get3A_456, %add3A_457 : vector<16xf32>
            %add3A_459 = arith.constant 16 : i32
            %add3A_460 = arith.addi %add3A_452, %add3A_459 : i32
            %get3A_461 = arith.index_cast %add3A_460 : i32 to index
            %get3A_462 = tpu.vector_load %arg5[%get3A_461] {strides = array<i32>} : memref<102400xf32, #tpu.memory_space<vmem>>, vector<16xf32>,
            %add3A_463 = arith.addf %select_n3A_397, %get3A_462 : vector<16xf32>
            %select_n3A_464 = arith.select %ne3A_441, %get3A_462, %add3A_463 : vector<16xf32>
            %add3A_465 = arith.constant 32 : i32
            %add3A_466 = arith.addi %add3A_452, %add3A_465 : i32
            %get3A_467 = arith.index_cast %add3A_466 : i32 to index
            %get3A_468 = tpu.vector_load %arg5[%get3A_467] {strides = array<i32>} : memref<102400xf32, #tpu.memory_space<vmem>>, vector<16xf32>,
            %add3A_469 = arith.addf %select_n3A_403, %get3A_468 : vector<16xf32>
            %select_n3A_470 = arith.select %ne3A_441, %get3A_468, %add3A_469 : vector<16xf32>
            %add3A_471 = arith.constant 48 : i32
            %add3A_472 = arith.addi %add3A_452, %add3A_471 : i32
            %get3A_473 = arith.index_cast %add3A_472 : i32 to index
            %get3A_474 = tpu.vector_load %arg5[%get3A_473] {strides = array<i32>} : memref<102400xf32, #tpu.memory_space<vmem>>, vector<16xf32>,
            %add3A_475 = arith.addf %select_n3A_409, %get3A_474 : vector<16xf32>
            %select_n3A_476 = arith.select %ne3A_441, %get3A_474, %add3A_475 : vector<16xf32>
            %add3A_477 = arith.constant 64 : i32
            %add3A_478 = arith.addi %add3A_452, %add3A_477 : i32
            %get3A_479 = arith.index_cast %add3A_478 : i32 to index
            %get3A_480 = tpu.vector_load %arg5[%get3A_479] {strides = array<i32>} : memref<102400xf32, #tpu.memory_space<vmem>>, vector<16xf32>,
            %add3A_481 = arith.addf %select_n3A_415, %get3A_480 : vector<16xf32>
            %select_n3A_482 = arith.select %ne3A_441, %get3A_480, %add3A_481 : vector<16xf32>
            %add3A_483 = arith.constant 80 : i32
            %add3A_484 = arith.addi %add3A_452, %add3A_483 : i32
            %get3A_485 = arith.index_cast %add3A_484 : i32 to index
            %get3A_486 = tpu.vector_load %arg5[%get3A_485] {strides = array<i32>} : memref<102400xf32, #tpu.memory_space<vmem>>, vector<16xf32>,
            %add3A_487 = arith.addf %select_n3A_421, %get3A_486 : vector<16xf32>
            %select_n3A_488 = arith.select %ne3A_441, %get3A_486, %add3A_487 : vector<16xf32>
            %add3A_489 = arith.constant 96 : i32
            %add3A_490 = arith.addi %add3A_452, %add3A_489 : i32
            %get3A_491 = arith.index_cast %add3A_490 : i32 to index
            %get3A_492 = tpu.vector_load %arg5[%get3A_491] {strides = array<i32>} : memref<102400xf32, #tpu.memory_space<vmem>>, vector<16xf32>,
            %add3A_493 = arith.addf %select_n3A_427, %get3A_492 : vector<16xf32>
            %select_n3A_494 = arith.select %ne3A_441, %get3A_492, %add3A_493 : vector<16xf32>
            %add3A_495 = arith.constant 112 : i32
            %add3A_496 = arith.addi %add3A_452, %add3A_495 : i32
            %get3A_497 = arith.index_cast %add3A_496 : i32 to index
            %get3A_498 = tpu.vector_load %arg5[%get3A_497] {strides = array<i32>} : memref<102400xf32, #tpu.memory_space<vmem>>, vector<16xf32>,
            %add3A_499 = arith.addf %select_n3A_433, %get3A_498 : vector<16xf32>
            %select_n3A_500 = arith.select %ne3A_441, %get3A_498, %add3A_499 : vector<16xf32>
            %add3A_501 = arith.addf %select_n3A_435, %select_n3A : vector<16xf32>
            %select_n3A_502 = arith.select %ne3A_441, %select_n3A, %add3A_501 : vector<16xf32>
            %add3A_503 = arith.constant 1 : i32
            %add3A_504 = arith.addi %select_n3A_438, %add3A_503 : i32
            %select_n3A_505 = arith.select %ne3A_441, %add3A_504, %select_n3A_438 : i32
            %slice3A_506 = vector.extract_strided_slice %get3A_231 {offsets = [4], sizes = [1], strides = [1]} : vector<16xi32> to vector<1xi32>
            %squeeze3A_507 = vector.extract %slice3A_506[0] : i32 from vector<1xi32>
            %ne3A_508 = arith.cmpi ne, %squeeze3A_507, %squeeze3A_440 : i32
            %broadcast_in_dim3A_509 = vector.broadcast %select_n3A_505 : i32 to vector<16xi32>
            tpu.vector_store_idx %arg7[%broadcast_in_dim3A_509, %add3A_14], %select_n3A_458 : memref<96x144xf32, #tpu.memory_space<vmem>>[vector<16xi32>, vector<16xi32>], vector<16xf32>,
            tpu.vector_store_idx %arg7[%broadcast_in_dim3A_509, %add3A_17], %select_n3A_464 : memref<96x144xf32, #tpu.memory_space<vmem>>[vector<16xi32>, vector<16xi32>], vector<16xf32>,
            tpu.vector_store_idx %arg7[%broadcast_in_dim3A_509, %add3A_20], %select_n3A_470 : memref<96x144xf32, #tpu.memory_space<vmem>>[vector<16xi32>, vector<16xi32>], vector<16xf32>,
            tpu.vector_store_idx %arg7[%broadcast_in_dim3A_509, %add3A_23], %select_n3A_476 : memref<96x144xf32, #tpu.memory_space<vmem>>[vector<16xi32>, vector<16xi32>], vector<16xf32>,
            tpu.vector_store_idx %arg7[%broadcast_in_dim3A_509, %add3A_26], %select_n3A_482 : memref<96x144xf32, #tpu.memory_space<vmem>>[vector<16xi32>, vector<16xi32>], vector<16xf32>,
            tpu.vector_store_idx %arg7[%broadcast_in_dim3A_509, %add3A_29], %select_n3A_488 : memref<96x144xf32, #tpu.memory_space<vmem>>[vector<16xi32>, vector<16xi32>], vector<16xf32>,
            tpu.vector_store_idx %arg7[%broadcast_in_dim3A_509, %add3A_32], %select_n3A_494 : memref<96x144xf32, #tpu.memory_space<vmem>>[vector<16xi32>, vector<16xi32>], vector<16xf32>,
            tpu.vector_store_idx %arg7[%broadcast_in_dim3A_509, %add3A_35], %select_n3A_500 : memref<96x144xf32, #tpu.memory_space<vmem>>[vector<16xi32>, vector<16xi32>], vector<16xf32>,
            tpu.vector_store_idx %arg7[%broadcast_in_dim3A_509, %add3A_38], %select_n3A_502 : memref<96x144xf32, #tpu.memory_space<vmem>>[vector<16xi32>, vector<16xi32>], vector<16xf32>,
            %lt3A_510 = arith.constant 0 : i32
            %lt3A_511 = arith.cmpi slt, %squeeze3A_440, %lt3A_510 : i32
            %jit3A_512 = arith.constant 1024 : i32
            %select_n3A_513 = arith.select %lt3A_511, %jit3A_512, %squeeze3A_440 : i32
            %broadcast_in_dim3A_514 = vector.broadcast %select_n3A_513 : i32 to vector<16xi32>
            tpu.vector_store_idx %arg8[%broadcast_in_dim3A_509], %broadcast_in_dim3A_514 masked %eq3A_11 : memref<96xi32, #tpu.memory_space<vmem>>[vector<16xi32>], vector<16xi32>, vector<16xi1>
            %mul3A_515 = arith.constant 2048 : i32
            %mul3A_516 = arith.muli %scan3A_215, %mul3A_515 : i32
            %add3A_517 = arith.addi %mul3A_196, %mul3A_516 : i32
            %add3A_518 = arith.constant 512 : i32
            %add3A_519 = arith.addi %add3A_517, %add3A_518 : i32
            %add3A_520 = arith.constant 0 : i32
            %add3A_521 = arith.addi %add3A_519, %add3A_520 : i32
            %get3A_522 = arith.index_cast %add3A_521 : i32 to index
            %get3A_523 = tpu.vector_load %arg5[%get3A_522] {strides = array<i32>} : memref<102400xf32, #tpu.memory_space<vmem>>, vector<16xf32>,
            %add3A_524 = arith.addf %select_n3A_458, %get3A_523 : vector<16xf32>
            %select_n3A_525 = arith.select %ne3A_508, %get3A_523, %add3A_524 : vector<16xf32>
            %add3A_526 = arith.constant 16 : i32
            %add3A_527 = arith.addi %add3A_519, %add3A_526 : i32
            %get3A_528 = arith.index_cast %add3A_527 : i32 to index
            %get3A_529 = tpu.vector_load %arg5[%get3A_528] {strides = array<i32>} : memref<102400xf32, #tpu.memory_space<vmem>>, vector<16xf32>,
            %add3A_530 = arith.addf %select_n3A_464, %get3A_529 : vector<16xf32>
            %select_n3A_531 = arith.select %ne3A_508, %get3A_529, %add3A_530 : vector<16xf32>
            %add3A_532 = arith.constant 32 : i32
            %add3A_533 = arith.addi %add3A_519, %add3A_532 : i32
            %get3A_534 = arith.index_cast %add3A_533 : i32 to index
            %get3A_535 = tpu.vector_load %arg5[%get3A_534] {strides = array<i32>} : memref<102400xf32, #tpu.memory_space<vmem>>, vector<16xf32>,
            %add3A_536 = arith.addf %select_n3A_470, %get3A_535 : vector<16xf32>
            %select_n3A_537 = arith.select %ne3A_508, %get3A_535, %add3A_536 : vector<16xf32>
            %add3A_538 = arith.constant 48 : i32
            %add3A_539 = arith.addi %add3A_519, %add3A_538 : i32
            %get3A_540 = arith.index_cast %add3A_539 : i32 to index
            %get3A_541 = tpu.vector_load %arg5[%get3A_540] {strides = array<i32>} : memref<102400xf32, #tpu.memory_space<vmem>>, vector<16xf32>,
            %add3A_542 = arith.addf %select_n3A_476, %get3A_541 : vector<16xf32>
            %select_n3A_543 = arith.select %ne3A_508, %get3A_541, %add3A_542 : vector<16xf32>
            %add3A_544 = arith.constant 64 : i32
            %add3A_545 = arith.addi %add3A_519, %add3A_544 : i32
            %get3A_546 = arith.index_cast %add3A_545 : i32 to index
            %get3A_547 = tpu.vector_load %arg5[%get3A_546] {strides = array<i32>} : memref<102400xf32, #tpu.memory_space<vmem>>, vector<16xf32>,
            %add3A_548 = arith.addf %select_n3A_482, %get3A_547 : vector<16xf32>
            %select_n3A_549 = arith.select %ne3A_508, %get3A_547, %add3A_548 : vector<16xf32>
            %add3A_550 = arith.constant 80 : i32
            %add3A_551 = arith.addi %add3A_519, %add3A_550 : i32
            %get3A_552 = arith.index_cast %add3A_551 : i32 to index
            %get3A_553 = tpu.vector_load %arg5[%get3A_552] {strides = array<i32>} : memref<102400xf32, #tpu.memory_space<vmem>>, vector<16xf32>,
            %add3A_554 = arith.addf %select_n3A_488, %get3A_553 : vector<16xf32>
            %select_n3A_555 = arith.select %ne3A_508, %get3A_553, %add3A_554 : vector<16xf32>
            %add3A_556 = arith.constant 96 : i32
            %add3A_557 = arith.addi %add3A_519, %add3A_556 : i32
            %get3A_558 = arith.index_cast %add3A_557 : i32 to index
            %get3A_559 = tpu.vector_load %arg5[%get3A_558] {strides = array<i32>} : memref<102400xf32, #tpu.memory_space<vmem>>, vector<16xf32>,
            %add3A_560 = arith.addf %select_n3A_494, %get3A_559 : vector<16xf32>
            %select_n3A_561 = arith.select %ne3A_508, %get3A_559, %add3A_560 : vector<16xf32>
            %add3A_562 = arith.constant 112 : i32
            %add3A_563 = arith.addi %add3A_519, %add3A_562 : i32
            %get3A_564 = arith.index_cast %add3A_563 : i32 to index
            %get3A_565 = tpu.vector_load %arg5[%get3A_564] {strides = array<i32>} : memref<102400xf32, #tpu.memory_space<vmem>>, vector<16xf32>,
            %add3A_566 = arith.addf %select_n3A_500, %get3A_565 : vector<16xf32>
            %select_n3A_567 = arith.select %ne3A_508, %get3A_565, %add3A_566 : vector<16xf32>
            %add3A_568 = arith.addf %select_n3A_502, %select_n3A : vector<16xf32>
            %select_n3A_569 = arith.select %ne3A_508, %select_n3A, %add3A_568 : vector<16xf32>
            %add3A_570 = arith.constant 1 : i32
            %add3A_571 = arith.addi %select_n3A_505, %add3A_570 : i32
            %select_n3A_572 = arith.select %ne3A_508, %add3A_571, %select_n3A_505 : i32
            %slice3A_573 = vector.extract_strided_slice %get3A_231 {offsets = [5], sizes = [1], strides = [1]} : vector<16xi32> to vector<1xi32>
            %squeeze3A_574 = vector.extract %slice3A_573[0] : i32 from vector<1xi32>
            %ne3A_575 = arith.cmpi ne, %squeeze3A_574, %squeeze3A_507 : i32
            %broadcast_in_dim3A_576 = vector.broadcast %select_n3A_572 : i32 to vector<16xi32>
            tpu.vector_store_idx %arg7[%broadcast_in_dim3A_576, %add3A_14], %select_n3A_525 : memref<96x144xf32, #tpu.memory_space<vmem>>[vector<16xi32>, vector<16xi32>], vector<16xf32>,
            tpu.vector_store_idx %arg7[%broadcast_in_dim3A_576, %add3A_17], %select_n3A_531 : memref<96x144xf32, #tpu.memory_space<vmem>>[vector<16xi32>, vector<16xi32>], vector<16xf32>,
            tpu.vector_store_idx %arg7[%broadcast_in_dim3A_576, %add3A_20], %select_n3A_537 : memref<96x144xf32, #tpu.memory_space<vmem>>[vector<16xi32>, vector<16xi32>], vector<16xf32>,
            tpu.vector_store_idx %arg7[%broadcast_in_dim3A_576, %add3A_23], %select_n3A_543 : memref<96x144xf32, #tpu.memory_space<vmem>>[vector<16xi32>, vector<16xi32>], vector<16xf32>,
            tpu.vector_store_idx %arg7[%broadcast_in_dim3A_576, %add3A_26], %select_n3A_549 : memref<96x144xf32, #tpu.memory_space<vmem>>[vector<16xi32>, vector<16xi32>], vector<16xf32>,
            tpu.vector_store_idx %arg7[%broadcast_in_dim3A_576, %add3A_29], %select_n3A_555 : memref<96x144xf32, #tpu.memory_space<vmem>>[vector<16xi32>, vector<16xi32>], vector<16xf32>,
            tpu.vector_store_idx %arg7[%broadcast_in_dim3A_576, %add3A_32], %select_n3A_561 : memref<96x144xf32, #tpu.memory_space<vmem>>[vector<16xi32>, vector<16xi32>], vector<16xf32>,
            tpu.vector_store_idx %arg7[%broadcast_in_dim3A_576, %add3A_35], %select_n3A_567 : memref<96x144xf32, #tpu.memory_space<vmem>>[vector<16xi32>, vector<16xi32>], vector<16xf32>,
            tpu.vector_store_idx %arg7[%broadcast_in_dim3A_576, %add3A_38], %select_n3A_569 : memref<96x144xf32, #tpu.memory_space<vmem>>[vector<16xi32>, vector<16xi32>], vector<16xf32>,
            %lt3A_577 = arith.constant 0 : i32
            %lt3A_578 = arith.cmpi slt, %squeeze3A_507, %lt3A_577 : i32
            %jit3A_579 = arith.constant 1024 : i32
            %select_n3A_580 = arith.select %lt3A_578, %jit3A_579, %squeeze3A_507 : i32
            %broadcast_in_dim3A_581 = vector.broadcast %select_n3A_580 : i32 to vector<16xi32>
            tpu.vector_store_idx %arg8[%broadcast_in_dim3A_576], %broadcast_in_dim3A_581 masked %eq3A_11 : memref<96xi32, #tpu.memory_space<vmem>>[vector<16xi32>], vector<16xi32>, vector<16xi1>
            %mul3A_582 = arith.constant 2048 : i32
            %mul3A_583 = arith.muli %scan3A_215, %mul3A_582 : i32
            %add3A_584 = arith.addi %mul3A_196, %mul3A_583 : i32
            %add3A_585 = arith.constant 640 : i32
            %add3A_586 = arith.addi %add3A_584, %add3A_585 : i32
            %add3A_587 = arith.constant 0 : i32
            %add3A_588 = arith.addi %add3A_586, %add3A_587 : i32
            %get3A_589 = arith.index_cast %add3A_588 : i32 to index
            %get3A_590 = tpu.vector_load %arg5[%get3A_589] {strides = array<i32>} : memref<102400xf32, #tpu.memory_space<vmem>>, vector<16xf32>,
            %add3A_591 = arith.addf %select_n3A_525, %get3A_590 : vector<16xf32>
            %select_n3A_592 = arith.select %ne3A_575, %get3A_590, %add3A_591 : vector<16xf32>
            %add3A_593 = arith.constant 16 : i32
            %add3A_594 = arith.addi %add3A_586, %add3A_593 : i32
            %get3A_595 = arith.index_cast %add3A_594 : i32 to index
            %get3A_596 = tpu.vector_load %arg5[%get3A_595] {strides = array<i32>} : memref<102400xf32, #tpu.memory_space<vmem>>, vector<16xf32>,
            %add3A_597 = arith.addf %select_n3A_531, %get3A_596 : vector<16xf32>
            %select_n3A_598 = arith.select %ne3A_575, %get3A_596, %add3A_597 : vector<16xf32>
            %add3A_599 = arith.constant 32 : i32
            %add3A_600 = arith.addi %add3A_586, %add3A_599 : i32
            %get3A_601 = arith.index_cast %add3A_600 : i32 to index
            %get3A_602 = tpu.vector_load %arg5[%get3A_601] {strides = array<i32>} : memref<102400xf32, #tpu.memory_space<vmem>>, vector<16xf32>,
            %add3A_603 = arith.addf %select_n3A_537, %get3A_602 : vector<16xf32>
            %select_n3A_604 = arith.select %ne3A_575, %get3A_602, %add3A_603 : vector<16xf32>
            %add3A_605 = arith.constant 48 : i32
            %add3A_606 = arith.addi %add3A_586, %add3A_605 : i32
            %get3A_607 = arith.index_cast %add3A_606 : i32 to index
            %get3A_608 = tpu.vector_load %arg5[%get3A_607] {strides = array<i32>} : memref<102400xf32, #tpu.memory_space<vmem>>, vector<16xf32>,
            %add3A_609 = arith.addf %select_n3A_543, %get3A_608 : vector<16xf32>
            %select_n3A_610 = arith.select %ne3A_575, %get3A_608, %add3A_609 : vector<16xf32>
            %add3A_611 = arith.constant 64 : i32
            %add3A_612 = arith.addi %add3A_586, %add3A_611 : i32
            %get3A_613 = arith.index_cast %add3A_612 : i32 to index
            %get3A_614 = tpu.vector_load %arg5[%get3A_613] {strides = array<i32>} : memref<102400xf32, #tpu.memory_space<vmem>>, vector<16xf32>,
            %add3A_615 = arith.addf %select_n3A_549, %get3A_614 : vector<16xf32>
            %select_n3A_616 = arith.select %ne3A_575, %get3A_614, %add3A_615 : vector<16xf32>
            %add3A_617 = arith.constant 80 : i32
            %add3A_618 = arith.addi %add3A_586, %add3A_617 : i32
            %get3A_619 = arith.index_cast %add3A_618 : i32 to index
            %get3A_620 = tpu.vector_load %arg5[%get3A_619] {strides = array<i32>} : memref<102400xf32, #tpu.memory_space<vmem>>, vector<16xf32>,
            %add3A_621 = arith.addf %select_n3A_555, %get3A_620 : vector<16xf32>
            %select_n3A_622 = arith.select %ne3A_575, %get3A_620, %add3A_621 : vector<16xf32>
            %add3A_623 = arith.constant 96 : i32
            %add3A_624 = arith.addi %add3A_586, %add3A_623 : i32
            %get3A_625 = arith.index_cast %add3A_624 : i32 to index
            %get3A_626 = tpu.vector_load %arg5[%get3A_625] {strides = array<i32>} : memref<102400xf32, #tpu.memory_space<vmem>>, vector<16xf32>,
            %add3A_627 = arith.addf %select_n3A_561, %get3A_626 : vector<16xf32>
            %select_n3A_628 = arith.select %ne3A_575, %get3A_626, %add3A_627 : vector<16xf32>
            %add3A_629 = arith.constant 112 : i32
            %add3A_630 = arith.addi %add3A_586, %add3A_629 : i32
            %get3A_631 = arith.index_cast %add3A_630 : i32 to index
            %get3A_632 = tpu.vector_load %arg5[%get3A_631] {strides = array<i32>} : memref<102400xf32, #tpu.memory_space<vmem>>, vector<16xf32>,
            %add3A_633 = arith.addf %select_n3A_567, %get3A_632 : vector<16xf32>
            %select_n3A_634 = arith.select %ne3A_575, %get3A_632, %add3A_633 : vector<16xf32>
            %add3A_635 = arith.addf %select_n3A_569, %select_n3A : vector<16xf32>
            %select_n3A_636 = arith.select %ne3A_575, %select_n3A, %add3A_635 : vector<16xf32>
            %add3A_637 = arith.constant 1 : i32
            %add3A_638 = arith.addi %select_n3A_572, %add3A_637 : i32
            %select_n3A_639 = arith.select %ne3A_575, %add3A_638, %select_n3A_572 : i32
            %slice3A_640 = vector.extract_strided_slice %get3A_231 {offsets = [6], sizes = [1], strides = [1]} : vector<16xi32> to vector<1xi32>
            %squeeze3A_641 = vector.extract %slice3A_640[0] : i32 from vector<1xi32>
            %ne3A_642 = arith.cmpi ne, %squeeze3A_641, %squeeze3A_574 : i32
            %broadcast_in_dim3A_643 = vector.broadcast %select_n3A_639 : i32 to vector<16xi32>
            tpu.vector_store_idx %arg7[%broadcast_in_dim3A_643, %add3A_14], %select_n3A_592 : memref<96x144xf32, #tpu.memory_space<vmem>>[vector<16xi32>, vector<16xi32>], vector<16xf32>,
            tpu.vector_store_idx %arg7[%broadcast_in_dim3A_643, %add3A_17], %select_n3A_598 : memref<96x144xf32, #tpu.memory_space<vmem>>[vector<16xi32>, vector<16xi32>], vector<16xf32>,
            tpu.vector_store_idx %arg7[%broadcast_in_dim3A_643, %add3A_20], %select_n3A_604 : memref<96x144xf32, #tpu.memory_space<vmem>>[vector<16xi32>, vector<16xi32>], vector<16xf32>,
            tpu.vector_store_idx %arg7[%broadcast_in_dim3A_643, %add3A_23], %select_n3A_610 : memref<96x144xf32, #tpu.memory_space<vmem>>[vector<16xi32>, vector<16xi32>], vector<16xf32>,
            tpu.vector_store_idx %arg7[%broadcast_in_dim3A_643, %add3A_26], %select_n3A_616 : memref<96x144xf32, #tpu.memory_space<vmem>>[vector<16xi32>, vector<16xi32>], vector<16xf32>,
            tpu.vector_store_idx %arg7[%broadcast_in_dim3A_643, %add3A_29], %select_n3A_622 : memref<96x144xf32, #tpu.memory_space<vmem>>[vector<16xi32>, vector<16xi32>], vector<16xf32>,
            tpu.vector_store_idx %arg7[%broadcast_in_dim3A_643, %add3A_32], %select_n3A_628 : memref<96x144xf32, #tpu.memory_space<vmem>>[vector<16xi32>, vector<16xi32>], vector<16xf32>,
            tpu.vector_store_idx %arg7[%broadcast_in_dim3A_643, %add3A_35], %select_n3A_634 : memref<96x144xf32, #tpu.memory_space<vmem>>[vector<16xi32>, vector<16xi32>], vector<16xf32>,
            tpu.vector_store_idx %arg7[%broadcast_in_dim3A_643, %add3A_38], %select_n3A_636 : memref<96x144xf32, #tpu.memory_space<vmem>>[vector<16xi32>, vector<16xi32>], vector<16xf32>,
            %lt3A_644 = arith.constant 0 : i32
            %lt3A_645 = arith.cmpi slt, %squeeze3A_574, %lt3A_644 : i32
            %jit3A_646 = arith.constant 1024 : i32
            %select_n3A_647 = arith.select %lt3A_645, %jit3A_646, %squeeze3A_574 : i32
            %broadcast_in_dim3A_648 = vector.broadcast %select_n3A_647 : i32 to vector<16xi32>
            tpu.vector_store_idx %arg8[%broadcast_in_dim3A_643], %broadcast_in_dim3A_648 masked %eq3A_11 : memref<96xi32, #tpu.memory_space<vmem>>[vector<16xi32>], vector<16xi32>, vector<16xi1>
            %mul3A_649 = arith.constant 2048 : i32
            %mul3A_650 = arith.muli %scan3A_215, %mul3A_649 : i32
            %add3A_651 = arith.addi %mul3A_196, %mul3A_650 : i32
            %add3A_652 = arith.constant 768 : i32
            %add3A_653 = arith.addi %add3A_651, %add3A_652 : i32
            %add3A_654 = arith.constant 0 : i32
            %add3A_655 = arith.addi %add3A_653, %add3A_654 : i32
            %get3A_656 = arith.index_cast %add3A_655 : i32 to index
            %get3A_657 = tpu.vector_load %arg5[%get3A_656] {strides = array<i32>} : memref<102400xf32, #tpu.memory_space<vmem>>, vector<16xf32>,
            %add3A_658 = arith.addf %select_n3A_592, %get3A_657 : vector<16xf32>
            %select_n3A_659 = arith.select %ne3A_642, %get3A_657, %add3A_658 : vector<16xf32>
            %add3A_660 = arith.constant 16 : i32
            %add3A_661 = arith.addi %add3A_653, %add3A_660 : i32
            %get3A_662 = arith.index_cast %add3A_661 : i32 to index
            %get3A_663 = tpu.vector_load %arg5[%get3A_662] {strides = array<i32>} : memref<102400xf32, #tpu.memory_space<vmem>>, vector<16xf32>,
            %add3A_664 = arith.addf %select_n3A_598, %get3A_663 : vector<16xf32>
            %select_n3A_665 = arith.select %ne3A_642, %get3A_663, %add3A_664 : vector<16xf32>
            %add3A_666 = arith.constant 32 : i32
            %add3A_667 = arith.addi %add3A_653, %add3A_666 : i32
            %get3A_668 = arith.index_cast %add3A_667 : i32 to index
            %get3A_669 = tpu.vector_load %arg5[%get3A_668] {strides = array<i32>} : memref<102400xf32, #tpu.memory_space<vmem>>, vector<16xf32>,
            %add3A_670 = arith.addf %select_n3A_604, %get3A_669 : vector<16xf32>
            %select_n3A_671 = arith.select %ne3A_642, %get3A_669, %add3A_670 : vector<16xf32>
            %add3A_672 = arith.constant 48 : i32
            %add3A_673 = arith.addi %add3A_653, %add3A_672 : i32
            %get3A_674 = arith.index_cast %add3A_673 : i32 to index
            %get3A_675 = tpu.vector_load %arg5[%get3A_674] {strides = array<i32>} : memref<102400xf32, #tpu.memory_space<vmem>>, vector<16xf32>,
            %add3A_676 = arith.addf %select_n3A_610, %get3A_675 : vector<16xf32>
            %select_n3A_677 = arith.select %ne3A_642, %get3A_675, %add3A_676 : vector<16xf32>
            %add3A_678 = arith.constant 64 : i32
            %add3A_679 = arith.addi %add3A_653, %add3A_678 : i32
            %get3A_680 = arith.index_cast %add3A_679 : i32 to index
            %get3A_681 = tpu.vector_load %arg5[%get3A_680] {strides = array<i32>} : memref<102400xf32, #tpu.memory_space<vmem>>, vector<16xf32>,
            %add3A_682 = arith.addf %select_n3A_616, %get3A_681 : vector<16xf32>
            %select_n3A_683 = arith.select %ne3A_642, %get3A_681, %add3A_682 : vector<16xf32>
            %add3A_684 = arith.constant 80 : i32
            %add3A_685 = arith.addi %add3A_653, %add3A_684 : i32
            %get3A_686 = arith.index_cast %add3A_685 : i32 to index
            %get3A_687 = tpu.vector_load %arg5[%get3A_686] {strides = array<i32>} : memref<102400xf32, #tpu.memory_space<vmem>>, vector<16xf32>,
            %add3A_688 = arith.addf %select_n3A_622, %get3A_687 : vector<16xf32>
            %select_n3A_689 = arith.select %ne3A_642, %get3A_687, %add3A_688 : vector<16xf32>
            %add3A_690 = arith.constant 96 : i32
            %add3A_691 = arith.addi %add3A_653, %add3A_690 : i32
            %get3A_692 = arith.index_cast %add3A_691 : i32 to index
            %get3A_693 = tpu.vector_load %arg5[%get3A_692] {strides = array<i32>} : memref<102400xf32, #tpu.memory_space<vmem>>, vector<16xf32>,
            %add3A_694 = arith.addf %select_n3A_628, %get3A_693 : vector<16xf32>
            %select_n3A_695 = arith.select %ne3A_642, %get3A_693, %add3A_694 : vector<16xf32>
            %add3A_696 = arith.constant 112 : i32
            %add3A_697 = arith.addi %add3A_653, %add3A_696 : i32
            %get3A_698 = arith.index_cast %add3A_697 : i32 to index
            %get3A_699 = tpu.vector_load %arg5[%get3A_698] {strides = array<i32>} : memref<102400xf32, #tpu.memory_space<vmem>>, vector<16xf32>,
            %add3A_700 = arith.addf %select_n3A_634, %get3A_699 : vector<16xf32>
            %select_n3A_701 = arith.select %ne3A_642, %get3A_699, %add3A_700 : vector<16xf32>
            %add3A_702 = arith.addf %select_n3A_636, %select_n3A : vector<16xf32>
            %select_n3A_703 = arith.select %ne3A_642, %select_n3A, %add3A_702 : vector<16xf32>
            %add3A_704 = arith.constant 1 : i32
            %add3A_705 = arith.addi %select_n3A_639, %add3A_704 : i32
            %select_n3A_706 = arith.select %ne3A_642, %add3A_705, %select_n3A_639 : i32
            %slice3A_707 = vector.extract_strided_slice %get3A_231 {offsets = [7], sizes = [1], strides = [1]} : vector<16xi32> to vector<1xi32>
            %squeeze3A_708 = vector.extract %slice3A_707[0] : i32 from vector<1xi32>
            %ne3A_709 = arith.cmpi ne, %squeeze3A_708, %squeeze3A_641 : i32
            %broadcast_in_dim3A_710 = vector.broadcast %select_n3A_706 : i32 to vector<16xi32>
            tpu.vector_store_idx %arg7[%broadcast_in_dim3A_710, %add3A_14], %select_n3A_659 : memref<96x144xf32, #tpu.memory_space<vmem>>[vector<16xi32>, vector<16xi32>], vector<16xf32>,
            tpu.vector_store_idx %arg7[%broadcast_in_dim3A_710, %add3A_17], %select_n3A_665 : memref<96x144xf32, #tpu.memory_space<vmem>>[vector<16xi32>, vector<16xi32>], vector<16xf32>,
            tpu.vector_store_idx %arg7[%broadcast_in_dim3A_710, %add3A_20], %select_n3A_671 : memref<96x144xf32, #tpu.memory_space<vmem>>[vector<16xi32>, vector<16xi32>], vector<16xf32>,
            tpu.vector_store_idx %arg7[%broadcast_in_dim3A_710, %add3A_23], %select_n3A_677 : memref<96x144xf32, #tpu.memory_space<vmem>>[vector<16xi32>, vector<16xi32>], vector<16xf32>,
            tpu.vector_store_idx %arg7[%broadcast_in_dim3A_710, %add3A_26], %select_n3A_683 : memref<96x144xf32, #tpu.memory_space<vmem>>[vector<16xi32>, vector<16xi32>], vector<16xf32>,
            tpu.vector_store_idx %arg7[%broadcast_in_dim3A_710, %add3A_29], %select_n3A_689 : memref<96x144xf32, #tpu.memory_space<vmem>>[vector<16xi32>, vector<16xi32>], vector<16xf32>,
            tpu.vector_store_idx %arg7[%broadcast_in_dim3A_710, %add3A_32], %select_n3A_695 : memref<96x144xf32, #tpu.memory_space<vmem>>[vector<16xi32>, vector<16xi32>], vector<16xf32>,
            tpu.vector_store_idx %arg7[%broadcast_in_dim3A_710, %add3A_35], %select_n3A_701 : memref<96x144xf32, #tpu.memory_space<vmem>>[vector<16xi32>, vector<16xi32>], vector<16xf32>,
            tpu.vector_store_idx %arg7[%broadcast_in_dim3A_710, %add3A_38], %select_n3A_703 : memref<96x144xf32, #tpu.memory_space<vmem>>[vector<16xi32>, vector<16xi32>], vector<16xf32>,
            %lt3A_711 = arith.constant 0 : i32
            %lt3A_712 = arith.cmpi slt, %squeeze3A_641, %lt3A_711 : i32
            %jit3A_713 = arith.constant 1024 : i32
            %select_n3A_714 = arith.select %lt3A_712, %jit3A_713, %squeeze3A_641 : i32
            %broadcast_in_dim3A_715 = vector.broadcast %select_n3A_714 : i32 to vector<16xi32>
            tpu.vector_store_idx %arg8[%broadcast_in_dim3A_710], %broadcast_in_dim3A_715 masked %eq3A_11 : memref<96xi32, #tpu.memory_space<vmem>>[vector<16xi32>], vector<16xi32>, vector<16xi1>
            %mul3A_716 = arith.constant 2048 : i32
            %mul3A_717 = arith.muli %scan3A_215, %mul3A_716 : i32
            %add3A_718 = arith.addi %mul3A_196, %mul3A_717 : i32
            %add3A_719 = arith.constant 896 : i32
            %add3A_720 = arith.addi %add3A_718, %add3A_719 : i32
            %add3A_721 = arith.constant 0 : i32
            %add3A_722 = arith.addi %add3A_720, %add3A_721 : i32
            %get3A_723 = arith.index_cast %add3A_722 : i32 to index
            %get3A_724 = tpu.vector_load %arg5[%get3A_723] {strides = array<i32>} : memref<102400xf32, #tpu.memory_space<vmem>>, vector<16xf32>,
            %add3A_725 = arith.addf %select_n3A_659, %get3A_724 : vector<16xf32>
            %select_n3A_726 = arith.select %ne3A_709, %get3A_724, %add3A_725 : vector<16xf32>
            %add3A_727 = arith.constant 16 : i32
            %add3A_728 = arith.addi %add3A_720, %add3A_727 : i32
            %get3A_729 = arith.index_cast %add3A_728 : i32 to index
            %get3A_730 = tpu.vector_load %arg5[%get3A_729] {strides = array<i32>} : memref<102400xf32, #tpu.memory_space<vmem>>, vector<16xf32>,
            %add3A_731 = arith.addf %select_n3A_665, %get3A_730 : vector<16xf32>
            %select_n3A_732 = arith.select %ne3A_709, %get3A_730, %add3A_731 : vector<16xf32>
            %add3A_733 = arith.constant 32 : i32
            %add3A_734 = arith.addi %add3A_720, %add3A_733 : i32
            %get3A_735 = arith.index_cast %add3A_734 : i32 to index
            %get3A_736 = tpu.vector_load %arg5[%get3A_735] {strides = array<i32>} : memref<102400xf32, #tpu.memory_space<vmem>>, vector<16xf32>,
            %add3A_737 = arith.addf %select_n3A_671, %get3A_736 : vector<16xf32>
            %select_n3A_738 = arith.select %ne3A_709, %get3A_736, %add3A_737 : vector<16xf32>
            %add3A_739 = arith.constant 48 : i32
            %add3A_740 = arith.addi %add3A_720, %add3A_739 : i32
            %get3A_741 = arith.index_cast %add3A_740 : i32 to index
            %get3A_742 = tpu.vector_load %arg5[%get3A_741] {strides = array<i32>} : memref<102400xf32, #tpu.memory_space<vmem>>, vector<16xf32>,
            %add3A_743 = arith.addf %select_n3A_677, %get3A_742 : vector<16xf32>
            %select_n3A_744 = arith.select %ne3A_709, %get3A_742, %add3A_743 : vector<16xf32>
            %add3A_745 = arith.constant 64 : i32
            %add3A_746 = arith.addi %add3A_720, %add3A_745 : i32
            %get3A_747 = arith.index_cast %add3A_746 : i32 to index
            %get3A_748 = tpu.vector_load %arg5[%get3A_747] {strides = array<i32>} : memref<102400xf32, #tpu.memory_space<vmem>>, vector<16xf32>,
            %add3A_749 = arith.addf %select_n3A_683, %get3A_748 : vector<16xf32>
            %select_n3A_750 = arith.select %ne3A_709, %get3A_748, %add3A_749 : vector<16xf32>
            %add3A_751 = arith.constant 80 : i32
            %add3A_752 = arith.addi %add3A_720, %add3A_751 : i32
            %get3A_753 = arith.index_cast %add3A_752 : i32 to index
            %get3A_754 = tpu.vector_load %arg5[%get3A_753] {strides = array<i32>} : memref<102400xf32, #tpu.memory_space<vmem>>, vector<16xf32>,
            %add3A_755 = arith.addf %select_n3A_689, %get3A_754 : vector<16xf32>
            %select_n3A_756 = arith.select %ne3A_709, %get3A_754, %add3A_755 : vector<16xf32>
            %add3A_757 = arith.constant 96 : i32
            %add3A_758 = arith.addi %add3A_720, %add3A_757 : i32
            %get3A_759 = arith.index_cast %add3A_758 : i32 to index
            %get3A_760 = tpu.vector_load %arg5[%get3A_759] {strides = array<i32>} : memref<102400xf32, #tpu.memory_space<vmem>>, vector<16xf32>,
            %add3A_761 = arith.addf %select_n3A_695, %get3A_760 : vector<16xf32>
            %select_n3A_762 = arith.select %ne3A_709, %get3A_760, %add3A_761 : vector<16xf32>
            %add3A_763 = arith.constant 112 : i32
            %add3A_764 = arith.addi %add3A_720, %add3A_763 : i32
            %get3A_765 = arith.index_cast %add3A_764 : i32 to index
            %get3A_766 = tpu.vector_load %arg5[%get3A_765] {strides = array<i32>} : memref<102400xf32, #tpu.memory_space<vmem>>, vector<16xf32>,
            %add3A_767 = arith.addf %select_n3A_701, %get3A_766 : vector<16xf32>
            %select_n3A_768 = arith.select %ne3A_709, %get3A_766, %add3A_767 : vector<16xf32>
            %add3A_769 = arith.addf %select_n3A_703, %select_n3A : vector<16xf32>
            %select_n3A_770 = arith.select %ne3A_709, %select_n3A, %add3A_769 : vector<16xf32>
            %add3A_771 = arith.constant 1 : i32
            %add3A_772 = arith.addi %select_n3A_706, %add3A_771 : i32
            %select_n3A_773 = arith.select %ne3A_709, %add3A_772, %select_n3A_706 : i32
            %slice3A_774 = vector.extract_strided_slice %get3A_231 {offsets = [8], sizes = [1], strides = [1]} : vector<16xi32> to vector<1xi32>
            %squeeze3A_775 = vector.extract %slice3A_774[0] : i32 from vector<1xi32>
            %ne3A_776 = arith.cmpi ne, %squeeze3A_775, %squeeze3A_708 : i32
            %broadcast_in_dim3A_777 = vector.broadcast %select_n3A_773 : i32 to vector<16xi32>
            tpu.vector_store_idx %arg7[%broadcast_in_dim3A_777, %add3A_14], %select_n3A_726 : memref<96x144xf32, #tpu.memory_space<vmem>>[vector<16xi32>, vector<16xi32>], vector<16xf32>,
            tpu.vector_store_idx %arg7[%broadcast_in_dim3A_777, %add3A_17], %select_n3A_732 : memref<96x144xf32, #tpu.memory_space<vmem>>[vector<16xi32>, vector<16xi32>], vector<16xf32>,
            tpu.vector_store_idx %arg7[%broadcast_in_dim3A_777, %add3A_20], %select_n3A_738 : memref<96x144xf32, #tpu.memory_space<vmem>>[vector<16xi32>, vector<16xi32>], vector<16xf32>,
            tpu.vector_store_idx %arg7[%broadcast_in_dim3A_777, %add3A_23], %select_n3A_744 : memref<96x144xf32, #tpu.memory_space<vmem>>[vector<16xi32>, vector<16xi32>], vector<16xf32>,
            tpu.vector_store_idx %arg7[%broadcast_in_dim3A_777, %add3A_26], %select_n3A_750 : memref<96x144xf32, #tpu.memory_space<vmem>>[vector<16xi32>, vector<16xi32>], vector<16xf32>,
            tpu.vector_store_idx %arg7[%broadcast_in_dim3A_777, %add3A_29], %select_n3A_756 : memref<96x144xf32, #tpu.memory_space<vmem>>[vector<16xi32>, vector<16xi32>], vector<16xf32>,
            tpu.vector_store_idx %arg7[%broadcast_in_dim3A_777, %add3A_32], %select_n3A_762 : memref<96x144xf32, #tpu.memory_space<vmem>>[vector<16xi32>, vector<16xi32>], vector<16xf32>,
            tpu.vector_store_idx %arg7[%broadcast_in_dim3A_777, %add3A_35], %select_n3A_768 : memref<96x144xf32, #tpu.memory_space<vmem>>[vector<16xi32>, vector<16xi32>], vector<16xf32>,
            tpu.vector_store_idx %arg7[%broadcast_in_dim3A_777, %add3A_38], %select_n3A_770 : memref<96x144xf32, #tpu.memory_space<vmem>>[vector<16xi32>, vector<16xi32>], vector<16xf32>,
            %lt3A_778 = arith.constant 0 : i32
            %lt3A_779 = arith.cmpi slt, %squeeze3A_708, %lt3A_778 : i32
            %jit3A_780 = arith.constant 1024 : i32
            %select_n3A_781 = arith.select %lt3A_779, %jit3A_780, %squeeze3A_708 : i32
            %broadcast_in_dim3A_782 = vector.broadcast %select_n3A_781 : i32 to vector<16xi32>
            tpu.vector_store_idx %arg8[%broadcast_in_dim3A_777], %broadcast_in_dim3A_782 masked %eq3A_11 : memref<96xi32, #tpu.memory_space<vmem>>[vector<16xi32>], vector<16xi32>, vector<16xi1>
            %mul3A_783 = arith.constant 2048 : i32
            %mul3A_784 = arith.muli %scan3A_215, %mul3A_783 : i32
            %add3A_785 = arith.addi %mul3A_196, %mul3A_784 : i32
            %add3A_786 = arith.constant 1024 : i32
            %add3A_787 = arith.addi %add3A_785, %add3A_786 : i32
            %add3A_788 = arith.constant 0 : i32
            %add3A_789 = arith.addi %add3A_787, %add3A_788 : i32
            %get3A_790 = arith.index_cast %add3A_789 : i32 to index
            %get3A_791 = tpu.vector_load %arg5[%get3A_790] {strides = array<i32>} : memref<102400xf32, #tpu.memory_space<vmem>>, vector<16xf32>,
            %add3A_792 = arith.addf %select_n3A_726, %get3A_791 : vector<16xf32>
            %select_n3A_793 = arith.select %ne3A_776, %get3A_791, %add3A_792 : vector<16xf32>
            %add3A_794 = arith.constant 16 : i32
            %add3A_795 = arith.addi %add3A_787, %add3A_794 : i32
            %get3A_796 = arith.index_cast %add3A_795 : i32 to index
            %get3A_797 = tpu.vector_load %arg5[%get3A_796] {strides = array<i32>} : memref<102400xf32, #tpu.memory_space<vmem>>, vector<16xf32>,
            %add3A_798 = arith.addf %select_n3A_732, %get3A_797 : vector<16xf32>
            %select_n3A_799 = arith.select %ne3A_776, %get3A_797, %add3A_798 : vector<16xf32>
            %add3A_800 = arith.constant 32 : i32
            %add3A_801 = arith.addi %add3A_787, %add3A_800 : i32
            %get3A_802 = arith.index_cast %add3A_801 : i32 to index
            %get3A_803 = tpu.vector_load %arg5[%get3A_802] {strides = array<i32>} : memref<102400xf32, #tpu.memory_space<vmem>>, vector<16xf32>,
            %add3A_804 = arith.addf %select_n3A_738, %get3A_803 : vector<16xf32>
            %select_n3A_805 = arith.select %ne3A_776, %get3A_803, %add3A_804 : vector<16xf32>
            %add3A_806 = arith.constant 48 : i32
            %add3A_807 = arith.addi %add3A_787, %add3A_806 : i32
            %get3A_808 = arith.index_cast %add3A_807 : i32 to index
            %get3A_809 = tpu.vector_load %arg5[%get3A_808] {strides = array<i32>} : memref<102400xf32, #tpu.memory_space<vmem>>, vector<16xf32>,
            %add3A_810 = arith.addf %select_n3A_744, %get3A_809 : vector<16xf32>
            %select_n3A_811 = arith.select %ne3A_776, %get3A_809, %add3A_810 : vector<16xf32>
            %add3A_812 = arith.constant 64 : i32
            %add3A_813 = arith.addi %add3A_787, %add3A_812 : i32
            %get3A_814 = arith.index_cast %add3A_813 : i32 to index
            %get3A_815 = tpu.vector_load %arg5[%get3A_814] {strides = array<i32>} : memref<102400xf32, #tpu.memory_space<vmem>>, vector<16xf32>,
            %add3A_816 = arith.addf %select_n3A_750, %get3A_815 : vector<16xf32>
            %select_n3A_817 = arith.select %ne3A_776, %get3A_815, %add3A_816 : vector<16xf32>
            %add3A_818 = arith.constant 80 : i32
            %add3A_819 = arith.addi %add3A_787, %add3A_818 : i32
            %get3A_820 = arith.index_cast %add3A_819 : i32 to index
            %get3A_821 = tpu.vector_load %arg5[%get3A_820] {strides = array<i32>} : memref<102400xf32, #tpu.memory_space<vmem>>, vector<16xf32>,
            %add3A_822 = arith.addf %select_n3A_756, %get3A_821 : vector<16xf32>
            %select_n3A_823 = arith.select %ne3A_776, %get3A_821, %add3A_822 : vector<16xf32>
            %add3A_824 = arith.constant 96 : i32
            %add3A_825 = arith.addi %add3A_787, %add3A_824 : i32
            %get3A_826 = arith.index_cast %add3A_825 : i32 to index
            %get3A_827 = tpu.vector_load %arg5[%get3A_826] {strides = array<i32>} : memref<102400xf32, #tpu.memory_space<vmem>>, vector<16xf32>,
            %add3A_828 = arith.addf %select_n3A_762, %get3A_827 : vector<16xf32>
            %select_n3A_829 = arith.select %ne3A_776, %get3A_827, %add3A_828 : vector<16xf32>
            %add3A_830 = arith.constant 112 : i32
            %add3A_831 = arith.addi %add3A_787, %add3A_830 : i32
            %get3A_832 = arith.index_cast %add3A_831 : i32 to index
            %get3A_833 = tpu.vector_load %arg5[%get3A_832] {strides = array<i32>} : memref<102400xf32, #tpu.memory_space<vmem>>, vector<16xf32>,
            %add3A_834 = arith.addf %select_n3A_768, %get3A_833 : vector<16xf32>
            %select_n3A_835 = arith.select %ne3A_776, %get3A_833, %add3A_834 : vector<16xf32>
            %add3A_836 = arith.addf %select_n3A_770, %select_n3A : vector<16xf32>
            %select_n3A_837 = arith.select %ne3A_776, %select_n3A, %add3A_836 : vector<16xf32>
            %add3A_838 = arith.constant 1 : i32
            %add3A_839 = arith.addi %select_n3A_773, %add3A_838 : i32
            %select_n3A_840 = arith.select %ne3A_776, %add3A_839, %select_n3A_773 : i32
            %slice3A_841 = vector.extract_strided_slice %get3A_231 {offsets = [9], sizes = [1], strides = [1]} : vector<16xi32> to vector<1xi32>
            %squeeze3A_842 = vector.extract %slice3A_841[0] : i32 from vector<1xi32>
            %ne3A_843 = arith.cmpi ne, %squeeze3A_842, %squeeze3A_775 : i32
            %broadcast_in_dim3A_844 = vector.broadcast %select_n3A_840 : i32 to vector<16xi32>
            tpu.vector_store_idx %arg7[%broadcast_in_dim3A_844, %add3A_14], %select_n3A_793 : memref<96x144xf32, #tpu.memory_space<vmem>>[vector<16xi32>, vector<16xi32>], vector<16xf32>,
            tpu.vector_store_idx %arg7[%broadcast_in_dim3A_844, %add3A_17], %select_n3A_799 : memref<96x144xf32, #tpu.memory_space<vmem>>[vector<16xi32>, vector<16xi32>], vector<16xf32>,
            tpu.vector_store_idx %arg7[%broadcast_in_dim3A_844, %add3A_20], %select_n3A_805 : memref<96x144xf32, #tpu.memory_space<vmem>>[vector<16xi32>, vector<16xi32>], vector<16xf32>,
            tpu.vector_store_idx %arg7[%broadcast_in_dim3A_844, %add3A_23], %select_n3A_811 : memref<96x144xf32, #tpu.memory_space<vmem>>[vector<16xi32>, vector<16xi32>], vector<16xf32>,
            tpu.vector_store_idx %arg7[%broadcast_in_dim3A_844, %add3A_26], %select_n3A_817 : memref<96x144xf32, #tpu.memory_space<vmem>>[vector<16xi32>, vector<16xi32>], vector<16xf32>,
            tpu.vector_store_idx %arg7[%broadcast_in_dim3A_844, %add3A_29], %select_n3A_823 : memref<96x144xf32, #tpu.memory_space<vmem>>[vector<16xi32>, vector<16xi32>], vector<16xf32>,
            tpu.vector_store_idx %arg7[%broadcast_in_dim3A_844, %add3A_32], %select_n3A_829 : memref<96x144xf32, #tpu.memory_space<vmem>>[vector<16xi32>, vector<16xi32>], vector<16xf32>,
            tpu.vector_store_idx %arg7[%broadcast_in_dim3A_844, %add3A_35], %select_n3A_835 : memref<96x144xf32, #tpu.memory_space<vmem>>[vector<16xi32>, vector<16xi32>], vector<16xf32>,
            tpu.vector_store_idx %arg7[%broadcast_in_dim3A_844, %add3A_38], %select_n3A_837 : memref<96x144xf32, #tpu.memory_space<vmem>>[vector<16xi32>, vector<16xi32>], vector<16xf32>,
            %lt3A_845 = arith.constant 0 : i32
            %lt3A_846 = arith.cmpi slt, %squeeze3A_775, %lt3A_845 : i32
            %jit3A_847 = arith.constant 1024 : i32
            %select_n3A_848 = arith.select %lt3A_846, %jit3A_847, %squeeze3A_775 : i32
            %broadcast_in_dim3A_849 = vector.broadcast %select_n3A_848 : i32 to vector<16xi32>
            tpu.vector_store_idx %arg8[%broadcast_in_dim3A_844], %broadcast_in_dim3A_849 masked %eq3A_11 : memref<96xi32, #tpu.memory_space<vmem>>[vector<16xi32>], vector<16xi32>, vector<16xi1>
            %mul3A_850 = arith.constant 2048 : i32
            %mul3A_851 = arith.muli %scan3A_215, %mul3A_850 : i32
            %add3A_852 = arith.addi %mul3A_196, %mul3A_851 : i32
            %add3A_853 = arith.constant 1152 : i32
            %add3A_854 = arith.addi %add3A_852, %add3A_853 : i32
            %add3A_855 = arith.constant 0 : i32
            %add3A_856 = arith.addi %add3A_854, %add3A_855 : i32
            %get3A_857 = arith.index_cast %add3A_856 : i32 to index
            %get3A_858 = tpu.vector_load %arg5[%get3A_857] {strides = array<i32>} : memref<102400xf32, #tpu.memory_space<vmem>>, vector<16xf32>,
            %add3A_859 = arith.addf %select_n3A_793, %get3A_858 : vector<16xf32>
            %select_n3A_860 = arith.select %ne3A_843, %get3A_858, %add3A_859 : vector<16xf32>
            %add3A_861 = arith.constant 16 : i32
            %add3A_862 = arith.addi %add3A_854, %add3A_861 : i32
            %get3A_863 = arith.index_cast %add3A_862 : i32 to index
            %get3A_864 = tpu.vector_load %arg5[%get3A_863] {strides = array<i32>} : memref<102400xf32, #tpu.memory_space<vmem>>, vector<16xf32>,
            %add3A_865 = arith.addf %select_n3A_799, %get3A_864 : vector<16xf32>
            %select_n3A_866 = arith.select %ne3A_843, %get3A_864, %add3A_865 : vector<16xf32>
            %add3A_867 = arith.constant 32 : i32
            %add3A_868 = arith.addi %add3A_854, %add3A_867 : i32
            %get3A_869 = arith.index_cast %add3A_868 : i32 to index
            %get3A_870 = tpu.vector_load %arg5[%get3A_869] {strides = array<i32>} : memref<102400xf32, #tpu.memory_space<vmem>>, vector<16xf32>,
            %add3A_871 = arith.addf %select_n3A_805, %get3A_870 : vector<16xf32>
            %select_n3A_872 = arith.select %ne3A_843, %get3A_870, %add3A_871 : vector<16xf32>
            %add3A_873 = arith.constant 48 : i32
            %add3A_874 = arith.addi %add3A_854, %add3A_873 : i32
            %get3A_875 = arith.index_cast %add3A_874 : i32 to index
            %get3A_876 = tpu.vector_load %arg5[%get3A_875] {strides = array<i32>} : memref<102400xf32, #tpu.memory_space<vmem>>, vector<16xf32>,
            %add3A_877 = arith.addf %select_n3A_811, %get3A_876 : vector<16xf32>
            %select_n3A_878 = arith.select %ne3A_843, %get3A_876, %add3A_877 : vector<16xf32>
            %add3A_879 = arith.constant 64 : i32
            %add3A_880 = arith.addi %add3A_854, %add3A_879 : i32
            %get3A_881 = arith.index_cast %add3A_880 : i32 to index
            %get3A_882 = tpu.vector_load %arg5[%get3A_881] {strides = array<i32>} : memref<102400xf32, #tpu.memory_space<vmem>>, vector<16xf32>,
            %add3A_883 = arith.addf %select_n3A_817, %get3A_882 : vector<16xf32>
            %select_n3A_884 = arith.select %ne3A_843, %get3A_882, %add3A_883 : vector<16xf32>
            %add3A_885 = arith.constant 80 : i32
            %add3A_886 = arith.addi %add3A_854, %add3A_885 : i32
            %get3A_887 = arith.index_cast %add3A_886 : i32 to index
            %get3A_888 = tpu.vector_load %arg5[%get3A_887] {strides = array<i32>} : memref<102400xf32, #tpu.memory_space<vmem>>, vector<16xf32>,
            %add3A_889 = arith.addf %select_n3A_823, %get3A_888 : vector<16xf32>
            %select_n3A_890 = arith.select %ne3A_843, %get3A_888, %add3A_889 : vector<16xf32>
            %add3A_891 = arith.constant 96 : i32
            %add3A_892 = arith.addi %add3A_854, %add3A_891 : i32
            %get3A_893 = arith.index_cast %add3A_892 : i32 to index
            %get3A_894 = tpu.vector_load %arg5[%get3A_893] {strides = array<i32>} : memref<102400xf32, #tpu.memory_space<vmem>>, vector<16xf32>,
            %add3A_895 = arith.addf %select_n3A_829, %get3A_894 : vector<16xf32>
            %select_n3A_896 = arith.select %ne3A_843, %get3A_894, %add3A_895 : vector<16xf32>
            %add3A_897 = arith.constant 112 : i32
            %add3A_898 = arith.addi %add3A_854, %add3A_897 : i32
            %get3A_899 = arith.index_cast %add3A_898 : i32 to index
            %get3A_900 = tpu.vector_load %arg5[%get3A_899] {strides = array<i32>} : memref<102400xf32, #tpu.memory_space<vmem>>, vector<16xf32>,
            %add3A_901 = arith.addf %select_n3A_835, %get3A_900 : vector<16xf32>
            %select_n3A_902 = arith.select %ne3A_843, %get3A_900, %add3A_901 : vector<16xf32>
            %add3A_903 = arith.addf %select_n3A_837, %select_n3A : vector<16xf32>
            %select_n3A_904 = arith.select %ne3A_843, %select_n3A, %add3A_903 : vector<16xf32>
            %add3A_905 = arith.constant 1 : i32
            %add3A_906 = arith.addi %select_n3A_840, %add3A_905 : i32
            %select_n3A_907 = arith.select %ne3A_843, %add3A_906, %select_n3A_840 : i32
            %slice3A_908 = vector.extract_strided_slice %get3A_231 {offsets = [10], sizes = [1], strides = [1]} : vector<16xi32> to vector<1xi32>
            %squeeze3A_909 = vector.extract %slice3A_908[0] : i32 from vector<1xi32>
            %ne3A_910 = arith.cmpi ne, %squeeze3A_909, %squeeze3A_842 : i32
            %broadcast_in_dim3A_911 = vector.broadcast %select_n3A_907 : i32 to vector<16xi32>
            tpu.vector_store_idx %arg7[%broadcast_in_dim3A_911, %add3A_14], %select_n3A_860 : memref<96x144xf32, #tpu.memory_space<vmem>>[vector<16xi32>, vector<16xi32>], vector<16xf32>,
            tpu.vector_store_idx %arg7[%broadcast_in_dim3A_911, %add3A_17], %select_n3A_866 : memref<96x144xf32, #tpu.memory_space<vmem>>[vector<16xi32>, vector<16xi32>], vector<16xf32>,
            tpu.vector_store_idx %arg7[%broadcast_in_dim3A_911, %add3A_20], %select_n3A_872 : memref<96x144xf32, #tpu.memory_space<vmem>>[vector<16xi32>, vector<16xi32>], vector<16xf32>,
            tpu.vector_store_idx %arg7[%broadcast_in_dim3A_911, %add3A_23], %select_n3A_878 : memref<96x144xf32, #tpu.memory_space<vmem>>[vector<16xi32>, vector<16xi32>], vector<16xf32>,
            tpu.vector_store_idx %arg7[%broadcast_in_dim3A_911, %add3A_26], %select_n3A_884 : memref<96x144xf32, #tpu.memory_space<vmem>>[vector<16xi32>, vector<16xi32>], vector<16xf32>,
            tpu.vector_store_idx %arg7[%broadcast_in_dim3A_911, %add3A_29], %select_n3A_890 : memref<96x144xf32, #tpu.memory_space<vmem>>[vector<16xi32>, vector<16xi32>], vector<16xf32>,
            tpu.vector_store_idx %arg7[%broadcast_in_dim3A_911, %add3A_32], %select_n3A_896 : memref<96x144xf32, #tpu.memory_space<vmem>>[vector<16xi32>, vector<16xi32>], vector<16xf32>,
            tpu.vector_store_idx %arg7[%broadcast_in_dim3A_911, %add3A_35], %select_n3A_902 : memref<96x144xf32, #tpu.memory_space<vmem>>[vector<16xi32>, vector<16xi32>], vector<16xf32>,
            tpu.vector_store_idx %arg7[%broadcast_in_dim3A_911, %add3A_38], %select_n3A_904 : memref<96x144xf32, #tpu.memory_space<vmem>>[vector<16xi32>, vector<16xi32>], vector<16xf32>,
            %lt3A_912 = arith.constant 0 : i32
            %lt3A_913 = arith.cmpi slt, %squeeze3A_842, %lt3A_912 : i32
            %jit3A_914 = arith.constant 1024 : i32
            %select_n3A_915 = arith.select %lt3A_913, %jit3A_914, %squeeze3A_842 : i32
            %broadcast_in_dim3A_916 = vector.broadcast %select_n3A_915 : i32 to vector<16xi32>
            tpu.vector_store_idx %arg8[%broadcast_in_dim3A_911], %broadcast_in_dim3A_916 masked %eq3A_11 : memref<96xi32, #tpu.memory_space<vmem>>[vector<16xi32>], vector<16xi32>, vector<16xi1>
            %mul3A_917 = arith.constant 2048 : i32
            %mul3A_918 = arith.muli %scan3A_215, %mul3A_917 : i32
            %add3A_919 = arith.addi %mul3A_196, %mul3A_918 : i32
            %add3A_920 = arith.constant 1280 : i32
            %add3A_921 = arith.addi %add3A_919, %add3A_920 : i32
            %add3A_922 = arith.constant 0 : i32
            %add3A_923 = arith.addi %add3A_921, %add3A_922 : i32
            %get3A_924 = arith.index_cast %add3A_923 : i32 to index
            %get3A_925 = tpu.vector_load %arg5[%get3A_924] {strides = array<i32>} : memref<102400xf32, #tpu.memory_space<vmem>>, vector<16xf32>,
            %add3A_926 = arith.addf %select_n3A_860, %get3A_925 : vector<16xf32>
            %select_n3A_927 = arith.select %ne3A_910, %get3A_925, %add3A_926 : vector<16xf32>
            %add3A_928 = arith.constant 16 : i32
            %add3A_929 = arith.addi %add3A_921, %add3A_928 : i32
            %get3A_930 = arith.index_cast %add3A_929 : i32 to index
            %get3A_931 = tpu.vector_load %arg5[%get3A_930] {strides = array<i32>} : memref<102400xf32, #tpu.memory_space<vmem>>, vector<16xf32>,
            %add3A_932 = arith.addf %select_n3A_866, %get3A_931 : vector<16xf32>
            %select_n3A_933 = arith.select %ne3A_910, %get3A_931, %add3A_932 : vector<16xf32>
            %add3A_934 = arith.constant 32 : i32
            %add3A_935 = arith.addi %add3A_921, %add3A_934 : i32
            %get3A_936 = arith.index_cast %add3A_935 : i32 to index
            %get3A_937 = tpu.vector_load %arg5[%get3A_936] {strides = array<i32>} : memref<102400xf32, #tpu.memory_space<vmem>>, vector<16xf32>,
            %add3A_938 = arith.addf %select_n3A_872, %get3A_937 : vector<16xf32>
            %select_n3A_939 = arith.select %ne3A_910, %get3A_937, %add3A_938 : vector<16xf32>
            %add3A_940 = arith.constant 48 : i32
            %add3A_941 = arith.addi %add3A_921, %add3A_940 : i32
            %get3A_942 = arith.index_cast %add3A_941 : i32 to index
            %get3A_943 = tpu.vector_load %arg5[%get3A_942] {strides = array<i32>} : memref<102400xf32, #tpu.memory_space<vmem>>, vector<16xf32>,
            %add3A_944 = arith.addf %select_n3A_878, %get3A_943 : vector<16xf32>
            %select_n3A_945 = arith.select %ne3A_910, %get3A_943, %add3A_944 : vector<16xf32>
            %add3A_946 = arith.constant 64 : i32
            %add3A_947 = arith.addi %add3A_921, %add3A_946 : i32
            %get3A_948 = arith.index_cast %add3A_947 : i32 to index
            %get3A_949 = tpu.vector_load %arg5[%get3A_948] {strides = array<i32>} : memref<102400xf32, #tpu.memory_space<vmem>>, vector<16xf32>,
            %add3A_950 = arith.addf %select_n3A_884, %get3A_949 : vector<16xf32>
            %select_n3A_951 = arith.select %ne3A_910, %get3A_949, %add3A_950 : vector<16xf32>
            %add3A_952 = arith.constant 80 : i32
            %add3A_953 = arith.addi %add3A_921, %add3A_952 : i32
            %get3A_954 = arith.index_cast %add3A_953 : i32 to index
            %get3A_955 = tpu.vector_load %arg5[%get3A_954] {strides = array<i32>} : memref<102400xf32, #tpu.memory_space<vmem>>, vector<16xf32>,
            %add3A_956 = arith.addf %select_n3A_890, %get3A_955 : vector<16xf32>
            %select_n3A_957 = arith.select %ne3A_910, %get3A_955, %add3A_956 : vector<16xf32>
            %add3A_958 = arith.constant 96 : i32
            %add3A_959 = arith.addi %add3A_921, %add3A_958 : i32
            %get3A_960 = arith.index_cast %add3A_959 : i32 to index
            %get3A_961 = tpu.vector_load %arg5[%get3A_960] {strides = array<i32>} : memref<102400xf32, #tpu.memory_space<vmem>>, vector<16xf32>,
            %add3A_962 = arith.addf %select_n3A_896, %get3A_961 : vector<16xf32>
            %select_n3A_963 = arith.select %ne3A_910, %get3A_961, %add3A_962 : vector<16xf32>
            %add3A_964 = arith.constant 112 : i32
            %add3A_965 = arith.addi %add3A_921, %add3A_964 : i32
            %get3A_966 = arith.index_cast %add3A_965 : i32 to index
            %get3A_967 = tpu.vector_load %arg5[%get3A_966] {strides = array<i32>} : memref<102400xf32, #tpu.memory_space<vmem>>, vector<16xf32>,
            %add3A_968 = arith.addf %select_n3A_902, %get3A_967 : vector<16xf32>
            %select_n3A_969 = arith.select %ne3A_910, %get3A_967, %add3A_968 : vector<16xf32>
            %add3A_970 = arith.addf %select_n3A_904, %select_n3A : vector<16xf32>
            %select_n3A_971 = arith.select %ne3A_910, %select_n3A, %add3A_970 : vector<16xf32>
            %add3A_972 = arith.constant 1 : i32
            %add3A_973 = arith.addi %select_n3A_907, %add3A_972 : i32
            %select_n3A_974 = arith.select %ne3A_910, %add3A_973, %select_n3A_907 : i32
            %slice3A_975 = vector.extract_strided_slice %get3A_231 {offsets = [11], sizes = [1], strides = [1]} : vector<16xi32> to vector<1xi32>
            %squeeze3A_976 = vector.extract %slice3A_975[0] : i32 from vector<1xi32>
            %ne3A_977 = arith.cmpi ne, %squeeze3A_976, %squeeze3A_909 : i32
            %broadcast_in_dim3A_978 = vector.broadcast %select_n3A_974 : i32 to vector<16xi32>
            tpu.vector_store_idx %arg7[%broadcast_in_dim3A_978, %add3A_14], %select_n3A_927 : memref<96x144xf32, #tpu.memory_space<vmem>>[vector<16xi32>, vector<16xi32>], vector<16xf32>,
            tpu.vector_store_idx %arg7[%broadcast_in_dim3A_978, %add3A_17], %select_n3A_933 : memref<96x144xf32, #tpu.memory_space<vmem>>[vector<16xi32>, vector<16xi32>], vector<16xf32>,
            tpu.vector_store_idx %arg7[%broadcast_in_dim3A_978, %add3A_20], %select_n3A_939 : memref<96x144xf32, #tpu.memory_space<vmem>>[vector<16xi32>, vector<16xi32>], vector<16xf32>,
            tpu.vector_store_idx %arg7[%broadcast_in_dim3A_978, %add3A_23], %select_n3A_945 : memref<96x144xf32, #tpu.memory_space<vmem>>[vector<16xi32>, vector<16xi32>], vector<16xf32>,
            tpu.vector_store_idx %arg7[%broadcast_in_dim3A_978, %add3A_26], %select_n3A_951 : memref<96x144xf32, #tpu.memory_space<vmem>>[vector<16xi32>, vector<16xi32>], vector<16xf32>,
            tpu.vector_store_idx %arg7[%broadcast_in_dim3A_978, %add3A_29], %select_n3A_957 : memref<96x144xf32, #tpu.memory_space<vmem>>[vector<16xi32>, vector<16xi32>], vector<16xf32>,
            tpu.vector_store_idx %arg7[%broadcast_in_dim3A_978, %add3A_32], %select_n3A_963 : memref<96x144xf32, #tpu.memory_space<vmem>>[vector<16xi32>, vector<16xi32>], vector<16xf32>,
            tpu.vector_store_idx %arg7[%broadcast_in_dim3A_978, %add3A_35], %select_n3A_969 : memref<96x144xf32, #tpu.memory_space<vmem>>[vector<16xi32>, vector<16xi32>], vector<16xf32>,
            tpu.vector_store_idx %arg7[%broadcast_in_dim3A_978, %add3A_38], %select_n3A_971 : memref<96x144xf32, #tpu.memory_space<vmem>>[vector<16xi32>, vector<16xi32>], vector<16xf32>,
            %lt3A_979 = arith.constant 0 : i32
            %lt3A_980 = arith.cmpi slt, %squeeze3A_909, %lt3A_979 : i32
            %jit3A_981 = arith.constant 1024 : i32
            %select_n3A_982 = arith.select %lt3A_980, %jit3A_981, %squeeze3A_909 : i32
            %broadcast_in_dim3A_983 = vector.broadcast %select_n3A_982 : i32 to vector<16xi32>
            tpu.vector_store_idx %arg8[%broadcast_in_dim3A_978], %broadcast_in_dim3A_983 masked %eq3A_11 : memref<96xi32, #tpu.memory_space<vmem>>[vector<16xi32>], vector<16xi32>, vector<16xi1>
            %mul3A_984 = arith.constant 2048 : i32
            %mul3A_985 = arith.muli %scan3A_215, %mul3A_984 : i32
            %add3A_986 = arith.addi %mul3A_196, %mul3A_985 : i32
            %add3A_987 = arith.constant 1408 : i32
            %add3A_988 = arith.addi %add3A_986, %add3A_987 : i32
            %add3A_989 = arith.constant 0 : i32
            %add3A_990 = arith.addi %add3A_988, %add3A_989 : i32
            %get3A_991 = arith.index_cast %add3A_990 : i32 to index
            %get3A_992 = tpu.vector_load %arg5[%get3A_991] {strides = array<i32>} : memref<102400xf32, #tpu.memory_space<vmem>>, vector<16xf32>,
            %add3A_993 = arith.addf %select_n3A_927, %get3A_992 : vector<16xf32>
            %select_n3A_994 = arith.select %ne3A_977, %get3A_992, %add3A_993 : vector<16xf32>
            %add3A_995 = arith.constant 16 : i32
            %add3A_996 = arith.addi %add3A_988, %add3A_995 : i32
            %get3A_997 = arith.index_cast %add3A_996 : i32 to index
            %get3A_998 = tpu.vector_load %arg5[%get3A_997] {strides = array<i32>} : memref<102400xf32, #tpu.memory_space<vmem>>, vector<16xf32>,
            %add3A_999 = arith.addf %select_n3A_933, %get3A_998 : vector<16xf32>
            %select_n3A_1000 = arith.select %ne3A_977, %get3A_998, %add3A_999 : vector<16xf32>
            %add3A_1001 = arith.constant 32 : i32
            %add3A_1002 = arith.addi %add3A_988, %add3A_1001 : i32
            %get3A_1003 = arith.index_cast %add3A_1002 : i32 to index
            %get3A_1004 = tpu.vector_load %arg5[%get3A_1003] {strides = array<i32>} : memref<102400xf32, #tpu.memory_space<vmem>>, vector<16xf32>,
            %add3A_1005 = arith.addf %select_n3A_939, %get3A_1004 : vector<16xf32>
            %select_n3A_1006 = arith.select %ne3A_977, %get3A_1004, %add3A_1005 : vector<16xf32>
            %add3A_1007 = arith.constant 48 : i32
            %add3A_1008 = arith.addi %add3A_988, %add3A_1007 : i32
            %get3A_1009 = arith.index_cast %add3A_1008 : i32 to index
            %get3A_1010 = tpu.vector_load %arg5[%get3A_1009] {strides = array<i32>} : memref<102400xf32, #tpu.memory_space<vmem>>, vector<16xf32>,
            %add3A_1011 = arith.addf %select_n3A_945, %get3A_1010 : vector<16xf32>
            %select_n3A_1012 = arith.select %ne3A_977, %get3A_1010, %add3A_1011 : vector<16xf32>
            %add3A_1013 = arith.constant 64 : i32
            %add3A_1014 = arith.addi %add3A_988, %add3A_1013 : i32
            %get3A_1015 = arith.index_cast %add3A_1014 : i32 to index
            %get3A_1016 = tpu.vector_load %arg5[%get3A_1015] {strides = array<i32>} : memref<102400xf32, #tpu.memory_space<vmem>>, vector<16xf32>,
            %add3A_1017 = arith.addf %select_n3A_951, %get3A_1016 : vector<16xf32>
            %select_n3A_1018 = arith.select %ne3A_977, %get3A_1016, %add3A_1017 : vector<16xf32>
            %add3A_1019 = arith.constant 80 : i32
            %add3A_1020 = arith.addi %add3A_988, %add3A_1019 : i32
            %get3A_1021 = arith.index_cast %add3A_1020 : i32 to index
            %get3A_1022 = tpu.vector_load %arg5[%get3A_1021] {strides = array<i32>} : memref<102400xf32, #tpu.memory_space<vmem>>, vector<16xf32>,
            %add3A_1023 = arith.addf %select_n3A_957, %get3A_1022 : vector<16xf32>
            %select_n3A_1024 = arith.select %ne3A_977, %get3A_1022, %add3A_1023 : vector<16xf32>
            %add3A_1025 = arith.constant 96 : i32
            %add3A_1026 = arith.addi %add3A_988, %add3A_1025 : i32
            %get3A_1027 = arith.index_cast %add3A_1026 : i32 to index
            %get3A_1028 = tpu.vector_load %arg5[%get3A_1027] {strides = array<i32>} : memref<102400xf32, #tpu.memory_space<vmem>>, vector<16xf32>,
            %add3A_1029 = arith.addf %select_n3A_963, %get3A_1028 : vector<16xf32>
            %select_n3A_1030 = arith.select %ne3A_977, %get3A_1028, %add3A_1029 : vector<16xf32>
            %add3A_1031 = arith.constant 112 : i32
            %add3A_1032 = arith.addi %add3A_988, %add3A_1031 : i32
            %get3A_1033 = arith.index_cast %add3A_1032 : i32 to index
            %get3A_1034 = tpu.vector_load %arg5[%get3A_1033] {strides = array<i32>} : memref<102400xf32, #tpu.memory_space<vmem>>, vector<16xf32>,
            %add3A_1035 = arith.addf %select_n3A_969, %get3A_1034 : vector<16xf32>
            %select_n3A_1036 = arith.select %ne3A_977, %get3A_1034, %add3A_1035 : vector<16xf32>
            %add3A_1037 = arith.addf %select_n3A_971, %select_n3A : vector<16xf32>
            %select_n3A_1038 = arith.select %ne3A_977, %select_n3A, %add3A_1037 : vector<16xf32>
            %add3A_1039 = arith.constant 1 : i32
            %add3A_1040 = arith.addi %select_n3A_974, %add3A_1039 : i32
            %select_n3A_1041 = arith.select %ne3A_977, %add3A_1040, %select_n3A_974 : i32
            %slice3A_1042 = vector.extract_strided_slice %get3A_231 {offsets = [12], sizes = [1], strides = [1]} : vector<16xi32> to vector<1xi32>
            %squeeze3A_1043 = vector.extract %slice3A_1042[0] : i32 from vector<1xi32>
            %ne3A_1044 = arith.cmpi ne, %squeeze3A_1043, %squeeze3A_976 : i32
            %broadcast_in_dim3A_1045 = vector.broadcast %select_n3A_1041 : i32 to vector<16xi32>
            tpu.vector_store_idx %arg7[%broadcast_in_dim3A_1045, %add3A_14], %select_n3A_994 : memref<96x144xf32, #tpu.memory_space<vmem>>[vector<16xi32>, vector<16xi32>], vector<16xf32>,
            tpu.vector_store_idx %arg7[%broadcast_in_dim3A_1045, %add3A_17], %select_n3A_1000 : memref<96x144xf32, #tpu.memory_space<vmem>>[vector<16xi32>, vector<16xi32>], vector<16xf32>,
            tpu.vector_store_idx %arg7[%broadcast_in_dim3A_1045, %add3A_20], %select_n3A_1006 : memref<96x144xf32, #tpu.memory_space<vmem>>[vector<16xi32>, vector<16xi32>], vector<16xf32>,
            tpu.vector_store_idx %arg7[%broadcast_in_dim3A_1045, %add3A_23], %select_n3A_1012 : memref<96x144xf32, #tpu.memory_space<vmem>>[vector<16xi32>, vector<16xi32>], vector<16xf32>,
            tpu.vector_store_idx %arg7[%broadcast_in_dim3A_1045, %add3A_26], %select_n3A_1018 : memref<96x144xf32, #tpu.memory_space<vmem>>[vector<16xi32>, vector<16xi32>], vector<16xf32>,
            tpu.vector_store_idx %arg7[%broadcast_in_dim3A_1045, %add3A_29], %select_n3A_1024 : memref<96x144xf32, #tpu.memory_space<vmem>>[vector<16xi32>, vector<16xi32>], vector<16xf32>,
            tpu.vector_store_idx %arg7[%broadcast_in_dim3A_1045, %add3A_32], %select_n3A_1030 : memref<96x144xf32, #tpu.memory_space<vmem>>[vector<16xi32>, vector<16xi32>], vector<16xf32>,
            tpu.vector_store_idx %arg7[%broadcast_in_dim3A_1045, %add3A_35], %select_n3A_1036 : memref<96x144xf32, #tpu.memory_space<vmem>>[vector<16xi32>, vector<16xi32>], vector<16xf32>,
            tpu.vector_store_idx %arg7[%broadcast_in_dim3A_1045, %add3A_38], %select_n3A_1038 : memref<96x144xf32, #tpu.memory_space<vmem>>[vector<16xi32>, vector<16xi32>], vector<16xf32>,
            %lt3A_1046 = arith.constant 0 : i32
            %lt3A_1047 = arith.cmpi slt, %squeeze3A_976, %lt3A_1046 : i32
            %jit3A_1048 = arith.constant 1024 : i32
            %select_n3A_1049 = arith.select %lt3A_1047, %jit3A_1048, %squeeze3A_976 : i32
            %broadcast_in_dim3A_1050 = vector.broadcast %select_n3A_1049 : i32 to vector<16xi32>
            tpu.vector_store_idx %arg8[%broadcast_in_dim3A_1045], %broadcast_in_dim3A_1050 masked %eq3A_11 : memref<96xi32, #tpu.memory_space<vmem>>[vector<16xi32>], vector<16xi32>, vector<16xi1>
            %mul3A_1051 = arith.constant 2048 : i32
            %mul3A_1052 = arith.muli %scan3A_215, %mul3A_1051 : i32
            %add3A_1053 = arith.addi %mul3A_196, %mul3A_1052 : i32
            %add3A_1054 = arith.constant 1536 : i32
            %add3A_1055 = arith.addi %add3A_1053, %add3A_1054 : i32
            %add3A_1056 = arith.constant 0 : i32
            %add3A_1057 = arith.addi %add3A_1055, %add3A_1056 : i32
            %get3A_1058 = arith.index_cast %add3A_1057 : i32 to index
            %get3A_1059 = tpu.vector_load %arg5[%get3A_1058] {strides = array<i32>} : memref<102400xf32, #tpu.memory_space<vmem>>, vector<16xf32>,
            %add3A_1060 = arith.addf %select_n3A_994, %get3A_1059 : vector<16xf32>
            %select_n3A_1061 = arith.select %ne3A_1044, %get3A_1059, %add3A_1060 : vector<16xf32>
            %add3A_1062 = arith.constant 16 : i32
            %add3A_1063 = arith.addi %add3A_1055, %add3A_1062 : i32
            %get3A_1064 = arith.index_cast %add3A_1063 : i32 to index
            %get3A_1065 = tpu.vector_load %arg5[%get3A_1064] {strides = array<i32>} : memref<102400xf32, #tpu.memory_space<vmem>>, vector<16xf32>,
            %add3A_1066 = arith.addf %select_n3A_1000, %get3A_1065 : vector<16xf32>
            %select_n3A_1067 = arith.select %ne3A_1044, %get3A_1065, %add3A_1066 : vector<16xf32>
            %add3A_1068 = arith.constant 32 : i32
            %add3A_1069 = arith.addi %add3A_1055, %add3A_1068 : i32
            %get3A_1070 = arith.index_cast %add3A_1069 : i32 to index
            %get3A_1071 = tpu.vector_load %arg5[%get3A_1070] {strides = array<i32>} : memref<102400xf32, #tpu.memory_space<vmem>>, vector<16xf32>,
            %add3A_1072 = arith.addf %select_n3A_1006, %get3A_1071 : vector<16xf32>
            %select_n3A_1073 = arith.select %ne3A_1044, %get3A_1071, %add3A_1072 : vector<16xf32>
            %add3A_1074 = arith.constant 48 : i32
            %add3A_1075 = arith.addi %add3A_1055, %add3A_1074 : i32
            %get3A_1076 = arith.index_cast %add3A_1075 : i32 to index
            %get3A_1077 = tpu.vector_load %arg5[%get3A_1076] {strides = array<i32>} : memref<102400xf32, #tpu.memory_space<vmem>>, vector<16xf32>,
            %add3A_1078 = arith.addf %select_n3A_1012, %get3A_1077 : vector<16xf32>
            %select_n3A_1079 = arith.select %ne3A_1044, %get3A_1077, %add3A_1078 : vector<16xf32>
            %add3A_1080 = arith.constant 64 : i32
            %add3A_1081 = arith.addi %add3A_1055, %add3A_1080 : i32
            %get3A_1082 = arith.index_cast %add3A_1081 : i32 to index
            %get3A_1083 = tpu.vector_load %arg5[%get3A_1082] {strides = array<i32>} : memref<102400xf32, #tpu.memory_space<vmem>>, vector<16xf32>,
            %add3A_1084 = arith.addf %select_n3A_1018, %get3A_1083 : vector<16xf32>
            %select_n3A_1085 = arith.select %ne3A_1044, %get3A_1083, %add3A_1084 : vector<16xf32>
            %add3A_1086 = arith.constant 80 : i32
            %add3A_1087 = arith.addi %add3A_1055, %add3A_1086 : i32
            %get3A_1088 = arith.index_cast %add3A_1087 : i32 to index
            %get3A_1089 = tpu.vector_load %arg5[%get3A_1088] {strides = array<i32>} : memref<102400xf32, #tpu.memory_space<vmem>>, vector<16xf32>,
            %add3A_1090 = arith.addf %select_n3A_1024, %get3A_1089 : vector<16xf32>
            %select_n3A_1091 = arith.select %ne3A_1044, %get3A_1089, %add3A_1090 : vector<16xf32>
            %add3A_1092 = arith.constant 96 : i32
            %add3A_1093 = arith.addi %add3A_1055, %add3A_1092 : i32
            %get3A_1094 = arith.index_cast %add3A_1093 : i32 to index
            %get3A_1095 = tpu.vector_load %arg5[%get3A_1094] {strides = array<i32>} : memref<102400xf32, #tpu.memory_space<vmem>>, vector<16xf32>,
            %add3A_1096 = arith.addf %select_n3A_1030, %get3A_1095 : vector<16xf32>
            %select_n3A_1097 = arith.select %ne3A_1044, %get3A_1095, %add3A_1096 : vector<16xf32>
            %add3A_1098 = arith.constant 112 : i32
            %add3A_1099 = arith.addi %add3A_1055, %add3A_1098 : i32
            %get3A_1100 = arith.index_cast %add3A_1099 : i32 to index
            %get3A_1101 = tpu.vector_load %arg5[%get3A_1100] {strides = array<i32>} : memref<102400xf32, #tpu.memory_space<vmem>>, vector<16xf32>,
            %add3A_1102 = arith.addf %select_n3A_1036, %get3A_1101 : vector<16xf32>
            %select_n3A_1103 = arith.select %ne3A_1044, %get3A_1101, %add3A_1102 : vector<16xf32>
            %add3A_1104 = arith.addf %select_n3A_1038, %select_n3A : vector<16xf32>
            %select_n3A_1105 = arith.select %ne3A_1044, %select_n3A, %add3A_1104 : vector<16xf32>
            %add3A_1106 = arith.constant 1 : i32
            %add3A_1107 = arith.addi %select_n3A_1041, %add3A_1106 : i32
            %select_n3A_1108 = arith.select %ne3A_1044, %add3A_1107, %select_n3A_1041 : i32
            %slice3A_1109 = vector.extract_strided_slice %get3A_231 {offsets = [13], sizes = [1], strides = [1]} : vector<16xi32> to vector<1xi32>
            %squeeze3A_1110 = vector.extract %slice3A_1109[0] : i32 from vector<1xi32>
            %ne3A_1111 = arith.cmpi ne, %squeeze3A_1110, %squeeze3A_1043 : i32
            %broadcast_in_dim3A_1112 = vector.broadcast %select_n3A_1108 : i32 to vector<16xi32>
            tpu.vector_store_idx %arg7[%broadcast_in_dim3A_1112, %add3A_14], %select_n3A_1061 : memref<96x144xf32, #tpu.memory_space<vmem>>[vector<16xi32>, vector<16xi32>], vector<16xf32>,
            tpu.vector_store_idx %arg7[%broadcast_in_dim3A_1112, %add3A_17], %select_n3A_1067 : memref<96x144xf32, #tpu.memory_space<vmem>>[vector<16xi32>, vector<16xi32>], vector<16xf32>,
            tpu.vector_store_idx %arg7[%broadcast_in_dim3A_1112, %add3A_20], %select_n3A_1073 : memref<96x144xf32, #tpu.memory_space<vmem>>[vector<16xi32>, vector<16xi32>], vector<16xf32>,
            tpu.vector_store_idx %arg7[%broadcast_in_dim3A_1112, %add3A_23], %select_n3A_1079 : memref<96x144xf32, #tpu.memory_space<vmem>>[vector<16xi32>, vector<16xi32>], vector<16xf32>,
            tpu.vector_store_idx %arg7[%broadcast_in_dim3A_1112, %add3A_26], %select_n3A_1085 : memref<96x144xf32, #tpu.memory_space<vmem>>[vector<16xi32>, vector<16xi32>], vector<16xf32>,
            tpu.vector_store_idx %arg7[%broadcast_in_dim3A_1112, %add3A_29], %select_n3A_1091 : memref<96x144xf32, #tpu.memory_space<vmem>>[vector<16xi32>, vector<16xi32>], vector<16xf32>,
            tpu.vector_store_idx %arg7[%broadcast_in_dim3A_1112, %add3A_32], %select_n3A_1097 : memref<96x144xf32, #tpu.memory_space<vmem>>[vector<16xi32>, vector<16xi32>], vector<16xf32>,
            tpu.vector_store_idx %arg7[%broadcast_in_dim3A_1112, %add3A_35], %select_n3A_1103 : memref<96x144xf32, #tpu.memory_space<vmem>>[vector<16xi32>, vector<16xi32>], vector<16xf32>,
            tpu.vector_store_idx %arg7[%broadcast_in_dim3A_1112, %add3A_38], %select_n3A_1105 : memref<96x144xf32, #tpu.memory_space<vmem>>[vector<16xi32>, vector<16xi32>], vector<16xf32>,
            %lt3A_1113 = arith.constant 0 : i32
            %lt3A_1114 = arith.cmpi slt, %squeeze3A_1043, %lt3A_1113 : i32
            %jit3A_1115 = arith.constant 1024 : i32
            %select_n3A_1116 = arith.select %lt3A_1114, %jit3A_1115, %squeeze3A_1043 : i32
            %broadcast_in_dim3A_1117 = vector.broadcast %select_n3A_1116 : i32 to vector<16xi32>
            tpu.vector_store_idx %arg8[%broadcast_in_dim3A_1112], %broadcast_in_dim3A_1117 masked %eq3A_11 : memref<96xi32, #tpu.memory_space<vmem>>[vector<16xi32>], vector<16xi32>, vector<16xi1>
            %mul3A_1118 = arith.constant 2048 : i32
            %mul3A_1119 = arith.muli %scan3A_215, %mul3A_1118 : i32
            %add3A_1120 = arith.addi %mul3A_196, %mul3A_1119 : i32
            %add3A_1121 = arith.constant 1664 : i32
            %add3A_1122 = arith.addi %add3A_1120, %add3A_1121 : i32
            %add3A_1123 = arith.constant 0 : i32
            %add3A_1124 = arith.addi %add3A_1122, %add3A_1123 : i32
            %get3A_1125 = arith.index_cast %add3A_1124 : i32 to index
            %get3A_1126 = tpu.vector_load %arg5[%get3A_1125] {strides = array<i32>} : memref<102400xf32, #tpu.memory_space<vmem>>, vector<16xf32>,
            %add3A_1127 = arith.addf %select_n3A_1061, %get3A_1126 : vector<16xf32>
            %select_n3A_1128 = arith.select %ne3A_1111, %get3A_1126, %add3A_1127 : vector<16xf32>
            %add3A_1129 = arith.constant 16 : i32
            %add3A_1130 = arith.addi %add3A_1122, %add3A_1129 : i32
            %get3A_1131 = arith.index_cast %add3A_1130 : i32 to index
            %get3A_1132 = tpu.vector_load %arg5[%get3A_1131] {strides = array<i32>} : memref<102400xf32, #tpu.memory_space<vmem>>, vector<16xf32>,
            %add3A_1133 = arith.addf %select_n3A_1067, %get3A_1132 : vector<16xf32>
            %select_n3A_1134 = arith.select %ne3A_1111, %get3A_1132, %add3A_1133 : vector<16xf32>
            %add3A_1135 = arith.constant 32 : i32
            %add3A_1136 = arith.addi %add3A_1122, %add3A_1135 : i32
            %get3A_1137 = arith.index_cast %add3A_1136 : i32 to index
            %get3A_1138 = tpu.vector_load %arg5[%get3A_1137] {strides = array<i32>} : memref<102400xf32, #tpu.memory_space<vmem>>, vector<16xf32>,
            %add3A_1139 = arith.addf %select_n3A_1073, %get3A_1138 : vector<16xf32>
            %select_n3A_1140 = arith.select %ne3A_1111, %get3A_1138, %add3A_1139 : vector<16xf32>
            %add3A_1141 = arith.constant 48 : i32
            %add3A_1142 = arith.addi %add3A_1122, %add3A_1141 : i32
            %get3A_1143 = arith.index_cast %add3A_1142 : i32 to index
            %get3A_1144 = tpu.vector_load %arg5[%get3A_1143] {strides = array<i32>} : memref<102400xf32, #tpu.memory_space<vmem>>, vector<16xf32>,
            %add3A_1145 = arith.addf %select_n3A_1079, %get3A_1144 : vector<16xf32>
            %select_n3A_1146 = arith.select %ne3A_1111, %get3A_1144, %add3A_1145 : vector<16xf32>
            %add3A_1147 = arith.constant 64 : i32
            %add3A_1148 = arith.addi %add3A_1122, %add3A_1147 : i32
            %get3A_1149 = arith.index_cast %add3A_1148 : i32 to index
            %get3A_1150 = tpu.vector_load %arg5[%get3A_1149] {strides = array<i32>} : memref<102400xf32, #tpu.memory_space<vmem>>, vector<16xf32>,
            %add3A_1151 = arith.addf %select_n3A_1085, %get3A_1150 : vector<16xf32>
            %select_n3A_1152 = arith.select %ne3A_1111, %get3A_1150, %add3A_1151 : vector<16xf32>
            %add3A_1153 = arith.constant 80 : i32
            %add3A_1154 = arith.addi %add3A_1122, %add3A_1153 : i32
            %get3A_1155 = arith.index_cast %add3A_1154 : i32 to index
            %get3A_1156 = tpu.vector_load %arg5[%get3A_1155] {strides = array<i32>} : memref<102400xf32, #tpu.memory_space<vmem>>, vector<16xf32>,
            %add3A_1157 = arith.addf %select_n3A_1091, %get3A_1156 : vector<16xf32>
            %select_n3A_1158 = arith.select %ne3A_1111, %get3A_1156, %add3A_1157 : vector<16xf32>
            %add3A_1159 = arith.constant 96 : i32
            %add3A_1160 = arith.addi %add3A_1122, %add3A_1159 : i32
            %get3A_1161 = arith.index_cast %add3A_1160 : i32 to index
            %get3A_1162 = tpu.vector_load %arg5[%get3A_1161] {strides = array<i32>} : memref<102400xf32, #tpu.memory_space<vmem>>, vector<16xf32>,
            %add3A_1163 = arith.addf %select_n3A_1097, %get3A_1162 : vector<16xf32>
            %select_n3A_1164 = arith.select %ne3A_1111, %get3A_1162, %add3A_1163 : vector<16xf32>
            %add3A_1165 = arith.constant 112 : i32
            %add3A_1166 = arith.addi %add3A_1122, %add3A_1165 : i32
            %get3A_1167 = arith.index_cast %add3A_1166 : i32 to index
            %get3A_1168 = tpu.vector_load %arg5[%get3A_1167] {strides = array<i32>} : memref<102400xf32, #tpu.memory_space<vmem>>, vector<16xf32>,
            %add3A_1169 = arith.addf %select_n3A_1103, %get3A_1168 : vector<16xf32>
            %select_n3A_1170 = arith.select %ne3A_1111, %get3A_1168, %add3A_1169 : vector<16xf32>
            %add3A_1171 = arith.addf %select_n3A_1105, %select_n3A : vector<16xf32>
            %select_n3A_1172 = arith.select %ne3A_1111, %select_n3A, %add3A_1171 : vector<16xf32>
            %add3A_1173 = arith.constant 1 : i32
            %add3A_1174 = arith.addi %select_n3A_1108, %add3A_1173 : i32
            %select_n3A_1175 = arith.select %ne3A_1111, %add3A_1174, %select_n3A_1108 : i32
            %slice3A_1176 = vector.extract_strided_slice %get3A_231 {offsets = [14], sizes = [1], strides = [1]} : vector<16xi32> to vector<1xi32>
            %squeeze3A_1177 = vector.extract %slice3A_1176[0] : i32 from vector<1xi32>
            %ne3A_1178 = arith.cmpi ne, %squeeze3A_1177, %squeeze3A_1110 : i32
            %broadcast_in_dim3A_1179 = vector.broadcast %select_n3A_1175 : i32 to vector<16xi32>
            tpu.vector_store_idx %arg7[%broadcast_in_dim3A_1179, %add3A_14], %select_n3A_1128 : memref<96x144xf32, #tpu.memory_space<vmem>>[vector<16xi32>, vector<16xi32>], vector<16xf32>,
            tpu.vector_store_idx %arg7[%broadcast_in_dim3A_1179, %add3A_17], %select_n3A_1134 : memref<96x144xf32, #tpu.memory_space<vmem>>[vector<16xi32>, vector<16xi32>], vector<16xf32>,
            tpu.vector_store_idx %arg7[%broadcast_in_dim3A_1179, %add3A_20], %select_n3A_1140 : memref<96x144xf32, #tpu.memory_space<vmem>>[vector<16xi32>, vector<16xi32>], vector<16xf32>,
            tpu.vector_store_idx %arg7[%broadcast_in_dim3A_1179, %add3A_23], %select_n3A_1146 : memref<96x144xf32, #tpu.memory_space<vmem>>[vector<16xi32>, vector<16xi32>], vector<16xf32>,
            tpu.vector_store_idx %arg7[%broadcast_in_dim3A_1179, %add3A_26], %select_n3A_1152 : memref<96x144xf32, #tpu.memory_space<vmem>>[vector<16xi32>, vector<16xi32>], vector<16xf32>,
            tpu.vector_store_idx %arg7[%broadcast_in_dim3A_1179, %add3A_29], %select_n3A_1158 : memref<96x144xf32, #tpu.memory_space<vmem>>[vector<16xi32>, vector<16xi32>], vector<16xf32>,
            tpu.vector_store_idx %arg7[%broadcast_in_dim3A_1179, %add3A_32], %select_n3A_1164 : memref<96x144xf32, #tpu.memory_space<vmem>>[vector<16xi32>, vector<16xi32>], vector<16xf32>,
            tpu.vector_store_idx %arg7[%broadcast_in_dim3A_1179, %add3A_35], %select_n3A_1170 : memref<96x144xf32, #tpu.memory_space<vmem>>[vector<16xi32>, vector<16xi32>], vector<16xf32>,
            tpu.vector_store_idx %arg7[%broadcast_in_dim3A_1179, %add3A_38], %select_n3A_1172 : memref<96x144xf32, #tpu.memory_space<vmem>>[vector<16xi32>, vector<16xi32>], vector<16xf32>,
            %lt3A_1180 = arith.constant 0 : i32
            %lt3A_1181 = arith.cmpi slt, %squeeze3A_1110, %lt3A_1180 : i32
            %jit3A_1182 = arith.constant 1024 : i32
            %select_n3A_1183 = arith.select %lt3A_1181, %jit3A_1182, %squeeze3A_1110 : i32
            %broadcast_in_dim3A_1184 = vector.broadcast %select_n3A_1183 : i32 to vector<16xi32>
            tpu.vector_store_idx %arg8[%broadcast_in_dim3A_1179], %broadcast_in_dim3A_1184 masked %eq3A_11 : memref<96xi32, #tpu.memory_space<vmem>>[vector<16xi32>], vector<16xi32>, vector<16xi1>
            %mul3A_1185 = arith.constant 2048 : i32
            %mul3A_1186 = arith.muli %scan3A_215, %mul3A_1185 : i32
            %add3A_1187 = arith.addi %mul3A_196, %mul3A_1186 : i32
            %add3A_1188 = arith.constant 1792 : i32
            %add3A_1189 = arith.addi %add3A_1187, %add3A_1188 : i32
            %add3A_1190 = arith.constant 0 : i32
            %add3A_1191 = arith.addi %add3A_1189, %add3A_1190 : i32
            %get3A_1192 = arith.index_cast %add3A_1191 : i32 to index
            %get3A_1193 = tpu.vector_load %arg5[%get3A_1192] {strides = array<i32>} : memref<102400xf32, #tpu.memory_space<vmem>>, vector<16xf32>,
            %add3A_1194 = arith.addf %select_n3A_1128, %get3A_1193 : vector<16xf32>
            %select_n3A_1195 = arith.select %ne3A_1178, %get3A_1193, %add3A_1194 : vector<16xf32>
            %add3A_1196 = arith.constant 16 : i32
            %add3A_1197 = arith.addi %add3A_1189, %add3A_1196 : i32
            %get3A_1198 = arith.index_cast %add3A_1197 : i32 to index
            %get3A_1199 = tpu.vector_load %arg5[%get3A_1198] {strides = array<i32>} : memref<102400xf32, #tpu.memory_space<vmem>>, vector<16xf32>,
            %add3A_1200 = arith.addf %select_n3A_1134, %get3A_1199 : vector<16xf32>
            %select_n3A_1201 = arith.select %ne3A_1178, %get3A_1199, %add3A_1200 : vector<16xf32>
            %add3A_1202 = arith.constant 32 : i32
            %add3A_1203 = arith.addi %add3A_1189, %add3A_1202 : i32
            %get3A_1204 = arith.index_cast %add3A_1203 : i32 to index
            %get3A_1205 = tpu.vector_load %arg5[%get3A_1204] {strides = array<i32>} : memref<102400xf32, #tpu.memory_space<vmem>>, vector<16xf32>,
            %add3A_1206 = arith.addf %select_n3A_1140, %get3A_1205 : vector<16xf32>
            %select_n3A_1207 = arith.select %ne3A_1178, %get3A_1205, %add3A_1206 : vector<16xf32>
            %add3A_1208 = arith.constant 48 : i32
            %add3A_1209 = arith.addi %add3A_1189, %add3A_1208 : i32
            %get3A_1210 = arith.index_cast %add3A_1209 : i32 to index
            %get3A_1211 = tpu.vector_load %arg5[%get3A_1210] {strides = array<i32>} : memref<102400xf32, #tpu.memory_space<vmem>>, vector<16xf32>,
            %add3A_1212 = arith.addf %select_n3A_1146, %get3A_1211 : vector<16xf32>
            %select_n3A_1213 = arith.select %ne3A_1178, %get3A_1211, %add3A_1212 : vector<16xf32>
            %add3A_1214 = arith.constant 64 : i32
            %add3A_1215 = arith.addi %add3A_1189, %add3A_1214 : i32
            %get3A_1216 = arith.index_cast %add3A_1215 : i32 to index
            %get3A_1217 = tpu.vector_load %arg5[%get3A_1216] {strides = array<i32>} : memref<102400xf32, #tpu.memory_space<vmem>>, vector<16xf32>,
            %add3A_1218 = arith.addf %select_n3A_1152, %get3A_1217 : vector<16xf32>
            %select_n3A_1219 = arith.select %ne3A_1178, %get3A_1217, %add3A_1218 : vector<16xf32>
            %add3A_1220 = arith.constant 80 : i32
            %add3A_1221 = arith.addi %add3A_1189, %add3A_1220 : i32
            %get3A_1222 = arith.index_cast %add3A_1221 : i32 to index
            %get3A_1223 = tpu.vector_load %arg5[%get3A_1222] {strides = array<i32>} : memref<102400xf32, #tpu.memory_space<vmem>>, vector<16xf32>,
            %add3A_1224 = arith.addf %select_n3A_1158, %get3A_1223 : vector<16xf32>
            %select_n3A_1225 = arith.select %ne3A_1178, %get3A_1223, %add3A_1224 : vector<16xf32>
            %add3A_1226 = arith.constant 96 : i32
            %add3A_1227 = arith.addi %add3A_1189, %add3A_1226 : i32
            %get3A_1228 = arith.index_cast %add3A_1227 : i32 to index
            %get3A_1229 = tpu.vector_load %arg5[%get3A_1228] {strides = array<i32>} : memref<102400xf32, #tpu.memory_space<vmem>>, vector<16xf32>,
            %add3A_1230 = arith.addf %select_n3A_1164, %get3A_1229 : vector<16xf32>
            %select_n3A_1231 = arith.select %ne3A_1178, %get3A_1229, %add3A_1230 : vector<16xf32>
            %add3A_1232 = arith.constant 112 : i32
            %add3A_1233 = arith.addi %add3A_1189, %add3A_1232 : i32
            %get3A_1234 = arith.index_cast %add3A_1233 : i32 to index
            %get3A_1235 = tpu.vector_load %arg5[%get3A_1234] {strides = array<i32>} : memref<102400xf32, #tpu.memory_space<vmem>>, vector<16xf32>,
            %add3A_1236 = arith.addf %select_n3A_1170, %get3A_1235 : vector<16xf32>
            %select_n3A_1237 = arith.select %ne3A_1178, %get3A_1235, %add3A_1236 : vector<16xf32>
            %add3A_1238 = arith.addf %select_n3A_1172, %select_n3A : vector<16xf32>
            %select_n3A_1239 = arith.select %ne3A_1178, %select_n3A, %add3A_1238 : vector<16xf32>
            %add3A_1240 = arith.constant 1 : i32
            %add3A_1241 = arith.addi %select_n3A_1175, %add3A_1240 : i32
            %select_n3A_1242 = arith.select %ne3A_1178, %add3A_1241, %select_n3A_1175 : i32
            %slice3A_1243 = vector.extract_strided_slice %get3A_231 {offsets = [15], sizes = [1], strides = [1]} : vector<16xi32> to vector<1xi32>
            %squeeze3A_1244 = vector.extract %slice3A_1243[0] : i32 from vector<1xi32>
            %ne3A_1245 = arith.cmpi ne, %squeeze3A_1244, %squeeze3A_1177 : i32
            %broadcast_in_dim3A_1246 = vector.broadcast %select_n3A_1242 : i32 to vector<16xi32>
            tpu.vector_store_idx %arg7[%broadcast_in_dim3A_1246, %add3A_14], %select_n3A_1195 : memref<96x144xf32, #tpu.memory_space<vmem>>[vector<16xi32>, vector<16xi32>], vector<16xf32>,
            tpu.vector_store_idx %arg7[%broadcast_in_dim3A_1246, %add3A_17], %select_n3A_1201 : memref<96x144xf32, #tpu.memory_space<vmem>>[vector<16xi32>, vector<16xi32>], vector<16xf32>,
            tpu.vector_store_idx %arg7[%broadcast_in_dim3A_1246, %add3A_20], %select_n3A_1207 : memref<96x144xf32, #tpu.memory_space<vmem>>[vector<16xi32>, vector<16xi32>], vector<16xf32>,
            tpu.vector_store_idx %arg7[%broadcast_in_dim3A_1246, %add3A_23], %select_n3A_1213 : memref<96x144xf32, #tpu.memory_space<vmem>>[vector<16xi32>, vector<16xi32>], vector<16xf32>,
            tpu.vector_store_idx %arg7[%broadcast_in_dim3A_1246, %add3A_26], %select_n3A_1219 : memref<96x144xf32, #tpu.memory_space<vmem>>[vector<16xi32>, vector<16xi32>], vector<16xf32>,
            tpu.vector_store_idx %arg7[%broadcast_in_dim3A_1246, %add3A_29], %select_n3A_1225 : memref<96x144xf32, #tpu.memory_space<vmem>>[vector<16xi32>, vector<16xi32>], vector<16xf32>,
            tpu.vector_store_idx %arg7[%broadcast_in_dim3A_1246, %add3A_32], %select_n3A_1231 : memref<96x144xf32, #tpu.memory_space<vmem>>[vector<16xi32>, vector<16xi32>], vector<16xf32>,
            tpu.vector_store_idx %arg7[%broadcast_in_dim3A_1246, %add3A_35], %select_n3A_1237 : memref<96x144xf32, #tpu.memory_space<vmem>>[vector<16xi32>, vector<16xi32>], vector<16xf32>,
            tpu.vector_store_idx %arg7[%broadcast_in_dim3A_1246, %add3A_38], %select_n3A_1239 : memref<96x144xf32, #tpu.memory_space<vmem>>[vector<16xi32>, vector<16xi32>], vector<16xf32>,
            %lt3A_1247 = arith.constant 0 : i32
            %lt3A_1248 = arith.cmpi slt, %squeeze3A_1177, %lt3A_1247 : i32
            %jit3A_1249 = arith.constant 1024 : i32
            %select_n3A_1250 = arith.select %lt3A_1248, %jit3A_1249, %squeeze3A_1177 : i32
            %broadcast_in_dim3A_1251 = vector.broadcast %select_n3A_1250 : i32 to vector<16xi32>
            tpu.vector_store_idx %arg8[%broadcast_in_dim3A_1246], %broadcast_in_dim3A_1251 masked %eq3A_11 : memref<96xi32, #tpu.memory_space<vmem>>[vector<16xi32>], vector<16xi32>, vector<16xi1>
            %mul3A_1252 = arith.constant 2048 : i32
            %mul3A_1253 = arith.muli %scan3A_215, %mul3A_1252 : i32
            %add3A_1254 = arith.addi %mul3A_196, %mul3A_1253 : i32
            %add3A_1255 = arith.constant 1920 : i32
            %add3A_1256 = arith.addi %add3A_1254, %add3A_1255 : i32
            %add3A_1257 = arith.constant 0 : i32
            %add3A_1258 = arith.addi %add3A_1256, %add3A_1257 : i32
            %get3A_1259 = arith.index_cast %add3A_1258 : i32 to index
            %get3A_1260 = tpu.vector_load %arg5[%get3A_1259] {strides = array<i32>} : memref<102400xf32, #tpu.memory_space<vmem>>, vector<16xf32>,
            %add3A_1261 = arith.addf %select_n3A_1195, %get3A_1260 : vector<16xf32>
            %select_n3A_1262 = arith.select %ne3A_1245, %get3A_1260, %add3A_1261 : vector<16xf32>
            %add3A_1263 = arith.constant 16 : i32
            %add3A_1264 = arith.addi %add3A_1256, %add3A_1263 : i32
            %get3A_1265 = arith.index_cast %add3A_1264 : i32 to index
            %get3A_1266 = tpu.vector_load %arg5[%get3A_1265] {strides = array<i32>} : memref<102400xf32, #tpu.memory_space<vmem>>, vector<16xf32>,
            %add3A_1267 = arith.addf %select_n3A_1201, %get3A_1266 : vector<16xf32>
            %select_n3A_1268 = arith.select %ne3A_1245, %get3A_1266, %add3A_1267 : vector<16xf32>
            %add3A_1269 = arith.constant 32 : i32
            %add3A_1270 = arith.addi %add3A_1256, %add3A_1269 : i32
            %get3A_1271 = arith.index_cast %add3A_1270 : i32 to index
            %get3A_1272 = tpu.vector_load %arg5[%get3A_1271] {strides = array<i32>} : memref<102400xf32, #tpu.memory_space<vmem>>, vector<16xf32>,
            %add3A_1273 = arith.addf %select_n3A_1207, %get3A_1272 : vector<16xf32>
            %select_n3A_1274 = arith.select %ne3A_1245, %get3A_1272, %add3A_1273 : vector<16xf32>
            %add3A_1275 = arith.constant 48 : i32
            %add3A_1276 = arith.addi %add3A_1256, %add3A_1275 : i32
            %get3A_1277 = arith.index_cast %add3A_1276 : i32 to index
            %get3A_1278 = tpu.vector_load %arg5[%get3A_1277] {strides = array<i32>} : memref<102400xf32, #tpu.memory_space<vmem>>, vector<16xf32>,
            %add3A_1279 = arith.addf %select_n3A_1213, %get3A_1278 : vector<16xf32>
            %select_n3A_1280 = arith.select %ne3A_1245, %get3A_1278, %add3A_1279 : vector<16xf32>
            %add3A_1281 = arith.constant 64 : i32
            %add3A_1282 = arith.addi %add3A_1256, %add3A_1281 : i32
            %get3A_1283 = arith.index_cast %add3A_1282 : i32 to index
            %get3A_1284 = tpu.vector_load %arg5[%get3A_1283] {strides = array<i32>} : memref<102400xf32, #tpu.memory_space<vmem>>, vector<16xf32>,
            %add3A_1285 = arith.addf %select_n3A_1219, %get3A_1284 : vector<16xf32>
            %select_n3A_1286 = arith.select %ne3A_1245, %get3A_1284, %add3A_1285 : vector<16xf32>
            %add3A_1287 = arith.constant 80 : i32
            %add3A_1288 = arith.addi %add3A_1256, %add3A_1287 : i32
            %get3A_1289 = arith.index_cast %add3A_1288 : i32 to index
            %get3A_1290 = tpu.vector_load %arg5[%get3A_1289] {strides = array<i32>} : memref<102400xf32, #tpu.memory_space<vmem>>, vector<16xf32>,
            %add3A_1291 = arith.addf %select_n3A_1225, %get3A_1290 : vector<16xf32>
            %select_n3A_1292 = arith.select %ne3A_1245, %get3A_1290, %add3A_1291 : vector<16xf32>
            %add3A_1293 = arith.constant 96 : i32
            %add3A_1294 = arith.addi %add3A_1256, %add3A_1293 : i32
            %get3A_1295 = arith.index_cast %add3A_1294 : i32 to index
            %get3A_1296 = tpu.vector_load %arg5[%get3A_1295] {strides = array<i32>} : memref<102400xf32, #tpu.memory_space<vmem>>, vector<16xf32>,
            %add3A_1297 = arith.addf %select_n3A_1231, %get3A_1296 : vector<16xf32>
            %select_n3A_1298 = arith.select %ne3A_1245, %get3A_1296, %add3A_1297 : vector<16xf32>
            %add3A_1299 = arith.constant 112 : i32
            %add3A_1300 = arith.addi %add3A_1256, %add3A_1299 : i32
            %get3A_1301 = arith.index_cast %add3A_1300 : i32 to index
            %get3A_1302 = tpu.vector_load %arg5[%get3A_1301] {strides = array<i32>} : memref<102400xf32, #tpu.memory_space<vmem>>, vector<16xf32>,
            %add3A_1303 = arith.addf %select_n3A_1237, %get3A_1302 : vector<16xf32>
            %select_n3A_1304 = arith.select %ne3A_1245, %get3A_1302, %add3A_1303 : vector<16xf32>
            %add3A_1305 = arith.addf %select_n3A_1239, %select_n3A : vector<16xf32>
            %select_n3A_1306 = arith.select %ne3A_1245, %select_n3A, %add3A_1305 : vector<16xf32>
            %add3A_1307 = arith.constant 1 : i32
            %add3A_1308 = arith.addi %select_n3A_1242, %add3A_1307 : i32
            %select_n3A_1309 = arith.select %ne3A_1245, %add3A_1308, %select_n3A_1242 : i32
            %gt3A = arith.constant 79 : i32
            %gt3A_1310 = arith.cmpi sgt, %select_n3A_1309, %gt3A : i32
            %convert_element_type3A_1311 = arith.extui %gt3A_1310 : i1 to i32
            %cond3A_1312 = arith.constant 0 : i32
            %cond3A_1313 = arith.cmpi ne, %convert_element_type3A_1311, %cond3A_1312 : i32
            %cond3A_1314 = scf.if %cond3A_1313 -> (i32) {
              %get3A_1315 = arith.constant 0 : index
              %get3A_1316 = tpu.vector_load %arg8[%get3A_1315] {strides = array<i32>} : memref<96xi32, #tpu.memory_space<vmem>>, vector<16xi32>,
              %add3A_1317 = arith.constant 0 : i32
              %add3A_1318 = vector.broadcast %add3A_1317 : i32 to vector<16xi32>
              %add3A_1319 = arith.addi %iota3A, %add3A_1318 : vector<16xi32>
              %ge3A_1320 = vector.broadcast %select_n3A_1309 : i32 to vector<16xi32>
              %ge3A_1321 = arith.cmpi sge, %add3A_1319, %ge3A_1320 : vector<16xi32>
              %jit3A_1322 = arith.constant 1024 : i32
              %broadcast_in_dim3A_1323 = vector.broadcast %jit3A_1322 : i32 to vector<16xi32>
              %select_n3A_1324 = arith.select %ge3A_1321, %broadcast_in_dim3A_1323, %get3A_1316 : vector<16xi1>, vector<16xi32>
              %swap3A_1325 = arith.constant 0 : index
              %swap3A_1326 = tpu.vector_load %arg8[%swap3A_1325] {strides = array<i32>} : memref<96xi32, #tpu.memory_space<vmem>>, vector<16xi32>,
              tpu.vector_store %arg8[%swap3A_1325], %select_n3A_1324 {strides = array<i32>} : memref<96xi32, #tpu.memory_space<vmem>>, vector<16xi32>,
              %get3A_1327 = arith.constant 16 : index
              %get3A_1328 = tpu.vector_load %arg8[%get3A_1327] {strides = array<i32>} : memref<96xi32, #tpu.memory_space<vmem>>, vector<16xi32>,
              %add3A_1329 = arith.constant 16 : i32
              %add3A_1330 = vector.broadcast %add3A_1329 : i32 to vector<16xi32>
              %add3A_1331 = arith.addi %iota3A, %add3A_1330 : vector<16xi32>
              %ge3A_1332 = vector.broadcast %select_n3A_1309 : i32 to vector<16xi32>
              %ge3A_1333 = arith.cmpi sge, %add3A_1331, %ge3A_1332 : vector<16xi32>
              %jit3A_1334 = arith.constant 1024 : i32
              %broadcast_in_dim3A_1335 = vector.broadcast %jit3A_1334 : i32 to vector<16xi32>
              %select_n3A_1336 = arith.select %ge3A_1333, %broadcast_in_dim3A_1335, %get3A_1328 : vector<16xi1>, vector<16xi32>
              %swap3A_1337 = arith.constant 16 : index
              %swap3A_1338 = tpu.vector_load %arg8[%swap3A_1337] {strides = array<i32>} : memref<96xi32, #tpu.memory_space<vmem>>, vector<16xi32>,
              tpu.vector_store %arg8[%swap3A_1337], %select_n3A_1336 {strides = array<i32>} : memref<96xi32, #tpu.memory_space<vmem>>, vector<16xi32>,
              %get3A_1339 = arith.constant 32 : index
              %get3A_1340 = tpu.vector_load %arg8[%get3A_1339] {strides = array<i32>} : memref<96xi32, #tpu.memory_space<vmem>>, vector<16xi32>,
              %add3A_1341 = arith.constant 32 : i32
              %add3A_1342 = vector.broadcast %add3A_1341 : i32 to vector<16xi32>
              %add3A_1343 = arith.addi %iota3A, %add3A_1342 : vector<16xi32>
              %ge3A_1344 = vector.broadcast %select_n3A_1309 : i32 to vector<16xi32>
              %ge3A_1345 = arith.cmpi sge, %add3A_1343, %ge3A_1344 : vector<16xi32>
              %jit3A_1346 = arith.constant 1024 : i32
              %broadcast_in_dim3A_1347 = vector.broadcast %jit3A_1346 : i32 to vector<16xi32>
              %select_n3A_1348 = arith.select %ge3A_1345, %broadcast_in_dim3A_1347, %get3A_1340 : vector<16xi1>, vector<16xi32>
              %swap3A_1349 = arith.constant 32 : index
              %swap3A_1350 = tpu.vector_load %arg8[%swap3A_1349] {strides = array<i32>} : memref<96xi32, #tpu.memory_space<vmem>>, vector<16xi32>,
              tpu.vector_store %arg8[%swap3A_1349], %select_n3A_1348 {strides = array<i32>} : memref<96xi32, #tpu.memory_space<vmem>>, vector<16xi32>,
              %get3A_1351 = arith.constant 48 : index
              %get3A_1352 = tpu.vector_load %arg8[%get3A_1351] {strides = array<i32>} : memref<96xi32, #tpu.memory_space<vmem>>, vector<16xi32>,
              %add3A_1353 = arith.constant 48 : i32
              %add3A_1354 = vector.broadcast %add3A_1353 : i32 to vector<16xi32>
              %add3A_1355 = arith.addi %iota3A, %add3A_1354 : vector<16xi32>
              %ge3A_1356 = vector.broadcast %select_n3A_1309 : i32 to vector<16xi32>
              %ge3A_1357 = arith.cmpi sge, %add3A_1355, %ge3A_1356 : vector<16xi32>
              %jit3A_1358 = arith.constant 1024 : i32
              %broadcast_in_dim3A_1359 = vector.broadcast %jit3A_1358 : i32 to vector<16xi32>
              %select_n3A_1360 = arith.select %ge3A_1357, %broadcast_in_dim3A_1359, %get3A_1352 : vector<16xi1>, vector<16xi32>
              %swap3A_1361 = arith.constant 48 : index
              %swap3A_1362 = tpu.vector_load %arg8[%swap3A_1361] {strides = array<i32>} : memref<96xi32, #tpu.memory_space<vmem>>, vector<16xi32>,
              tpu.vector_store %arg8[%swap3A_1361], %select_n3A_1360 {strides = array<i32>} : memref<96xi32, #tpu.memory_space<vmem>>, vector<16xi32>,
              %get3A_1363 = arith.constant 64 : index
              %get3A_1364 = tpu.vector_load %arg8[%get3A_1363] {strides = array<i32>} : memref<96xi32, #tpu.memory_space<vmem>>, vector<16xi32>,
              %add3A_1365 = arith.constant 64 : i32
              %add3A_1366 = vector.broadcast %add3A_1365 : i32 to vector<16xi32>
              %add3A_1367 = arith.addi %iota3A, %add3A_1366 : vector<16xi32>
              %ge3A_1368 = vector.broadcast %select_n3A_1309 : i32 to vector<16xi32>
              %ge3A_1369 = arith.cmpi sge, %add3A_1367, %ge3A_1368 : vector<16xi32>
              %jit3A_1370 = arith.constant 1024 : i32
              %broadcast_in_dim3A_1371 = vector.broadcast %jit3A_1370 : i32 to vector<16xi32>
              %select_n3A_1372 = arith.select %ge3A_1369, %broadcast_in_dim3A_1371, %get3A_1364 : vector<16xi1>, vector<16xi32>
              %swap3A_1373 = arith.constant 64 : index
              %swap3A_1374 = tpu.vector_load %arg8[%swap3A_1373] {strides = array<i32>} : memref<96xi32, #tpu.memory_space<vmem>>, vector<16xi32>,
              tpu.vector_store %arg8[%swap3A_1373], %select_n3A_1372 {strides = array<i32>} : memref<96xi32, #tpu.memory_space<vmem>>, vector<16xi32>,
              %get3A_1375 = arith.constant 80 : index
              %get3A_1376 = tpu.vector_load %arg8[%get3A_1375] {strides = array<i32>} : memref<96xi32, #tpu.memory_space<vmem>>, vector<16xi32>,
              %add3A_1377 = arith.constant 80 : i32
              %add3A_1378 = vector.broadcast %add3A_1377 : i32 to vector<16xi32>
              %add3A_1379 = arith.addi %iota3A, %add3A_1378 : vector<16xi32>
              %ge3A_1380 = vector.broadcast %select_n3A_1309 : i32 to vector<16xi32>
              %ge3A_1381 = arith.cmpi sge, %add3A_1379, %ge3A_1380 : vector<16xi32>
              %jit3A_1382 = arith.constant 1024 : i32
              %broadcast_in_dim3A_1383 = vector.broadcast %jit3A_1382 : i32 to vector<16xi32>
              %select_n3A_1384 = arith.select %ge3A_1381, %broadcast_in_dim3A_1383, %get3A_1376 : vector<16xi1>, vector<16xi32>
              %swap3A_1385 = arith.constant 80 : index
              %swap3A_1386 = tpu.vector_load %arg8[%swap3A_1385] {strides = array<i32>} : memref<96xi32, #tpu.memory_space<vmem>>, vector<16xi32>,
              tpu.vector_store %arg8[%swap3A_1385], %select_n3A_1384 {strides = array<i32>} : memref<96xi32, #tpu.memory_space<vmem>>, vector<16xi32>,
              "tpu.region"() ({
                %run_scoped3A = tpu.sem_alloc : memref<!tpu.dma_semaphore, #tpu.memory_space<semaphore_mem>>
                %dma_start3A_1388 = arith.constant 0 : i32
                %dma_start3A_1389 = arith.constant 0 : i32
                %dma_start3A_1390 = tpu.memref_slice %arg9[%dma_start3A_1388, %dma_start3A_1389] : memref<1152x144xf32, #tpu.memory_space<vmem_shared>> -> memref<1152x144xf32, #tpu.memory_space<vmem_shared>>
                tpu.enqueue_indirect_dma source(%arg7 : memref<96x144xf32, #tpu.memory_space<vmem>>) target(%dma_start3A_1390 : memref<1152x144xf32, #tpu.memory_space<vmem_shared>>) offsets(%arg8 : memref<96xi32, #tpu.memory_space<vmem>>) semaphore(%run_scoped3A : memref<!tpu.dma_semaphore, #tpu.memory_space<semaphore_mem>>) {add = true}
                %dma_wait3A = arith.constant 0 : i32
                %dma_wait3A_1391 = arith.constant 0 : i32
                %dma_wait3A_1392 = tpu.memref_slice %arg9[%dma_wait3A, %dma_wait3A_1391] : memref<1152x144xf32, #tpu.memory_space<vmem_shared>> -> memref<1152x144xf32, #tpu.memory_space<vmem_shared>>
                tpu.wait_indirect_dma semaphore(%run_scoped3A : memref<!tpu.dma_semaphore, #tpu.memory_space<semaphore_mem>>) src(%arg7 : memref<96x144xf32, #tpu.memory_space<vmem>>) dst(%dma_wait3A_1392 : memref<1152x144xf32, #tpu.memory_space<vmem_shared>>)
                tpu.yield
              }) : () -> ()
              %cond3A_1387 = arith.constant 0 : i32
              scf.yield %cond3A_1387 : i32
            } else {
              scf.yield %select_n3A_1309 : i32
            }
            scf.yield %cond3A_1314, %squeeze3A_1244, %select_n3A_1306, %select_n3A_1262, %select_n3A_1268, %select_n3A_1274, %select_n3A_1280, %select_n3A_1286, %select_n3A_1292, %select_n3A_1298, %select_n3A_1304 : i32, i32, vector<16xf32>, vector<16xf32>, vector<16xf32>, vector<16xf32>, vector<16xf32>, vector<16xf32>, vector<16xf32>, vector<16xf32>, vector<16xf32>
          }
          scf.yield %cond3A_238#0, %cond3A_238#1, %cond3A_238#2, %cond3A_238#3, %cond3A_238#4, %cond3A_238#5, %cond3A_238#6, %cond3A_238#7, %cond3A_238#8, %cond3A_238#9, %cond3A_238#10 : i32, i32, vector<16xf32>, vector<16xf32>, vector<16xf32>, vector<16xf32>, vector<16xf32>, vector<16xf32>, vector<16xf32>, vector<16xf32>, vector<16xf32>
        }
        %scan3A_214 = arith.constant 25 : i32
        scf.yield %scan3A_213#0, %scan3A_213#1, %scan3A_213#2, %scan3A_213#3, %scan3A_213#4, %scan3A_213#5, %scan3A_213#6, %scan3A_213#7, %scan3A_213#8, %scan3A_213#9, %scan3A_213#10 : i32, i32, vector<16xf32>, vector<16xf32>, vector<16xf32>, vector<16xf32>, vector<16xf32>, vector<16xf32>, vector<16xf32>, vector<16xf32>, vector<16xf32>
      }
      scf.yield %cond3A_208#0, %cond3A_208#1, %cond3A_208#2, %cond3A_208#3, %cond3A_208#4, %cond3A_208#5, %cond3A_208#6, %cond3A_208#7, %cond3A_208#8, %cond3A_208#9, %cond3A_208#10 : i32, i32, vector<16xf32>, vector<16xf32>, vector<16xf32>, vector<16xf32>, vector<16xf32>, vector<16xf32>, vector<16xf32>, vector<16xf32>, vector<16xf32>
    }
    %scan3A_74 = arith.constant 25 : i32
    %broadcast_in_dim3A_75 = vector.broadcast %scan3A_73#0 : i32 to vector<16xi32>
    tpu.vector_store_idx %arg7[%broadcast_in_dim3A_75, %add3A_14], %scan3A_73#3 : memref<96x144xf32, #tpu.memory_space<vmem>>[vector<16xi32>, vector<16xi32>], vector<16xf32>,
    tpu.vector_store_idx %arg7[%broadcast_in_dim3A_75, %add3A_17], %scan3A_73#4 : memref<96x144xf32, #tpu.memory_space<vmem>>[vector<16xi32>, vector<16xi32>], vector<16xf32>,
    tpu.vector_store_idx %arg7[%broadcast_in_dim3A_75, %add3A_20], %scan3A_73#5 : memref<96x144xf32, #tpu.memory_space<vmem>>[vector<16xi32>, vector<16xi32>], vector<16xf32>,
    tpu.vector_store_idx %arg7[%broadcast_in_dim3A_75, %add3A_23], %scan3A_73#6 : memref<96x144xf32, #tpu.memory_space<vmem>>[vector<16xi32>, vector<16xi32>], vector<16xf32>,
    tpu.vector_store_idx %arg7[%broadcast_in_dim3A_75, %add3A_26], %scan3A_73#7 : memref<96x144xf32, #tpu.memory_space<vmem>>[vector<16xi32>, vector<16xi32>], vector<16xf32>,
    tpu.vector_store_idx %arg7[%broadcast_in_dim3A_75, %add3A_29], %scan3A_73#8 : memref<96x144xf32, #tpu.memory_space<vmem>>[vector<16xi32>, vector<16xi32>], vector<16xf32>,
    tpu.vector_store_idx %arg7[%broadcast_in_dim3A_75, %add3A_32], %scan3A_73#9 : memref<96x144xf32, #tpu.memory_space<vmem>>[vector<16xi32>, vector<16xi32>], vector<16xf32>,
    tpu.vector_store_idx %arg7[%broadcast_in_dim3A_75, %add3A_35], %scan3A_73#10 : memref<96x144xf32, #tpu.memory_space<vmem>>[vector<16xi32>, vector<16xi32>], vector<16xf32>,
    tpu.vector_store_idx %arg7[%broadcast_in_dim3A_75, %add3A_38], %scan3A_73#2 : memref<96x144xf32, #tpu.memory_space<vmem>>[vector<16xi32>, vector<16xi32>], vector<16xf32>,
    %lt3A = arith.constant 0 : i32
    %lt3A_76 = arith.cmpi slt, %scan3A_73#1, %lt3A : i32
    %jit3A_77 = arith.constant 1024 : i32
    %select_n3A_78 = arith.select %lt3A_76, %jit3A_77, %scan3A_73#1 : i32
    %broadcast_in_dim3A_79 = vector.broadcast %select_n3A_78 : i32 to vector<16xi32>
    tpu.vector_store_idx %arg8[%broadcast_in_dim3A_75], %broadcast_in_dim3A_79 masked %eq3A_11 : memref<96xi32, #tpu.memory_space<vmem>>[vector<16xi32>], vector<16xi32>, vector<16xi1>
    %add3A_80 = arith.constant 1 : i32
    %add3A_81 = arith.addi %scan3A_73#0, %add3A_80 : i32
    %get3A = arith.constant 0 : index
    %get3A_82 = tpu.vector_load %arg8[%get3A] {strides = array<i32>} : memref<96xi32, #tpu.memory_space<vmem>>, vector<16xi32>,
    %add3A_83 = arith.constant 0 : i32
    %add3A_84 = vector.broadcast %add3A_83 : i32 to vector<16xi32>
    %add3A_85 = arith.addi %iota3A, %add3A_84 : vector<16xi32>
    %ge3A = vector.broadcast %add3A_81 : i32 to vector<16xi32>
    %ge3A_86 = arith.cmpi sge, %add3A_85, %ge3A : vector<16xi32>
    %jit3A_87 = arith.constant 1024 : i32
    %broadcast_in_dim3A_88 = vector.broadcast %jit3A_87 : i32 to vector<16xi32>
    %select_n3A_89 = arith.select %ge3A_86, %broadcast_in_dim3A_88, %get3A_82 : vector<16xi1>, vector<16xi32>
    %swap3A = arith.constant 0 : index
    %swap3A_90 = tpu.vector_load %arg8[%swap3A] {strides = array<i32>} : memref<96xi32, #tpu.memory_space<vmem>>, vector<16xi32>,
    tpu.vector_store %arg8[%swap3A], %select_n3A_89 {strides = array<i32>} : memref<96xi32, #tpu.memory_space<vmem>>, vector<16xi32>,
    %get3A_91 = arith.constant 16 : index
    %get3A_92 = tpu.vector_load %arg8[%get3A_91] {strides = array<i32>} : memref<96xi32, #tpu.memory_space<vmem>>, vector<16xi32>,
    %add3A_93 = arith.constant 16 : i32
    %add3A_94 = vector.broadcast %add3A_93 : i32 to vector<16xi32>
    %add3A_95 = arith.addi %iota3A, %add3A_94 : vector<16xi32>
    %ge3A_96 = vector.broadcast %add3A_81 : i32 to vector<16xi32>
    %ge3A_97 = arith.cmpi sge, %add3A_95, %ge3A_96 : vector<16xi32>
    %jit3A_98 = arith.constant 1024 : i32
    %broadcast_in_dim3A_99 = vector.broadcast %jit3A_98 : i32 to vector<16xi32>
    %select_n3A_100 = arith.select %ge3A_97, %broadcast_in_dim3A_99, %get3A_92 : vector<16xi1>, vector<16xi32>
    %swap3A_101 = arith.constant 16 : index
    %swap3A_102 = tpu.vector_load %arg8[%swap3A_101] {strides = array<i32>} : memref<96xi32, #tpu.memory_space<vmem>>, vector<16xi32>,
    tpu.vector_store %arg8[%swap3A_101], %select_n3A_100 {strides = array<i32>} : memref<96xi32, #tpu.memory_space<vmem>>, vector<16xi32>,
    %get3A_103 = arith.constant 32 : index
    %get3A_104 = tpu.vector_load %arg8[%get3A_103] {strides = array<i32>} : memref<96xi32, #tpu.memory_space<vmem>>, vector<16xi32>,
    %add3A_105 = arith.constant 32 : i32
    %add3A_106 = vector.broadcast %add3A_105 : i32 to vector<16xi32>
    %add3A_107 = arith.addi %iota3A, %add3A_106 : vector<16xi32>
    %ge3A_108 = vector.broadcast %add3A_81 : i32 to vector<16xi32>
    %ge3A_109 = arith.cmpi sge, %add3A_107, %ge3A_108 : vector<16xi32>
    %jit3A_110 = arith.constant 1024 : i32
    %broadcast_in_dim3A_111 = vector.broadcast %jit3A_110 : i32 to vector<16xi32>
    %select_n3A_112 = arith.select %ge3A_109, %broadcast_in_dim3A_111, %get3A_104 : vector<16xi1>, vector<16xi32>
    %swap3A_113 = arith.constant 32 : index
    %swap3A_114 = tpu.vector_load %arg8[%swap3A_113] {strides = array<i32>} : memref<96xi32, #tpu.memory_space<vmem>>, vector<16xi32>,
    tpu.vector_store %arg8[%swap3A_113], %select_n3A_112 {strides = array<i32>} : memref<96xi32, #tpu.memory_space<vmem>>, vector<16xi32>,
    %get3A_115 = arith.constant 48 : index
    %get3A_116 = tpu.vector_load %arg8[%get3A_115] {strides = array<i32>} : memref<96xi32, #tpu.memory_space<vmem>>, vector<16xi32>,
    %add3A_117 = arith.constant 48 : i32
    %add3A_118 = vector.broadcast %add3A_117 : i32 to vector<16xi32>
    %add3A_119 = arith.addi %iota3A, %add3A_118 : vector<16xi32>
    %ge3A_120 = vector.broadcast %add3A_81 : i32 to vector<16xi32>
    %ge3A_121 = arith.cmpi sge, %add3A_119, %ge3A_120 : vector<16xi32>
    %jit3A_122 = arith.constant 1024 : i32
    %broadcast_in_dim3A_123 = vector.broadcast %jit3A_122 : i32 to vector<16xi32>
    %select_n3A_124 = arith.select %ge3A_121, %broadcast_in_dim3A_123, %get3A_116 : vector<16xi1>, vector<16xi32>
    %swap3A_125 = arith.constant 48 : index
    %swap3A_126 = tpu.vector_load %arg8[%swap3A_125] {strides = array<i32>} : memref<96xi32, #tpu.memory_space<vmem>>, vector<16xi32>,
    tpu.vector_store %arg8[%swap3A_125], %select_n3A_124 {strides = array<i32>} : memref<96xi32, #tpu.memory_space<vmem>>, vector<16xi32>,
    %get3A_127 = arith.constant 64 : index
    %get3A_128 = tpu.vector_load %arg8[%get3A_127] {strides = array<i32>} : memref<96xi32, #tpu.memory_space<vmem>>, vector<16xi32>,
    %add3A_129 = arith.constant 64 : i32
    %add3A_130 = vector.broadcast %add3A_129 : i32 to vector<16xi32>
    %add3A_131 = arith.addi %iota3A, %add3A_130 : vector<16xi32>
    %ge3A_132 = vector.broadcast %add3A_81 : i32 to vector<16xi32>
    %ge3A_133 = arith.cmpi sge, %add3A_131, %ge3A_132 : vector<16xi32>
    %jit3A_134 = arith.constant 1024 : i32
    %broadcast_in_dim3A_135 = vector.broadcast %jit3A_134 : i32 to vector<16xi32>
    %select_n3A_136 = arith.select %ge3A_133, %broadcast_in_dim3A_135, %get3A_128 : vector<16xi1>, vector<16xi32>
    %swap3A_137 = arith.constant 64 : index
    %swap3A_138 = tpu.vector_load %arg8[%swap3A_137] {strides = array<i32>} : memref<96xi32, #tpu.memory_space<vmem>>, vector<16xi32>,
    tpu.vector_store %arg8[%swap3A_137], %select_n3A_136 {strides = array<i32>} : memref<96xi32, #tpu.memory_space<vmem>>, vector<16xi32>,
    %get3A_139 = arith.constant 80 : index
    %get3A_140 = tpu.vector_load %arg8[%get3A_139] {strides = array<i32>} : memref<96xi32, #tpu.memory_space<vmem>>, vector<16xi32>,
    %add3A_141 = arith.constant 80 : i32
    %add3A_142 = vector.broadcast %add3A_141 : i32 to vector<16xi32>
    %add3A_143 = arith.addi %iota3A, %add3A_142 : vector<16xi32>
    %ge3A_144 = vector.broadcast %add3A_81 : i32 to vector<16xi32>
    %ge3A_145 = arith.cmpi sge, %add3A_143, %ge3A_144 : vector<16xi32>
    %jit3A_146 = arith.constant 1024 : i32
    %broadcast_in_dim3A_147 = vector.broadcast %jit3A_146 : i32 to vector<16xi32>
    %select_n3A_148 = arith.select %ge3A_145, %broadcast_in_dim3A_147, %get3A_140 : vector<16xi1>, vector<16xi32>
    %swap3A_149 = arith.constant 80 : index
    %swap3A_150 = tpu.vector_load %arg8[%swap3A_149] {strides = array<i32>} : memref<96xi32, #tpu.memory_space<vmem>>, vector<16xi32>,
    tpu.vector_store %arg8[%swap3A_149], %select_n3A_148 {strides = array<i32>} : memref<96xi32, #tpu.memory_space<vmem>>, vector<16xi32>,
    "tpu.region"() ({
      %run_scoped3A = tpu.sem_alloc : memref<!tpu.dma_semaphore, #tpu.memory_space<semaphore_mem>>
      %dma_start3A_156 = arith.constant 0 : i32
      %dma_start3A_157 = arith.constant 0 : i32
      %dma_start3A_158 = tpu.memref_slice %arg9[%dma_start3A_156, %dma_start3A_157] : memref<1152x144xf32, #tpu.memory_space<vmem_shared>> -> memref<1152x144xf32, #tpu.memory_space<vmem_shared>>
      tpu.enqueue_indirect_dma source(%arg7 : memref<96x144xf32, #tpu.memory_space<vmem>>) target(%dma_start3A_158 : memref<1152x144xf32, #tpu.memory_space<vmem_shared>>) offsets(%arg8 : memref<96xi32, #tpu.memory_space<vmem>>) semaphore(%run_scoped3A : memref<!tpu.dma_semaphore, #tpu.memory_space<semaphore_mem>>) {add = true}
      %dma_wait3A = arith.constant 0 : i32
      %dma_wait3A_159 = arith.constant 0 : i32
      %dma_wait3A_160 = tpu.memref_slice %arg9[%dma_wait3A, %dma_wait3A_159] : memref<1152x144xf32, #tpu.memory_space<vmem_shared>> -> memref<1152x144xf32, #tpu.memory_space<vmem_shared>>
      tpu.wait_indirect_dma semaphore(%run_scoped3A : memref<!tpu.dma_semaphore, #tpu.memory_space<semaphore_mem>>) src(%arg7 : memref<96x144xf32, #tpu.memory_space<vmem>>) dst(%dma_wait3A_160 : memref<1152x144xf32, #tpu.memory_space<vmem_shared>>)
      tpu.yield
    }) : () -> ()
    %barrier3A_151 = arith.constant 0 : index
    tpu.barrier barrier_id(%barrier3A_151)
    %mul3A_152 = arith.constant 72 : i32
    %mul3A_153 = arith.muli %arg1, %mul3A_152 : i32
    %mul3A_154 = arith.constant 72 : i32
    %mul3A_155 = arith.muli %arg1, %mul3A_154 : i32
    "tpu.region"() ({
      %run_scoped3A = tpu.sem_alloc : memref<!tpu.dma_semaphore, #tpu.memory_space<semaphore_mem>>
      %dma_start3A_156 = arith.constant 0 : i32
      %dma_start3A_157 = tpu.memref_slice %arg4[%arg0, %mul3A_155, %dma_start3A_156] : memref<2x1152x144xf32, #tpu.memory_space<hbm>> -> memref<1x72x144xf32, #tpu.memory_space<hbm>>
      %dma_start3A_158 = tpu.memref_squeeze %dma_start3A_157 : memref<1x72x144xf32, #tpu.memory_space<hbm>> -> memref<72x144xf32, #tpu.memory_space<hbm>>
      %dma_start3A_159 = arith.constant 0 : i32
      %dma_start3A_160 = tpu.memref_slice %arg9[%mul3A_153, %dma_start3A_159] : memref<1152x144xf32, #tpu.memory_space<vmem_shared>> -> memref<72x144xf32, #tpu.memory_space<vmem_shared>>
      tpu.enqueue_dma source(%dma_start3A_160 : memref<72x144xf32, #tpu.memory_space<vmem_shared>>) target(%dma_start3A_158 : memref<72x144xf32, #tpu.memory_space<hbm>>) target_semaphore(%run_scoped3A : memref<!tpu.dma_semaphore, #tpu.memory_space<semaphore_mem>>)
      %dma_wait3A = arith.constant 0 : i32
      %dma_wait3A_161 = tpu.memref_slice %arg4[%arg0, %mul3A_155, %dma_wait3A] : memref<2x1152x144xf32, #tpu.memory_space<hbm>> -> memref<1x72x144xf32, #tpu.memory_space<hbm>>
      %dma_wait3A_162 = tpu.memref_squeeze %dma_wait3A_161 : memref<1x72x144xf32, #tpu.memory_space<hbm>> -> memref<72x144xf32, #tpu.memory_space<hbm>>
      %dma_wait3A_163 = arith.constant 0 : i32
      %dma_wait3A_164 = tpu.memref_slice %arg9[%mul3A_153, %dma_wait3A_163] : memref<1152x144xf32, #tpu.memory_space<vmem_shared>> -> memref<72x144xf32, #tpu.memory_space<vmem_shared>>
      tpu.wait_dma2 semaphore(%run_scoped3A : memref<!tpu.dma_semaphore, #tpu.memory_space<semaphore_mem>>) src(%dma_wait3A_164 : memref<72x144xf32, #tpu.memory_space<vmem_shared>>) dst(%dma_wait3A_162 : memref<72x144xf32, #tpu.memory_space<hbm>>)
      tpu.yield
    }) : () -> ()
    return
  }
}

module attributes {stable_mosaic.version = 14 : i64} {
  func.func @body(%arg0: memref<2x1152x144xf32, #tpu.memory_space<vmem>>, %arg1: memref<32x128xf32, #tpu.memory_space<vmem>>, %arg2: memref<1x32xf32, #tpu.memory_space<vmem>>, %arg3: memref<1024x32xf32, #tpu.memory_space<vmem>>) attributes {dimension_semantics = [], scalar_prefetch = 0 : i64, scratch_operands = 0 : i64, tpu.core_type = #tpu.core_type<tc>} {
    %get3A = arith.constant 0 : index
    %get3A_0 = arith.constant 0 : index
    %get3A_1 = arith.constant 0 : index
    %get3A_2 = vector.load %arg0[%get3A, %get3A_0, %get3A_1] : memref<2x1152x144xf32, #tpu.memory_space<vmem>>, vector<1x1024x144xf32>
    %get3A_3 = vector.shape_cast %get3A_2 : vector<1x1024x144xf32> to vector<1024x144xf32>
    %get3A_4 = arith.constant 1 : index
    %get3A_5 = arith.constant 0 : index
    %get3A_6 = arith.constant 0 : index
    %get3A_7 = vector.load %arg0[%get3A_4, %get3A_5, %get3A_6] : memref<2x1152x144xf32, #tpu.memory_space<vmem>>, vector<1x1024x144xf32>
    %get3A_8 = vector.shape_cast %get3A_7 : vector<1x1024x144xf32> to vector<1024x144xf32>
    %add3A = arith.addf %get3A_3, %get3A_8 : vector<1024x144xf32>
    %slice3A = vector.extract_strided_slice %add3A {offsets = [0, 0], sizes = [1024, 128], strides = [1, 1]} : vector<1024x144xf32> to vector<1024x128xf32>
    %slice3A_9 = vector.extract_strided_slice %add3A {offsets = [0, 128], sizes = [1024, 1], strides = [1, 1]} : vector<1024x144xf32> to vector<1024x1xf32>
    %max3A = arith.constant 1.000000e+00 : f32
    %max3A_10 = vector.broadcast %max3A : f32 to vector<1024x1xf32>
    %max3A_11 = arith.maximumf %slice3A_9, %max3A_10 : vector<1024x1xf32>
    %div3A = vector.broadcast %max3A_11 : vector<1024x1xf32> to vector<1024x128xf32>
    %div3A_12 = arith.divf %slice3A, %div3A : vector<1024x128xf32>
    %get3A_13 = arith.constant 0 : index
    %get3A_14 = arith.constant 0 : index
    %get3A_15 = vector.load %arg1[%get3A_13, %get3A_14] : memref<32x128xf32, #tpu.memory_space<vmem>>, vector<32x128xf32>
    %dot_general3A = arith.constant dense<0.000000e+00> : vector<1024x32xf32>
    %dot_general3A_16 = tpu.matmul %div3A_12, %get3A_15, %dot_general3A {dimension_numbers = #tpu.dot_dimension_numbers<[1], [1], [0], [0], [0, 0, 1, 0], [], []>, transpose_lhs_hint = false} : vector<1024x128xf32>, vector<32x128xf32>, vector<1024x32xf32> -> vector<1024x32xf32>
    %get3A_17 = arith.constant 0 : index
    %get3A_18 = arith.constant 0 : index
    %get3A_19 = vector.load %arg2[%get3A_17, %get3A_18] : memref<1x32xf32, #tpu.memory_space<vmem>>, vector<1x32xf32>
    %add3A_20 = vector.broadcast %get3A_19 : vector<1x32xf32> to vector<1024x32xf32>
    %add3A_21 = arith.addf %dot_general3A_16, %add3A_20 : vector<1024x32xf32>
    %swap3A = arith.constant 0 : index
    %swap3A_22 = arith.constant 0 : index
    %swap3A_23 = vector.load %arg3[%swap3A, %swap3A_22] : memref<1024x32xf32, #tpu.memory_space<vmem>>, vector<1024x32xf32>
    tpu.vector_store %arg3[%swap3A, %swap3A_22], %add3A_21 {strides = array<i32>} : memref<1024x32xf32, #tpu.memory_space<vmem>>, vector<1024x32xf32>,
    return
  }
}

</mosaic_0001>

<sc_bundles>
// kernel: kernel.4.cloned.1.call-start
scs
__scs_entry_jumppad:
0x0: {  	(pc) =	sbr.rel $0x88, $3  }
0x1: {  	(tag) =	ssettag $0x0;
	lr =	simm.s32 $0x1  }
0x2: {  	[smem:$0x3F9D] =	sst lr;
	_ =	strace $0xD0000000  }
0x3: {  	_ = 	snop  }
0x4: {  	_ = 	snop  }
0x5: {  	_ = 	snop  }
0x6: {  	_ = 	snop  }
0x7: {  	_ = 	snop  }
__scs_overlays_trampoline_lowered:
0x8: {  	[smem:$0x3FAC] =	sst s0  }
0x9: {  	[smem:$0x3FAD] =	sst s1  }
0xa: {  	[smem:$0x3FAE] =	sst s2  }
0xb: {  	[smem:$0x3FAF] =	sst s3  }
0xc: {  	[smem:$0x3FB0] =	sst s4  }
0xd: {  	[smem:$0x3FB1] =	sst s5  }
0xe: {  	[smem:$0x3FB2] =	sst s6  }
0xf: {  	[smem:$0x3FB3] =	sst s7  }
0x10: {  	[smem:$0x3FB4] =	sst s8  }
0x11: {  	[smem:$0x3FB5] =	sst s9;
	s0 =	simm.s32 @!p0 $0x0  }
0x12: {  	s1 =	sld [smem:$0x3F9B];
	s0 =	simm.s32 @p0 $0x1  }
0x13: {  	[smem:$0x3FB6] =	sst s0;
	s0 =	simm.s32 @!p1 $0x0  }
0x14: {  	s2 =	sld [smem:$0x3F9A];
	s0 =	simm.s32 @p1 $0x1  }
0x15: {  	[smem:$0x3FB7] =	sst s0;
	s0 =	simm.s32 @!p2 $0x0  }
0x16: {  	s3 =	sld [smem:$0x3FDB];
	s0 =	simm.s32 @p2 $0x1  }
0x17: {  	s4 =	simm.s32 $0x1BF5;
	[smem:$0x3FB9] =	sst s0  }
0x18: {  	s0 =	sld [smem:$0x3F9C];
	_ =	swait.ge [sflag:s4], $0x0  }
0x19: {  	s7 =	sld [smem:$0x3F9D]  }
0x1a: {  	s8 =	sadd.s32 $0xFFFFE003, lr  }
0x1b: {  	s9 =	sadd.s32 $0xFFFFFEF7, lr;
	s5 =	simm.s32 $0xFFFFFFFF;
	p2 =	slt.u32 s8, $0xFFFFF086  }
0x1c: {  	p1 =	slt.u32 s9, $0xF7A;
	s5 =	simm.s32 @!p2 $0x0  }
0x1d: {  	s5 =	simm.s32 @p1 $0x1;
	p0 =	seq.s32 s7, s2  }
0x1e: {  	s7 =	smul.u32 @!p0 $0xF7A, s2;
	p2 =	seq.s32 @!p0 s5, $0x0  }
0x1f: {  	s9 =	smul.u32 $0xF7A, s1;
	s8 =	simm.s32 @!p0 $0x1BF5;
	p2 =	por !p2, p0  }
0x20: {  	[sflag:s8] =	ssyncset.s32 @!p0 $0xFFFFF086;
	s6 =	sadd.s32 @!p0 s3, s7;
	s7 =	simm.s32 @!p0 $0x108  }
0x21: {  	s3 =	sadd.s32 s3, s9;
	s6 =	sadd.s32 @!p0 $0x88, s6;
	s7 =	simm.s32 @p2 $0x1082  }
0x22: {  	[simem:s7], [sflag:s8] =	dma.local @!p0 [hbm:s6], $0xF7A  }
0x23: {  	s9 =	sor.u32 $0xD0000000, s2;
	s6 =	simm.s32 $0x108;
	_ =	swait.ge @!p0 [sflag:s8], $0x0  }
0x24: {  	s3 =	sadd.s32 $0x88, s3;
	s6 =	simm.s32 @!p1 $0x1082;
	[sflag:s4] =	ssyncset.s32 $0xFFFFF086  }
0x25: {  	[simem:s6], [sflag:s4] =	dma.local [hbm:s3], $0xF7A  }
0x26: {  	[smem:$0x3F9D] =	sst s1;
	(tag) =	ssettag s2;
	_ =	strace s9  }
0x27: {  	s1 =	sld [smem:$0x3FAD]  }
0x28: {  	s2 =	sld [smem:$0x3FAE]  }
0x29: {  	s4 =	sld [smem:$0x3FB0]  }
0x2a: {  	p0 =	seq.s32 s5, $0x0;
	s5 =	sld [smem:$0x3FB1]  }
0x2b: {  	s6 =	sld [smem:$0x3FB2]  }
0x2c: {  	s7 =	sld [smem:$0x3FB3]  }
0x2d: {  	s3 =	simm.s32 $0x108;
	s8 =	sld [smem:$0x3FB4]  }
0x2e: {  	s3 =	simm.s32 @!p0 $0x1082;
	s9 =	sld [smem:$0x3FB5]  }
0x2f: {  	lr =	sadd.s32 s0, s3;
	s0 =	sld [smem:$0x3FAC]  }
0x30: {  	s3 =	sld [smem:$0x3FAF]  }
0x31: {  	[smem:$0x3FB8] =	sst s10  }
0x32: {  	s10 =	sld [smem:$0x3FB6];
	_ =	sdelay $0x3  }
0x33: {  	p0 =	seq.s32 s10, $0x1;
	s10 =	sld [smem:$0x3FB8];
	_ =	sdelay $0x3  }
0x34: {  	[smem:$0x3FB8] =	sst s10  }
0x35: {  	s10 =	sld [smem:$0x3FB7];
	_ =	sdelay $0x3  }
0x36: {  	p1 =	seq.s32 s10, $0x1;
	s10 =	sld [smem:$0x3FB8];
	_ =	sdelay $0x3  }
0x37: {  	[smem:$0x3FB8] =	sst s10  }
0x38: {  	s10 =	sld [smem:$0x3FB9]  }
0x39: {  	_ = 	snop;
	(pc) =	sbr.ind lr, $3  }
0x3a: {  	_ = 	snop  }
0x3b: {  	_ = 	snop  }
0x3c: {  	p2 =	seq.s32 s10, $0x1;
	s10 =	sld [smem:$0x3FB8]  }
0x3d: {  	_ =	shalt  }
0x3e: {  	_ =	shalt  }
0x3f: {  	_ =	shalt  }
0x40: {  	_ =	shalt  }
0x41: {  	_ =	shalt  }
0x42: {  	_ =	shalt  }
0x43: {  	_ =	shalt  }
0x44: {  	_ =	shalt  }
0x45: {  	_ =	shalt  }
0x46: {  	_ =	shalt  }
0x47: {  	_ =	shalt  }
0x48: {  	_ =	shalt  }
0x49: {  	_ =	shalt  }
0x4a: {  	_ =	shalt  }
0x4b: {  	_ =	shalt  }
0x4c: {  	_ =	shalt  }
0x4d: {  	_ =	shalt  }
0x4e: {  	_ =	shalt  }
0x4f: {  	_ =	shalt  }
0x50: {  	_ =	shalt  }
0x51: {  	_ =	shalt  }
0x52: {  	_ =	shalt  }
0x53: {  	_ =	shalt  }
0x54: {  	_ =	shalt  }
0x55: {  	_ =	shalt  }
0x56: {  	_ =	shalt  }
0x57: {  	_ =	shalt  }
0x58: {  	_ =	shalt  }
0x59: {  	_ =	shalt  }
0x5a: {  	_ =	shalt  }
0x5b: {  	_ =	shalt  }
0x5c: {  	_ =	shalt  }
0x5d: {  	_ =	shalt  }
0x5e: {  	_ =	shalt  }
0x5f: {  	_ =	shalt  }
0x60: {  	_ =	shalt  }
0x61: {  	_ =	shalt  }
0x62: {  	_ =	shalt  }
0x63: {  	_ =	shalt  }
0x64: {  	_ =	shalt  }
0x65: {  	_ =	shalt  }
0x66: {  	_ =	shalt  }
0x67: {  	_ =	shalt  }
0x68: {  	_ =	shalt  }
0x69: {  	_ =	shalt  }
0x6a: {  	_ =	shalt  }
0x6b: {  	_ =	shalt  }
0x6c: {  	_ =	shalt  }
0x6d: {  	_ =	shalt  }
0x6e: {  	_ =	shalt  }
0x6f: {  	_ =	shalt  }
0x70: {  	_ =	shalt  }
0x71: {  	_ =	shalt  }
0x72: {  	_ =	shalt  }
0x73: {  	_ =	shalt  }
0x74: {  	_ =	shalt  }
0x75: {  	_ =	shalt  }
0x76: {  	_ =	shalt  }
0x77: {  	_ =	shalt  }
0x78: {  	_ =	shalt  }
0x79: {  	_ =	shalt  }
0x7a: {  	_ =	shalt  }
0x7b: {  	_ =	shalt  }
0x7c: {  	_ =	shalt  }
0x7d: {  	_ =	shalt  }
0x7e: {  	_ =	shalt  }
0x7f: {  	_ =	shalt  }
0x80: {  	_ =	shalt  }
0x81: {  	_ =	shalt  }
0x82: {  	_ =	shalt  }
0x83: {  	_ =	shalt  }
0x84: {  	_ =	shalt  }
0x85: {  	_ =	shalt  }
0x86: {  	_ =	shalt  }
0x87: {  	_ =	shalt  }
.Lfunc_end0:
.L_simem_size_0:
called_computation_lowered:
.L_overlay_start_0:
0x88: {  	s2 =	sld [smem:$0x3FD9]  }
0x89: {  	s3 =	sld [smem:$0x3FFE];
	_ =	sdelay $0x1  }
0x8a: {  	s1 =	srdreg.scid  }
0x8b: {  	s0 =	sand.u32 $0x1, s1  }
0x8c: {  	s17 =	sshll.u32 s0, $0xA;
	s2 =	sadd.s32 s3, s2  }
0x8d: {  	s2 =	sadd.s32 s2, s17  }
0x8e: {  	[smem:$0x3FC4] =	sst s2  }
0x8f: {  	_ = 	snop  }
0x90: {  	s2 =	sld [smem:$0x3FC9]  }
0x91: {  	s18 =	sld [smem:$0x3FC8];
	(tm) =	ssettm $0x1  }
0x92: {  	s4 =	sld [smem:$0x3FFB];
	_ =	sdelay $0x3  }
0x93: {  	_ =	strace s4  }
0x94: {  	s4 =	sld [smem:$0x3FFC];
	_ =	sdelay $0x3  }
0x95: {  	_ =	strace s4  }
0x96: {  	s4 =	sld [smem:$0x3FFD];
	_ =	sdelay $0x3  }
0x97: {  	_ =	strace s4  }
0x98: {  	_ =	strace $0x8FFFFFFF  }
0x99: {  	s19 =	sld [smem:$0x3FDB];
	_ =	sdelay $0x1  }
0x9a: {  	s5 =	simm.s32 $_scs_section_size  }
0x9b: {  	s6 =	simm.s32 $_size__tile_overlayer_lowered;
	s7 =	simm.s32 $_tile_overlayer_lowered  }
0x9c: {  	s22 =	simm.s32 $0x1BFF;
	s21 =	sshll.u32 s7, $0x1;
	s4 =	sadd.s32 s5, s19  }
0x9d: {  	s8 =	simm.s32 $0x0;
	s20 =	sshll.u32 s6, $0x1;
	s6 =	sadd.s32 s21, s4  }
0x9e: {  	[timem:s8], [sflag:s22] =	dma.local [hbm:s6], s20  }
0x9f: {  	_ =	swait.ge [sflag:s22], s20  }
0xa0: {  	s5 =	ssub.s32 $0x0, s20;
	[sflag:s22] =	ssyncset.done $0x0  }
0xa1: {  	[sflag:s22] =	ssyncadd.s32 s5;
	_ =	sdelay $0x1  }
0xa2: {  	s23 =	simm.s32 $0x1B8B  }
0xa3: {  	_ =	swait.ge [sflag:s23], $0x1  }
0xa4: {  	[sflag:s23] =	ssyncset.done $0x0  }
0xa5: {  	s25 =	simm.s32 $0x1B8E;
	s24 =	sld [smem:$0x3FFE];
	[sflag:s23] =	ssyncadd.s32 $0xFFFFFFFF  }
0xa6: {  	s26 =	simm.s32 $execute0_lowered;
	[smem:$0x3FD2] =	sst s25  }
0xa7: {  	s6 =	sshll.u32 s26, $0x1;
	_ =	strace $0x80000046;
	[dreg:$0x1] =	wrdreg $0xFFFFFFFF  }
0xa8: {  	s28 =	simm.s32 $_size_execute0_lowered;
	s4 =	sadd.s32 s4, s6;
	[dreg:$0x0] =	wrdreg $0x0  }
0xa9: {  	s6 =	sshll.u32 s28, $0x1;
	[dreg:$0x2] =	wrdreg s4  }
0xaa: {  	[dreg:$0x3] =	wrdreg s6  }
0xab: {  	[dreg:$0x4] =	wrdreg $0xC0  }
0xac: {  	_ =	task [dreg:s8], $0x5FFFF  }
0xad: {  	[dreg:$0x1] =	wrdreg $0xFFFFFFFF  }
0xae: {  	[dreg:$0x0] =	wrdreg $0x60  }
0xaf: {  	[dreg:$0x2] =	wrdreg s2  }
0xb0: {  	[dreg:$0x3] =	wrdreg s18  }
0xb1: {  	[dreg:$0x4] =	wrdreg s24  }
0xb2: {  	[dreg:$0x5] =	wrdreg $0x1C9800  }
0xb3: {  	[dreg:$0x6] =	wrdreg $0x9  }
0xb4: {  	_ =	task.clear_ibuf [dreg:s8], $0x7FFFF;
	_ =	strace $0x90000046  }
0xb5: {  	s29 =	simm.s32 $0x9;
	_ =	strace $0x80000048  }
0xb6: {  	_ =	swait.ge [sflag:s29], $0x1  }
0xb7: {  	[sflag:s29] =	ssyncadd.s32 $0xFFFFFFFF  }
0xb8: {  	_ =	strace $0x90000048  }
0xb9: {  	_ =	sfence  }
0xba: {  	s30 =	sld [smem:$0x0];
	_ =	sdelay $0x2  }
0xbb: {  	s31 =	sshll.u32 s1, $0xD;
	s1 =	sshrl.u32 s1, $0x2  }
0xbc: {  	s3 =	sand.u32 $0x4000, s31;
	s1 =	sadd.s32 s1, s30  }
0xbd: {  	s0 =	sor.u32 s3, s0;
	s1 =	sshll.u32 s1, $0x11  }
0xbe: {  	s0 =	sor.u32 s1, s0  }
0xbf: {  	s0 =	sadd.s32 $0x8F2B, s0  }
0xc0: {  	[sflag:s0] =	ssyncadd.remote.s32 $0x1  }
0xc1: {  	_ =	sfence.sel $0xFFFF  }
0xc2: {  	[dreg:$0x0] =	wrdreg $0xFFFFFFFF;
	(pc) =	sbr.abs _section_cstart, $3  }
0xc3: {  	[dreg:$0x1] =	wrdreg $0xFFFFFFFF  }
0xc4: {  	_ =	task.clear_ibuf [dreg:s8], $0x2FFFF;
	_ =	strace $0x9FFFFFFF  }
0xc5: {  	(tm) =	ssettm $0x7FFFFFFF  }
tec
execute0_lowered:
.L_overlay_start_1:
0x0: {  	(tag) =	ssettag $0x1  }
0x1: {  	s1 =	rddreg [dreg:$0x0]  }
0x2: {  	s3 =	rddreg [dreg:$0x1]  }
0x3: {  	s7 =	rddreg [dreg:$0x2];
	s5 =	srdreg.scid  }
0x4: {  	s4 =	rddreg [dreg:$0x3];
	v9 =	vimm.f32 $0.0e+00;
	vm0 =	vcmask $0x300;
	s6 =	sand.u32 $0x1, s5;
	s5 =	simm.s32 $0x0  }
0x5: {  	v27 =	vlaneseq.u32;
	v0 =	vsel vm0, $0x43C80000, v9;
	[smem:$0x7FF] =	sst s5  }
0x6: {  	s0 =	rddreg [dreg:$0x4];
	v56 =	vadd.s32 $0x1, v27;
	_ =	strace $0x80000047;
	[tilespmem:$0x1FEF0] =	vst v0  }
0x7: {  	v57 =	vadd.s32 $0x11, v27;
	[tilespmem:$0x1FF00] =	vst v56  }
0x8: {  	v58 =	vadd.s32 $0x21, v27;
	[tilespmem:$0x1FF10] =	vst v57  }
0x9: {  	v59 =	vadd.s32 $0x31, v27;
	[tilespmem:$0x1FF20] =	vst v58  }
0xa: {  	v60 =	vadd.s32 $0x41, v27;
	[tilespmem:$0x1FF30] =	vst v59  }
0xb: {  	v61 =	vadd.s32 $0x51, v27;
	[tilespmem:$0x1FF40] =	vst v60  }
0xc: {  	v62 =	vsel vm0, $0x41800000, v9;
	[tilespmem:$0x1FF50] =	vst v61  }
0xd: {  	s2 =	stileid.u32;
	s14 =	simm.s32 $0x19000;
	v63 =	vsel vm0, $0x3F800000, v9;
	[tilespmem:$0x1FF60] =	vst v62  }
0xe: {  	s15 =	simm.s32 $0x2;
	s16 =	simm.s32 $0xC800;
	s17 =	simm.s32 $0x19190;
	v28 =	vor.u32 $0x10, v27;
	[tilespmem:$0x1FF70] =	vst v63  }
0xf: {  	s18 =	simm.s32 $0x1C920;
	s8 =	smul.u32 $0x2880, s2;
	v29 =	vor.u32 $0x20, v27;
	s10 =	sshll.u32 s6, $0x4;
	[tilespmem:$0x1FF80] =	vst v28  }
0x10: {  	s19 =	simm.s32 $0x60;
	v30 =	vor.u32 $0x30, v27;
	s9 =	smul.u32 $0x28800, s6;
	s10 =	sor.u32 s2, s10;
	[tilespmem:$0x1FF90] =	vst v29  }
0x11: {  	s20 =	simm.s32 $0x0;
	v31 =	vor.u32 $0x40, v27;
	s11 =	ssub.s32 $0x2, s6;
	[tilespmem:$0x1FFA0] =	vst v30;
	s6 =	smul.u32 $0x2710, s10  }
.Ltmp0:
0x12: {  	v32 =	vor.u32 $0x50, v27;
	s12 =	sshrl.u32 s11, $0x1;
	[tilespmem:$0x1FFB0] =	vst v31;
	s9 =	sadd.s32 s8, s9;
	(pc) =	sbr.rel .LBB2_1-.Ltmp0, $4  }
0x13: {  	v33 =	vor.u32 $0x60, v27;
	[tilespmem:$0x1FFC0] =	vst v32;
	s10 =	smul.u32 $0x27100, s10;
	s11 =	ssub.s32 s11, s12;
	s9 =	sshrl.u32 s9, $0x3  }
0x14: {  	v34 =	vor.u32 $0x70, v27;
	[tilespmem:$0x1FFD0] =	vst v33;
	s12 =	simm.s32 $0x19320;
	s11 =	smax.u32 s11, $0x1;
	s13 =	sadd.s32 s9, s7  }
0x15: {  	v35 =	vor.u32 $0x80, v27;
	[tilespmem:$0x1FFE0] =	vst v34;
	s7 =	sadd.s32 s8, s4;
	s8 =	sadd.s32 s1, s10;
	s31 =	sshrl.u32 s6, $0x3  }
0x16: {  	[tilespmem:$0x1FFF0] =	vst v35;
	s9 =	sadd.s32 s3, s31;
	s10 =	sadd.s32 $0x800, s13;
	s13 =	simm.s32 $0x3  }
.LBB2_19:
0x17: {  	v0 =	vmov s24  }
0x18: {  	v1 =	vmul.u32 $0x90, v0;
	_ =	sdelay $0x1  }
0x19: {  	v2 =	vor.u32 v27, v1  }
0x1a: {  	v3 =	vadd.s32 v28, v1  }
0x1b: {  	v4 =	vadd.s32 v29, v1  }
0x1c: {  	v5 =	vadd.s32 v30, v1  }
0x1d: {  	v6 =	vadd.s32 v31, v1  }
0x1e: {  	v45 =	vadd.s32 v32, v1;
	[tilespmem:v2+s12+$0x0] =	vst.idx.msk $0xffff, v60  }
0x1f: {  	v46 =	vadd.s32 v33, v1;
	[tilespmem:v3+s12+$0x0] =	vst.idx.msk $0xffff, v59  }
0x20: {  	v47 =	vadd.s32 v34, v1;
	[tilespmem:v4+s12+$0x0] =	vst.idx.msk $0xffff, v49  }
0x21: {  	v1 =	vadd.s32 v35, v1;
	[tilespmem:v5+s12+$0x0] =	vst.idx.msk $0xffff, v48  }
0x22: {  	v51 =	vld [tilespmem:$0x1FF00];
	[tilespmem:v6+s12+$0x0] =	vst.idx.msk $0xffff, v24  }
0x23: {  	v53 =	vld [tilespmem:$0x1FF10];
	[tilespmem:v45+s12+$0x0] =	vst.idx.msk $0xffff, v23  }
0x24: {  	p0 =	slt.s32 s21, $0x0;
	v56 =	vld [tilespmem:$0x1FF20];
	[tilespmem:v46+s12+$0x0] =	vst.idx.msk $0xffff, v7  }
0x25: {  	v58 =	vld [tilespmem:$0x1FF30];
	s21 =	simm.s32 @p0 $0x400;
	[tilespmem:v47+s12+$0x0] =	vst.idx.msk $0xffff, v18  }
0x26: {  	v62 =	vld [tilespmem:$0x1FF50];
	v49 =	vmov s21;
	[tilespmem:v1+s12+$0x0] =	vst.idx.msk $0xffff, v17  }
0x27: {  	v60 =	vld [tilespmem:$0x1FF40];
	[tilespmem:v0+s18+$0x0] =	vst.idx.msk $0x1, v49  }
0x28: {  	v0 =	vld [tilespmem:$0x1C920]  }
0x29: {  	v1 =	vld [tilespmem:$0x1C930]  }
0x2a: {  	s30 =	sadd.s32 $0x1, s24;
	v2 =	vld [tilespmem:$0x1C940]  }
0x2b: {  	v50 =	vmov s30;
	v4 =	vld [tilespmem:$0x1C950]  }
0x2c: {  	vm0 =	vlt.s32 v50, v51;
	v52 =	vld [tilespmem:$0x1C960]  }
0x2d: {  	vm11 =	vlt.s32 v50, v53;
	v54 =	vld [tilespmem:$0x1C970];
	v0 =	vsel vm0, $0x400, v0  }
0x2e: {  	vm12 =	vlt.s32 v50, v56;
	v55 =	vsel vm11, $0x400, v1;
	[tilespmem:$0x1C920] =	vst v0  }
0x2f: {  	vm13 =	vlt.s32 v50, v58;
	v57 =	vsel vm12, $0x400, v2;
	[tilespmem:$0x1C930] =	vst v55  }
0x30: {  	vm14 =	vlt.s32 v50, v60;
	v59 =	vsel vm13, $0x400, v4;
	[tilespmem:$0x1C940] =	vst v57  }
0x31: {  	vm15 =	vlt.s32 v50, v62;
	v61 =	vsel vm14, $0x400, v52;
	[tilespmem:$0x1C950] =	vst v59  }
0x32: {  	v63 =	vsel vm15, $0x400, v54;
	[tilespmem:$0x1C960] =	vst v61  }
0x33: {  	[tilespmem:$0x1C970] =	vst v63  }
0x34: {  	[spmem:s4] =	stream.indirect.scatter.add.f32 [tilespmem:s12], [sflag:$0x3], $0x90, s18, s19, $0xb8;
	[tilespmem:$0x1F200] =	vst v63  }
0x35: {  	_ =	swait.ge [sflag:s13], $0x3600  }
0x36: {  	s31 =	sshll.u32 s2, $0x6;
	s20 =	sadd.s32 $0x1, s20;
	[sflag:s13] =	ssyncset.done $0x0  }
0x37: {  	s22 =	sshrl.u32 s7, $0x3;
	p0 =	sne.s32 s20, s11;
	[sflag:s13] =	ssyncadd.s32 $0xFFFFCA00  }
.Ltmp1:
0x38: {  	s21 =	sor.u32 $0x1C03, s31;
	[bflag:$0x0] =	sbarrier.arrive $0xFFFF;
	(pc) =	sbr.rel @!p0 .LBB2_20-.Ltmp1, $4  }
0x39: {  	[hbm:s10], [sflag:s21] =	dma.local [spmem:s22], $0x510  }
0x3a: {  	_ =	swait.ge [sflag:s13], $0x510  }
0x3b: {  	[sflag:s13] =	ssyncset.done $0x0  }
0x3c: {  	[sflag:s13] =	ssyncadd.s32 $0xFFFFFAF0  }
.LBB2_1:
0x3d: {  	v0 =	vmov s5  }
0x3e: {  	v0 =	vmul.u32 $0x90, v0;
	_ =	sdelay $0x1  }
0x3f: {  	v1 =	vbroadcast v0, $0x0;
	_ =	sdelay $0x1  }
0x40: {  	v0 =	vor.u32 v27, v1  }
0x41: {  	v2 =	vadd.s32 v28, v1  }
0x42: {  	v3 =	vadd.s32 v29, v1  }
0x43: {  	s21 =	simm.s32 $0x1;
	v4 =	vadd.s32 v30, v1  }
0x44: {  	v6 =	vmov s21;
	v5 =	vadd.s32 v31, v1  }
0x45: {  	v7 =	vadd.s32 v32, v1;
	[tilespmem:v0+s12+$0x0] =	vst.idx.msk $0xffff, v9;
	v0 =	vmul.u32 $0x90, v6  }
0x46: {  	v6 =	vadd.s32 v33, v1;
	[tilespmem:v2+s12+$0x0] =	vst.idx.msk $0xffff, v9  }
0x47: {  	v8 =	vadd.s32 v34, v1;
	[tilespmem:v3+s12+$0x0] =	vst.idx.msk $0xffff, v9;
	v0 =	vbroadcast v0, $0x0  }
0x48: {  	v3 =	vadd.s32 v35, v1;
	[tilespmem:v4+s12+$0x0] =	vst.idx.msk $0xffff, v9  }
0x49: {  	[tilespmem:v5+s12+$0x0] =	vst.idx.msk $0xffff, v9;
	v2 =	vor.u32 v27, v0  }
0x4a: {  	v5 =	vadd.s32 v28, v0;
	[tilespmem:v7+s12+$0x0] =	vst.idx.msk $0xffff, v9  }
0x4b: {  	[tilespmem:v6+s12+$0x0] =	vst.idx.msk $0xffff, v9;
	v6 =	vadd.s32 v29, v0  }
0x4c: {  	s21 =	simm.s32 $0x2;
	v1 =	vadd.s32 v31, v0;
	v4 =	vadd.s32 v30, v0;
	[tilespmem:v8+s12+$0x0] =	vst.idx.msk $0xffff, v9  }
.LBB2_2:
0x4d: {  	v7 =	vmov s21;
	p0 =	sne.s32 s21, $0x47;
	s21 =	sadd.s32 $0x1, s21;
	[tilespmem:v3+s12+$0x0] =	vst.idx.msk $0xffff, v9  }
0x4e: {  	v3 =	vmul.u32 $0x90, v7;
	[tilespmem:v2+s12+$0x0] =	vst.idx.msk $0xffff, v9;
	v7 =	vadd.s32 v32, v0  }
0x4f: {  	v8 =	vadd.s32 v33, v0;
	[tilespmem:v5+s12+$0x0] =	vst.idx.msk $0xffff, v9  }
0x50: {  	v10 =	vadd.s32 v34, v0;
	v5 =	vbroadcast v3, $0x0;
	[tilespmem:v6+s12+$0x0] =	vst.idx.msk $0xffff, v9  }
.Ltmp2:
0x51: {  	v3 =	vadd.s32 v35, v0;
	[tilespmem:v4+s12+$0x0] =	vst.idx.msk $0xffff, v9;
	(pc) =	sbr.rel @p0 .LBB2_2-.Ltmp2, $4  }
0x52: {  	v2 =	vor.u32 v27, v5;
	[tilespmem:v1+s12+$0x0] =	vst.idx.msk $0xffff, v9;
	v1 =	vadd.s32 v31, v5;
	v0 =	vmov v5  }
0x53: {  	v5 =	vadd.s32 v28, v0;
	[tilespmem:v7+s12+$0x0] =	vst.idx.msk $0xffff, v9  }
0x54: {  	v6 =	vadd.s32 v29, v0;
	[tilespmem:v8+s12+$0x0] =	vst.idx.msk $0xffff, v9  }
0x55: {  	v4 =	vadd.s32 v30, v0;
	[tilespmem:v10+s12+$0x0] =	vst.idx.msk $0xffff, v9  }
0x56: {  	_ =	sdelay $0x3  }
0x57: {  	[tilespmem:v3+s12+$0x0] =	vst.idx.msk $0xffff, v9  }
0x58: {  	v61 =	vadd.s32 v32, v0;
	[tilespmem:v2+s12+$0x0] =	vst.idx.msk $0xffff, v9  }
0x59: {  	v62 =	vadd.s32 v33, v0;
	[tilespmem:v5+s12+$0x0] =	vst.idx.msk $0xffff, v9  }
0x5a: {  	v5 =	vadd.s32 v34, v0;
	[tilespmem:v6+s12+$0x0] =	vst.idx.msk $0xffff, v9  }
0x5b: {  	v63 =	vadd.s32 v35, v0;
	[tilespmem:v4+s12+$0x0] =	vst.idx.msk $0xffff, v9  }
0x5c: {  	[tilespmem:v1+s12+$0x0] =	vst.idx.msk $0xffff, v9  }
0x5d: {  	[tilespmem:v61+s12+$0x0] =	vst.idx.msk $0xffff, v9  }
0x5e: {  	[tilespmem:v62+s12+$0x0] =	vst.idx.msk $0xffff, v9  }
0x5f: {  	[tilespmem:v5+s12+$0x0] =	vst.idx.msk $0xffff, v9  }
0x60: {  	[tilespmem:v63+s12+$0x0] =	vst.idx.msk $0xffff, v9  }
0x61: {  	[spmem:s7] =	stream.linear.scatter [tilespmem:s12], [sflag:$0x3], $0x2880, $0x38;
	[tilespmem:$0x1F200] =	vst v63  }
0x62: {  	_ =	swait.ge [sflag:s13], $0x2880  }
0x63: {  	[sflag:s13] =	ssyncset.done $0x0  }
.Ltmp3:
0x64: {  	[sflag:s13] =	ssyncadd.s32 $0xFFFFD780;
	(pc) =	sbr.rel .LBB2_4-.Ltmp3, $4  }
0x65: {  	s22 =	simm.s32 $0x0;
	[bflag:$0x0] =	sbarrier.arrive $0xFFFF  }
0x66: {  	v18 =	vimm.f32 $0.0e+00;
	v7 =	vimm.f32 $0.0e+00;
	v23 =	vimm.f32 $0.0e+00;
	[tilespmem:s22], [sflag:$0x1] =	stream.linear.gather [hbm4b:s8+s22], $0xC800, $0x38;
	[tilespmem:$0x1F200] =	vst v63  }
0x67: {  	v24 =	vimm.f32 $0.0e+00;
	v48 =	vimm.f32 $0.0e+00;
	v49 =	vimm.f32 $0.0e+00;
	s21 =	simm.s32 $0xFFFFFFFF;
	s24 =	simm.s32 $0x0  }
0x68: {  	v59 =	vimm.f32 $0.0e+00;
	v60 =	vimm.f32 $0.0e+00;
	v17 =	vimm.f32 $0.0e+00;
	[tilespmem:s14], [sflag:$0x1] =	stream.linear.gather [hbm4b:s9+s22], $0x190, $0x38;
	[tilespmem:$0x1F200] =	vst v63  }
.LBB2_18:
0x69: {  	p0 =	slt.u32 s22, $0x19  }
.Ltmp4:
0x6a: {  	_ = 	snop;
	(pc) =	sbr.rel @!p0 .LBB2_19-.Ltmp4, $2  }
0x6b: {  	_ =	sdelay $0x2  }
0x6c: {  	v7 =	vmov v9;
	v9 =	vimm.f32 $0.0e+00  }
.LBB2_4:
0x6d: {  	s23 =	sand.u32 $0x1, s22  }
0x6e: {  	p1 =	seq.s32 s23, $0x1  }
0x6f: {  	s25 =	simm.s32 @!p1 $0x1  }
0x70: {  	p0 =	seq.s32 s23, $0x0;
	_ =	swait.ge @!p1 [sflag:s25], $0xC800  }
.Ltmp5:
0x71: {  	[sflag:s25] =	ssyncset.done @!p1 $0x0;
	(pc) =	sbr.rel @p0 .LBB2_7-.Ltmp5, $4  }
0x72: {  	[sflag:s25] =	ssyncadd.s32 @!p1 $0xFFFF3800  }
0x73: {  	_ =	swait.ge @!p1 [sflag:s25], $0x190  }
0x74: {  	[sflag:s25] =	ssyncset.done @!p1 $0x0  }
0x75: {  	[sflag:s25] =	ssyncadd.s32 @!p1 $0xFFFFFE70  }
0x76: {  	s25 =	sadd.s32 $0x1, s22  }
0x77: {  	_ =	swait.ge [sflag:s15], $0xC800;
	s22 =	smul.u32 $0x190, s25  }
0x78: {  	[sflag:s15] =	ssyncset.done $0x0  }
0x79: {  	[sflag:s15] =	ssyncadd.s32 $0xFFFF3800;
	s22 =	sadd.s32 s6, s22  }
0x7a: {  	_ =	swait.ge [sflag:s15], $0x190;
	s26 =	sshll.u32 s22, $0x4  }
0x7b: {  	[sflag:s15] =	ssyncset.done $0x0;
	s26 =	sand.u32 $0x1FFFFF00, s26  }
0x7c: {  	[sflag:s15] =	ssyncadd.s32 $0xFFFFFE70;
	s26 =	sadd.s32 s1, s26  }
0x7d: {  	[tilespmem:s5], [sflag:$0x1] =	stream.linear.gather [hbm4b:s26+s5], $0xC800, $0x38;
	[tilespmem:$0x1F200] =	vst v63  }
.Ltmp6:
0x7e: {  	_ = 	snop;
	(pc) =	sbr.rel @!p0 .LBB2_9-.Ltmp6, $4  }
.Ltmp7:
0x7f: {  	s22 =	sshrl.u32 s22, $0x3;
	(pc) =	sbr.rel @p0 .LBB2_6-.Ltmp7, $4  }
0x80: {  	s22 =	sadd.s32 s3, s22  }
0x81: {  	[tilespmem:s14], [sflag:$0x1] =	stream.linear.gather [hbm4b:s22+s5], $0x190, $0x38;
	[tilespmem:$0x1F200] =	vst v63  }
0x82: {  	v9 =	vmov v7;
	s22 =	smov.u32 s25  }
0x83: {  	_ = 	snop  }
.LBB2_7:
0x84: {  	p0 =	seq.s32 s22, $0x18  }
0x85: {  	p1 =	sne.s32 @!p0 s23, $0x0  }
0x86: {  	p1 =	por p0, p1  }
.Ltmp8:
0x87: {  	_ = 	snop;
	(pc) =	sbr.rel @p1 .LBB2_8-.Ltmp8, $2  }
0x88: {  	_ =	sdelay $0x2  }
0x89: {  	s25 =	sor.u32 $0x1, s22;
	v9 =	vmov v7  }
.LBB2_6:
0x8a: {  	s22 =	smul.u32 $0x190, s25;
	_ =	sdelay $0x1  }
0x8b: {  	s22 =	sadd.s32 s6, s22  }
0x8c: {  	s26 =	sshll.u32 s22, $0x4  }
0x8d: {  	s26 =	sand.u32 $0x1FFFFF00, s26  }
.Ltmp9:
0x8e: {  	s22 =	sshrl.u32 s22, $0x3;
	s26 =	sadd.s32 s1, s26;
	(pc) =	sbr.rel .LBB2_9-.Ltmp9, $4  }
0x8f: {  	[tilespmem:s16], [sflag:$0x2] =	stream.linear.gather [hbm4b:s26+s5], $0xC800, $0x38;
	[tilespmem:$0x1F200] =	vst v63  }
0x90: {  	s22 =	sadd.s32 s3, s22  }
0x91: {  	[tilespmem:s17], [sflag:$0x2] =	stream.linear.gather [hbm4b:s22+s5], $0x190, $0x38;
	[tilespmem:$0x1F200] =	vst v63  }
0x92: {  	s22 =	smov.u32 s25  }
.LBB2_8:
0x93: {  	s25 =	smov.u32 @p0 s25  }
0x94: {  	s22 =	smov.u32 s25  }
.LBB2_9:
0x95: {  	s25 =	smul.u32 $0x640, s23;
	_ =	sdelay $0x1  }
0x96: {  	s25 =	sshrl.u32 s25, $0x2  }
0x97: {  	v0 =	vld [tilespmem:s25+$0x19180];
	_ =	sdelay $0x4  }
0x98: {  	(v2sf) =	vpush v0, $0xF;
	_ =	sdelay $0xe  }
0x99: {  	s26 =	spop (v2sf)  }
0x9a: {  	p0 =	sne.s32 s26, s21  }
.Ltmp10:
0x9b: {  	_ = 	snop;
	(pc) =	sbr.rel @p0 .LBB2_10-.Ltmp10, $3  }
0x9c: {  	_ = 	snop  }
0x9d: {  	s31 =	smul.u32 $0x32000, s23;
	_ =	sdelay $0x1  }
0x9e: {  	s26 =	sshrl.u32 s31, $0x2  }
0x9f: {  	s23 =	sadd.s32 $0x400, s26  }
0xa0: {  	v20 =	vmov s23;
	_ =	sdelay $0x3  }
0xa1: {  	s23 =	simm.s32 $0x0  }
0xa2: {  	v0 =	vld.idx.msk [tilespmem:v20+s23+$0x310 ss:$0x1], $0xffff;
	_ =	sdelay $0x4  }
0xa3: {  	[tilespmem:$0x1FDD0] =	vst v0;
	v0 =	vld.idx.msk [tilespmem:v20+s23+$0x290 ss:$0x1], $0xffff;
	_ =	sdelay $0x4  }
0xa4: {  	[tilespmem:$0x1FED0] =	vst v0;
	v0 =	vld.idx.msk [tilespmem:v20+s23+$0x200 ss:$0x1], $0xffff;
	_ =	sdelay $0x4  }
0xa5: {  	[tilespmem:$0x1FE90] =	vst v0;
	v0 =	vld.idx.msk [tilespmem:v20+s23+$0x210 ss:$0x1], $0xffff;
	_ =	sdelay $0x4  }
0xa6: {  	[tilespmem:$0x1FEA0] =	vst v0;
	v0 =	vld.idx.msk [tilespmem:v20+s23+$0x220 ss:$0x1], $0xffff  }
0xa7: {  	v44 =	vld.idx.msk [tilespmem:v20+s23+$0x380 ss:$0x1], $0xffff  }
0xa8: {  	v45 =	vld.idx.msk [tilespmem:v20+s23+$0x390 ss:$0x1], $0xffff  }
0xa9: {  	v46 =	vld.idx.msk [tilespmem:v20+s23+$0x3A0 ss:$0x1], $0xffff  }
0xaa: {  	v47 =	vld.idx.msk [tilespmem:v20+s23+$0x3B0 ss:$0x1], $0xffff  }
0xab: {  	[tilespmem:$0x1FEB0] =	vst v0;
	v0 =	vld.idx.msk [tilespmem:v20+s23+$0x230 ss:$0x1], $0xffff  }
0xac: {  	v25 =	vld.idx.msk [tilespmem:v20+s23+$0x3C0 ss:$0x1], $0xffff  }
0xad: {  	v27 =	vld.idx.msk [tilespmem:v20+s23+$0x3D0 ss:$0x1], $0xffff  }
0xae: {  	v51 =	vld.idx.msk [tilespmem:v20+s23+$0x300 ss:$0x1], $0xffff  }
0xaf: {  	v62 =	vld.idx.msk [tilespmem:v20+s23+$0x320 ss:$0x1], $0xffff  }
0xb0: {  	[tilespmem:$0x1FEC0] =	vst v0;
	v0 =	vld.idx.msk [tilespmem:v20+s23+$0x180 ss:$0x1], $0xffff  }
0xb1: {  	v52 =	vld.idx.msk [tilespmem:v20+s23+$0x330 ss:$0x1], $0xffff  }
0xb2: {  	v28 =	vld.idx.msk [tilespmem:v20+s23+$0x340 ss:$0x1], $0xffff  }
0xb3: {  	v29 =	vld.idx.msk [tilespmem:v20+s23+$0x350 ss:$0x1], $0xffff  }
0xb4: {  	v53 =	vld.idx.msk [tilespmem:v20+s23+$0x280 ss:$0x1], $0xffff  }
0xb5: {  	[tilespmem:$0x1FE50] =	vst v0;
	v0 =	vld.idx.msk [tilespmem:v20+s23+$0x190 ss:$0x1], $0xffff  }
0xb6: {  	v63 =	vld.idx.msk [tilespmem:v20+s23+$0x2A0 ss:$0x1], $0xffff  }
0xb7: {  	v54 =	vld.idx.msk [tilespmem:v20+s23+$0x2B0 ss:$0x1], $0xffff  }
0xb8: {  	v30 =	vld.idx.msk [tilespmem:v20+s23+$0x2C0 ss:$0x1], $0xffff  }
0xb9: {  	v31 =	vld.idx.msk [tilespmem:v20+s23+$0x2D0 ss:$0x1], $0xffff  }
0xba: {  	[tilespmem:$0x1FE60] =	vst v0;
	v0 =	vld.idx.msk [tilespmem:v20+s23+$0x1A0 ss:$0x1], $0xffff  }
0xbb: {  	v32 =	vld.idx.msk [tilespmem:v20+s23+$0x240 ss:$0x1], $0xffff  }
0xbc: {  	v33 =	vld.idx.msk [tilespmem:v20+s23+$0x250 ss:$0x1], $0xffff  }
0xbd: {  	v34 =	vld.idx.msk [tilespmem:v20+s23+$0x1C0 ss:$0x1], $0xffff  }
0xbe: {  	v36 =	vld.idx.msk [tilespmem:v20+s23+$0x1D0 ss:$0x1], $0xffff  }
0xbf: {  	[tilespmem:$0x1FE70] =	vst v0;
	v0 =	vld.idx.msk [tilespmem:v20+s23+$0x1B0 ss:$0x1], $0xffff  }
0xc0: {  	v38 =	vld.idx.msk [tilespmem:v20+s23+$0x140 ss:$0x1], $0xffff  }
0xc1: {  	v39 =	vld.idx.msk [tilespmem:v20+s23+$0x150 ss:$0x1], $0xffff  }
0xc2: {  	v37 =	vld.idx.msk [tilespmem:v20+s23+$0x90 ss:$0x1], $0xffff  }
0xc3: {  	v40 =	vld.idx.msk [tilespmem:v20+s23+$0xC0 ss:$0x1], $0xffff  }
0xc4: {  	[tilespmem:$0x1FE80] =	vst v0;
	v0 =	vld.idx.msk [tilespmem:v20+s23+$0x100 ss:$0x1], $0xffff  }
0xc5: {  	v42 =	vld.idx.msk [tilespmem:v20+s23+$0xD0 ss:$0x1], $0xffff  }
0xc6: {  	v22 =	vld.idx.msk [tilespmem:v20+s23+$0x0 ss:$0x1], $0xffff  }
0xc7: {  	v26 =	vld.idx.msk [tilespmem:v20+s23+$0x10 ss:$0x1], $0xffff  }
0xc8: {  	v43 =	vld.idx.msk [tilespmem:v20+s23+$0x20 ss:$0x1], $0xffff  }
0xc9: {  	[tilespmem:$0x1FE10] =	vst v0;
	v0 =	vld.idx.msk [tilespmem:v20+s23+$0x110 ss:$0x1], $0xffff  }
0xca: {  	v41 =	vld.idx.msk [tilespmem:v20+s23+$0x30 ss:$0x1], $0xffff  }
0xcb: {  	v61 =	vld.idx.msk [tilespmem:v20+s23+$0x40 ss:$0x1], $0xffff  }
0xcc: {  	v50 =	vld.idx.msk [tilespmem:v20+s23+$0x50 ss:$0x1], $0xffff  }
0xcd: {  	v21 =	vld.idx.msk [tilespmem:v20+s23+$0xFFFFFF80 ss:$0x1], $0xffff  }
0xce: {  	[tilespmem:$0x1FE20] =	vst v0;
	v0 =	vld.idx.msk [tilespmem:v20+s23+$0x120 ss:$0x1], $0xffff  }
0xcf: {  	[tilespmem:$0x1FDC0] =	vst v17;
	v17 =	vld.idx.msk [tilespmem:v20+s23+$0xFFFFFF90 ss:$0x1], $0xffff  }
0xd0: {  	v57 =	vld.idx.msk [tilespmem:v20+s23+$0xFFFFFF00 ss:$0x1], $0xffff  }
0xd1: {  	v58 =	vld.idx.msk [tilespmem:v20+s23+$0xFFFFFF10 ss:$0x1], $0xffff  }
0xd2: {  	v55 =	vld.idx.msk [tilespmem:v20+s23+$0xFFFFFE80 ss:$0x1], $0xffff  }
0xd3: {  	[tilespmem:$0x1FE30] =	vst v0;
	v0 =	vld.idx.msk [tilespmem:v20+s23+$0x130 ss:$0x1], $0xffff  }
0xd4: {  	v56 =	vld.idx.msk [tilespmem:v20+s23+$0xFFFFFE90 ss:$0x1], $0xffff  }
0xd5: {  	v15 =	vld.idx.msk [tilespmem:v20+s23+$0xFFFFFE00 ss:$0x1], $0xffff  }
0xd6: {  	v16 =	vld.idx.msk [tilespmem:v20+s23+$0xFFFFFE10 ss:$0x1], $0xffff  }
0xd7: {  	v13 =	vld.idx.msk [tilespmem:v20+s23+$0xFFFFFD80 ss:$0x1], $0xffff  }
0xd8: {  	[tilespmem:$0x1FE40] =	vst v0;
	v0 =	vld.idx.msk [tilespmem:v20+s23+$0x80 ss:$0x1], $0xffff  }
0xd9: {  	v14 =	vld.idx.msk [tilespmem:v20+s23+$0xFFFFFD90 ss:$0x1], $0xffff  }
0xda: {  	v11 =	vld.idx.msk [tilespmem:v20+s23+$0xFFFFFD00 ss:$0x1], $0xffff  }
0xdb: {  	v12 =	vld.idx.msk [tilespmem:v20+s23+$0xFFFFFD10 ss:$0x1], $0xffff  }
0xdc: {  	v6 =	vld.idx.msk [tilespmem:v20+s23+$0xFFFFFC80 ss:$0x1], $0xffff  }
0xdd: {  	[tilespmem:$0x1FDE0] =	vst v0;
	v0 =	vld.idx.msk [tilespmem:v20+s23+$0xA0 ss:$0x1], $0xffff  }
0xde: {  	v7 =	vld.idx.msk [tilespmem:v20+s23+$0xFFFFFC90 ss:$0x1], $0xffff  }
0xdf: {  	v1 =	vld.idx.msk [tilespmem:v20+s23+$0xFFFFFC10 ss:$0x1], $0xffff  }
0xe0: {  	v2 =	vld.idx.msk [tilespmem:v20+s23+$0xFFFFFC20 ss:$0x1], $0xffff  }
0xe1: {  	v3 =	vld.idx.msk [tilespmem:v20+s23+$0xFFFFFC30 ss:$0x1], $0xffff  }
0xe2: {  	[tilespmem:$0x1FDF0] =	vst v0;
	v0 =	vld.idx.msk [tilespmem:v20+s23+$0xB0 ss:$0x1], $0xffff  }
0xe3: {  	v4 =	vld.idx.msk [tilespmem:v20+s23+$0xFFFFFCA0 ss:$0x1], $0xffff  }
0xe4: {  	v5 =	vld.idx.msk [tilespmem:v20+s23+$0xFFFFFCB0 ss:$0x1], $0xffff  }
0xe5: {  	v8 =	vld.idx.msk [tilespmem:v20+s23+$0xFFFFFD20 ss:$0x1], $0xffff  }
0xe6: {  	v10 =	vld.idx.msk [tilespmem:v20+s23+$0xFFFFFD30 ss:$0x1], $0xffff;
	v1 =	vadd.f32 v1, v59  }
0xe7: {  	[tilespmem:$0x1FE00] =	vst v0;
	v0 =	vld.idx.msk [tilespmem:v20+s23+$0xFFFFFC00 ss:$0x1], $0xffff  }
0xe8: {  	v19 =	vld.idx.msk [tilespmem:v20+s23+$0xFFFFFDA0 ss:$0x1], $0xffff;
	v2 =	vadd.f32 v2, v49;
	v1 =	vadd.f32 v7, v1  }
0xe9: {  	v35 =	vmov v9;
	v9 =	vld.idx.msk [tilespmem:v20+s23+$0xFFFFFDB0 ss:$0x1], $0xffff;
	v3 =	vadd.f32 v3, v48  }
0xea: {  	v2 =	vadd.f32 v4, v2;
	v4 =	vld.idx.msk [tilespmem:v20+s23+$0xFFFFFE30 ss:$0x1], $0xffff;
	v1 =	vadd.f32 v12, v1  }
0xeb: {  	v3 =	vadd.f32 v5, v3;
	v5 =	vld.idx.msk [tilespmem:v20+s23+$0xFFFFFEA0 ss:$0x1], $0xffff  }
0xec: {  	v7 =	vld.idx.msk [tilespmem:v20+s23+$0xFFFFFEB0 ss:$0x1], $0xffff;
	v1 =	vadd.f32 v14, v1;
	v0 =	vadd.f32 v0, v60  }
0xed: {  	v2 =	vadd.f32 v8, v2;
	v3 =	vadd.f32 v10, v3;
	v8 =	vld.idx.msk [tilespmem:v20+s23+$0xFFFFFF20 ss:$0x1], $0xffff  }
0xee: {  	v1 =	vadd.f32 v16, v1;
	v0 =	vadd.f32 v6, v0;
	v6 =	vld.idx.msk [tilespmem:v20+s23+$0xFFFFFE20 ss:$0x1], $0xffff  }
0xef: {  	v10 =	vld.idx.msk [tilespmem:v20+s23+$0xFFFFFF30 ss:$0x1], $0xffff;
	v3 =	vadd.f32 v9, v3  }
0xf0: {  	v12 =	vld.idx.msk [tilespmem:v20+s23+$0xFFFFFEC0 ss:$0x1], $0xffff;
	v1 =	vadd.f32 v56, v1  }
0xf1: {  	v2 =	vadd.f32 v19, v2;
	v3 =	vadd.f32 v4, v3;
	v4 =	vld.idx.msk [tilespmem:v20+s23+$0xFFFFFFB0 ss:$0x1], $0xffff  }
0xf2: {  	v56 =	vld.idx.msk [tilespmem:v20+s23+$0xFFFFFFD0 ss:$0x1], $0xffff;
	v1 =	vadd.f32 v58, v1  }
0xf3: {  	v58 =	vld.idx.msk [tilespmem:v20+s23+$0xFFFFFF50 ss:$0x1], $0xffff;
	v0 =	vadd.f32 v11, v0;
	v2 =	vadd.f32 v6, v2  }
0xf4: {  	v3 =	vadd.f32 v7, v3;
	v1 =	vadd.f32 v17, v1;
	v11 =	vld.idx.msk [tilespmem:v20+s23+$0xFFFFFFA0 ss:$0x1], $0xffff  }
0xf5: {  	v17 =	vld.idx.msk [tilespmem:v20+s23+$0xFFFFFE40 ss:$0x1], $0xffff;
	v0 =	vadd.f32 v13, v0;
	v2 =	vadd.f32 v5, v2  }
0xf6: {  	v3 =	vadd.f32 v10, v3;
	v9 =	vld [tilespmem:$0x1FE70]  }
0xf7: {  	v7 =	vld [tilespmem:$0x1FE30];
	v0 =	vadd.f32 v15, v0;
	v2 =	vadd.f32 v8, v2  }
0xf8: {  	v3 =	vadd.f32 v4, v3;
	v5 =	vld [tilespmem:$0x1FDF0]  }
0xf9: {  	v4 =	vld [tilespmem:$0x1FDE0];
	v0 =	vadd.f32 v55, v0;
	v2 =	vadd.f32 v11, v2  }
0xfa: {  	v13 =	vld.idx.msk [tilespmem:v20+s23+$0xFFFFFED0 ss:$0x1], $0xffff  }
0xfb: {  	v6 =	vld [tilespmem:$0x1FE10];
	v0 =	vadd.f32 v57, v0;
	v2 =	vadd.f32 v43, v2  }
0xfc: {  	v55 =	vld.idx.msk [tilespmem:v20+s23+$0xFFFFFFC0 ss:$0x1], $0xffff  }
0xfd: {  	v0 =	vadd.f32 v21, v0;
	v2 =	vadd.f32 v5, v2;
	v5 =	vld [tilespmem:$0x1FE00]  }
0xfe: {  	v57 =	vld.idx.msk [tilespmem:v20+s23+$0xFFFFFF40 ss:$0x1], $0xffff  }
0xff: {  	v0 =	vadd.f32 v22, v0;
	v7 =	vadd.f32 v7, v2;
	v2 =	vld [tilespmem:$0x1FE40]  }
0x100: {  	v3 =	vadd.f32 v41, v3;
	v21 =	vld.idx.msk [tilespmem:v20+s23+$0xFFFFFE50 ss:$0x1], $0xffff  }
0x101: {  	v0 =	vadd.f32 v4, v0;
	v10 =	vadd.f32 v9, v7;
	v7 =	vld [tilespmem:$0x1FE80]  }
0x102: {  	v4 =	vld.idx.msk [tilespmem:v20+s23+$0xFFFFFDC0 ss:$0x1], $0xffff;
	v3 =	vadd.f32 v5, v3  }
0x103: {  	v0 =	vadd.f32 v6, v0;
	v6 =	vld [tilespmem:$0x1FE20]  }
0x104: {  	v8 =	vadd.f32 v2, v3;
	v3 =	vld [tilespmem:$0x1FE50]  }
0x105: {  	v9 =	vld [tilespmem:$0x1FEB0]  }
0x106: {  	v1 =	vadd.f32 v26, v1;
	v11 =	vadd.f32 v7, v8;
	v8 =	vld [tilespmem:$0x1FE90]  }
0x107: {  	v5 =	vld.idx.msk [tilespmem:v20+s23+$0xFFFFFDD0 ss:$0x1], $0xffff  }
0x108: {  	v1 =	vadd.f32 v37, v1;
	v2 =	vld.idx.msk [tilespmem:v20+s23+$0xFFFFFD50 ss:$0x1], $0xffff  }
0x109: {  	v0 =	vadd.f32 v3, v0;
	v3 =	vld [tilespmem:$0x1FE60]  }
0x10a: {  	v1 =	vadd.f32 v6, v1;
	v6 =	vld.idx.msk [tilespmem:v20+s23+$0xFFFFFD40 ss:$0x1], $0xffff  }
0x10b: {  	v0 =	vadd.f32 v8, v0;
	v8 =	vld [tilespmem:$0x1FEA0]  }
0x10c: {  	v14 =	vadd.f32 v9, v10;
	v9 =	vld [tilespmem:$0x1FEC0]  }
0x10d: {  	v15 =	vadd.f32 v53, v0;
	v0 =	vld [tilespmem:$0x1FED0]  }
0x10e: {  	v7 =	vld.idx.msk [tilespmem:v20+s23+$0xFFFFFCD0 ss:$0x1], $0xffff;
	v1 =	vadd.f32 v3, v1  }
0x10f: {  	v10 =	vld.idx.msk [tilespmem:v20+s23+$0xFFFFFC50 ss:$0x1], $0xffff  }
0x110: {  	v3 =	vld.idx.msk [tilespmem:v20+s23+$0xFFFFFCC0 ss:$0x1], $0xffff;
	v1 =	vadd.f32 v8, v1  }
0x111: {  	v8 =	vld.idx.msk [tilespmem:v20+s23+$0xFFFFFC40 ss:$0x1], $0xffff  }
0x112: {  	s25 =	simm.s32 $0x2000;
	v11 =	vadd.f32 v9, v11;
	v1 =	vadd.f32 v0, v1;
	v0 =	vld.idx.msk [tilespmem:v20+s23+$0xFFFFFC60 ss:$0x1], $0xffff  }
.LBB2_14:
0x113: {  	v9 =	vld [tilespmem:$0x1FDD0];
	_ =	sdelay $0x2  }
0x114: {  	v16 =	vld.idx.msk [tilespmem:v20+s23+$0xFFFFFC70 ss:$0x1], $0xffff;
	v15 =	vadd.f32 v51, v15;
	v14 =	vadd.f32 v63, v14  }
0x115: {  	v53 =	vld.idx.msk [tilespmem:v20+s23+$0xFFFFFCE0 ss:$0x1], $0xffff;
	v11 =	vadd.f32 v54, v11;
	v8 =	vadd.f32 v8, v24  }
0x116: {  	v43 =	vld.idx.msk [tilespmem:v20+s23+$0xFFFFFCF0 ss:$0x1], $0xffff;
	v10 =	vadd.f32 v10, v23;
	v1 =	vadd.f32 v9, v1  }
0x117: {  	v49 =	vld.idx.msk [tilespmem:v20+s23+$0xFFFFFD60 ss:$0x1], $0xffff;
	v9 =	vadd.f32 v44, v15;
	v14 =	vadd.f32 v62, v14  }
0x118: {  	v15 =	vld.idx.msk [tilespmem:v20+s23+$0xFFFFFDF0 ss:$0x1], $0xffff;
	v11 =	vadd.f32 v52, v11;
	v3 =	vadd.f32 v3, v8  }
0x119: {  	v7 =	vadd.f32 v7, v10;
	v8 =	vld.idx.msk [tilespmem:v20+s23+$0xFFFFFE60 ss:$0x1], $0xffff;
	v1 =	vadd.f32 v45, v1  }
0x11a: {  	[tilespmem:$0x1FCC0] =	vst v9;
	v9 =	vadd.f32 v46, v14;
	v3 =	vadd.f32 v6, v3;
	v6 =	vld.idx.msk [tilespmem:v20+s23+$0xFFFFFEE0 ss:$0x1], $0xffff  }
0x11b: {  	v0 =	vadd.f32 v0, v35;
	v2 =	vadd.f32 v2, v7;
	[tilespmem:$0x1FCD0] =	vst v1;
	v1 =	vld.idx.msk [tilespmem:v20+s23+$0xFFFFFD70 ss:$0x1], $0xffff  }
0x11c: {  	v14 =	vadd.f32 v16, v18;
	[tilespmem:$0x1FCE0] =	vst v9;
	v9 =	vadd.f32 v47, v11;
	v11 =	vld.idx.msk [tilespmem:v20+s23+$0xFFFFFDE0 ss:$0x1], $0xffff  }
0x11d: {  	v0 =	vadd.f32 v53, v0;
	v7 =	vld.idx.msk [tilespmem:v20+s23+$0xFFFFFEF0 ss:$0x1], $0xffff;
	v2 =	vadd.f32 v5, v2  }
0x11e: {  	v46 =	vld [tilespmem:$0x1FCC0];
	v10 =	vadd.f32 v43, v14  }
0x11f: {  	v0 =	vadd.f32 v49, v0;
	v14 =	vld.idx.msk [tilespmem:v20+s23+$0xFFFFFE70 ss:$0x1], $0xffff;
	v2 =	vadd.f32 v21, v2  }
0x120: {  	v3 =	vadd.f32 v4, v3;
	v4 =	vld.idx.msk [tilespmem:v20+s23+$0xFFFFFF60 ss:$0x1], $0xffff;
	v1 =	vadd.f32 v1, v10  }
0x121: {  	v5 =	vld.idx.msk [tilespmem:v20+s23+$0xFFFFFF70 ss:$0x1], $0xffff;
	v2 =	vadd.f32 v13, v2;
	v0 =	vadd.f32 v11, v0  }
0x122: {  	v10 =	vld.idx.msk [tilespmem:v20+s23+$0xFFFFFFE0 ss:$0x1], $0xffff;
	v1 =	vadd.f32 v15, v1  }
0x123: {  	v11 =	vld.idx.msk [tilespmem:v20+s23+$0x60 ss:$0x1], $0xffff;
	v2 =	vadd.f32 v58, v2;
	v0 =	vadd.f32 v8, v0  }
0x124: {  	v8 =	vld.idx.msk [tilespmem:v20+s23+$0xFFFFFFF0 ss:$0x1], $0xffff;
	v1 =	vadd.f32 v14, v1  }
0x125: {  	v2 =	vadd.f32 v56, v2;
	v0 =	vadd.f32 v6, v0;
	v6 =	vld.idx.msk [tilespmem:v20+s23+$0x70 ss:$0x1], $0xffff  }
0x126: {  	v1 =	vadd.f32 v7, v1;
	v7 =	vld.idx.msk [tilespmem:v20+s23+$0xE0 ss:$0x1], $0xffff  }
0x127: {  	v2 =	vadd.f32 v50, v2;
	v0 =	vadd.f32 v4, v0;
	v4 =	vld.idx.msk [tilespmem:v20+s23+$0xF0 ss:$0x1], $0xffff  }
0x128: {  	v1 =	vadd.f32 v5, v1;
	v5 =	vld.idx.msk [tilespmem:v20+s23+$0x160 ss:$0x1], $0xffff  }
0x129: {  	v2 =	vadd.f32 v42, v2;
	v0 =	vadd.f32 v10, v0;
	v10 =	vld.idx.msk [tilespmem:v20+s23+$0x1E0 ss:$0x1], $0xffff  }
0x12a: {  	v1 =	vadd.f32 v8, v1;
	v8 =	vld.idx.msk [tilespmem:v20+s23+$0x170 ss:$0x1], $0xffff  }
0x12b: {  	v2 =	vadd.f32 v39, v2;
	v0 =	vadd.f32 v11, v0;
	v11 =	vld.idx.msk [tilespmem:v20+s23+$0x260 ss:$0x1], $0xffff  }
0x12c: {  	v1 =	vadd.f32 v6, v1;
	v6 =	vld.idx.msk [tilespmem:v20+s23+$0x1F0 ss:$0x1], $0xffff  }
0x12d: {  	v2 =	vadd.f32 v36, v2;
	v0 =	vadd.f32 v7, v0;
	v7 =	vld.idx.msk [tilespmem:v20+s23+$0x2E0 ss:$0x1], $0xffff  }
0x12e: {  	v1 =	vadd.f32 v4, v1;
	v4 =	vld.idx.msk [tilespmem:v20+s23+$0x270 ss:$0x1], $0xffff  }
0x12f: {  	v2 =	vadd.f32 v33, v2;
	v33 =	vld [tilespmem:$0x1FCE0]  }
0x130: {  	v0 =	vadd.f32 v5, v0;
	v5 =	vld.idx.msk [tilespmem:v20+s23+$0x2F0 ss:$0x1], $0xffff;
	v1 =	vadd.f32 v8, v1  }
0x131: {  	v8 =	vld.idx.msk [tilespmem:v20+s23+$0x360 ss:$0x1], $0xffff  }
0x132: {  	v0 =	vadd.f32 v10, v0;
	v10 =	vld.idx.msk [tilespmem:v20+s23+$0x3E0 ss:$0x1], $0xffff;
	v1 =	vadd.f32 v6, v1  }
0x133: {  	v6 =	vld.idx.msk [tilespmem:v20+s23+$0x370 ss:$0x1], $0xffff  }
0x134: {  	v1 =	vadd.f32 v4, v1;
	v4 =	vld.idx.msk [tilespmem:v20+s23+$0x3F0 ss:$0x1], $0xffff;
	s23 =	sshra.s32 s25, $0x2  }
0x135: {  	v14 =	vld.idx.msk [tilespmem:v20+s23+$0x380 ss:$0x1], $0xffff  }
0x136: {  	v0 =	vadd.f32 v11, v0;
	v11 =	vld.idx.msk [tilespmem:v20+s23+$0x390 ss:$0x1], $0xffff  }
0x137: {  	v15 =	vld.idx.msk [tilespmem:v20+s23+$0x3A0 ss:$0x1], $0xffff  }
0x138: {  	v3 =	vadd.f32 v17, v3;
	v49 =	vld.idx.msk [tilespmem:v20+s23+$0x3B0 ss:$0x1], $0xffff  }
0x139: {  	v59 =	vld.idx.msk [tilespmem:v20+s23+$0x3D0 ss:$0x1], $0xffff  }
0x13a: {  	v3 =	vadd.f32 v12, v3;
	v53 =	vld.idx.msk [tilespmem:v20+s23+$0x300 ss:$0x1], $0xffff  }
0x13b: {  	v62 =	vld.idx.msk [tilespmem:v20+s23+$0x320 ss:$0x1], $0xffff  }
0x13c: {  	v3 =	vadd.f32 v57, v3;
	v52 =	vld.idx.msk [tilespmem:v20+s23+$0x330 ss:$0x1], $0xffff  }
0x13d: {  	v60 =	vld.idx.msk [tilespmem:v20+s23+$0x340 ss:$0x1], $0xffff  }
0x13e: {  	v3 =	vadd.f32 v55, v3;
	v37 =	vld.idx.msk [tilespmem:v20+s23+$0x350 ss:$0x1], $0xffff  }
0x13f: {  	v63 =	vld.idx.msk [tilespmem:v20+s23+$0x2A0 ss:$0x1], $0xffff  }
0x140: {  	v3 =	vadd.f32 v61, v3;
	v54 =	vld.idx.msk [tilespmem:v20+s23+$0x2B0 ss:$0x1], $0xffff  }
0x141: {  	v48 =	vld.idx.msk [tilespmem:v20+s23+$0x2C0 ss:$0x1], $0xffff  }
0x142: {  	v3 =	vadd.f32 v40, v3;
	v47 =	vld.idx.msk [tilespmem:v20+s23+$0x2D0 ss:$0x1], $0xffff  }
0x143: {  	v41 =	vld.idx.msk [tilespmem:v20+s23+$0x240 ss:$0x1], $0xffff  }
0x144: {  	v3 =	vadd.f32 v38, v3;
	v51 =	vld.idx.msk [tilespmem:v20+s23+$0x250 ss:$0x1], $0xffff  }
0x145: {  	v16 =	vld.idx.msk [tilespmem:v20+s23+$0x190 ss:$0x1], $0xffff  }
0x146: {  	v3 =	vadd.f32 v34, v3;
	v34 =	vld.idx.msk [tilespmem:v20+s23+$0x1C0 ss:$0x1], $0xffff  }
0x147: {  	v36 =	vld.idx.msk [tilespmem:v20+s23+$0x1D0 ss:$0x1], $0xffff  }
0x148: {  	v38 =	vld.idx.msk [tilespmem:v20+s23+$0x140 ss:$0x1], $0xffff  }
0x149: {  	v39 =	vld.idx.msk [tilespmem:v20+s23+$0x150 ss:$0x1], $0xffff  }
0x14a: {  	v0 =	vadd.f32 v7, v0;
	v7 =	vld.idx.msk [tilespmem:v20+s23+$0x90 ss:$0x1], $0xffff  }
0x14b: {  	v40 =	vld.idx.msk [tilespmem:v20+s23+$0xC0 ss:$0x1], $0xffff  }
0x14c: {  	v42 =	vld.idx.msk [tilespmem:v20+s23+$0xD0 ss:$0x1], $0xffff  }
0x14d: {  	v21 =	vld.idx.msk [tilespmem:v20+s23+$0x10 ss:$0x1], $0xffff  }
0x14e: {  	[tilespmem:$0x1FCF0] =	vst v9;
	v9 =	vld.idx.msk [tilespmem:v20+s23+$0x20 ss:$0x1], $0xffff  }
0x14f: {  	v18 =	vld.idx.msk [tilespmem:v20+s23+$0x30 ss:$0x1], $0xffff  }
0x150: {  	v61 =	vld.idx.msk [tilespmem:v20+s23+$0x40 ss:$0x1], $0xffff  }
0x151: {  	v50 =	vld.idx.msk [tilespmem:v20+s23+$0x50 ss:$0x1], $0xffff  }
0x152: {  	v13 =	vld.idx.msk [tilespmem:v20+s23+$0xFFFFFF80 ss:$0x1], $0xffff;
	v1 =	vadd.f32 v5, v1  }
0x153: {  	v17 =	vld.idx.msk [tilespmem:v20+s23+$0xFFFFFF90 ss:$0x1], $0xffff  }
0x154: {  	v12 =	vld.idx.msk [tilespmem:v20+s23+$0xFFFFFF00 ss:$0x1], $0xffff;
	v0 =	vadd.f32 v8, v0;
	v1 =	vadd.f32 v6, v1  }
0x155: {  	v3 =	vadd.f32 v32, v3;
	v57 =	vld.idx.msk [tilespmem:v20+s23+$0xFFFFFF10 ss:$0x1], $0xffff  }
0x156: {  	v55 =	vld.idx.msk [tilespmem:v20+s23+$0xFFFFFE80 ss:$0x1], $0xffff;
	v35 =	vadd.f32 v10, v0;
	v0 =	vadd.f32 v4, v1  }
0x157: {  	v56 =	vld.idx.msk [tilespmem:v20+s23+$0xFFFFFE90 ss:$0x1], $0xffff  }
0x158: {  	v3 =	vadd.f32 v30, v3;
	[tilespmem:$0x1FD30] =	vst v0;
	v0 =	vld.idx.msk [tilespmem:v20+s23+$0x310 ss:$0x1], $0xffff  }
0x159: {  	v58 =	vld.idx.msk [tilespmem:v20+s23+$0xFFFFFE00 ss:$0x1], $0xffff  }
0x15a: {  	v3 =	vadd.f32 v28, v3;
	v23 =	vld.idx.msk [tilespmem:v20+s23+$0xFFFFFE10 ss:$0x1], $0xffff  }
0x15b: {  	v24 =	vld.idx.msk [tilespmem:v20+s23+$0xFFFFFD80 ss:$0x1], $0xffff  }
0x15c: {  	v3 =	vadd.f32 v25, v3;
	v25 =	vld.idx.msk [tilespmem:v20+s23+$0xFFFFFD90 ss:$0x1], $0xffff  }
0x15d: {  	v2 =	vadd.f32 v31, v2;
	[tilespmem:$0x1FDD0] =	vst v0;
	v0 =	vld.idx.msk [tilespmem:v20+s23+$0x280 ss:$0x1], $0xffff  }
0x15e: {  	v26 =	vld.idx.msk [tilespmem:v20+s23+$0xFFFFFD00 ss:$0x1], $0xffff  }
0x15f: {  	v2 =	vadd.f32 v29, v2;
	v19 =	vld.idx.msk [tilespmem:v20+s23+$0xFFFFFD10 ss:$0x1], $0xffff  }
0x160: {  	v22 =	vld.idx.msk [tilespmem:v20+s23+$0xFFFFFC80 ss:$0x1], $0xffff  }
0x161: {  	v2 =	vadd.f32 v27, v2;
	v27 =	vld.idx.msk [tilespmem:v20+s23+$0xFFFFFC90 ss:$0x1], $0xffff  }
0x162: {  	[tilespmem:$0x1FDA0] =	vst v0;
	v0 =	vld.idx.msk [tilespmem:v20+s23+$0x290 ss:$0x1], $0xffff  }
0x163: {  	v28 =	vld.idx.msk [tilespmem:v20+s23+$0xFFFFFC00 ss:$0x1], $0xffff  }
0x164: {  	v29 =	vld.idx.msk [tilespmem:v20+s23+$0xFFFFFC10 ss:$0x1], $0xffff  }
0x165: {  	v30 =	vld.idx.msk [tilespmem:v20+s23+$0xFFFFFC20 ss:$0x1], $0xffff  }
0x166: {  	v31 =	vld.idx.msk [tilespmem:v20+s23+$0xFFFFFC30 ss:$0x1], $0xffff  }
0x167: {  	[tilespmem:$0x1FDB0] =	vst v0;
	v0 =	vld.idx.msk [tilespmem:v20+s23+$0x200 ss:$0x1], $0xffff  }
0x168: {  	v32 =	vld.idx.msk [tilespmem:v20+s23+$0xFFFFFCA0 ss:$0x1], $0xffff  }
0x169: {  	v43 =	vld.idx.msk [tilespmem:v20+s23+$0xFFFFFCB0 ss:$0x1], $0xffff  }
0x16a: {  	v44 =	vld.idx.msk [tilespmem:v20+s23+$0xFFFFFD20 ss:$0x1], $0xffff  }
0x16b: {  	v45 =	vld.idx.msk [tilespmem:v20+s23+$0xFFFFFD30 ss:$0x1], $0xffff  }
0x16c: {  	[tilespmem:$0x1FD60] =	vst v0;
	v0 =	vld.idx.msk [tilespmem:v20+s23+$0x210 ss:$0x1], $0xffff  }
0x16d: {  	v28 =	vadd.f32 v28, v46;
	v46 =	vld [tilespmem:$0x1FCD0]  }
0x16e: {  	v30 =	vadd.f32 v30, v33;
	v33 =	vld [tilespmem:$0x1FCF0]  }
0x16f: {  	[tilespmem:$0x1FD20] =	vst v3;
	v3 =	vld.idx.msk [tilespmem:v20+s23+$0x3C0 ss:$0x1], $0xffff  }
0x170: {  	v22 =	vadd.f32 v22, v28;
	v28 =	vld.idx.msk [tilespmem:v20+s23+$0xFFFFFE20 ss:$0x1], $0xffff  }
0x171: {  	[tilespmem:$0x1FD70] =	vst v0;
	v0 =	vld.idx.msk [tilespmem:v20+s23+$0x220 ss:$0x1], $0xffff  }
0x172: {  	v22 =	vadd.f32 v26, v22;
	v26 =	vld.idx.msk [tilespmem:v20+s23+$0xFFFFFEA0 ss:$0x1], $0xffff;
	v29 =	vadd.f32 v29, v46  }
0x173: {  	v46 =	vld.idx.msk [tilespmem:v20+s23+$0xFFFFFDA0 ss:$0x1], $0xffff;
	v31 =	vadd.f32 v31, v33  }
0x174: {  	v33 =	vld.idx.msk [tilespmem:v20+s23+$0xFFFFFDB0 ss:$0x1], $0xffff;
	v27 =	vadd.f32 v27, v29  }
0x175: {  	v29 =	vadd.f32 v32, v30;
	v30 =	vadd.f32 v43, v31;
	v31 =	vld.idx.msk [tilespmem:v20+s23+$0xFFFFFE30 ss:$0x1], $0xffff  }
0x176: {  	v22 =	vadd.f32 v24, v22;
	v19 =	vadd.f32 v19, v27;
	[tilespmem:$0x1FD80] =	vst v0;
	v0 =	vld.idx.msk [tilespmem:v20+s23+$0x230 ss:$0x1], $0xffff  }
0x177: {  	v24 =	vld.idx.msk [tilespmem:v20+s23+$0xFFFFFF20 ss:$0x1], $0xffff;
	v27 =	vadd.f32 v44, v29;
	v29 =	vadd.f32 v45, v30  }
0x178: {  	v30 =	vld.idx.msk [tilespmem:v20+s23+$0xFFFFFEB0 ss:$0x1], $0xffff;
	v19 =	vadd.f32 v25, v19  }
0x179: {  	v25 =	vadd.f32 v46, v27;
	v27 =	vadd.f32 v33, v29;
	v29 =	vld.idx.msk [tilespmem:v20+s23+$0xFFFFFF30 ss:$0x1], $0xffff  }
0x17a: {  	v19 =	vadd.f32 v23, v19;
	v23 =	vld.idx.msk [tilespmem:v20+s23+$0xFFFFFFA0 ss:$0x1], $0xffff  }
0x17b: {  	v45 =	vmov v11;
	v25 =	vadd.f32 v28, v25;
	v11 =	vadd.f32 v31, v27;
	[tilespmem:$0x1FD90] =	vst v0;
	v0 =	vld.idx.msk [tilespmem:v20+s23+$0x180 ss:$0x1], $0xffff  }
0x17c: {  	v28 =	vld.idx.msk [tilespmem:v20+s23+$0xFFFFFFB0 ss:$0x1], $0xffff  }
0x17d: {  	v8 =	vld.idx.msk [tilespmem:v20+s23+$0xB0 ss:$0x1], $0xffff;
	v25 =	vadd.f32 v26, v25;
	v26 =	vadd.f32 v30, v11  }
0x17e: {  	v6 =	vld.idx.msk [tilespmem:v20+s23+$0xA0 ss:$0x1], $0xffff;
	v22 =	vadd.f32 v58, v22  }
0x17f: {  	v1 =	vld.idx.msk [tilespmem:v20+s23+$0x120 ss:$0x1], $0xffff;
	v24 =	vadd.f32 v24, v25;
	v25 =	vadd.f32 v29, v26  }
0x180: {  	v22 =	vadd.f32 v55, v22;
	[tilespmem:$0x1FD40] =	vst v0;
	v0 =	vld.idx.msk [tilespmem:v20+s23+$0x1A0 ss:$0x1], $0xffff  }
0x181: {  	v4 =	vld.idx.msk [tilespmem:v20+s23+$0x0 ss:$0x1], $0xffff;
	v23 =	vadd.f32 v23, v24;
	v24 =	vadd.f32 v28, v25  }
0x182: {  	[tilespmem:$0x1FD00] =	vst v3;
	v3 =	vld.idx.msk [tilespmem:v20+s23+$0x130 ss:$0x1], $0xffff;
	v22 =	vadd.f32 v12, v22;
	v19 =	vadd.f32 v56, v19  }
0x183: {  	v5 =	vld.idx.msk [tilespmem:v20+s23+$0x80 ss:$0x1], $0xffff;
	v9 =	vadd.f32 v9, v23;
	v18 =	vadd.f32 v18, v24  }
0x184: {  	v10 =	vld.idx.msk [tilespmem:v20+s23+$0x1B0 ss:$0x1], $0xffff;
	v22 =	vadd.f32 v13, v22;
	v19 =	vadd.f32 v57, v19  }
0x185: {  	v9 =	vadd.f32 v6, v9;
	v8 =	vadd.f32 v8, v18;
	[tilespmem:$0x1FD50] =	vst v0;
	v0 =	vld.idx.msk [tilespmem:v20+s23+$0x100 ss:$0x1], $0xffff  }
0x186: {  	[tilespmem:$0x1FD10] =	vst v2;
	v2 =	vld.idx.msk [tilespmem:v20+s23+$0x110 ss:$0x1], $0xffff;
	v22 =	vadd.f32 v4, v22;
	v19 =	vadd.f32 v17, v19  }
0x187: {  	v1 =	vadd.f32 v1, v9;
	v8 =	vadd.f32 v3, v8;
	v9 =	vld [tilespmem:$0x1FD40]  }
0x188: {  	v58 =	vld.idx.msk [tilespmem:v20+s23+$0xFFFFFF50 ss:$0x1], $0xffff;
	v22 =	vadd.f32 v5, v22;
	v19 =	vadd.f32 v21, v19  }
0x189: {  	v46 =	vmov v15;
	v15 =	vadd.f32 v10, v8;
	v10 =	vld [tilespmem:$0x1FD60]  }
0x18a: {  	v55 =	vld.idx.msk [tilespmem:v20+s23+$0xFFFFFFC0 ss:$0x1], $0xffff;
	v7 =	vadd.f32 v7, v19;
	v0 =	vadd.f32 v0, v22  }
0x18b: {  	v12 =	vld.idx.msk [tilespmem:v20+s23+$0xFFFFFEC0 ss:$0x1], $0xffff  }
0x18c: {  	v13 =	vld.idx.msk [tilespmem:v20+s23+$0xFFFFFED0 ss:$0x1], $0xffff;
	v7 =	vadd.f32 v2, v7;
	v0 =	vadd.f32 v9, v0  }
0x18d: {  	v56 =	vld.idx.msk [tilespmem:v20+s23+$0xFFFFFFD0 ss:$0x1], $0xffff  }
0x18e: {  	v9 =	vadd.f32 v16, v7;
	v16 =	vadd.f32 v10, v0;
	v0 =	vld [tilespmem:$0x1FD70]  }
0x18f: {  	v4 =	vld.idx.msk [tilespmem:v20+s23+$0xFFFFFDC0 ss:$0x1], $0xffff  }
0x190: {  	v57 =	vld.idx.msk [tilespmem:v20+s23+$0xFFFFFF40 ss:$0x1], $0xffff  }
0x191: {  	v11 =	vld [tilespmem:$0x1FD50]  }
0x192: {  	v5 =	vld.idx.msk [tilespmem:v20+s23+$0xFFFFFDD0 ss:$0x1], $0xffff  }
0x193: {  	v9 =	vadd.f32 v0, v9;
	v0 =	vld [tilespmem:$0x1FD80]  }
0x194: {  	v25 =	vld [tilespmem:$0x1FD00]  }
0x195: {  	v17 =	vld.idx.msk [tilespmem:v20+s23+$0xFFFFFE40 ss:$0x1], $0xffff  }
0x196: {  	v21 =	vld.idx.msk [tilespmem:v20+s23+$0xFFFFFE50 ss:$0x1], $0xffff;
	v1 =	vadd.f32 v11, v1  }
0x197: {  	v23 =	vld [tilespmem:$0x1FD10]  }
0x198: {  	v44 =	vmov v14;
	v14 =	vadd.f32 v0, v1;
	v0 =	vld [tilespmem:$0x1FD90]  }
0x199: {  	v1 =	vld [tilespmem:$0x1FDA0]  }
0x19a: {  	v24 =	vld [tilespmem:$0x1FD20]  }
0x19b: {  	v18 =	vld [tilespmem:$0x1FD30]  }
0x19c: {  	v6 =	vld.idx.msk [tilespmem:v20+s23+$0xFFFFFD40 ss:$0x1], $0xffff  }
0x19d: {  	v2 =	vld.idx.msk [tilespmem:v20+s23+$0xFFFFFD50 ss:$0x1], $0xffff  }
0x19e: {  	p0 =	sne.s32 s25, $0x30000;
	v11 =	vadd.f32 v0, v15;
	v15 =	vadd.f32 v1, v16;
	v1 =	vld [tilespmem:$0x1FDB0]  }
.Ltmp11:
0x19f: {  	v3 =	vld.idx.msk [tilespmem:v20+s23+$0xFFFFFCC0 ss:$0x1], $0xffff;
	(pc) =	sbr.rel @p0 .LBB2_14-.Ltmp11, $4  }
0x1a0: {  	v8 =	vld.idx.msk [tilespmem:v20+s23+$0xFFFFFC40 ss:$0x1], $0xffff  }
0x1a1: {  	v7 =	vld.idx.msk [tilespmem:v20+s23+$0xFFFFFCD0 ss:$0x1], $0xffff  }
0x1a2: {  	v32 =	vmovc v41;
	v33 =	vmovc v51;
	v51 =	vmov v53;
	v31 =	vmov v47;
	v47 =	vmov v49;
	v10 =	vld.idx.msk [tilespmem:v20+s23+$0xFFFFFC50 ss:$0x1], $0xffff  }
0x1a3: {  	s25 =	sadd.s32 $0x2000, s25;
	v30 =	vmovc v48;
	v27 =	vmovc v59;
	v29 =	vmov v37;
	v28 =	vmov v60;
	v0 =	vld.idx.msk [tilespmem:v20+s23+$0xFFFFFC60 ss:$0x1], $0xffff;
	v1 =	vadd.f32 v1, v9  }
0x1a4: {  	_ =	sdelay $0x3  }
0x1a5: {  	v60 =	vadd.f32 v51, v15;
	v15 =	vld.idx.msk [tilespmem:v20+s23+$0xFFFFFC70 ss:$0x1], $0xffff  }
0x1a6: {  	v16 =	vld [tilespmem:$0x1FDD0]  }
0x1a7: {  	v9 =	vadd.f32 v63, v14;
	v63 =	vld.idx.msk [tilespmem:v20+s23+$0xFFFFFD60 ss:$0x1], $0xffff  }
0x1a8: {  	v19 =	vld.idx.msk [tilespmem:v20+s23+$0xFFFFFDE0 ss:$0x1], $0xffff  }
0x1a9: {  	v37 =	vld.idx.msk [tilespmem:v20+s23+$0xFFFFFEE0 ss:$0x1], $0xffff  }
0x1aa: {  	v11 =	vadd.f32 v54, v11;
	v43 =	vld.idx.msk [tilespmem:v20+s23+$0xFFFFFEF0 ss:$0x1], $0xffff  }
0x1ab: {  	v51 =	vld.idx.msk [tilespmem:v20+s23+$0xE0 ss:$0x1], $0xffff;
	v8 =	vadd.f32 v8, v24;
	v9 =	vadd.f32 v62, v9  }
0x1ac: {  	v11 =	vadd.f32 v52, v11;
	v60 =	vadd.f32 v44, v60;
	v62 =	vld.idx.msk [tilespmem:v20+s23+$0xFFFFFCF0 ss:$0x1], $0xffff  }
0x1ad: {  	v10 =	vadd.f32 v10, v23;
	v1 =	vadd.f32 v16, v1;
	v16 =	vld.idx.msk [tilespmem:v20+s23+$0xFFFFFCE0 ss:$0x1], $0xffff  }
0x1ae: {  	v53 =	vld.idx.msk [tilespmem:v20+s23+$0x1E0 ss:$0x1], $0xffff;
	v3 =	vadd.f32 v3, v8;
	v49 =	vadd.f32 v46, v9  }
0x1af: {  	v48 =	vadd.f32 v47, v11;
	v11 =	vld.idx.msk [tilespmem:v20+s23+$0xFFFFFD70 ss:$0x1], $0xffff;
	v0 =	vadd.f32 v0, v35  }
0x1b0: {  	v54 =	vld.idx.msk [tilespmem:v20+s23+$0x1F0 ss:$0x1], $0xffff;
	v15 =	vadd.f32 v15, v18;
	v7 =	vadd.f32 v7, v10  }
0x1b1: {  	v8 =	vld.idx.msk [tilespmem:v20+s23+$0xFFFFFDF0 ss:$0x1], $0xffff;
	v3 =	vadd.f32 v6, v3;
	v59 =	vadd.f32 v45, v1  }
0x1b2: {  	v35 =	vld.idx.msk [tilespmem:v20+s23+$0xFFFFFE70 ss:$0x1], $0xffff;
	v14 =	vadd.f32 v62, v15;
	v0 =	vadd.f32 v16, v0  }
0x1b3: {  	v10 =	vld.idx.msk [tilespmem:v20+s23+$0xFFFFFE60 ss:$0x1], $0xffff;
	v2 =	vadd.f32 v2, v7;
	v3 =	vadd.f32 v4, v3  }
0x1b4: {  	v44 =	vld.idx.msk [tilespmem:v20+s23+$0xFFFFFF60 ss:$0x1], $0xffff;
	v41 =	vadd.f32 v11, v14;
	v0 =	vadd.f32 v63, v0  }
0x1b5: {  	v46 =	vld.idx.msk [tilespmem:v20+s23+$0x60 ss:$0x1], $0xffff;
	v2 =	vadd.f32 v5, v2;
	v3 =	vadd.f32 v17, v3  }
0x1b6: {  	v45 =	vld.idx.msk [tilespmem:v20+s23+$0xFFFFFFF0 ss:$0x1], $0xffff;
	v7 =	vadd.f32 v8, v41;
	v0 =	vadd.f32 v19, v0  }
0x1b7: {  	v8 =	vld.idx.msk [tilespmem:v20+s23+$0xFFFFFF70 ss:$0x1], $0xffff;
	v2 =	vadd.f32 v21, v2;
	v3 =	vadd.f32 v12, v3  }
0x1b8: {  	v17 =	vld [tilespmem:$0x1FDC0];
	v6 =	vadd.f32 v35, v7;
	v0 =	vadd.f32 v10, v0  }
0x1b9: {  	v2 =	vadd.f32 v13, v2;
	v3 =	vadd.f32 v57, v3;
	v10 =	vld.idx.msk [tilespmem:v20+s23+$0xFFFFFFE0 ss:$0x1], $0xffff  }
0x1ba: {  	v63 =	vld [tilespmem:$0x1FEF0];
	v4 =	vadd.f32 v43, v6;
	v0 =	vadd.f32 v37, v0  }
0x1bb: {  	v47 =	vld.idx.msk [tilespmem:v20+s23+$0x70 ss:$0x1], $0xffff;
	v2 =	vadd.f32 v58, v2;
	v3 =	vadd.f32 v55, v3  }
0x1bc: {  	v52 =	vld.idx.msk [tilespmem:v20+s23+$0x170 ss:$0x1], $0xffff;
	v4 =	vadd.f32 v8, v4;
	v0 =	vadd.f32 v44, v0  }
0x1bd: {  	v8 =	vld.idx.msk [tilespmem:v20+s23+$0xF0 ss:$0x1], $0xffff;
	v2 =	vadd.f32 v56, v2;
	v3 =	vadd.f32 v61, v3  }
0x1be: {  	v57 =	vld.idx.msk [tilespmem:v20+s23+$0x360 ss:$0x1], $0xffff;
	v4 =	vadd.f32 v45, v4;
	v0 =	vadd.f32 v10, v0  }
0x1bf: {  	v17 =	vadd.f32 v63, v17;
	v2 =	vadd.f32 v50, v2;
	v10 =	vld.idx.msk [tilespmem:v20+s23+$0x160 ss:$0x1], $0xffff  }
0x1c0: {  	v35 =	vld [tilespmem:$0x1FFF0];
	v4 =	vadd.f32 v47, v4;
	v0 =	vadd.f32 v46, v0  }
0x1c1: {  	v55 =	vld.idx.msk [tilespmem:v20+s23+$0x260 ss:$0x1], $0xffff;
	v3 =	vadd.f32 v40, v3;
	v2 =	vadd.f32 v42, v2  }
0x1c2: {  	v58 =	vld.idx.msk [tilespmem:v20+s23+$0x370 ss:$0x1], $0xffff;
	v4 =	vadd.f32 v8, v4;
	v0 =	vadd.f32 v51, v0  }
0x1c3: {  	v3 =	vadd.f32 v38, v3;
	v8 =	vld.idx.msk [tilespmem:v20+s23+$0x270 ss:$0x1], $0xffff;
	v2 =	vadd.f32 v39, v2  }
0x1c4: {  	v56 =	vld.idx.msk [tilespmem:v20+s23+$0x2F0 ss:$0x1], $0xffff;
	v4 =	vadd.f32 v52, v4;
	v0 =	vadd.f32 v10, v0  }
0x1c5: {  	v3 =	vadd.f32 v34, v3;
	v2 =	vadd.f32 v36, v2;
	v10 =	vld.idx.msk [tilespmem:v20+s23+$0x2E0 ss:$0x1], $0xffff  }
0x1c6: {  	v61 =	vld.idx.msk [tilespmem:v20+s23+$0x3E0 ss:$0x1], $0xffff;
	v4 =	vadd.f32 v54, v4;
	v0 =	vadd.f32 v53, v0  }
0x1c7: {  	v34 =	vld [tilespmem:$0x1FFE0];
	v3 =	vadd.f32 v32, v3;
	v2 =	vadd.f32 v33, v2  }
0x1c8: {  	v32 =	vld [tilespmem:$0x1FFC0];
	v4 =	vadd.f32 v8, v4;
	v0 =	vadd.f32 v55, v0  }
0x1c9: {  	v3 =	vadd.f32 v30, v3;
	v8 =	vld.idx.msk [tilespmem:v20+s23+$0x3F0 ss:$0x1], $0xffff;
	v2 =	vadd.f32 v31, v2  }
.Ltmp12:
0x1ca: {  	v30 =	vld [tilespmem:$0x1FFA0];
	v4 =	vadd.f32 v56, v4;
	v0 =	vadd.f32 v10, v0;
	(pc) =	sbr.rel .LBB2_18-.Ltmp12, $4  }
0x1cb: {  	v33 =	vld [tilespmem:$0x1FFD0];
	v3 =	vadd.f32 v28, v3;
	v2 =	vadd.f32 v29, v2  }
0x1cc: {  	v28 =	vld [tilespmem:$0x1FF80];
	v62 =	vadd.f32 v58, v4;
	v0 =	vadd.f32 v57, v0  }
0x1cd: {  	v31 =	vld [tilespmem:$0x1FFB0];
	v24 =	vadd.f32 v25, v3;
	v23 =	vadd.f32 v27, v2  }
0x1ce: {  	v29 =	vld [tilespmem:$0x1FF90];
	v27 =	vlaneseq.u32;
	v18 =	vadd.f32 v8, v62;
	v9 =	vadd.f32 v61, v0  }
.LBB2_10:
.Ltmp13:
0x1cf: {  	(pc) =	sbr.rel .LBB2_11-.Ltmp13, $4  }
0x1d0: {  	_ = 	snop  }
0x1d1: {  	s25 =	sor.u32 $0x19000, s25  }
0x1d2: {  	v37 =	vmov s25  }
0x1d3: {  	s23 =	simm.s32 $0x0;
	v20 =	vmov s26;
	s28 =	smov.u32 s21;
	[tilespmem:$0x1FEE0] =	vst v37  }
.LBB2_16:
0x1d4: {  	(v2sf) =	vpush v22, $0x0  }
0x1d5: {  	v0 =	vmov s24  }
0x1d6: {  	v1 =	vmul.u32 $0x90, v0;
	_ =	sdelay $0x1  }
0x1d7: {  	v2 =	vor.u32 v27, v1  }
0x1d8: {  	v3 =	vadd.s32 v28, v1  }
0x1d9: {  	v4 =	vadd.s32 v29, v1  }
0x1da: {  	v5 =	vadd.s32 v30, v1  }
0x1db: {  	v6 =	vadd.s32 v31, v1  }
0x1dc: {  	v47 =	vadd.s32 v32, v1;
	[tilespmem:v2+s12+$0x0] =	vst.idx.msk $0xffff, v60  }
0x1dd: {  	v50 =	vadd.s32 v33, v1;
	[tilespmem:v3+s12+$0x0] =	vst.idx.msk $0xffff, v59  }
0x1de: {  	v51 =	vadd.s32 v34, v1;
	[tilespmem:v4+s12+$0x0] =	vst.idx.msk $0xffff, v49  }
0x1df: {  	v1 =	vadd.s32 v35, v1;
	[tilespmem:v5+s12+$0x0] =	vst.idx.msk $0xffff, v48  }
0x1e0: {  	[tilespmem:v6+s12+$0x0] =	vst.idx.msk $0xffff, v24  }
0x1e1: {  	[tilespmem:v47+s12+$0x0] =	vst.idx.msk $0xffff, v23  }
0x1e2: {  	p0 =	slt.s32 s28, $0x0;
	[tilespmem:v50+s12+$0x0] =	vst.idx.msk $0xffff, v9;
	s26 =	spop (v2sf)  }
0x1e3: {  	[tilespmem:v51+s12+$0x0] =	vst.idx.msk $0xffff, v18;
	p1 =	sne.s32 s26, s28;
	s28 =	simm.s32 @p0 $0x400  }
0x1e4: {  	[tilespmem:v1+s12+$0x0] =	vst.idx.msk $0xffff, v17;
	v52 =	vmov s28;
	s28 =	simm.s32 $0x1  }
0x1e5: {  	[tilespmem:v0+s18+$0x0] =	vst.idx.msk $0x1, v52;
	s28 =	simm.s32 @!p1 $0x0  }
0x1e6: {  	(v2sf) =	vpush v22, $0x1;
	v0 =	vld.idx.msk [tilespmem:v20+s25+$0x0 ss:$0x1], $0xffff;
	s28 =	sadd.s32 s28, s24  }
0x1e7: {  	v1 =	vld.idx.msk [tilespmem:v20+s25+$0x10 ss:$0x1], $0xffff;
	v53 =	vmov s28  }
0x1e8: {  	v2 =	vld.idx.msk [tilespmem:v20+s25+$0x20 ss:$0x1], $0xffff;
	v54 =	vmul.u32 $0x90, v53  }
0x1e9: {  	v4 =	vld.idx.msk [tilespmem:v20+s25+$0x30 ss:$0x1], $0xffff  }
0x1ea: {  	v6 =	vld.idx.msk [tilespmem:v20+s25+$0x40 ss:$0x1], $0xffff;
	v8 =	vor.u32 v27, v54  }
0x1eb: {  	v19 =	vmovc v9;
	v10 =	vadd.s32 v28, v54;
	v12 =	vadd.s32 v29, v54;
	v14 =	vadd.s32 v30, v54  }
0x1ec: {  	v11 =	vld.idx.msk [tilespmem:v20+s25+$0x50 ss:$0x1], $0xffff;
	v16 =	vadd.s32 v31, v54;
	v7 =	vadd.f32 v0, v60;
	v9 =	vadd.f32 v1, v59  }
0x1ed: {  	v13 =	vld.idx.msk [tilespmem:v20+s25+$0x60 ss:$0x1], $0xffff;
	v57 =	vadd.s32 v33, v54;
	v5 =	vadd.s32 v35, v54;
	v55 =	vadd.f32 v2, v49  }
0x1ee: {  	v15 =	vld.idx.msk [tilespmem:v20+s25+$0x70 ss:$0x1], $0xffff;
	v0 =	vpsel p1, v0, v7;
	v1 =	vpsel p1, v1, v9;
	v9 =	vadd.f32 v4, v48  }
0x1ef: {  	v36 =	vld [tilespmem:$0x1FF70];
	v56 =	vadd.f32 v6, v24;
	[tilespmem:v8+s12+$0x0] =	vst.idx.msk $0xffff, v0;
	v8 =	vadd.s32 v32, v54  }
0x1f0: {  	v2 =	vpsel p1, v2, v55;
	v4 =	vpsel p1, v4, v9;
	[tilespmem:v10+s12+$0x0] =	vst.idx.msk $0xffff, v1  }
0x1f1: {  	v9 =	vadd.f32 v11, v23;
	v10 =	vadd.s32 v34, v54;
	[tilespmem:v12+s12+$0x0] =	vst.idx.msk $0xffff, v2  }
0x1f2: {  	v58 =	vadd.f32 v13, v19;
	v6 =	vpsel p1, v6, v56;
	[tilespmem:v14+s12+$0x0] =	vst.idx.msk $0xffff, v4  }
0x1f3: {  	v9 =	vpsel p1, v11, v9;
	v11 =	vadd.f32 v15, v18;
	[tilespmem:v16+s12+$0x0] =	vst.idx.msk $0xffff, v6  }
0x1f4: {  	v59 =	vadd.f32 v36, v17;
	v12 =	vpsel p1, v13, v58;
	[tilespmem:v8+s12+$0x0] =	vst.idx.msk $0xffff, v9  }
0x1f5: {  	p2 =	slt.s32 s26, $0x0;
	s24 =	spop (v2sf);
	v8 =	vpsel p1, v15, v11;
	[tilespmem:v57+s12+$0x0] =	vst.idx.msk $0xffff, v12  }
0x1f6: {  	v60 =	vpsel p1, v36, v59;
	p0 =	sne.s32 s24, s26;
	s26 =	simm.s32 @p2 $0x400;
	[tilespmem:v10+s12+$0x0] =	vst.idx.msk $0xffff, v8  }
0x1f7: {  	v61 =	vmov s26;
	[tilespmem:v5+s12+$0x0] =	vst.idx.msk $0xffff, v60  }
0x1f8: {  	s26 =	simm.s32 $0x1;
	[tilespmem:v53+s18+$0x0] =	vst.idx.msk $0x1, v61  }
0x1f9: {  	s26 =	simm.s32 @!p0 $0x0;
	v3 =	vld.idx.msk [tilespmem:v20+s25+$0x80 ss:$0x1], $0xffff  }
0x1fa: {  	(v2sf) =	vpush v22, $0x2;
	s28 =	sadd.s32 s26, s28;
	v5 =	vld.idx.msk [tilespmem:v20+s25+$0x90 ss:$0x1], $0xffff  }
0x1fb: {  	v11 =	vmov s28;
	v10 =	vld.idx.msk [tilespmem:v20+s25+$0xA0 ss:$0x1], $0xffff  }
0x1fc: {  	v63 =	vmul.u32 $0x90, v11;
	v62 =	vld.idx.msk [tilespmem:v20+s25+$0xB0 ss:$0x1], $0xffff  }
0x1fd: {  	v15 =	vld.idx.msk [tilespmem:v20+s25+$0xC0 ss:$0x1], $0xffff  }
0x1fe: {  	v16 =	vor.u32 v27, v63;
	v38 =	vld.idx.msk [tilespmem:v20+s25+$0xD0 ss:$0x1], $0xffff  }
0x1ff: {  	v17 =	vadd.s32 v28, v63;
	v18 =	vadd.s32 v29, v63;
	v19 =	vadd.s32 v30, v63  }
0x200: {  	v21 =	vadd.s32 v31, v63;
	v0 =	vadd.f32 v3, v0;
	v2 =	vadd.f32 v10, v2  }
0x201: {  	v39 =	vld.idx.msk [tilespmem:v20+s25+$0xE0 ss:$0x1], $0xffff;
	v40 =	vadd.s32 v32, v63;
	v1 =	vadd.f32 v5, v1;
	v4 =	vadd.f32 v62, v4  }
0x202: {  	v6 =	vadd.f32 v15, v6;
	v0 =	vpsel p0, v3, v0;
	v2 =	vpsel p0, v10, v2;
	v10 =	vld.idx.msk [tilespmem:v20+s25+$0xF0 ss:$0x1], $0xffff  }
0x203: {  	v9 =	vadd.f32 v38, v9;
	v1 =	vpsel p0, v5, v1;
	[tilespmem:v16+s12+$0x0] =	vst.idx.msk $0xffff, v0  }
0x204: {  	v6 =	vpsel p0, v15, v6;
	v15 =	vadd.s32 v33, v63;
	[tilespmem:v17+s12+$0x0] =	vst.idx.msk $0xffff, v1  }
0x205: {  	v4 =	vpsel p0, v62, v4;
	v16 =	vadd.s32 v34, v63;
	[tilespmem:v18+s12+$0x0] =	vst.idx.msk $0xffff, v2  }
0x206: {  	v14 =	vadd.s32 v35, v63;
	v12 =	vadd.f32 v39, v12;
	[tilespmem:v19+s12+$0x0] =	vst.idx.msk $0xffff, v4  }
0x207: {  	v3 =	vpsel p0, v38, v9;
	v8 =	vadd.f32 v10, v8;
	[tilespmem:v21+s12+$0x0] =	vst.idx.msk $0xffff, v6  }
0x208: {  	v7 =	vadd.f32 v36, v60;
	v5 =	vpsel p0, v39, v12;
	[tilespmem:v40+s12+$0x0] =	vst.idx.msk $0xffff, v3  }
0x209: {  	p2 =	slt.s32 s24, $0x0;
	s26 =	spop (v2sf);
	v8 =	vpsel p0, v10, v8;
	[tilespmem:v15+s12+$0x0] =	vst.idx.msk $0xffff, v5  }
0x20a: {  	v7 =	vpsel p0, v36, v7;
	p1 =	sne.s32 s26, s24;
	s24 =	simm.s32 @p2 $0x400;
	[tilespmem:v16+s12+$0x0] =	vst.idx.msk $0xffff, v8  }
0x20b: {  	v9 =	vmov s24;
	[tilespmem:v14+s12+$0x0] =	vst.idx.msk $0xffff, v7  }
0x20c: {  	s24 =	simm.s32 $0x1;
	[tilespmem:v11+s18+$0x0] =	vst.idx.msk $0x1, v9  }
0x20d: {  	s24 =	simm.s32 @!p1 $0x0;
	v9 =	vld.idx.msk [tilespmem:v20+s25+$0x100 ss:$0x1], $0xffff  }
0x20e: {  	(v2sf) =	vpush v22, $0x3;
	s28 =	sadd.s32 s24, s28;
	v10 =	vld.idx.msk [tilespmem:v20+s25+$0x110 ss:$0x1], $0xffff  }
0x20f: {  	v41 =	vmov s28;
	v11 =	vld.idx.msk [tilespmem:v20+s25+$0x120 ss:$0x1], $0xffff  }
0x210: {  	v42 =	vmul.u32 $0x90, v41;
	v13 =	vld.idx.msk [tilespmem:v20+s25+$0x130 ss:$0x1], $0xffff  }
0x211: {  	v15 =	vld.idx.msk [tilespmem:v20+s25+$0x140 ss:$0x1], $0xffff  }
0x212: {  	v16 =	vor.u32 v27, v42;
	v0 =	vadd.f32 v9, v0  }
0x213: {  	v17 =	vadd.s32 v28, v42;
	v1 =	vadd.f32 v10, v1  }
0x214: {  	v18 =	vadd.s32 v29, v42;
	v2 =	vadd.f32 v11, v2;
	v0 =	vpsel p1, v9, v0;
	v9 =	vld.idx.msk [tilespmem:v20+s25+$0x150 ss:$0x1], $0xffff  }
0x215: {  	v19 =	vadd.s32 v30, v42;
	v4 =	vadd.f32 v13, v4;
	v1 =	vpsel p1, v10, v1;
	v10 =	vld.idx.msk [tilespmem:v20+s25+$0x160 ss:$0x1], $0xffff  }
0x216: {  	v21 =	vadd.s32 v31, v42;
	v6 =	vadd.f32 v15, v6;
	v2 =	vpsel p1, v11, v2;
	v11 =	vld.idx.msk [tilespmem:v20+s25+$0x170 ss:$0x1], $0xffff  }
0x217: {  	v43 =	vadd.s32 v32, v42;
	v4 =	vpsel p1, v13, v4;
	[tilespmem:v16+s12+$0x0] =	vst.idx.msk $0xffff, v0  }
0x218: {  	v6 =	vpsel p1, v15, v6;
	v15 =	vadd.s32 v33, v42;
	[tilespmem:v17+s12+$0x0] =	vst.idx.msk $0xffff, v1  }
0x219: {  	v16 =	vadd.s32 v34, v42;
	[tilespmem:v18+s12+$0x0] =	vst.idx.msk $0xffff, v2;
	v3 =	vadd.f32 v9, v3  }
0x21a: {  	v14 =	vadd.s32 v35, v42;
	[tilespmem:v19+s12+$0x0] =	vst.idx.msk $0xffff, v4;
	v5 =	vadd.f32 v10, v5  }
0x21b: {  	v8 =	vadd.f32 v11, v8;
	[tilespmem:v21+s12+$0x0] =	vst.idx.msk $0xffff, v6;
	v3 =	vpsel p1, v9, v3  }
0x21c: {  	v7 =	vadd.f32 v36, v7;
	v5 =	vpsel p1, v10, v5;
	[tilespmem:v43+s12+$0x0] =	vst.idx.msk $0xffff, v3  }
0x21d: {  	p2 =	slt.s32 s26, $0x0;
	s24 =	spop (v2sf);
	v8 =	vpsel p1, v11, v8;
	[tilespmem:v15+s12+$0x0] =	vst.idx.msk $0xffff, v5  }
0x21e: {  	v7 =	vpsel p1, v36, v7;
	p0 =	sne.s32 s24, s26;
	s26 =	simm.s32 @p2 $0x400;
	[tilespmem:v16+s12+$0x0] =	vst.idx.msk $0xffff, v8  }
0x21f: {  	v9 =	vmov s26;
	[tilespmem:v14+s12+$0x0] =	vst.idx.msk $0xffff, v7  }
0x220: {  	s26 =	simm.s32 $0x1;
	[tilespmem:v41+s18+$0x0] =	vst.idx.msk $0x1, v9  }
0x221: {  	s26 =	simm.s32 @!p0 $0x0;
	v9 =	vld.idx.msk [tilespmem:v20+s25+$0x180 ss:$0x1], $0xffff  }
0x222: {  	(v2sf) =	vpush v22, $0x4;
	s28 =	sadd.s32 s26, s28;
	v10 =	vld.idx.msk [tilespmem:v20+s25+$0x190 ss:$0x1], $0xffff  }
0x223: {  	v44 =	vmov s28;
	v11 =	vld.idx.msk [tilespmem:v20+s25+$0x1A0 ss:$0x1], $0xffff  }
0x224: {  	v45 =	vmul.u32 $0x90, v44;
	v13 =	vld.idx.msk [tilespmem:v20+s25+$0x1B0 ss:$0x1], $0xffff  }
0x225: {  	v15 =	vld.idx.msk [tilespmem:v20+s25+$0x1C0 ss:$0x1], $0xffff  }
0x226: {  	v16 =	vor.u32 v27, v45;
	v0 =	vadd.f32 v9, v0  }
0x227: {  	v17 =	vadd.s32 v28, v45;
	v1 =	vadd.f32 v10, v1  }
0x228: {  	v18 =	vadd.s32 v29, v45;
	v2 =	vadd.f32 v11, v2;
	v0 =	vpsel p0, v9, v0;
	v9 =	vld.idx.msk [tilespmem:v20+s25+$0x1D0 ss:$0x1], $0xffff  }
0x229: {  	v19 =	vadd.s32 v30, v45;
	v4 =	vadd.f32 v13, v4;
	v1 =	vpsel p0, v10, v1;
	v10 =	vld.idx.msk [tilespmem:v20+s25+$0x1E0 ss:$0x1], $0xffff  }
0x22a: {  	v21 =	vadd.s32 v31, v45;
	v6 =	vadd.f32 v15, v6;
	v2 =	vpsel p0, v11, v2;
	v11 =	vld.idx.msk [tilespmem:v20+s25+$0x1F0 ss:$0x1], $0xffff  }
0x22b: {  	v46 =	vadd.s32 v32, v45;
	v4 =	vpsel p0, v13, v4;
	[tilespmem:v16+s12+$0x0] =	vst.idx.msk $0xffff, v0  }
0x22c: {  	v6 =	vpsel p0, v15, v6;
	v15 =	vadd.s32 v33, v45;
	[tilespmem:v17+s12+$0x0] =	vst.idx.msk $0xffff, v1  }
0x22d: {  	v16 =	vadd.s32 v34, v45;
	[tilespmem:v18+s12+$0x0] =	vst.idx.msk $0xffff, v2;
	v3 =	vadd.f32 v9, v3  }
0x22e: {  	v14 =	vadd.s32 v35, v45;
	[tilespmem:v19+s12+$0x0] =	vst.idx.msk $0xffff, v4;
	v5 =	vadd.f32 v10, v5  }
0x22f: {  	v8 =	vadd.f32 v11, v8;
	[tilespmem:v21+s12+$0x0] =	vst.idx.msk $0xffff, v6;
	v3 =	vpsel p0, v9, v3  }
0x230: {  	v7 =	vadd.f32 v36, v7;
	v5 =	vpsel p0, v10, v5;
	[tilespmem:v46+s12+$0x0] =	vst.idx.msk $0xffff, v3  }
0x231: {  	p2 =	slt.s32 s24, $0x0;
	s26 =	spop (v2sf);
	v8 =	vpsel p0, v11, v8;
	[tilespmem:v15+s12+$0x0] =	vst.idx.msk $0xffff, v5  }
0x232: {  	p1 =	sne.s32 s26, s24;
	v7 =	vpsel p0, v36, v7;
	s24 =	simm.s32 @p2 $0x400;
	[tilespmem:v16+s12+$0x0] =	vst.idx.msk $0xffff, v8  }
0x233: {  	v9 =	vmov s24;
	[tilespmem:v14+s12+$0x0] =	vst.idx.msk $0xffff, v7  }
0x234: {  	s24 =	simm.s32 $0x1;
	[tilespmem:v44+s18+$0x0] =	vst.idx.msk $0x1, v9  }
0x235: {  	s24 =	simm.s32 @!p1 $0x0;
	v9 =	vld.idx.msk [tilespmem:v20+s25+$0x200 ss:$0x1], $0xffff  }
0x236: {  	(v2sf) =	vpush v22, $0x5;
	s28 =	sadd.s32 s24, s28;
	v10 =	vld.idx.msk [tilespmem:v20+s25+$0x210 ss:$0x1], $0xffff  }
0x237: {  	v47 =	vmov s28;
	v11 =	vld.idx.msk [tilespmem:v20+s25+$0x220 ss:$0x1], $0xffff  }
0x238: {  	v48 =	vmul.u32 $0x90, v47;
	v13 =	vld.idx.msk [tilespmem:v20+s25+$0x230 ss:$0x1], $0xffff  }
0x239: {  	v15 =	vld.idx.msk [tilespmem:v20+s25+$0x240 ss:$0x1], $0xffff  }
0x23a: {  	v16 =	vor.u32 v27, v48;
	v0 =	vadd.f32 v9, v0  }
0x23b: {  	v17 =	vadd.s32 v28, v48;
	v1 =	vadd.f32 v10, v1  }
0x23c: {  	v18 =	vadd.s32 v29, v48;
	v2 =	vadd.f32 v11, v2;
	v0 =	vpsel p1, v9, v0;
	v9 =	vld.idx.msk [tilespmem:v20+s25+$0x250 ss:$0x1], $0xffff  }
0x23d: {  	v19 =	vadd.s32 v30, v48;
	v4 =	vadd.f32 v13, v4;
	v1 =	vpsel p1, v10, v1;
	v10 =	vld.idx.msk [tilespmem:v20+s25+$0x260 ss:$0x1], $0xffff  }
0x23e: {  	v21 =	vadd.s32 v31, v48;
	v6 =	vadd.f32 v15, v6;
	v2 =	vpsel p1, v11, v2;
	v11 =	vld.idx.msk [tilespmem:v20+s25+$0x270 ss:$0x1], $0xffff  }
0x23f: {  	v49 =	vadd.s32 v32, v48;
	v4 =	vpsel p1, v13, v4;
	[tilespmem:v16+s12+$0x0] =	vst.idx.msk $0xffff, v0  }
0x240: {  	v6 =	vpsel p1, v15, v6;
	v15 =	vadd.s32 v33, v48;
	[tilespmem:v17+s12+$0x0] =	vst.idx.msk $0xffff, v1  }
0x241: {  	v16 =	vadd.s32 v34, v48;
	[tilespmem:v18+s12+$0x0] =	vst.idx.msk $0xffff, v2;
	v3 =	vadd.f32 v9, v3  }
0x242: {  	v14 =	vadd.s32 v35, v48;
	[tilespmem:v19+s12+$0x0] =	vst.idx.msk $0xffff, v4;
	v5 =	vadd.f32 v10, v5  }
0x243: {  	v8 =	vadd.f32 v11, v8;
	[tilespmem:v21+s12+$0x0] =	vst.idx.msk $0xffff, v6;
	v3 =	vpsel p1, v9, v3  }
0x244: {  	v7 =	vadd.f32 v36, v7;
	v5 =	vpsel p1, v10, v5;
	[tilespmem:v49+s12+$0x0] =	vst.idx.msk $0xffff, v3  }
0x245: {  	p2 =	slt.s32 s26, $0x0;
	s24 =	spop (v2sf);
	v8 =	vpsel p1, v11, v8;
	[tilespmem:v15+s12+$0x0] =	vst.idx.msk $0xffff, v5  }
0x246: {  	p0 =	sne.s32 s24, s26;
	s26 =	simm.s32 @p2 $0x400;
	v7 =	vpsel p1, v36, v7;
	[tilespmem:v16+s12+$0x0] =	vst.idx.msk $0xffff, v8  }
0x247: {  	v9 =	vmov s26;
	[tilespmem:v14+s12+$0x0] =	vst.idx.msk $0xffff, v7  }
0x248: {  	s26 =	simm.s32 $0x1;
	[tilespmem:v47+s18+$0x0] =	vst.idx.msk $0x1, v9  }
0x249: {  	s26 =	simm.s32 @!p0 $0x0;
	v9 =	vld.idx.msk [tilespmem:v20+s25+$0x280 ss:$0x1], $0xffff  }
0x24a: {  	(v2sf) =	vpush v22, $0x6;
	s28 =	sadd.s32 s26, s28;
	v10 =	vld.idx.msk [tilespmem:v20+s25+$0x290 ss:$0x1], $0xffff  }
0x24b: {  	v50 =	vmov s28;
	v11 =	vld.idx.msk [tilespmem:v20+s25+$0x2A0 ss:$0x1], $0xffff  }
0x24c: {  	v51 =	vmul.u32 $0x90, v50;
	v13 =	vld.idx.msk [tilespmem:v20+s25+$0x2B0 ss:$0x1], $0xffff  }
0x24d: {  	v15 =	vld.idx.msk [tilespmem:v20+s25+$0x2C0 ss:$0x1], $0xffff  }
0x24e: {  	v16 =	vor.u32 v27, v51;
	v0 =	vadd.f32 v9, v0  }
0x24f: {  	v17 =	vadd.s32 v28, v51;
	v1 =	vadd.f32 v10, v1  }
0x250: {  	v18 =	vadd.s32 v29, v51;
	v2 =	vadd.f32 v11, v2;
	v0 =	vpsel p0, v9, v0;
	v9 =	vld.idx.msk [tilespmem:v20+s25+$0x2D0 ss:$0x1], $0xffff  }
0x251: {  	v19 =	vadd.s32 v30, v51;
	v4 =	vadd.f32 v13, v4;
	v1 =	vpsel p0, v10, v1;
	v10 =	vld.idx.msk [tilespmem:v20+s25+$0x2E0 ss:$0x1], $0xffff  }
0x252: {  	v21 =	vadd.s32 v31, v51;
	v6 =	vadd.f32 v15, v6;
	v2 =	vpsel p0, v11, v2;
	v11 =	vld.idx.msk [tilespmem:v20+s25+$0x2F0 ss:$0x1], $0xffff  }
0x253: {  	v52 =	vadd.s32 v32, v51;
	v4 =	vpsel p0, v13, v4;
	[tilespmem:v16+s12+$0x0] =	vst.idx.msk $0xffff, v0  }
0x254: {  	v6 =	vpsel p0, v15, v6;
	v15 =	vadd.s32 v33, v51;
	[tilespmem:v17+s12+$0x0] =	vst.idx.msk $0xffff, v1  }
0x255: {  	v16 =	vadd.s32 v34, v51;
	[tilespmem:v18+s12+$0x0] =	vst.idx.msk $0xffff, v2;
	v3 =	vadd.f32 v9, v3  }
0x256: {  	v14 =	vadd.s32 v35, v51;
	[tilespmem:v19+s12+$0x0] =	vst.idx.msk $0xffff, v4;
	v5 =	vadd.f32 v10, v5  }
0x257: {  	v8 =	vadd.f32 v11, v8;
	[tilespmem:v21+s12+$0x0] =	vst.idx.msk $0xffff, v6;
	v3 =	vpsel p0, v9, v3  }
0x258: {  	v7 =	vadd.f32 v36, v7;
	v5 =	vpsel p0, v10, v5;
	[tilespmem:v52+s12+$0x0] =	vst.idx.msk $0xffff, v3  }
0x259: {  	p2 =	slt.s32 s24, $0x0;
	s26 =	spop (v2sf);
	v8 =	vpsel p0, v11, v8;
	[tilespmem:v15+s12+$0x0] =	vst.idx.msk $0xffff, v5  }
0x25a: {  	p1 =	sne.s32 s26, s24;
	s24 =	simm.s32 @p2 $0x400;
	v7 =	vpsel p0, v36, v7;
	[tilespmem:v16+s12+$0x0] =	vst.idx.msk $0xffff, v8  }
0x25b: {  	v9 =	vmov s24;
	[tilespmem:v14+s12+$0x0] =	vst.idx.msk $0xffff, v7  }
0x25c: {  	s24 =	simm.s32 $0x1;
	[tilespmem:v50+s18+$0x0] =	vst.idx.msk $0x1, v9  }
0x25d: {  	s24 =	simm.s32 @!p1 $0x0;
	v9 =	vld.idx.msk [tilespmem:v20+s25+$0x300 ss:$0x1], $0xffff  }
0x25e: {  	(v2sf) =	vpush v22, $0x7;
	s28 =	sadd.s32 s24, s28;
	v10 =	vld.idx.msk [tilespmem:v20+s25+$0x310 ss:$0x1], $0xffff  }
0x25f: {  	v53 =	vmov s28;
	v11 =	vld.idx.msk [tilespmem:v20+s25+$0x320 ss:$0x1], $0xffff  }
0x260: {  	v54 =	vmul.u32 $0x90, v53;
	v13 =	vld.idx.msk [tilespmem:v20+s25+$0x330 ss:$0x1], $0xffff  }
0x261: {  	v15 =	vld.idx.msk [tilespmem:v20+s25+$0x340 ss:$0x1], $0xffff  }
0x262: {  	v16 =	vor.u32 v27, v54;
	v0 =	vadd.f32 v9, v0  }
0x263: {  	v17 =	vadd.s32 v28, v54;
	v1 =	vadd.f32 v10, v1  }
0x264: {  	v18 =	vadd.s32 v29, v54;
	v2 =	vadd.f32 v11, v2;
	v0 =	vpsel p1, v9, v0;
	v9 =	vld.idx.msk [tilespmem:v20+s25+$0x350 ss:$0x1], $0xffff  }
0x265: {  	v19 =	vadd.s32 v30, v54;
	v4 =	vadd.f32 v13, v4;
	v1 =	vpsel p1, v10, v1;
	v10 =	vld.idx.msk [tilespmem:v20+s25+$0x360 ss:$0x1], $0xffff  }
0x266: {  	v21 =	vadd.s32 v31, v54;
	v6 =	vadd.f32 v15, v6;
	v2 =	vpsel p1, v11, v2;
	v11 =	vld.idx.msk [tilespmem:v20+s25+$0x370 ss:$0x1], $0xffff  }
0x267: {  	v55 =	vadd.s32 v32, v54;
	v4 =	vpsel p1, v13, v4;
	[tilespmem:v16+s12+$0x0] =	vst.idx.msk $0xffff, v0  }
0x268: {  	v6 =	vpsel p1, v15, v6;
	v15 =	vadd.s32 v33, v54;
	[tilespmem:v17+s12+$0x0] =	vst.idx.msk $0xffff, v1  }
0x269: {  	v16 =	vadd.s32 v34, v54;
	[tilespmem:v18+s12+$0x0] =	vst.idx.msk $0xffff, v2;
	v3 =	vadd.f32 v9, v3  }
0x26a: {  	v14 =	vadd.s32 v35, v54;
	[tilespmem:v19+s12+$0x0] =	vst.idx.msk $0xffff, v4;
	v5 =	vadd.f32 v10, v5  }
0x26b: {  	v8 =	vadd.f32 v11, v8;
	[tilespmem:v21+s12+$0x0] =	vst.idx.msk $0xffff, v6;
	v3 =	vpsel p1, v9, v3  }
0x26c: {  	v7 =	vadd.f32 v36, v7;
	v5 =	vpsel p1, v10, v5;
	[tilespmem:v55+s12+$0x0] =	vst.idx.msk $0xffff, v3  }
0x26d: {  	p2 =	slt.s32 s26, $0x0;
	s24 =	spop (v2sf);
	v8 =	vpsel p1, v11, v8;
	[tilespmem:v15+s12+$0x0] =	vst.idx.msk $0xffff, v5  }
0x26e: {  	p0 =	sne.s32 s24, s26;
	s26 =	simm.s32 @p2 $0x400;
	v7 =	vpsel p1, v36, v7;
	[tilespmem:v16+s12+$0x0] =	vst.idx.msk $0xffff, v8  }
0x26f: {  	v9 =	vmov s26;
	[tilespmem:v14+s12+$0x0] =	vst.idx.msk $0xffff, v7  }
0x270: {  	s26 =	simm.s32 $0x1;
	[tilespmem:v53+s18+$0x0] =	vst.idx.msk $0x1, v9  }
0x271: {  	s26 =	simm.s32 @!p0 $0x0;
	v9 =	vld.idx.msk [tilespmem:v20+s25+$0x380 ss:$0x1], $0xffff  }
0x272: {  	(v2sf) =	vpush v22, $0x8;
	s28 =	sadd.s32 s26, s28;
	v10 =	vld.idx.msk [tilespmem:v20+s25+$0x390 ss:$0x1], $0xffff  }
0x273: {  	v56 =	vmov s28;
	v11 =	vld.idx.msk [tilespmem:v20+s25+$0x3A0 ss:$0x1], $0xffff  }
0x274: {  	v57 =	vmul.u32 $0x90, v56;
	v13 =	vld.idx.msk [tilespmem:v20+s25+$0x3B0 ss:$0x1], $0xffff  }
0x275: {  	v15 =	vld.idx.msk [tilespmem:v20+s25+$0x3C0 ss:$0x1], $0xffff  }
0x276: {  	v16 =	vor.u32 v27, v57;
	v0 =	vadd.f32 v9, v0  }
0x277: {  	v17 =	vadd.s32 v28, v57;
	v1 =	vadd.f32 v10, v1  }
0x278: {  	v18 =	vadd.s32 v29, v57;
	v2 =	vadd.f32 v11, v2;
	v0 =	vpsel p0, v9, v0;
	v9 =	vld.idx.msk [tilespmem:v20+s25+$0x3D0 ss:$0x1], $0xffff  }
0x279: {  	v19 =	vadd.s32 v30, v57;
	v4 =	vadd.f32 v13, v4;
	v1 =	vpsel p0, v10, v1;
	v10 =	vld.idx.msk [tilespmem:v20+s25+$0x3E0 ss:$0x1], $0xffff  }
0x27a: {  	v21 =	vadd.s32 v31, v57;
	v6 =	vadd.f32 v15, v6;
	v2 =	vpsel p0, v11, v2;
	v11 =	vld.idx.msk [tilespmem:v20+s25+$0x3F0 ss:$0x1], $0xffff  }
0x27b: {  	v58 =	vadd.s32 v32, v57;
	v4 =	vpsel p0, v13, v4;
	[tilespmem:v16+s12+$0x0] =	vst.idx.msk $0xffff, v0  }
0x27c: {  	v6 =	vpsel p0, v15, v6;
	v15 =	vadd.s32 v33, v57;
	[tilespmem:v17+s12+$0x0] =	vst.idx.msk $0xffff, v1  }
0x27d: {  	v16 =	vadd.s32 v34, v57;
	[tilespmem:v18+s12+$0x0] =	vst.idx.msk $0xffff, v2;
	v3 =	vadd.f32 v9, v3  }
0x27e: {  	v14 =	vadd.s32 v35, v57;
	[tilespmem:v19+s12+$0x0] =	vst.idx.msk $0xffff, v4;
	v5 =	vadd.f32 v10, v5  }
0x27f: {  	v8 =	vadd.f32 v11, v8;
	[tilespmem:v21+s12+$0x0] =	vst.idx.msk $0xffff, v6;
	v3 =	vpsel p0, v9, v3  }
0x280: {  	v7 =	vadd.f32 v36, v7;
	v5 =	vpsel p0, v10, v5;
	[tilespmem:v58+s12+$0x0] =	vst.idx.msk $0xffff, v3  }
0x281: {  	p2 =	slt.s32 s24, $0x0;
	s26 =	spop (v2sf);
	v8 =	vpsel p0, v11, v8;
	[tilespmem:v15+s12+$0x0] =	vst.idx.msk $0xffff, v5  }
0x282: {  	p1 =	sne.s32 s26, s24;
	s24 =	simm.s32 @p2 $0x400;
	v7 =	vpsel p0, v36, v7;
	[tilespmem:v16+s12+$0x0] =	vst.idx.msk $0xffff, v8  }
0x283: {  	v9 =	vmov s24;
	[tilespmem:v14+s12+$0x0] =	vst.idx.msk $0xffff, v7  }
0x284: {  	s24 =	simm.s32 $0x1;
	[tilespmem:v56+s18+$0x0] =	vst.idx.msk $0x1, v9  }
0x285: {  	s24 =	simm.s32 @!p1 $0x0;
	v9 =	vld.idx.msk [tilespmem:v20+s25+$0x400 ss:$0x1], $0xffff  }
0x286: {  	(v2sf) =	vpush v22, $0x9;
	s28 =	sadd.s32 s24, s28;
	v10 =	vld.idx.msk [tilespmem:v20+s25+$0x410 ss:$0x1], $0xffff  }
0x287: {  	v59 =	vmov s28;
	v11 =	vld.idx.msk [tilespmem:v20+s25+$0x420 ss:$0x1], $0xffff  }
0x288: {  	v60 =	vmul.u32 $0x90, v59;
	v13 =	vld.idx.msk [tilespmem:v20+s25+$0x430 ss:$0x1], $0xffff  }
0x289: {  	v15 =	vld.idx.msk [tilespmem:v20+s25+$0x440 ss:$0x1], $0xffff  }
0x28a: {  	v16 =	vor.u32 v27, v60;
	v0 =	vadd.f32 v9, v0  }
0x28b: {  	v17 =	vadd.s32 v28, v60;
	v1 =	vadd.f32 v10, v1  }
0x28c: {  	v18 =	vadd.s32 v29, v60;
	v2 =	vadd.f32 v11, v2;
	v0 =	vpsel p1, v9, v0;
	v9 =	vld.idx.msk [tilespmem:v20+s25+$0x450 ss:$0x1], $0xffff  }
0x28d: {  	v19 =	vadd.s32 v30, v60;
	v4 =	vadd.f32 v13, v4;
	v1 =	vpsel p1, v10, v1;
	v10 =	vld.idx.msk [tilespmem:v20+s25+$0x460 ss:$0x1], $0xffff  }
0x28e: {  	v21 =	vadd.s32 v31, v60;
	v6 =	vadd.f32 v15, v6;
	v2 =	vpsel p1, v11, v2;
	v11 =	vld.idx.msk [tilespmem:v20+s25+$0x470 ss:$0x1], $0xffff  }
0x28f: {  	v61 =	vadd.s32 v32, v60;
	v4 =	vpsel p1, v13, v4;
	[tilespmem:v16+s12+$0x0] =	vst.idx.msk $0xffff, v0  }
0x290: {  	v6 =	vpsel p1, v15, v6;
	v15 =	vadd.s32 v33, v60;
	[tilespmem:v17+s12+$0x0] =	vst.idx.msk $0xffff, v1  }
0x291: {  	v16 =	vadd.s32 v34, v60;
	[tilespmem:v18+s12+$0x0] =	vst.idx.msk $0xffff, v2;
	v3 =	vadd.f32 v9, v3  }
0x292: {  	v14 =	vadd.s32 v35, v60;
	[tilespmem:v19+s12+$0x0] =	vst.idx.msk $0xffff, v4;
	v5 =	vadd.f32 v10, v5  }
0x293: {  	v8 =	vadd.f32 v11, v8;
	[tilespmem:v21+s12+$0x0] =	vst.idx.msk $0xffff, v6;
	v3 =	vpsel p1, v9, v3  }
0x294: {  	v7 =	vadd.f32 v36, v7;
	v5 =	vpsel p1, v10, v5;
	[tilespmem:v61+s12+$0x0] =	vst.idx.msk $0xffff, v3  }
0x295: {  	p2 =	slt.s32 s26, $0x0;
	s24 =	spop (v2sf);
	v8 =	vpsel p1, v11, v8;
	[tilespmem:v15+s12+$0x0] =	vst.idx.msk $0xffff, v5  }
0x296: {  	p0 =	sne.s32 s24, s26;
	s26 =	simm.s32 @p2 $0x400;
	v7 =	vpsel p1, v36, v7;
	[tilespmem:v16+s12+$0x0] =	vst.idx.msk $0xffff, v8  }
0x297: {  	v9 =	vmov s26;
	[tilespmem:v14+s12+$0x0] =	vst.idx.msk $0xffff, v7  }
0x298: {  	s26 =	simm.s32 $0x1;
	[tilespmem:v59+s18+$0x0] =	vst.idx.msk $0x1, v9  }
0x299: {  	s26 =	simm.s32 @!p0 $0x0;
	v9 =	vld.idx.msk [tilespmem:v20+s25+$0x480 ss:$0x1], $0xffff  }
0x29a: {  	(v2sf) =	vpush v22, $0xA;
	s28 =	sadd.s32 s26, s28;
	v10 =	vld.idx.msk [tilespmem:v20+s25+$0x490 ss:$0x1], $0xffff  }
0x29b: {  	v62 =	vmov s28;
	v11 =	vld.idx.msk [tilespmem:v20+s25+$0x4A0 ss:$0x1], $0xffff  }
0x29c: {  	v63 =	vmul.u32 $0x90, v62;
	v13 =	vld.idx.msk [tilespmem:v20+s25+$0x4B0 ss:$0x1], $0xffff  }
0x29d: {  	v15 =	vld.idx.msk [tilespmem:v20+s25+$0x4C0 ss:$0x1], $0xffff  }
0x29e: {  	v16 =	vor.u32 v27, v63;
	v0 =	vadd.f32 v9, v0  }
0x29f: {  	v17 =	vadd.s32 v28, v63;
	v1 =	vadd.f32 v10, v1  }
0x2a0: {  	v18 =	vadd.s32 v29, v63;
	v2 =	vadd.f32 v11, v2;
	v0 =	vpsel p0, v9, v0;
	v9 =	vld.idx.msk [tilespmem:v20+s25+$0x4D0 ss:$0x1], $0xffff  }
0x2a1: {  	v19 =	vadd.s32 v30, v63;
	v4 =	vadd.f32 v13, v4;
	v1 =	vpsel p0, v10, v1;
	v10 =	vld.idx.msk [tilespmem:v20+s25+$0x4E0 ss:$0x1], $0xffff  }
0x2a2: {  	v21 =	vadd.s32 v31, v63;
	v6 =	vadd.f32 v15, v6;
	v2 =	vpsel p0, v11, v2;
	v11 =	vld.idx.msk [tilespmem:v20+s25+$0x4F0 ss:$0x1], $0xffff  }
0x2a3: {  	v38 =	vadd.s32 v32, v63;
	v4 =	vpsel p0, v13, v4;
	[tilespmem:v16+s12+$0x0] =	vst.idx.msk $0xffff, v0  }
0x2a4: {  	v6 =	vpsel p0, v15, v6;
	v15 =	vadd.s32 v33, v63;
	[tilespmem:v17+s12+$0x0] =	vst.idx.msk $0xffff, v1  }
0x2a5: {  	v16 =	vadd.s32 v34, v63;
	[tilespmem:v18+s12+$0x0] =	vst.idx.msk $0xffff, v2;
	v3 =	vadd.f32 v9, v3  }
0x2a6: {  	v14 =	vadd.s32 v35, v63;
	[tilespmem:v19+s12+$0x0] =	vst.idx.msk $0xffff, v4;
	v5 =	vadd.f32 v10, v5  }
0x2a7: {  	v8 =	vadd.f32 v11, v8;
	[tilespmem:v21+s12+$0x0] =	vst.idx.msk $0xffff, v6;
	v3 =	vpsel p0, v9, v3  }
0x2a8: {  	v7 =	vadd.f32 v36, v7;
	v5 =	vpsel p0, v10, v5;
	[tilespmem:v38+s12+$0x0] =	vst.idx.msk $0xffff, v3  }
0x2a9: {  	p2 =	slt.s32 s24, $0x0;
	s26 =	spop (v2sf);
	v8 =	vpsel p0, v11, v8;
	[tilespmem:v15+s12+$0x0] =	vst.idx.msk $0xffff, v5  }
0x2aa: {  	p1 =	sne.s32 s26, s24;
	s24 =	simm.s32 @p2 $0x400;
	v7 =	vpsel p0, v36, v7;
	[tilespmem:v16+s12+$0x0] =	vst.idx.msk $0xffff, v8  }
0x2ab: {  	v9 =	vmov s24;
	[tilespmem:v14+s12+$0x0] =	vst.idx.msk $0xffff, v7  }
0x2ac: {  	s24 =	simm.s32 $0x1;
	[tilespmem:v62+s18+$0x0] =	vst.idx.msk $0x1, v9  }
0x2ad: {  	s24 =	simm.s32 @!p1 $0x0;
	v9 =	vld.idx.msk [tilespmem:v20+s25+$0x500 ss:$0x1], $0xffff  }
0x2ae: {  	(v2sf) =	vpush v22, $0xB;
	s28 =	sadd.s32 s24, s28;
	v10 =	vld.idx.msk [tilespmem:v20+s25+$0x510 ss:$0x1], $0xffff  }
0x2af: {  	v39 =	vmov s28;
	v11 =	vld.idx.msk [tilespmem:v20+s25+$0x520 ss:$0x1], $0xffff  }
0x2b0: {  	v40 =	vmul.u32 $0x90, v39;
	v13 =	vld.idx.msk [tilespmem:v20+s25+$0x530 ss:$0x1], $0xffff  }
0x2b1: {  	v15 =	vld.idx.msk [tilespmem:v20+s25+$0x540 ss:$0x1], $0xffff  }
0x2b2: {  	v16 =	vor.u32 v27, v40;
	v0 =	vadd.f32 v9, v0  }
0x2b3: {  	v17 =	vadd.s32 v28, v40;
	v1 =	vadd.f32 v10, v1  }
0x2b4: {  	v18 =	vadd.s32 v29, v40;
	v2 =	vadd.f32 v11, v2;
	v0 =	vpsel p1, v9, v0;
	v9 =	vld.idx.msk [tilespmem:v20+s25+$0x550 ss:$0x1], $0xffff  }
0x2b5: {  	v19 =	vadd.s32 v30, v40;
	v4 =	vadd.f32 v13, v4;
	v1 =	vpsel p1, v10, v1;
	v10 =	vld.idx.msk [tilespmem:v20+s25+$0x560 ss:$0x1], $0xffff  }
0x2b6: {  	v21 =	vadd.s32 v31, v40;
	v6 =	vadd.f32 v15, v6;
	v2 =	vpsel p1, v11, v2;
	v11 =	vld.idx.msk [tilespmem:v20+s25+$0x570 ss:$0x1], $0xffff  }
0x2b7: {  	v41 =	vadd.s32 v32, v40;
	v4 =	vpsel p1, v13, v4;
	[tilespmem:v16+s12+$0x0] =	vst.idx.msk $0xffff, v0  }
0x2b8: {  	v6 =	vpsel p1, v15, v6;
	v15 =	vadd.s32 v33, v40;
	[tilespmem:v17+s12+$0x0] =	vst.idx.msk $0xffff, v1  }
0x2b9: {  	v16 =	vadd.s32 v34, v40;
	[tilespmem:v18+s12+$0x0] =	vst.idx.msk $0xffff, v2;
	v3 =	vadd.f32 v9, v3  }
0x2ba: {  	v14 =	vadd.s32 v35, v40;
	[tilespmem:v19+s12+$0x0] =	vst.idx.msk $0xffff, v4;
	v5 =	vadd.f32 v10, v5  }
0x2bb: {  	v8 =	vadd.f32 v11, v8;
	[tilespmem:v21+s12+$0x0] =	vst.idx.msk $0xffff, v6;
	v3 =	vpsel p1, v9, v3  }
0x2bc: {  	v7 =	vadd.f32 v36, v7;
	v5 =	vpsel p1, v10, v5;
	[tilespmem:v41+s12+$0x0] =	vst.idx.msk $0xffff, v3  }
0x2bd: {  	p2 =	slt.s32 s26, $0x0;
	s24 =	spop (v2sf);
	v8 =	vpsel p1, v11, v8;
	[tilespmem:v15+s12+$0x0] =	vst.idx.msk $0xffff, v5  }
0x2be: {  	p0 =	sne.s32 s24, s26;
	s26 =	simm.s32 @p2 $0x400;
	v7 =	vpsel p1, v36, v7;
	[tilespmem:v16+s12+$0x0] =	vst.idx.msk $0xffff, v8  }
0x2bf: {  	v9 =	vmov s26;
	[tilespmem:v14+s12+$0x0] =	vst.idx.msk $0xffff, v7  }
0x2c0: {  	s26 =	simm.s32 $0x1;
	[tilespmem:v39+s18+$0x0] =	vst.idx.msk $0x1, v9  }
0x2c1: {  	s26 =	simm.s32 @!p0 $0x0;
	v9 =	vld.idx.msk [tilespmem:v20+s25+$0x580 ss:$0x1], $0xffff  }
0x2c2: {  	(v2sf) =	vpush v22, $0xC;
	s28 =	sadd.s32 s26, s28;
	v10 =	vld.idx.msk [tilespmem:v20+s25+$0x590 ss:$0x1], $0xffff  }
0x2c3: {  	v42 =	vmov s28;
	v11 =	vld.idx.msk [tilespmem:v20+s25+$0x5A0 ss:$0x1], $0xffff  }
0x2c4: {  	v43 =	vmul.u32 $0x90, v42;
	v13 =	vld.idx.msk [tilespmem:v20+s25+$0x5B0 ss:$0x1], $0xffff  }
0x2c5: {  	v15 =	vld.idx.msk [tilespmem:v20+s25+$0x5C0 ss:$0x1], $0xffff  }
0x2c6: {  	v16 =	vor.u32 v27, v43;
	v0 =	vadd.f32 v9, v0  }
0x2c7: {  	v17 =	vadd.s32 v28, v43;
	v1 =	vadd.f32 v10, v1  }
0x2c8: {  	v18 =	vadd.s32 v29, v43;
	v2 =	vadd.f32 v11, v2;
	v0 =	vpsel p0, v9, v0;
	v9 =	vld.idx.msk [tilespmem:v20+s25+$0x5D0 ss:$0x1], $0xffff  }
0x2c9: {  	v19 =	vadd.s32 v30, v43;
	v4 =	vadd.f32 v13, v4;
	v1 =	vpsel p0, v10, v1;
	v10 =	vld.idx.msk [tilespmem:v20+s25+$0x5E0 ss:$0x1], $0xffff  }
0x2ca: {  	v21 =	vadd.s32 v31, v43;
	v6 =	vadd.f32 v15, v6;
	v2 =	vpsel p0, v11, v2;
	v11 =	vld.idx.msk [tilespmem:v20+s25+$0x5F0 ss:$0x1], $0xffff  }
0x2cb: {  	v44 =	vadd.s32 v32, v43;
	v4 =	vpsel p0, v13, v4;
	[tilespmem:v16+s12+$0x0] =	vst.idx.msk $0xffff, v0  }
0x2cc: {  	v6 =	vpsel p0, v15, v6;
	v15 =	vadd.s32 v33, v43;
	[tilespmem:v17+s12+$0x0] =	vst.idx.msk $0xffff, v1  }
0x2cd: {  	v16 =	vadd.s32 v34, v43;
	[tilespmem:v18+s12+$0x0] =	vst.idx.msk $0xffff, v2;
	v3 =	vadd.f32 v9, v3  }
0x2ce: {  	v14 =	vadd.s32 v35, v43;
	[tilespmem:v19+s12+$0x0] =	vst.idx.msk $0xffff, v4;
	v5 =	vadd.f32 v10, v5  }
0x2cf: {  	v8 =	vadd.f32 v11, v8;
	[tilespmem:v21+s12+$0x0] =	vst.idx.msk $0xffff, v6;
	v3 =	vpsel p0, v9, v3  }
0x2d0: {  	v7 =	vadd.f32 v36, v7;
	v5 =	vpsel p0, v10, v5;
	[tilespmem:v44+s12+$0x0] =	vst.idx.msk $0xffff, v3  }
0x2d1: {  	p2 =	slt.s32 s24, $0x0;
	s26 =	spop (v2sf);
	v8 =	vpsel p0, v11, v8;
	[tilespmem:v15+s12+$0x0] =	vst.idx.msk $0xffff, v5  }
0x2d2: {  	p1 =	sne.s32 s26, s24;
	s24 =	simm.s32 @p2 $0x400;
	v7 =	vpsel p0, v36, v7;
	[tilespmem:v16+s12+$0x0] =	vst.idx.msk $0xffff, v8  }
0x2d3: {  	v9 =	vmov s24;
	[tilespmem:v14+s12+$0x0] =	vst.idx.msk $0xffff, v7  }
0x2d4: {  	s24 =	simm.s32 $0x1;
	[tilespmem:v42+s18+$0x0] =	vst.idx.msk $0x1, v9  }
0x2d5: {  	s24 =	simm.s32 @!p1 $0x0;
	v9 =	vld.idx.msk [tilespmem:v20+s25+$0x600 ss:$0x1], $0xffff  }
0x2d6: {  	(v2sf) =	vpush v22, $0xD;
	s28 =	sadd.s32 s24, s28;
	v10 =	vld.idx.msk [tilespmem:v20+s25+$0x610 ss:$0x1], $0xffff  }
0x2d7: {  	v45 =	vmov s28;
	v11 =	vld.idx.msk [tilespmem:v20+s25+$0x620 ss:$0x1], $0xffff  }
0x2d8: {  	v46 =	vmul.u32 $0x90, v45;
	v13 =	vld.idx.msk [tilespmem:v20+s25+$0x630 ss:$0x1], $0xffff  }
0x2d9: {  	v15 =	vld.idx.msk [tilespmem:v20+s25+$0x640 ss:$0x1], $0xffff  }
0x2da: {  	v16 =	vor.u32 v27, v46;
	v0 =	vadd.f32 v9, v0  }
0x2db: {  	v17 =	vadd.s32 v28, v46;
	v1 =	vadd.f32 v10, v1  }
0x2dc: {  	v18 =	vadd.s32 v29, v46;
	v2 =	vadd.f32 v11, v2;
	v0 =	vpsel p1, v9, v0;
	v9 =	vld.idx.msk [tilespmem:v20+s25+$0x650 ss:$0x1], $0xffff  }
0x2dd: {  	v19 =	vadd.s32 v30, v46;
	v4 =	vadd.f32 v13, v4;
	v1 =	vpsel p1, v10, v1;
	v10 =	vld.idx.msk [tilespmem:v20+s25+$0x660 ss:$0x1], $0xffff  }
0x2de: {  	v21 =	vadd.s32 v31, v46;
	v6 =	vadd.f32 v15, v6;
	v2 =	vpsel p1, v11, v2;
	v11 =	vld.idx.msk [tilespmem:v20+s25+$0x670 ss:$0x1], $0xffff  }
0x2df: {  	v47 =	vadd.s32 v32, v46;
	v4 =	vpsel p1, v13, v4;
	[tilespmem:v16+s12+$0x0] =	vst.idx.msk $0xffff, v0  }
0x2e0: {  	v6 =	vpsel p1, v15, v6;
	v15 =	vadd.s32 v33, v46;
	[tilespmem:v17+s12+$0x0] =	vst.idx.msk $0xffff, v1  }
0x2e1: {  	v16 =	vadd.s32 v34, v46;
	[tilespmem:v18+s12+$0x0] =	vst.idx.msk $0xffff, v2;
	v3 =	vadd.f32 v9, v3  }
0x2e2: {  	v14 =	vadd.s32 v35, v46;
	[tilespmem:v19+s12+$0x0] =	vst.idx.msk $0xffff, v4;
	v5 =	vadd.f32 v10, v5  }
0x2e3: {  	v8 =	vadd.f32 v11, v8;
	[tilespmem:v21+s12+$0x0] =	vst.idx.msk $0xffff, v6;
	v3 =	vpsel p1, v9, v3  }
0x2e4: {  	v7 =	vadd.f32 v36, v7;
	v5 =	vpsel p1, v10, v5;
	[tilespmem:v47+s12+$0x0] =	vst.idx.msk $0xffff, v3  }
0x2e5: {  	p2 =	slt.s32 s26, $0x0;
	s24 =	spop (v2sf);
	v8 =	vpsel p1, v11, v8;
	[tilespmem:v15+s12+$0x0] =	vst.idx.msk $0xffff, v5  }
0x2e6: {  	p0 =	sne.s32 s24, s26;
	s26 =	simm.s32 @p2 $0x400;
	v7 =	vpsel p1, v36, v7;
	[tilespmem:v16+s12+$0x0] =	vst.idx.msk $0xffff, v8  }
0x2e7: {  	v9 =	vmov s26;
	[tilespmem:v14+s12+$0x0] =	vst.idx.msk $0xffff, v7  }
0x2e8: {  	s26 =	simm.s32 $0x1;
	[tilespmem:v45+s18+$0x0] =	vst.idx.msk $0x1, v9  }
0x2e9: {  	s26 =	simm.s32 @!p0 $0x0;
	v9 =	vld.idx.msk [tilespmem:v20+s25+$0x680 ss:$0x1], $0xffff  }
0x2ea: {  	(v2sf) =	vpush v22, $0xE;
	s28 =	sadd.s32 s26, s28;
	v10 =	vld.idx.msk [tilespmem:v20+s25+$0x690 ss:$0x1], $0xffff  }
0x2eb: {  	v48 =	vmov s28;
	v11 =	vld.idx.msk [tilespmem:v20+s25+$0x6A0 ss:$0x1], $0xffff  }
0x2ec: {  	v49 =	vmul.u32 $0x90, v48;
	v13 =	vld.idx.msk [tilespmem:v20+s25+$0x6B0 ss:$0x1], $0xffff  }
0x2ed: {  	v15 =	vld.idx.msk [tilespmem:v20+s25+$0x6C0 ss:$0x1], $0xffff  }
0x2ee: {  	v16 =	vor.u32 v27, v49;
	v0 =	vadd.f32 v9, v0  }
0x2ef: {  	v17 =	vadd.s32 v28, v49;
	v1 =	vadd.f32 v10, v1  }
0x2f0: {  	v18 =	vadd.s32 v29, v49;
	v2 =	vadd.f32 v11, v2;
	v0 =	vpsel p0, v9, v0;
	v9 =	vld.idx.msk [tilespmem:v20+s25+$0x6D0 ss:$0x1], $0xffff  }
0x2f1: {  	v19 =	vadd.s32 v30, v49;
	v4 =	vadd.f32 v13, v4;
	v1 =	vpsel p0, v10, v1;
	v10 =	vld.idx.msk [tilespmem:v20+s25+$0x6E0 ss:$0x1], $0xffff  }
0x2f2: {  	v21 =	vadd.s32 v31, v49;
	v6 =	vadd.f32 v15, v6;
	v2 =	vpsel p0, v11, v2;
	v11 =	vld.idx.msk [tilespmem:v20+s25+$0x6F0 ss:$0x1], $0xffff  }
0x2f3: {  	v50 =	vadd.s32 v32, v49;
	v4 =	vpsel p0, v13, v4;
	[tilespmem:v16+s12+$0x0] =	vst.idx.msk $0xffff, v0  }
0x2f4: {  	v6 =	vpsel p0, v15, v6;
	v15 =	vadd.s32 v33, v49;
	[tilespmem:v17+s12+$0x0] =	vst.idx.msk $0xffff, v1  }
0x2f5: {  	v16 =	vadd.s32 v34, v49;
	[tilespmem:v18+s12+$0x0] =	vst.idx.msk $0xffff, v2;
	v3 =	vadd.f32 v9, v3  }
0x2f6: {  	v14 =	vadd.s32 v35, v49;
	[tilespmem:v19+s12+$0x0] =	vst.idx.msk $0xffff, v4;
	v5 =	vadd.f32 v10, v5  }
0x2f7: {  	v8 =	vadd.f32 v11, v8;
	[tilespmem:v21+s12+$0x0] =	vst.idx.msk $0xffff, v6;
	v3 =	vpsel p0, v9, v3  }
0x2f8: {  	v7 =	vadd.f32 v36, v7;
	v5 =	vpsel p0, v10, v5;
	[tilespmem:v50+s12+$0x0] =	vst.idx.msk $0xffff, v3  }
0x2f9: {  	p2 =	slt.s32 s24, $0x0;
	s26 =	spop (v2sf);
	v8 =	vpsel p0, v11, v8;
	[tilespmem:v15+s12+$0x0] =	vst.idx.msk $0xffff, v5  }
0x2fa: {  	p1 =	sne.s32 s26, s24;
	s24 =	simm.s32 @p2 $0x400;
	v7 =	vpsel p0, v36, v7;
	[tilespmem:v16+s12+$0x0] =	vst.idx.msk $0xffff, v8  }
0x2fb: {  	v9 =	vmov s24;
	[tilespmem:v14+s12+$0x0] =	vst.idx.msk $0xffff, v7  }
0x2fc: {  	s24 =	simm.s32 $0x1;
	[tilespmem:v48+s18+$0x0] =	vst.idx.msk $0x1, v9  }
0x2fd: {  	s24 =	simm.s32 @!p1 $0x0;
	v9 =	vld.idx.msk [tilespmem:v20+s25+$0x700 ss:$0x1], $0xffff  }
0x2fe: {  	s24 =	sadd.s32 s24, s28;
	v10 =	vld.idx.msk [tilespmem:v20+s25+$0x710 ss:$0x1], $0xffff  }
0x2ff: {  	v51 =	vmov s24;
	v11 =	vld.idx.msk [tilespmem:v20+s25+$0x720 ss:$0x1], $0xffff  }
0x300: {  	v52 =	vmul.u32 $0x90, v51;
	v13 =	vld.idx.msk [tilespmem:v20+s25+$0x730 ss:$0x1], $0xffff  }
0x301: {  	v15 =	vld.idx.msk [tilespmem:v20+s25+$0x740 ss:$0x1], $0xffff  }
0x302: {  	v16 =	vor.u32 v27, v52;
	v0 =	vadd.f32 v9, v0  }
0x303: {  	v17 =	vadd.s32 v28, v52;
	v1 =	vadd.f32 v10, v1  }
0x304: {  	v18 =	vadd.s32 v29, v52;
	v2 =	vadd.f32 v11, v2;
	v0 =	vpsel p1, v9, v0;
	v9 =	vld.idx.msk [tilespmem:v20+s25+$0x750 ss:$0x1], $0xffff  }
0x305: {  	v19 =	vadd.s32 v30, v52;
	v4 =	vadd.f32 v13, v4;
	v1 =	vpsel p1, v10, v1;
	v10 =	vld.idx.msk [tilespmem:v20+s25+$0x760 ss:$0x1], $0xffff  }
0x306: {  	v21 =	vadd.s32 v31, v52;
	v6 =	vadd.f32 v15, v6;
	v2 =	vpsel p1, v11, v2;
	v11 =	vld.idx.msk [tilespmem:v20+s25+$0x770 ss:$0x1], $0xffff  }
0x307: {  	v53 =	vadd.s32 v32, v52;
	v4 =	vpsel p1, v13, v4;
	[tilespmem:v16+s12+$0x0] =	vst.idx.msk $0xffff, v0  }
0x308: {  	v6 =	vpsel p1, v15, v6;
	v15 =	vadd.s32 v33, v52;
	[tilespmem:v17+s12+$0x0] =	vst.idx.msk $0xffff, v1  }
0x309: {  	v16 =	vadd.s32 v34, v52;
	[tilespmem:v18+s12+$0x0] =	vst.idx.msk $0xffff, v2;
	v3 =	vadd.f32 v9, v3  }
0x30a: {  	v14 =	vadd.s32 v35, v52;
	[tilespmem:v19+s12+$0x0] =	vst.idx.msk $0xffff, v4;
	v5 =	vadd.f32 v10, v5  }
0x30b: {  	v8 =	vadd.f32 v11, v8;
	[tilespmem:v21+s12+$0x0] =	vst.idx.msk $0xffff, v6;
	v3 =	vpsel p1, v9, v3  }
0x30c: {  	v7 =	vadd.f32 v36, v7;
	v5 =	vpsel p1, v10, v5;
	[tilespmem:v53+s12+$0x0] =	vst.idx.msk $0xffff, v3  }
0x30d: {  	p2 =	slt.s32 s26, $0x0;
	v8 =	vpsel p1, v11, v8;
	[tilespmem:v15+s12+$0x0] =	vst.idx.msk $0xffff, v5  }
0x30e: {  	p0 =	sne.s32 s21, s26;
	s26 =	simm.s32 @p2 $0x400;
	v7 =	vpsel p1, v36, v7;
	[tilespmem:v16+s12+$0x0] =	vst.idx.msk $0xffff, v8  }
0x30f: {  	v9 =	vmov s26;
	[tilespmem:v14+s12+$0x0] =	vst.idx.msk $0xffff, v7  }
0x310: {  	[tilespmem:v51+s18+$0x0] =	vst.idx.msk $0x1, v9  }
0x311: {  	v9 =	vld.idx.msk [tilespmem:v20+s25+$0x780 ss:$0x1], $0xffff  }
0x312: {  	v10 =	vld.idx.msk [tilespmem:v20+s25+$0x790 ss:$0x1], $0xffff  }
0x313: {  	v11 =	vld.idx.msk [tilespmem:v20+s25+$0x7A0 ss:$0x1], $0xffff  }
0x314: {  	s26 =	simm.s32 $0x1;
	v12 =	vld.idx.msk [tilespmem:v20+s25+$0x7B0 ss:$0x1], $0xffff  }
0x315: {  	s26 =	simm.s32 @!p0 $0x0;
	v13 =	vld.idx.msk [tilespmem:v20+s25+$0x7C0 ss:$0x1], $0xffff  }
0x316: {  	s24 =	sadd.s32 s26, s24;
	v14 =	vld.idx.msk [tilespmem:v20+s25+$0x7D0 ss:$0x1], $0xffff  }
0x317: {  	p1 =	slt.s32 s24, $0x50;
	v15 =	vld.idx.msk [tilespmem:v20+s25+$0x7E0 ss:$0x1], $0xffff  }
0x318: {  	v17 =	vld @!p1 [tilespmem:$0x1C920]  }
0x319: {  	v18 =	vld @!p1 [tilespmem:$0x1C930]  }
0x31a: {  	v19 =	vlaneseq.u32 @!p1;
	v21 =	vld @!p1 [tilespmem:$0x1C940]  }
0x31b: {  	v22 =	vmov @!p1 s24;
	v23 =	vadd.s32 @!p1 $0x1, v19;
	v24 =	vld @!p1 [tilespmem:$0x1C950]  }
0x31c: {  	vm0 =	vlt.s32 @!p1 v22, v23;
	v23 =	vadd.s32 @!p1 $0x11, v19;
	v25 =	vld @!p1 [tilespmem:$0x1C960]  }
0x31d: {  	v26 =	vld @!p1 [tilespmem:$0x1C970];
	v17 =	vsel @!p1 vm0, $0x400, v17;
	vm0 =	vlt.s32 @!p1 v22, v23;
	v23 =	vadd.s32 @!p1 $0x21, v19  }
0x31e: {  	v16 =	vld.idx.msk [tilespmem:v20+s25+$0x7F0 ss:$0x1], $0xffff;
	[tilespmem:$0x1C920] =	vst @!p1 v17;
	v17 =	vsel @!p1 vm0, $0x400, v18;
	vm0 =	vlt.s32 @!p1 v22, v23;
	v18 =	vadd.s32 @!p1 $0x31, v19  }
0x31f: {  	[tilespmem:$0x1C930] =	vst @!p1 v17;
	v17 =	vsel @!p1 vm0, $0x400, v21;
	vm0 =	vlt.s32 @!p1 v22, v18;
	v18 =	vadd.s32 @!p1 $0x41, v19  }
0x320: {  	[tilespmem:$0x1C940] =	vst @!p1 v17;
	v17 =	vsel @!p1 vm0, $0x400, v24;
	vm0 =	vlt.s32 @!p1 v22, v18;
	v18 =	vadd.s32 @!p1 $0x51, v19  }
0x321: {  	v63 =	vadd.f32 v36, v7;
	v19 =	vsel @!p1 vm0, $0x400, v25;
	vm0 =	vlt.s32 @!p1 v22, v18;
	[tilespmem:$0x1C950] =	vst @!p1 v17  }
0x322: {  	v0 =	vadd.f32 v9, v0;
	v1 =	vadd.f32 v10, v1;
	[tilespmem:$0x1C960] =	vst @!p1 v19;
	v17 =	vsel @!p1 vm0, $0x400, v26  }
0x323: {  	s26 =	simm.s32 @!p1 $0x1C920;
	s28 =	simm.s32 @!p1 $0x19320;
	s25 =	simm.s32 @!p1 $0x60;
	v2 =	vadd.f32 v11, v2;
	v54 =	vadd.f32 v12, v4;
	[tilespmem:$0x1C970] =	vst @!p1 v17  }
0x324: {  	v55 =	vadd.f32 v13, v6;
	v58 =	vadd.f32 v14, v3;
	[spmem:s4] =	stream.indirect.scatter.add.f32 @!p1 [tilespmem:s28], [sflag:$0x3], $0x90, s26, s25, $0xb8;
	[tilespmem:$0x1F200] =	vst v63  }
0x325: {  	v61 =	vadd.f32 v15, v5;
	v62 =	vadd.f32 v16, v8;
	s25 =	simm.s32 @!p1 $0x3  }
0x326: {  	v60 =	vpsel p0, v9, v0;
	v59 =	vpsel p0, v10, v1;
	v49 =	vpsel p0, v11, v2;
	_ =	swait.ge @!p1 [sflag:s25], $0x3600  }
0x327: {  	v48 =	vpsel p0, v12, v54;
	v23 =	vpsel p0, v14, v58;
	v9 =	vpsel p0, v15, v61;
	[sflag:s25] =	ssyncset.done @!p1 $0x0  }
0x328: {  	s24 =	simm.s32 @!p1 $0x0;
	v24 =	vpsel p0, v13, v55;
	v18 =	vpsel p0, v16, v62;
	v17 =	vpsel p0, v36, v63;
	[sflag:s25] =	ssyncadd.s32 @!p1 $0xFFFFCA00  }
.LBB2_17:
0x329: {  	s23 =	sadd.s32 $0x1, s23  }
0x32a: {  	p0 =	sne.s32 s23, $0x19  }
.Ltmp14:
0x32b: {  	_ = 	snop;
	(pc) =	sbr.rel @!p0 .LBB2_18-.Ltmp14, $2  }
0x32c: {  	_ =	sdelay $0x2  }
0x32d: {  	s28 =	smov.u32 s21  }
.LBB2_11:
0x32e: {  	_ =	sdelay $0x1  }
0x32f: {  	s21 =	sshll.u32 s23, $0x4  }
0x330: {  	s21 =	sand.u32 $0x3FFFFFF0, s21  }
0x331: {  	v22 =	vld.idx.msk [tilespmem:v37+s21+$0x0 ss:$0x1], $0xffff;
	_ =	sdelay $0x4  }
0x332: {  	(v2sf) =	vpush v22, $0xF;
	_ =	sdelay $0xe  }
0x333: {  	s21 =	spop (v2sf)  }
0x334: {  	p0 =	sne.s32 s21, s28  }
.Ltmp15:
0x335: {  	_ = 	snop;
	(pc) =	sbr.rel @p0 .LBB2_16-.Ltmp15, $3  }
0x336: {  	_ =	sdelay $0x1  }
0x337: {  	s25 =	sshll.u32 s23, $0xB  }
0x338: {  	s25 =	sand.u32 $0x3FFFF800, s25  }
0x339: {  	_ =	sdelay $0x3  }
0x33a: {  	v0 =	vld.idx.msk [tilespmem:v20+s25+$0x0 ss:$0x1], $0xffff  }
0x33b: {  	v1 =	vld.idx.msk [tilespmem:v20+s25+$0x10 ss:$0x1], $0xffff  }
0x33c: {  	v2 =	vld.idx.msk [tilespmem:v20+s25+$0x20 ss:$0x1], $0xffff  }
0x33d: {  	v3 =	vld.idx.msk [tilespmem:v20+s25+$0x30 ss:$0x1], $0xffff  }
0x33e: {  	v4 =	vld.idx.msk [tilespmem:v20+s25+$0x40 ss:$0x1], $0xffff  }
0x33f: {  	v5 =	vld.idx.msk [tilespmem:v20+s25+$0x50 ss:$0x1], $0xffff  }
0x340: {  	v6 =	vld.idx.msk [tilespmem:v20+s25+$0x60 ss:$0x1], $0xffff  }
0x341: {  	v7 =	vld.idx.msk [tilespmem:v20+s25+$0x70 ss:$0x1], $0xffff  }
0x342: {  	v8 =	vld.idx.msk [tilespmem:v20+s25+$0x80 ss:$0x1], $0xffff  }
0x343: {  	v10 =	vld.idx.msk [tilespmem:v20+s25+$0x90 ss:$0x1], $0xffff  }
0x344: {  	v11 =	vld.idx.msk [tilespmem:v20+s25+$0xA0 ss:$0x1], $0xffff  }
0x345: {  	v12 =	vld.idx.msk [tilespmem:v20+s25+$0xB0 ss:$0x1], $0xffff  }
0x346: {  	v13 =	vld.idx.msk [tilespmem:v20+s25+$0xC0 ss:$0x1], $0xffff  }
0x347: {  	v14 =	vld.idx.msk [tilespmem:v20+s25+$0xD0 ss:$0x1], $0xffff  }
0x348: {  	v15 =	vld.idx.msk [tilespmem:v20+s25+$0xE0 ss:$0x1], $0xffff  }
0x349: {  	v16 =	vld.idx.msk [tilespmem:v20+s25+$0xF0 ss:$0x1], $0xffff  }
0x34a: {  	v21 =	vld.idx.msk [tilespmem:v20+s25+$0x110 ss:$0x1], $0xffff  }
0x34b: {  	v22 =	vld.idx.msk [tilespmem:v20+s25+$0x120 ss:$0x1], $0xffff  }
0x34c: {  	v25 =	vld.idx.msk [tilespmem:v20+s25+$0x130 ss:$0x1], $0xffff  }
0x34d: {  	v26 =	vld.idx.msk [tilespmem:v20+s25+$0x140 ss:$0x1], $0xffff  }
0x34e: {  	v27 =	vld.idx.msk [tilespmem:v20+s25+$0x150 ss:$0x1], $0xffff  }
0x34f: {  	v28 =	vld.idx.msk [tilespmem:v20+s25+$0x160 ss:$0x1], $0xffff  }
0x350: {  	v29 =	vld.idx.msk [tilespmem:v20+s25+$0x170 ss:$0x1], $0xffff  }
0x351: {  	v30 =	vld.idx.msk [tilespmem:v20+s25+$0x180 ss:$0x1], $0xffff  }
0x352: {  	v31 =	vld.idx.msk [tilespmem:v20+s25+$0x190 ss:$0x1], $0xffff  }
0x353: {  	v32 =	vld.idx.msk [tilespmem:v20+s25+$0x1A0 ss:$0x1], $0xffff  }
0x354: {  	v33 =	vld.idx.msk [tilespmem:v20+s25+$0x1B0 ss:$0x1], $0xffff  }
0x355: {  	v34 =	vld.idx.msk [tilespmem:v20+s25+$0x1C0 ss:$0x1], $0xffff  }
0x356: {  	v35 =	vld.idx.msk [tilespmem:v20+s25+$0x1D0 ss:$0x1], $0xffff  }
0x357: {  	v36 =	vld.idx.msk [tilespmem:v20+s25+$0x1E0 ss:$0x1], $0xffff  }
0x358: {  	v37 =	vld.idx.msk [tilespmem:v20+s25+$0x1F0 ss:$0x1], $0xffff  }
0x359: {  	v38 =	vld.idx.msk [tilespmem:v20+s25+$0x200 ss:$0x1], $0xffff  }
0x35a: {  	v39 =	vld.idx.msk [tilespmem:v20+s25+$0x210 ss:$0x1], $0xffff  }
0x35b: {  	v40 =	vld.idx.msk [tilespmem:v20+s25+$0x220 ss:$0x1], $0xffff  }
0x35c: {  	v41 =	vld.idx.msk [tilespmem:v20+s25+$0x230 ss:$0x1], $0xffff  }
0x35d: {  	v42 =	vld.idx.msk [tilespmem:v20+s25+$0x240 ss:$0x1], $0xffff  }
0x35e: {  	v43 =	vld.idx.msk [tilespmem:v20+s25+$0x250 ss:$0x1], $0xffff  }
0x35f: {  	v44 =	vld.idx.msk [tilespmem:v20+s25+$0x260 ss:$0x1], $0xffff  }
0x360: {  	v45 =	vld.idx.msk [tilespmem:v20+s25+$0x270 ss:$0x1], $0xffff  }
0x361: {  	v46 =	vld.idx.msk [tilespmem:v20+s25+$0x280 ss:$0x1], $0xffff  }
0x362: {  	v47 =	vld.idx.msk [tilespmem:v20+s25+$0x290 ss:$0x1], $0xffff  }
0x363: {  	v19 =	vld.idx.msk [tilespmem:v20+s25+$0x2A0 ss:$0x1], $0xffff  }
0x364: {  	v51 =	vld.idx.msk [tilespmem:v20+s25+$0x2B0 ss:$0x1], $0xffff  }
0x365: {  	v50 =	vld.idx.msk [tilespmem:v20+s25+$0x2C0 ss:$0x1], $0xffff  }
0x366: {  	v53 =	vld.idx.msk [tilespmem:v20+s25+$0x2D0 ss:$0x1], $0xffff  }
0x367: {  	v52 =	vld.idx.msk [tilespmem:v20+s25+$0x2E0 ss:$0x1], $0xffff  }
0x368: {  	v55 =	vld.idx.msk [tilespmem:v20+s25+$0x2F0 ss:$0x1], $0xffff  }
0x369: {  	v54 =	vld.idx.msk [tilespmem:v20+s25+$0x300 ss:$0x1], $0xffff  }
0x36a: {  	v57 =	vld.idx.msk [tilespmem:v20+s25+$0x310 ss:$0x1], $0xffff  }
0x36b: {  	v56 =	vld.idx.msk [tilespmem:v20+s25+$0x320 ss:$0x1], $0xffff  }
0x36c: {  	v62 =	vld.idx.msk [tilespmem:v20+s25+$0x360 ss:$0x1], $0xffff  }
0x36d: {  	v61 =	vld.idx.msk [tilespmem:v20+s25+$0x330 ss:$0x1], $0xffff  }
0x36e: {  	v58 =	vld.idx.msk [tilespmem:v20+s25+$0x340 ss:$0x1], $0xffff  }
0x36f: {  	v63 =	vld.idx.msk [tilespmem:v20+s25+$0x350 ss:$0x1], $0xffff  }
0x370: {  	[tilespmem:$0x1FDC0] =	vst v17;
	v17 =	vld.idx.msk [tilespmem:v20+s25+$0x100 ss:$0x1], $0xffff  }
0x371: {  	[tilespmem:$0x1FBE0] =	vst v62;
	v62 =	vld.idx.msk [tilespmem:v20+s25+$0x370 ss:$0x1], $0xffff  }
0x372: {  	v0 =	vadd.f32 v0, v60;
	v60 =	vld.idx.msk [tilespmem:v20+s25+$0x440 ss:$0x1], $0xffff  }
0x373: {  	v2 =	vadd.f32 v2, v49;
	v49 =	vld.idx.msk [tilespmem:v20+s25+$0x450 ss:$0x1], $0xffff  }
0x374: {  	v3 =	vadd.f32 v3, v48;
	v48 =	vld.idx.msk [tilespmem:v20+s25+$0x460 ss:$0x1], $0xffff  }
0x375: {  	v6 =	vadd.f32 v6, v9;
	v9 =	vld.idx.msk [tilespmem:v20+s25+$0x470 ss:$0x1], $0xffff  }
0x376: {  	v1 =	vadd.f32 v1, v59;
	v59 =	vld.idx.msk [tilespmem:v20+s25+$0x5D0 ss:$0x1], $0xffff  }
0x377: {  	v4 =	vadd.f32 v4, v24;
	v24 =	vld.idx.msk [tilespmem:v20+s25+$0x630 ss:$0x1], $0xffff  }
0x378: {  	v7 =	vadd.f32 v7, v18;
	v18 =	vld [tilespmem:$0x1FBE0]  }
0x379: {  	v0 =	vadd.f32 v8, v0;
	v8 =	vld.idx.msk [tilespmem:v20+s25+$0x480 ss:$0x1], $0xffff  }
0x37a: {  	v1 =	vadd.f32 v10, v1;
	v10 =	vld.idx.msk [tilespmem:v20+s25+$0x490 ss:$0x1], $0xffff  }
0x37b: {  	v2 =	vadd.f32 v11, v2;
	v11 =	vld.idx.msk [tilespmem:v20+s25+$0x4A0 ss:$0x1], $0xffff  }
0x37c: {  	v5 =	vadd.f32 v5, v23;
	v3 =	vadd.f32 v12, v3;
	v12 =	vld.idx.msk [tilespmem:v20+s25+$0x4B0 ss:$0x1], $0xffff  }
0x37d: {  	v4 =	vadd.f32 v13, v4;
	v13 =	vld.idx.msk [tilespmem:v20+s25+$0x4C0 ss:$0x1], $0xffff  }
0x37e: {  	v5 =	vadd.f32 v14, v5;
	v14 =	vld.idx.msk [tilespmem:v20+s25+$0x4D0 ss:$0x1], $0xffff  }
0x37f: {  	v6 =	vadd.f32 v15, v6;
	v15 =	vld.idx.msk [tilespmem:v20+s25+$0x4E0 ss:$0x1], $0xffff  }
0x380: {  	v7 =	vadd.f32 v16, v7;
	v16 =	vld.idx.msk [tilespmem:v20+s25+$0x4F0 ss:$0x1], $0xffff  }
0x381: {  	[tilespmem:$0x1FBF0] =	vst v62;
	v62 =	vld.idx.msk [tilespmem:v20+s25+$0x380 ss:$0x1], $0xffff  }
0x382: {  	v0 =	vadd.f32 v17, v0;
	v6 =	vadd.f32 v28, v6;
	v17 =	vld.idx.msk [tilespmem:v20+s25+$0x500 ss:$0x1], $0xffff  }
0x383: {  	v1 =	vadd.f32 v21, v1;
	v21 =	vld.idx.msk [tilespmem:v20+s25+$0x510 ss:$0x1], $0xffff  }
0x384: {  	v2 =	vadd.f32 v22, v2;
	v22 =	vld.idx.msk [tilespmem:v20+s25+$0x520 ss:$0x1], $0xffff;
	v6 =	vadd.f32 v36, v6  }
0x385: {  	v3 =	vadd.f32 v25, v3;
	v25 =	vld.idx.msk [tilespmem:v20+s25+$0x530 ss:$0x1], $0xffff  }
0x386: {  	v6 =	vadd.f32 v44, v6;
	[tilespmem:$0x1FC00] =	vst v62;
	v62 =	vld.idx.msk [tilespmem:v20+s25+$0x390 ss:$0x1], $0xffff  }
0x387: {  	v4 =	vadd.f32 v26, v4;
	v7 =	vadd.f32 v29, v7;
	v26 =	vld.idx.msk [tilespmem:v20+s25+$0x540 ss:$0x1], $0xffff  }
0x388: {  	v5 =	vadd.f32 v27, v5;
	v27 =	vld.idx.msk [tilespmem:v20+s25+$0x550 ss:$0x1], $0xffff;
	v6 =	vadd.f32 v52, v6  }
0x389: {  	v28 =	vld.idx.msk [tilespmem:v20+s25+$0x560 ss:$0x1], $0xffff;
	v7 =	vadd.f32 v37, v7  }
0x38a: {  	v6 =	vadd.f32 v18, v6;
	v18 =	vld [tilespmem:$0x1FBF0]  }
0x38b: {  	v7 =	vadd.f32 v45, v7;
	[tilespmem:$0x1FC10] =	vst v62;
	v62 =	vld.idx.msk [tilespmem:v20+s25+$0x3A0 ss:$0x1], $0xffff  }
0x38c: {  	v29 =	vld.idx.msk [tilespmem:v20+s25+$0x570 ss:$0x1], $0xffff;
	v0 =	vadd.f32 v30, v0  }
0x38d: {  	v30 =	vld.idx.msk [tilespmem:v20+s25+$0x580 ss:$0x1], $0xffff;
	v7 =	vadd.f32 v55, v7  }
0x38e: {  	v1 =	vadd.f32 v31, v1;
	v31 =	vld.idx.msk [tilespmem:v20+s25+$0x590 ss:$0x1], $0xffff;
	v0 =	vadd.f32 v38, v0  }
0x38f: {  	v7 =	vadd.f32 v18, v7;
	v18 =	vld [tilespmem:$0x1FC00]  }
0x390: {  	v0 =	vadd.f32 v46, v0;
	[tilespmem:$0x1FC20] =	vst v62;
	v62 =	vld.idx.msk [tilespmem:v20+s25+$0x3B0 ss:$0x1], $0xffff  }
0x391: {  	v2 =	vadd.f32 v32, v2;
	v32 =	vld.idx.msk [tilespmem:v20+s25+$0x5A0 ss:$0x1], $0xffff  }
0x392: {  	v3 =	vadd.f32 v33, v3;
	v33 =	vld [tilespmem:$0x1FFD0];
	v0 =	vadd.f32 v54, v0  }
0x393: {  	v4 =	vadd.f32 v34, v4;
	v34 =	vld [tilespmem:$0x1FFE0];
	v1 =	vadd.f32 v39, v1  }
0x394: {  	v0 =	vadd.f32 v18, v0;
	v18 =	vld [tilespmem:$0x1FC10]  }
0x395: {  	v1 =	vadd.f32 v47, v1;
	[tilespmem:$0x1FC30] =	vst v62;
	v62 =	vld.idx.msk [tilespmem:v20+s25+$0x3C0 ss:$0x1], $0xffff  }
0x396: {  	v5 =	vadd.f32 v35, v5;
	v35 =	vld [tilespmem:$0x1FFF0]  }
0x397: {  	v37 =	vld [tilespmem:$0x1FEE0];
	v1 =	vadd.f32 v57, v1  }
0x398: {  	v2 =	vadd.f32 v40, v2;
	v44 =	vld.idx.msk [tilespmem:v20+s25+$0x600 ss:$0x1], $0xffff  }
0x399: {  	v1 =	vadd.f32 v18, v1;
	v18 =	vld [tilespmem:$0x1FC20]  }
0x39a: {  	v5 =	vadd.f32 v43, v5;
	v2 =	vadd.f32 v19, v2;
	[tilespmem:$0x1FC40] =	vst v62;
	v62 =	vld.idx.msk [tilespmem:v20+s25+$0x3D0 ss:$0x1], $0xffff  }
0x39b: {  	v45 =	vld.idx.msk [tilespmem:v20+s25+$0x640 ss:$0x1], $0xffff  }
0x39c: {  	v5 =	vadd.f32 v53, v5;
	v53 =	vld.idx.msk [tilespmem:v20+s25+$0x5B0 ss:$0x1], $0xffff;
	v2 =	vadd.f32 v56, v2  }
0x39d: {  	v3 =	vadd.f32 v41, v3;
	v55 =	vld.idx.msk [tilespmem:v20+s25+$0x5C0 ss:$0x1], $0xffff  }
0x39e: {  	v2 =	vadd.f32 v18, v2;
	v18 =	vld [tilespmem:$0x1FC30]  }
0x39f: {  	v3 =	vadd.f32 v51, v3;
	[tilespmem:$0x1FC50] =	vst v62;
	v62 =	vld.idx.msk [tilespmem:v20+s25+$0x3E0 ss:$0x1], $0xffff  }
0x3a0: {  	v23 =	vld [tilespmem:$0x1FC50]  }
0x3a1: {  	v19 =	vld.idx.msk [tilespmem:v20+s25+$0x610 ss:$0x1], $0xffff;
	v3 =	vadd.f32 v61, v3  }
0x3a2: {  	v46 =	vld.idx.msk [tilespmem:v20+s25+$0x650 ss:$0x1], $0xffff  }
0x3a3: {  	v5 =	vadd.f32 v63, v5;
	v3 =	vadd.f32 v18, v3;
	v18 =	vld [tilespmem:$0x1FC40]  }
0x3a4: {  	v4 =	vadd.f32 v42, v4;
	[tilespmem:$0x1FC60] =	vst v62;
	v62 =	vld.idx.msk [tilespmem:v20+s25+$0x3F0 ss:$0x1], $0xffff  }
0x3a5: {  	v5 =	vadd.f32 v23, v5;
	v23 =	vld [tilespmem:$0x1FC60]  }
0x3a6: {  	v4 =	vadd.f32 v50, v4;
	v47 =	vld.idx.msk [tilespmem:v20+s25+$0x660 ss:$0x1], $0xffff  }
0x3a7: {  	v50 =	vld.idx.msk [tilespmem:v20+s25+$0x6C0 ss:$0x1], $0xffff  }
0x3a8: {  	v51 =	vld.idx.msk [tilespmem:v20+s25+$0x6D0 ss:$0x1], $0xffff;
	v4 =	vadd.f32 v58, v4  }
0x3a9: {  	[tilespmem:$0x1FC70] =	vst v62;
	v62 =	vld.idx.msk [tilespmem:v20+s25+$0x400 ss:$0x1], $0xffff  }
0x3aa: {  	v4 =	vadd.f32 v18, v4;
	v6 =	vadd.f32 v23, v6;
	v23 =	vld [tilespmem:$0x1FC70]  }
0x3ab: {  	v52 =	vld.idx.msk [tilespmem:v20+s25+$0x6E0 ss:$0x1], $0xffff  }
0x3ac: {  	v63 =	vld.idx.msk [tilespmem:v20+s25+$0x5F0 ss:$0x1], $0xffff;
	v4 =	vadd.f32 v60, v4  }
0x3ad: {  	v54 =	vld.idx.msk [tilespmem:v20+s25+$0x7D0 ss:$0x1], $0xffff  }
0x3ae: {  	v4 =	vadd.f32 v13, v4;
	[tilespmem:$0x1FC80] =	vst v62;
	v62 =	vld.idx.msk [tilespmem:v20+s25+$0x410 ss:$0x1], $0xffff  }
0x3af: {  	v6 =	vadd.f32 v48, v6;
	v7 =	vadd.f32 v23, v7;
	v23 =	vld [tilespmem:$0x1FC80]  }
0x3b0: {  	v18 =	vld.idx.msk [tilespmem:v20+s25+$0x620 ss:$0x1], $0xffff;
	v4 =	vadd.f32 v26, v4  }
0x3b1: {  	v6 =	vadd.f32 v15, v6;
	v15 =	vld.idx.msk [tilespmem:v20+s25+$0x6F0 ss:$0x1], $0xffff  }
0x3b2: {  	v4 =	vadd.f32 v55, v4;
	v55 =	vld.idx.msk [tilespmem:v20+s25+$0x7E0 ss:$0x1], $0xffff  }
0x3b3: {  	v5 =	vadd.f32 v49, v5;
	[tilespmem:$0x1FC90] =	vst v62;
	v62 =	vld.idx.msk [tilespmem:v20+s25+$0x420 ss:$0x1], $0xffff  }
0x3b4: {  	v7 =	vadd.f32 v9, v7;
	v0 =	vadd.f32 v23, v0;
	v23 =	vld [tilespmem:$0x1FC90]  }
0x3b5: {  	v9 =	vld.idx.msk [tilespmem:v20+s25+$0x690 ss:$0x1], $0xffff  }
0x3b6: {  	v5 =	vadd.f32 v14, v5;
	v7 =	vadd.f32 v16, v7;
	v16 =	vld.idx.msk [tilespmem:v20+s25+$0x700 ss:$0x1], $0xffff  }
0x3b7: {  	v0 =	vadd.f32 v8, v0;
	v8 =	vld.idx.msk [tilespmem:v20+s25+$0x680 ss:$0x1], $0xffff  }
0x3b8: {  	v5 =	vadd.f32 v27, v5;
	v7 =	vadd.f32 v29, v7;
	[tilespmem:$0x1FCA0] =	vst v62;
	v62 =	vld.idx.msk [tilespmem:v20+s25+$0x430 ss:$0x1], $0xffff  }
0x3b9: {  	v0 =	vadd.f32 v17, v0;
	v1 =	vadd.f32 v23, v1;
	v23 =	vld [tilespmem:$0x1FCA0]  }
0x3ba: {  	v5 =	vadd.f32 v59, v5;
	v7 =	vadd.f32 v63, v7;
	v63 =	vld [tilespmem:$0x1FF60]  }
0x3bb: {  	v17 =	vld.idx.msk [tilespmem:v20+s25+$0x710 ss:$0x1], $0xffff;
	v0 =	vadd.f32 v30, v0  }
0x3bc: {  	v5 =	vadd.f32 v46, v5;
	v1 =	vadd.f32 v10, v1;
	v10 =	vld.idx.msk [tilespmem:v20+s25+$0x6A0 ss:$0x1], $0xffff  }
0x3bd: {  	v6 =	vadd.f32 v28, v6;
	v0 =	vadd.f32 v44, v0;
	[tilespmem:$0x1FCB0] =	vst v62;
	v62 =	vld.idx.msk [tilespmem:v20+s25+$0x5E0 ss:$0x1], $0xffff  }
0x3be: {  	v1 =	vadd.f32 v21, v1;
	v2 =	vadd.f32 v23, v2;
	v23 =	vld [tilespmem:$0x1FCB0]  }
0x3bf: {  	v4 =	vadd.f32 v45, v4;
	v5 =	vadd.f32 v51, v5;
	v21 =	vld.idx.msk [tilespmem:v20+s25+$0x720 ss:$0x1], $0xffff  }
0x3c0: {  	v0 =	vadd.f32 v8, v0;
	v8 =	vld.idx.msk [tilespmem:v20+s25+$0x780 ss:$0x1], $0xffff;
	v1 =	vadd.f32 v31, v1  }
0x3c1: {  	v4 =	vadd.f32 v50, v4;
	v2 =	vadd.f32 v11, v2;
	v11 =	vld.idx.msk [tilespmem:v20+s25+$0x6B0 ss:$0x1], $0xffff  }
0x3c2: {  	v0 =	vadd.f32 v16, v0;
	v1 =	vadd.f32 v19, v1;
	v19 =	vld.idx.msk [tilespmem:v20+s25+$0x760 ss:$0x1], $0xffff  }
0x3c3: {  	v2 =	vadd.f32 v22, v2;
	v22 =	vld.idx.msk [tilespmem:v20+s25+$0x730 ss:$0x1], $0xffff;
	v3 =	vadd.f32 v23, v3  }
0x3c4: {  	v6 =	vadd.f32 v62, v6;
	v23 =	vld.idx.msk [tilespmem:v20+s25+$0x670 ss:$0x1], $0xffff;
	v1 =	vadd.f32 v9, v1  }
0x3c5: {  	v9 =	vld.idx.msk [tilespmem:v20+s25+$0x790 ss:$0x1], $0xffff;
	v2 =	vadd.f32 v32, v2;
	v3 =	vadd.f32 v12, v3  }
0x3c6: {  	v6 =	vadd.f32 v47, v6;
	v1 =	vadd.f32 v17, v1;
	v17 =	vld [tilespmem:$0x1FDC0]  }
0x3c7: {  	v2 =	vadd.f32 v18, v2;
	v18 =	vld.idx.msk [tilespmem:v20+s25+$0x750 ss:$0x1], $0xffff;
	v3 =	vadd.f32 v25, v3  }
0x3c8: {  	v60 =	vadd.f32 v8, v0;
	v6 =	vadd.f32 v52, v6;
	v25 =	vld.idx.msk [tilespmem:v20+s25+$0x740 ss:$0x1], $0xffff  }
0x3c9: {  	v2 =	vadd.f32 v10, v2;
	v10 =	vld.idx.msk [tilespmem:v20+s25+$0x7A0 ss:$0x1], $0xffff;
	v3 =	vadd.f32 v53, v3  }
0x3ca: {  	v7 =	vadd.f32 v23, v7;
	v6 =	vadd.f32 v19, v6;
	v53 =	vld.idx.msk [tilespmem:v20+s25+$0x7C0 ss:$0x1], $0xffff  }
0x3cb: {  	v59 =	vadd.f32 v9, v1;
	v3 =	vadd.f32 v24, v3;
	v24 =	vld.idx.msk [tilespmem:v20+s25+$0x770 ss:$0x1], $0xffff  }
0x3cc: {  	v7 =	vadd.f32 v15, v7;
	v2 =	vadd.f32 v21, v2;
	v15 =	vld.idx.msk [tilespmem:v20+s25+$0x7F0 ss:$0x1], $0xffff  }
0x3cd: {  	v9 =	vadd.f32 v55, v6;
	v3 =	vadd.f32 v11, v3;
	v11 =	vld.idx.msk [tilespmem:v20+s25+$0x7B0 ss:$0x1], $0xffff  }
.Ltmp16:
0x3ce: {  	v28 =	vld [tilespmem:$0x1FF80];
	v17 =	vadd.f32 v63, v17;
	v5 =	vadd.f32 v18, v5;
	(pc) =	sbr.rel .LBB2_17-.Ltmp16, $4  }
0x3cf: {  	v32 =	vld [tilespmem:$0x1FFC0];
	v4 =	vadd.f32 v25, v4;
	v49 =	vadd.f32 v10, v2  }
0x3d0: {  	v29 =	vld [tilespmem:$0x1FF90];
	v3 =	vadd.f32 v22, v3;
	v7 =	vadd.f32 v24, v7  }
0x3d1: {  	v30 =	vld [tilespmem:$0x1FFA0];
	v23 =	vadd.f32 v54, v5;
	v24 =	vadd.f32 v53, v4  }
0x3d2: {  	v27 =	vlaneseq.u32;
	v31 =	vld [tilespmem:$0x1FFB0];
	v48 =	vadd.f32 v11, v3;
	v18 =	vadd.f32 v15, v7  }
.LBB2_20:
0x3d3: {  	_ =	sfence.sel $0x180000  }
0x3d4: {  	[bflag:$0x0] =	sbarrier.arrive $0xFFFF  }
0x3d5: {  	p0 =	sne.s32 s2, $0x0;
	_ =	strace $0x90000047  }
0x3d6: {  	s0 =	sadd.s32 @!p0 $0x100000, s0;
	[bflag:$0x2] =	sbarrier.arrive $0xFFFF  }
0x3d7: {  	[sflag:s0] =	ssyncadd.tile.s32 @!p0 $0x1;
	_ =	shalt  }
.Lfunc_end2:
_tile_overlayer_lowered:
.L_overlay_start_2:
0x3d8: {  	(tag) =	ssettag $0x2  }
0x3d9: {  	s0 =	rddreg [dreg:$0x0];
	s2 =	stileid.u32  }
0x3da: {  	s1 =	rddreg [dreg:$0x1];
	p0 =	sne.s32 s2, $0x0  }
0x3db: {  	s3 =	rddreg [dreg:$0x2];
	[bflag:$0x3] =	sbarrier.arrive $0xFFFF;
	s2 =	simm.s32 @!p0 $0x1C03  }
0x3dc: {  	[timem:s3], [sflag:s2] =	dma.local @!p0 [hbm:s0], s1  }
0x3dd: {  	s0 =	simm.s32 @!p0 $0x3  }
0x3de: {  	_ =	swait.ge @!p0 [sflag:s0], s1  }
0x3df: {  	s1 =	ssub.s32 @!p0 $0x0, s1;
	[sflag:s0] =	ssyncset.done @!p0 $0x0  }
0x3e0: {  	[sflag:s0] =	ssyncadd.s32 @!p0 s1  }
0x3e1: {  	[bflag:$0x3] =	sbarrier.arrive $0xFFFF  }
0x3e2: {  	_ =	shalt  }

</sc_bundles>
